<compile_context>
chip_gen: v7x
topology: tpu7x:2x2x1
jax: 0.10.2.dev20260603
libtpu: 0.0.44.dev20260713+nightly
codegen_flags: <defaults>
</compile_context>

<pallas_src>
import functools

import numpy as np
import jax
import jax.numpy as jnp
from jax import lax
from jax.experimental import pallas as pl
from jax.experimental.pallas import tpu as pltpu
from jax.experimental.pallas import tpu_sc as plsc

_B, _S, _D = 4, 2048, 1024
_H = _D // 2
_SCALE = float(np.sqrt(_D))
_NW = 32
_SPW = _S // _NW
_C = 8
_NCH = _SPW // _C
_RC = _B * _C
_L = 16
_NBUF = 3


def _pos_seed_rates() -> np.ndarray:
    depth = _D / 2
    rates = (1 / 10000 ** (np.arange(depth)[np.newaxis, :] / depth))[0]
    seeds_s = np.arange(_NW)[:, np.newaxis] * _SPW * rates[np.newaxis, :]
    seed_sin = np.sin(seeds_s)
    seed_cos = np.cos(seeds_s)
    step_cos = np.cos(rates)[np.newaxis, :].repeat(_NW, axis=0)
    step_sin = np.sin(rates)[np.newaxis, :].repeat(_NW, axis=0)

    def blockify(a, b):
        ab = np.stack([a.reshape(_NW, _H // _L, _L),
                       b.reshape(_NW, _H // _L, _L)], axis=2)
        return ab.reshape(_NW, _D)

    seed = blockify(seed_sin, seed_cos)
    step = blockify(step_cos, step_sin)
    return np.concatenate([seed, step], axis=1).astype(np.float32)


_POSROT = _pos_seed_rates()

_mesh = plsc.VectorSubcoreMesh(core_axis_name="c", subcore_axis_name="s")


@functools.partial(
    pl.kernel,
    mesh=_mesh,
    out_type=jax.ShapeDtypeStruct((_B, _S, _D), jnp.float32),
    scratch_types=(
        [pltpu.VMEM((_B, _SPW), jnp.int32)]
        + [pltpu.VMEM((_RC, _D), jnp.float32) for _ in range(_NBUF)]
        + [pltpu.VMEM((2 * _D,), jnp.float32)]
        + [pltpu.SemaphoreType.DMA for _ in range(2 * _NBUF + 1)]
    ),
)
def _emb_kernel(x_hbm, table_hbm, posrot_hbm, out_hbm,
                idx_v, buf0, buf1, buf2, pr_v,
                g0, g1, g2, s0, s1, s2, p0):
    bufs = (buf0, buf1, buf2)
    gsems = (g0, g1, g2)
    ssems = (s0, s1, s2)

    wid = lax.axis_index("s") * 2 + lax.axis_index("c")
    sbase = wid * _SPW
    idx_hs = [
        pltpu.async_copy(x_hbm.at[bb, pl.ds(sbase, _SPW)], idx_v.at[bb], p0)
        for bb in range(_B)
    ] + [pltpu.async_copy(posrot_hbm.at[wid], pr_v, p0)]

    def start_chunk(g):
        buf = bufs[g % _NBUF]
        return [
            pltpu.async_copy(
                table_hbm.at[idx_v.at[bb, pl.ds(g * _C, _C)]],
                buf.at[pl.ds(bb * _C, _C)],
                gsems[g % _NBUF])
            for bb in range(_B)
        ]

    for h in idx_hs:
        h.wait()

    pending = {}
    pending_stores = {b: [] for b in range(_NBUF)}
    pending[0] = start_chunk(0)

    for g in range(_NCH):
        b = g % _NBUF
        if g + 1 < _NCH:
            nb = (g + 1) % _NBUF
            for h in pending_stores[nb]:
                h.wait()
            pending_stores[nb] = []
            pending[g + 1] = start_chunk(g + 1)
        for h in pending.pop(g):
            h.wait()

        buf = bufs[b]

        def row_body(r, _, buf=buf):
            @plsc.parallel_loop(0, _H // _L, unroll=1)
            def _(j):
                off = j * 2 * _L
                ps = pr_v[pl.ds(off, _L)]
                pc = pr_v[pl.ds(off + _L, _L)]
                sl0 = pl.ds(j * _L, _L)
                sl1 = pl.ds(_H + j * _L, _L)
                for bb in range(_B):
                    row = bb * _C + r
                    buf[row, sl0] = buf[row, sl0] * _SCALE + ps
                    buf[row, sl1] = buf[row, sl1] * _SCALE + pc
                rc = pr_v[pl.ds(_D + off, _L)]
                rs = pr_v[pl.ds(_D + off + _L, _L)]
                pr_v[pl.ds(off, _L)] = ps * rc + pc * rs
                pr_v[pl.ds(off + _L, _L)] = pc * rc - ps * rs
            return 0

        lax.fori_loop(0, _C, row_body, 0)

        for bb in range(_B):
            h = pltpu.async_copy(
                buf.at[pl.ds(bb * _C, _C)],
                out_hbm.at[bb, pl.ds(sbase + g * _C, _C)],
                ssems[b])
            pending_stores[b].append(h)

    for b in range(_NBUF):
        for h in pending_stores[b]:
            h.wait()


def kernel(x, table):
    return _emb_kernel(x, table, jnp.asarray(_POSROT))

# --- scband reference (transcript-rebuilt; emitter-appended) ---
"""Pipeline reference for scband-positional-embedding-layer-19232863551804 (READ-ONLY COPY).

The authoritative reference and input builder live on the scoring server;
editing this copy changes nothing except your own understanding.
"""

import jax, jax.numpy as jnp
import numpy as np

VOCAB_SIZE = 100000
D_MODEL = 1024

def positional_encoding(length, depth):
    depth = depth / 2
    positions = np.arange(length)[:, np.newaxis]
    depths = np.arange(depth)[np.newaxis, :] / depth
    angle_rates = 1 / 10000 ** depths
    angle_rads = positions * angle_rates
    pos_encoding = np.concatenate([np.sin(angle_rads), np.cos(angle_rads)], axis=-1)
    return jnp.asarray(pos_encoding, dtype=jnp.float32)

def setup_inputs(seed: int = 0) -> dict:
    key = jax.random.key(seed)
    k1, k2 = jax.random.split(key)
    x = jax.random.randint(k1, (4, 2048), 0, VOCAB_SIZE, dtype=jnp.int64 if jax.config.jax_enable_x64 else jnp.int32).astype(jnp.int32)
    table = jax.random.normal(k2, (VOCAB_SIZE, D_MODEL), dtype=jnp.float32) * 0.02
    return {"x": x, "table": table}

def reference(x, table):
    pos_enc = positional_encoding(VOCAB_SIZE, D_MODEL)
    length = x.shape[1]
    emb = jnp.take(table, x, axis=0)
    emb = emb * jnp.sqrt(jnp.asarray(D_MODEL, dtype=jnp.float32))
    out = emb + pos_enc[jnp.newaxis, :length, :]
    return out

if __name__ == "__main__":
    import jax
    _d = setup_inputs()
    print(jax.jit(kernel)(*tuple(_d.values())))

</pallas_src>

<mosaic_0001>
#map = affine_map<(d0, d1) -> (0, 0)>
#map1 = affine_map<(d0, d1) -> (0, 0, 0)>
module attributes {stable_mosaic.version = 14 : i64} {
  func.func @_emb_kernel(%arg0: i32, %arg1: i32, %arg2: memref<4x2048xi32, #tpu.memory_space<hbm>>, %arg3: memref<100000x1024xf32, #tpu.memory_space<hbm>>, %arg4: memref<32x2048xf32, #tpu.memory_space<hbm>>, %arg5: memref<4x2048x1024xf32, #tpu.memory_space<hbm>>, %arg6: memref<4x64xi32, #tpu.memory_space<vmem>>, %arg7: memref<32x1024xf32, #tpu.memory_space<vmem>>, %arg8: memref<32x1024xf32, #tpu.memory_space<vmem>>, %arg9: memref<32x1024xf32, #tpu.memory_space<vmem>>, %arg10: memref<2048xf32, #tpu.memory_space<vmem>>, %arg11: memref<!tpu.dma_semaphore, #tpu.memory_space<semaphore_mem>>, %arg12: memref<!tpu.dma_semaphore, #tpu.memory_space<semaphore_mem>>, %arg13: memref<!tpu.dma_semaphore, #tpu.memory_space<semaphore_mem>>, %arg14: memref<!tpu.dma_semaphore, #tpu.memory_space<semaphore_mem>>, %arg15: memref<!tpu.dma_semaphore, #tpu.memory_space<semaphore_mem>>, %arg16: memref<!tpu.dma_semaphore, #tpu.memory_space<semaphore_mem>>, %arg17: memref<!tpu.dma_semaphore, #tpu.memory_space<semaphore_mem>>) attributes {dimension_semantics = [#tpu.dimension_semantics<core_parallel>, #tpu.dimension_semantics<subcore_parallel>], iteration_bounds = array<i64: 2, 16>, scalar_prefetch = 0 : i64, scratch_operands = 12 : i64, tpu.core_type = #tpu.core_type<sc_vector_subcore>, window_params = [{transform_indices = #map}, {transform_indices = #map}, {transform_indices = #map}, {transform_indices = #map1}]} {
    %mul3A = arith.constant 2 : i32
    %mul3A_0 = arith.muli %arg1, %mul3A : i32
    %add3A = arith.addi %mul3A_0, %arg0 : i32
    %mul3A_1 = arith.constant 64 : i32
    %mul3A_2 = arith.muli %add3A, %mul3A_1 : i32
    %dma_start3A = arith.constant 0 : i32
    %dma_start3A_3 = arith.constant 0 : i32
    %dma_start3A_4 = arith.constant 0 : i32
    %dma_start3A_5 = tpu.memref_slice %arg6[%dma_start3A_3, %dma_start3A_4] : memref<4x64xi32, #tpu.memory_space<vmem>> -> memref<1x64xi32, #tpu.memory_space<vmem>>
    %dma_start3A_6 = tpu.memref_squeeze %dma_start3A_5 : memref<1x64xi32, #tpu.memory_space<vmem>> -> memref<64xi32, #tpu.memory_space<vmem>>
    %dma_start3A_7 = tpu.memref_slice %arg2[%dma_start3A, %mul3A_2] : memref<4x2048xi32, #tpu.memory_space<hbm>> -> memref<1x64xi32, #tpu.memory_space<hbm>>
    %dma_start3A_8 = tpu.memref_squeeze %dma_start3A_7 : memref<1x64xi32, #tpu.memory_space<hbm>> -> memref<64xi32, #tpu.memory_space<hbm>>
    %dma_start3A_9 = arith.constant 0 : i32
    %dma_start3A_10 = tpu.memref_slice %arg6[%dma_start3A_3, %dma_start3A_9] : memref<4x64xi32, #tpu.memory_space<vmem>> -> memref<1x64xi32, #tpu.memory_space<vmem>>
    %dma_start3A_11 = tpu.memref_squeeze %dma_start3A_10 : memref<1x64xi32, #tpu.memory_space<vmem>> -> memref<64xi32, #tpu.memory_space<vmem>>
    %dma_start3A_12 = tpu.memref_slice %arg2[%dma_start3A, %mul3A_2] : memref<4x2048xi32, #tpu.memory_space<hbm>> -> memref<1x64xi32, #tpu.memory_space<hbm>>
    %dma_start3A_13 = tpu.memref_squeeze %dma_start3A_12 : memref<1x64xi32, #tpu.memory_space<hbm>> -> memref<64xi32, #tpu.memory_space<hbm>>
    tpu.enqueue_dma source(%dma_start3A_13 : memref<64xi32, #tpu.memory_space<hbm>>) target(%dma_start3A_11 : memref<64xi32, #tpu.memory_space<vmem>>) target_semaphore(%arg17 : memref<!tpu.dma_semaphore, #tpu.memory_space<semaphore_mem>>)
    %dma_start3A_14 = arith.constant 1 : i32
    %dma_start3A_15 = arith.constant 1 : i32
    %dma_start3A_16 = arith.constant 0 : i32
    %dma_start3A_17 = tpu.memref_slice %arg6[%dma_start3A_15, %dma_start3A_16] : memref<4x64xi32, #tpu.memory_space<vmem>> -> memref<1x64xi32, #tpu.memory_space<vmem>>
    %dma_start3A_18 = tpu.memref_squeeze %dma_start3A_17 : memref<1x64xi32, #tpu.memory_space<vmem>> -> memref<64xi32, #tpu.memory_space<vmem>>
    %dma_start3A_19 = tpu.memref_slice %arg2[%dma_start3A_14, %mul3A_2] : memref<4x2048xi32, #tpu.memory_space<hbm>> -> memref<1x64xi32, #tpu.memory_space<hbm>>
    %dma_start3A_20 = tpu.memref_squeeze %dma_start3A_19 : memref<1x64xi32, #tpu.memory_space<hbm>> -> memref<64xi32, #tpu.memory_space<hbm>>
    %dma_start3A_21 = arith.constant 0 : i32
    %dma_start3A_22 = tpu.memref_slice %arg6[%dma_start3A_15, %dma_start3A_21] : memref<4x64xi32, #tpu.memory_space<vmem>> -> memref<1x64xi32, #tpu.memory_space<vmem>>
    %dma_start3A_23 = tpu.memref_squeeze %dma_start3A_22 : memref<1x64xi32, #tpu.memory_space<vmem>> -> memref<64xi32, #tpu.memory_space<vmem>>
    %dma_start3A_24 = tpu.memref_slice %arg2[%dma_start3A_14, %mul3A_2] : memref<4x2048xi32, #tpu.memory_space<hbm>> -> memref<1x64xi32, #tpu.memory_space<hbm>>
    %dma_start3A_25 = tpu.memref_squeeze %dma_start3A_24 : memref<1x64xi32, #tpu.memory_space<hbm>> -> memref<64xi32, #tpu.memory_space<hbm>>
    tpu.enqueue_dma source(%dma_start3A_25 : memref<64xi32, #tpu.memory_space<hbm>>) target(%dma_start3A_23 : memref<64xi32, #tpu.memory_space<vmem>>) target_semaphore(%arg17 : memref<!tpu.dma_semaphore, #tpu.memory_space<semaphore_mem>>)
    %dma_start3A_26 = arith.constant 2 : i32
    %dma_start3A_27 = arith.constant 2 : i32
    %dma_start3A_28 = arith.constant 0 : i32
    %dma_start3A_29 = tpu.memref_slice %arg6[%dma_start3A_27, %dma_start3A_28] : memref<4x64xi32, #tpu.memory_space<vmem>> -> memref<1x64xi32, #tpu.memory_space<vmem>>
    %dma_start3A_30 = tpu.memref_squeeze %dma_start3A_29 : memref<1x64xi32, #tpu.memory_space<vmem>> -> memref<64xi32, #tpu.memory_space<vmem>>
    %dma_start3A_31 = tpu.memref_slice %arg2[%dma_start3A_26, %mul3A_2] : memref<4x2048xi32, #tpu.memory_space<hbm>> -> memref<1x64xi32, #tpu.memory_space<hbm>>
    %dma_start3A_32 = tpu.memref_squeeze %dma_start3A_31 : memref<1x64xi32, #tpu.memory_space<hbm>> -> memref<64xi32, #tpu.memory_space<hbm>>
    %dma_start3A_33 = arith.constant 0 : i32
    %dma_start3A_34 = tpu.memref_slice %arg6[%dma_start3A_27, %dma_start3A_33] : memref<4x64xi32, #tpu.memory_space<vmem>> -> memref<1x64xi32, #tpu.memory_space<vmem>>
    %dma_start3A_35 = tpu.memref_squeeze %dma_start3A_34 : memref<1x64xi32, #tpu.memory_space<vmem>> -> memref<64xi32, #tpu.memory_space<vmem>>
    %dma_start3A_36 = tpu.memref_slice %arg2[%dma_start3A_26, %mul3A_2] : memref<4x2048xi32, #tpu.memory_space<hbm>> -> memref<1x64xi32, #tpu.memory_space<hbm>>
    %dma_start3A_37 = tpu.memref_squeeze %dma_start3A_36 : memref<1x64xi32, #tpu.memory_space<hbm>> -> memref<64xi32, #tpu.memory_space<hbm>>
    tpu.enqueue_dma source(%dma_start3A_37 : memref<64xi32, #tpu.memory_space<hbm>>) target(%dma_start3A_35 : memref<64xi32, #tpu.memory_space<vmem>>) target_semaphore(%arg17 : memref<!tpu.dma_semaphore, #tpu.memory_space<semaphore_mem>>)
    %dma_start3A_38 = arith.constant 3 : i32
    %dma_start3A_39 = arith.constant 3 : i32
    %dma_start3A_40 = arith.constant 0 : i32
    %dma_start3A_41 = tpu.memref_slice %arg6[%dma_start3A_39, %dma_start3A_40] : memref<4x64xi32, #tpu.memory_space<vmem>> -> memref<1x64xi32, #tpu.memory_space<vmem>>
    %dma_start3A_42 = tpu.memref_squeeze %dma_start3A_41 : memref<1x64xi32, #tpu.memory_space<vmem>> -> memref<64xi32, #tpu.memory_space<vmem>>
    %dma_start3A_43 = tpu.memref_slice %arg2[%dma_start3A_38, %mul3A_2] : memref<4x2048xi32, #tpu.memory_space<hbm>> -> memref<1x64xi32, #tpu.memory_space<hbm>>
    %dma_start3A_44 = tpu.memref_squeeze %dma_start3A_43 : memref<1x64xi32, #tpu.memory_space<hbm>> -> memref<64xi32, #tpu.memory_space<hbm>>
    %dma_start3A_45 = arith.constant 0 : i32
    %dma_start3A_46 = tpu.memref_slice %arg6[%dma_start3A_39, %dma_start3A_45] : memref<4x64xi32, #tpu.memory_space<vmem>> -> memref<1x64xi32, #tpu.memory_space<vmem>>
    %dma_start3A_47 = tpu.memref_squeeze %dma_start3A_46 : memref<1x64xi32, #tpu.memory_space<vmem>> -> memref<64xi32, #tpu.memory_space<vmem>>
    %dma_start3A_48 = tpu.memref_slice %arg2[%dma_start3A_38, %mul3A_2] : memref<4x2048xi32, #tpu.memory_space<hbm>> -> memref<1x64xi32, #tpu.memory_space<hbm>>
    %dma_start3A_49 = tpu.memref_squeeze %dma_start3A_48 : memref<1x64xi32, #tpu.memory_space<hbm>> -> memref<64xi32, #tpu.memory_space<hbm>>
    tpu.enqueue_dma source(%dma_start3A_49 : memref<64xi32, #tpu.memory_space<hbm>>) target(%dma_start3A_47 : memref<64xi32, #tpu.memory_space<vmem>>) target_semaphore(%arg17 : memref<!tpu.dma_semaphore, #tpu.memory_space<semaphore_mem>>)
    %dma_start3A_50 = arith.constant 0 : i32
    %dma_start3A_51 = tpu.memref_slice %arg4[%add3A, %dma_start3A_50] : memref<32x2048xf32, #tpu.memory_space<hbm>> -> memref<1x2048xf32, #tpu.memory_space<hbm>>
    %dma_start3A_52 = tpu.memref_squeeze %dma_start3A_51 : memref<1x2048xf32, #tpu.memory_space<hbm>> -> memref<2048xf32, #tpu.memory_space<hbm>>
    %dma_start3A_53 = arith.constant 0 : i32
    %dma_start3A_54 = tpu.memref_slice %arg4[%add3A, %dma_start3A_53] : memref<32x2048xf32, #tpu.memory_space<hbm>> -> memref<1x2048xf32, #tpu.memory_space<hbm>>
    %dma_start3A_55 = tpu.memref_squeeze %dma_start3A_54 : memref<1x2048xf32, #tpu.memory_space<hbm>> -> memref<2048xf32, #tpu.memory_space<hbm>>
    tpu.enqueue_dma source(%dma_start3A_55 : memref<2048xf32, #tpu.memory_space<hbm>>) target(%arg10 : memref<2048xf32, #tpu.memory_space<vmem>>) target_semaphore(%arg17 : memref<!tpu.dma_semaphore, #tpu.memory_space<semaphore_mem>>)
    %dma_wait3A = arith.constant 0 : i32
    %dma_wait3A_56 = arith.constant 0 : i32
    %dma_wait3A_57 = arith.constant 0 : i32
    %dma_wait3A_58 = tpu.memref_slice %arg6[%dma_wait3A_56, %dma_wait3A_57] : memref<4x64xi32, #tpu.memory_space<vmem>> -> memref<1x64xi32, #tpu.memory_space<vmem>>
    %dma_wait3A_59 = tpu.memref_squeeze %dma_wait3A_58 : memref<1x64xi32, #tpu.memory_space<vmem>> -> memref<64xi32, #tpu.memory_space<vmem>>
    %dma_wait3A_60 = tpu.memref_slice %arg2[%dma_wait3A, %mul3A_2] : memref<4x2048xi32, #tpu.memory_space<hbm>> -> memref<1x64xi32, #tpu.memory_space<hbm>>
    %dma_wait3A_61 = tpu.memref_squeeze %dma_wait3A_60 : memref<1x64xi32, #tpu.memory_space<hbm>> -> memref<64xi32, #tpu.memory_space<hbm>>
    %dma_wait3A_62 = arith.constant 0 : i32
    %dma_wait3A_63 = tpu.memref_slice %arg6[%dma_wait3A_56, %dma_wait3A_62] : memref<4x64xi32, #tpu.memory_space<vmem>> -> memref<1x64xi32, #tpu.memory_space<vmem>>
    %dma_wait3A_64 = tpu.memref_squeeze %dma_wait3A_63 : memref<1x64xi32, #tpu.memory_space<vmem>> -> memref<64xi32, #tpu.memory_space<vmem>>
    %dma_wait3A_65 = tpu.memref_slice %arg2[%dma_wait3A, %mul3A_2] : memref<4x2048xi32, #tpu.memory_space<hbm>> -> memref<1x64xi32, #tpu.memory_space<hbm>>
    %dma_wait3A_66 = tpu.memref_squeeze %dma_wait3A_65 : memref<1x64xi32, #tpu.memory_space<hbm>> -> memref<64xi32, #tpu.memory_space<hbm>>
    tpu.wait_dma2 semaphore(%arg17 : memref<!tpu.dma_semaphore, #tpu.memory_space<semaphore_mem>>) src(%dma_wait3A_66 : memref<64xi32, #tpu.memory_space<hbm>>) dst(%dma_wait3A_64 : memref<64xi32, #tpu.memory_space<vmem>>)
    %dma_wait3A_67 = arith.constant 1 : i32
    %dma_wait3A_68 = arith.constant 1 : i32
    %dma_wait3A_69 = arith.constant 0 : i32
    %dma_wait3A_70 = tpu.memref_slice %arg6[%dma_wait3A_68, %dma_wait3A_69] : memref<4x64xi32, #tpu.memory_space<vmem>> -> memref<1x64xi32, #tpu.memory_space<vmem>>
    %dma_wait3A_71 = tpu.memref_squeeze %dma_wait3A_70 : memref<1x64xi32, #tpu.memory_space<vmem>> -> memref<64xi32, #tpu.memory_space<vmem>>
    %dma_wait3A_72 = tpu.memref_slice %arg2[%dma_wait3A_67, %mul3A_2] : memref<4x2048xi32, #tpu.memory_space<hbm>> -> memref<1x64xi32, #tpu.memory_space<hbm>>
    %dma_wait3A_73 = tpu.memref_squeeze %dma_wait3A_72 : memref<1x64xi32, #tpu.memory_space<hbm>> -> memref<64xi32, #tpu.memory_space<hbm>>
    %dma_wait3A_74 = arith.constant 0 : i32
    %dma_wait3A_75 = tpu.memref_slice %arg6[%dma_wait3A_68, %dma_wait3A_74] : memref<4x64xi32, #tpu.memory_space<vmem>> -> memref<1x64xi32, #tpu.memory_space<vmem>>
    %dma_wait3A_76 = tpu.memref_squeeze %dma_wait3A_75 : memref<1x64xi32, #tpu.memory_space<vmem>> -> memref<64xi32, #tpu.memory_space<vmem>>
    %dma_wait3A_77 = tpu.memref_slice %arg2[%dma_wait3A_67, %mul3A_2] : memref<4x2048xi32, #tpu.memory_space<hbm>> -> memref<1x64xi32, #tpu.memory_space<hbm>>
    %dma_wait3A_78 = tpu.memref_squeeze %dma_wait3A_77 : memref<1x64xi32, #tpu.memory_space<hbm>> -> memref<64xi32, #tpu.memory_space<hbm>>
    tpu.wait_dma2 semaphore(%arg17 : memref<!tpu.dma_semaphore, #tpu.memory_space<semaphore_mem>>) src(%dma_wait3A_78 : memref<64xi32, #tpu.memory_space<hbm>>) dst(%dma_wait3A_76 : memref<64xi32, #tpu.memory_space<vmem>>)
    %dma_wait3A_79 = arith.constant 2 : i32
    %dma_wait3A_80 = arith.constant 2 : i32
    %dma_wait3A_81 = arith.constant 0 : i32
    %dma_wait3A_82 = tpu.memref_slice %arg6[%dma_wait3A_80, %dma_wait3A_81] : memref<4x64xi32, #tpu.memory_space<vmem>> -> memref<1x64xi32, #tpu.memory_space<vmem>>
    %dma_wait3A_83 = tpu.memref_squeeze %dma_wait3A_82 : memref<1x64xi32, #tpu.memory_space<vmem>> -> memref<64xi32, #tpu.memory_space<vmem>>
    %dma_wait3A_84 = tpu.memref_slice %arg2[%dma_wait3A_79, %mul3A_2] : memref<4x2048xi32, #tpu.memory_space<hbm>> -> memref<1x64xi32, #tpu.memory_space<hbm>>
    %dma_wait3A_85 = tpu.memref_squeeze %dma_wait3A_84 : memref<1x64xi32, #tpu.memory_space<hbm>> -> memref<64xi32, #tpu.memory_space<hbm>>
    %dma_wait3A_86 = arith.constant 0 : i32
    %dma_wait3A_87 = tpu.memref_slice %arg6[%dma_wait3A_80, %dma_wait3A_86] : memref<4x64xi32, #tpu.memory_space<vmem>> -> memref<1x64xi32, #tpu.memory_space<vmem>>
    %dma_wait3A_88 = tpu.memref_squeeze %dma_wait3A_87 : memref<1x64xi32, #tpu.memory_space<vmem>> -> memref<64xi32, #tpu.memory_space<vmem>>
    %dma_wait3A_89 = tpu.memref_slice %arg2[%dma_wait3A_79, %mul3A_2] : memref<4x2048xi32, #tpu.memory_space<hbm>> -> memref<1x64xi32, #tpu.memory_space<hbm>>
    %dma_wait3A_90 = tpu.memref_squeeze %dma_wait3A_89 : memref<1x64xi32, #tpu.memory_space<hbm>> -> memref<64xi32, #tpu.memory_space<hbm>>
    tpu.wait_dma2 semaphore(%arg17 : memref<!tpu.dma_semaphore, #tpu.memory_space<semaphore_mem>>) src(%dma_wait3A_90 : memref<64xi32, #tpu.memory_space<hbm>>) dst(%dma_wait3A_88 : memref<64xi32, #tpu.memory_space<vmem>>)
    %dma_wait3A_91 = arith.constant 3 : i32
    %dma_wait3A_92 = arith.constant 3 : i32
    %dma_wait3A_93 = arith.constant 0 : i32
    %dma_wait3A_94 = tpu.memref_slice %arg6[%dma_wait3A_92, %dma_wait3A_93] : memref<4x64xi32, #tpu.memory_space<vmem>> -> memref<1x64xi32, #tpu.memory_space<vmem>>
    %dma_wait3A_95 = tpu.memref_squeeze %dma_wait3A_94 : memref<1x64xi32, #tpu.memory_space<vmem>> -> memref<64xi32, #tpu.memory_space<vmem>>
    %dma_wait3A_96 = tpu.memref_slice %arg2[%dma_wait3A_91, %mul3A_2] : memref<4x2048xi32, #tpu.memory_space<hbm>> -> memref<1x64xi32, #tpu.memory_space<hbm>>
    %dma_wait3A_97 = tpu.memref_squeeze %dma_wait3A_96 : memref<1x64xi32, #tpu.memory_space<hbm>> -> memref<64xi32, #tpu.memory_space<hbm>>
    %dma_wait3A_98 = arith.constant 0 : i32
    %dma_wait3A_99 = tpu.memref_slice %arg6[%dma_wait3A_92, %dma_wait3A_98] : memref<4x64xi32, #tpu.memory_space<vmem>> -> memref<1x64xi32, #tpu.memory_space<vmem>>
    %dma_wait3A_100 = tpu.memref_squeeze %dma_wait3A_99 : memref<1x64xi32, #tpu.memory_space<vmem>> -> memref<64xi32, #tpu.memory_space<vmem>>
    %dma_wait3A_101 = tpu.memref_slice %arg2[%dma_wait3A_91, %mul3A_2] : memref<4x2048xi32, #tpu.memory_space<hbm>> -> memref<1x64xi32, #tpu.memory_space<hbm>>
    %dma_wait3A_102 = tpu.memref_squeeze %dma_wait3A_101 : memref<1x64xi32, #tpu.memory_space<hbm>> -> memref<64xi32, #tpu.memory_space<hbm>>
    tpu.wait_dma2 semaphore(%arg17 : memref<!tpu.dma_semaphore, #tpu.memory_space<semaphore_mem>>) src(%dma_wait3A_102 : memref<64xi32, #tpu.memory_space<hbm>>) dst(%dma_wait3A_100 : memref<64xi32, #tpu.memory_space<vmem>>)
    %dma_wait3A_103 = arith.constant 0 : i32
    %dma_wait3A_104 = tpu.memref_slice %arg4[%add3A, %dma_wait3A_103] : memref<32x2048xf32, #tpu.memory_space<hbm>> -> memref<1x2048xf32, #tpu.memory_space<hbm>>
    %dma_wait3A_105 = tpu.memref_squeeze %dma_wait3A_104 : memref<1x2048xf32, #tpu.memory_space<hbm>> -> memref<2048xf32, #tpu.memory_space<hbm>>
    %dma_wait3A_106 = arith.constant 0 : i32
    %dma_wait3A_107 = tpu.memref_slice %arg4[%add3A, %dma_wait3A_106] : memref<32x2048xf32, #tpu.memory_space<hbm>> -> memref<1x2048xf32, #tpu.memory_space<hbm>>
    %dma_wait3A_108 = tpu.memref_squeeze %dma_wait3A_107 : memref<1x2048xf32, #tpu.memory_space<hbm>> -> memref<2048xf32, #tpu.memory_space<hbm>>
    tpu.wait_dma2 semaphore(%arg17 : memref<!tpu.dma_semaphore, #tpu.memory_space<semaphore_mem>>) src(%dma_wait3A_108 : memref<2048xf32, #tpu.memory_space<hbm>>) dst(%arg10 : memref<2048xf32, #tpu.memory_space<vmem>>)
    %dma_start3A_109 = arith.constant 0 : i32
    %dma_start3A_110 = arith.constant 0 : i32
    %dma_start3A_111 = arith.constant 0 : i32
    %dma_start3A_112 = tpu.memref_slice %arg7[%dma_start3A_110, %dma_start3A_111] : memref<32x1024xf32, #tpu.memory_space<vmem>> -> memref<8x1024xf32, #tpu.memory_space<vmem>>
    %dma_start3A_113 = arith.constant 0 : i32
    %dma_start3A_114 = tpu.memref_slice %arg6[%dma_start3A_109, %dma_start3A_113] : memref<4x64xi32, #tpu.memory_space<vmem>> -> memref<1x8xi32, #tpu.memory_space<vmem>>
    %dma_start3A_115 = tpu.memref_squeeze %dma_start3A_114 : memref<1x8xi32, #tpu.memory_space<vmem>> -> memref<8xi32, #tpu.memory_space<vmem>>
    %dma_start3A_116 = arith.constant 0 : i32
    %dma_start3A_117 = arith.constant 0 : i32
    %dma_start3A_118 = tpu.memref_slice %arg3[%dma_start3A_116, %dma_start3A_117] : memref<100000x1024xf32, #tpu.memory_space<hbm>> -> memref<100000x1024xf32, #tpu.memory_space<hbm>>
    tpu.enqueue_indirect_dma source(%dma_start3A_118 : memref<100000x1024xf32, #tpu.memory_space<hbm>>) target(%dma_start3A_112 : memref<8x1024xf32, #tpu.memory_space<vmem>>) offsets(%dma_start3A_115 : memref<8xi32, #tpu.memory_space<vmem>>) semaphore(%arg11 : memref<!tpu.dma_semaphore, #tpu.memory_space<semaphore_mem>>)
    %dma_start3A_119 = arith.constant 1 : i32
    %dma_start3A_120 = arith.constant 8 : i32
    %dma_start3A_121 = arith.constant 0 : i32
    %dma_start3A_122 = tpu.memref_slice %arg7[%dma_start3A_120, %dma_start3A_121] : memref<32x1024xf32, #tpu.memory_space<vmem>> -> memref<8x1024xf32, #tpu.memory_space<vmem>>
    %dma_start3A_123 = arith.constant 0 : i32
    %dma_start3A_124 = tpu.memref_slice %arg6[%dma_start3A_119, %dma_start3A_123] : memref<4x64xi32, #tpu.memory_space<vmem>> -> memref<1x8xi32, #tpu.memory_space<vmem>>
    %dma_start3A_125 = tpu.memref_squeeze %dma_start3A_124 : memref<1x8xi32, #tpu.memory_space<vmem>> -> memref<8xi32, #tpu.memory_space<vmem>>
    %dma_start3A_126 = arith.constant 0 : i32
    %dma_start3A_127 = arith.constant 0 : i32
    %dma_start3A_128 = tpu.memref_slice %arg3[%dma_start3A_126, %dma_start3A_127] : memref<100000x1024xf32, #tpu.memory_space<hbm>> -> memref<100000x1024xf32, #tpu.memory_space<hbm>>
    tpu.enqueue_indirect_dma source(%dma_start3A_128 : memref<100000x1024xf32, #tpu.memory_space<hbm>>) target(%dma_start3A_122 : memref<8x1024xf32, #tpu.memory_space<vmem>>) offsets(%dma_start3A_125 : memref<8xi32, #tpu.memory_space<vmem>>) semaphore(%arg11 : memref<!tpu.dma_semaphore, #tpu.memory_space<semaphore_mem>>)
    %dma_start3A_129 = arith.constant 2 : i32
    %dma_start3A_130 = arith.constant 16 : i32
    %dma_start3A_131 = arith.constant 0 : i32
    %dma_start3A_132 = tpu.memref_slice %arg7[%dma_start3A_130, %dma_start3A_131] : memref<32x1024xf32, #tpu.memory_space<vmem>> -> memref<8x1024xf32, #tpu.memory_space<vmem>>
    %dma_start3A_133 = arith.constant 0 : i32
    %dma_start3A_134 = tpu.memref_slice %arg6[%dma_start3A_129, %dma_start3A_133] : memref<4x64xi32, #tpu.memory_space<vmem>> -> memref<1x8xi32, #tpu.memory_space<vmem>>
    %dma_start3A_135 = tpu.memref_squeeze %dma_start3A_134 : memref<1x8xi32, #tpu.memory_space<vmem>> -> memref<8xi32, #tpu.memory_space<vmem>>
    %dma_start3A_136 = arith.constant 0 : i32
    %dma_start3A_137 = arith.constant 0 : i32
    %dma_start3A_138 = tpu.memref_slice %arg3[%dma_start3A_136, %dma_start3A_137] : memref<100000x1024xf32, #tpu.memory_space<hbm>> -> memref<100000x1024xf32, #tpu.memory_space<hbm>>
    tpu.enqueue_indirect_dma source(%dma_start3A_138 : memref<100000x1024xf32, #tpu.memory_space<hbm>>) target(%dma_start3A_132 : memref<8x1024xf32, #tpu.memory_space<vmem>>) offsets(%dma_start3A_135 : memref<8xi32, #tpu.memory_space<vmem>>) semaphore(%arg11 : memref<!tpu.dma_semaphore, #tpu.memory_space<semaphore_mem>>)
    %dma_start3A_139 = arith.constant 3 : i32
    %dma_start3A_140 = arith.constant 24 : i32
    %dma_start3A_141 = arith.constant 0 : i32
    %dma_start3A_142 = tpu.memref_slice %arg7[%dma_start3A_140, %dma_start3A_141] : memref<32x1024xf32, #tpu.memory_space<vmem>> -> memref<8x1024xf32, #tpu.memory_space<vmem>>
    %dma_start3A_143 = arith.constant 0 : i32
    %dma_start3A_144 = tpu.memref_slice %arg6[%dma_start3A_139, %dma_start3A_143] : memref<4x64xi32, #tpu.memory_space<vmem>> -> memref<1x8xi32, #tpu.memory_space<vmem>>
    %dma_start3A_145 = tpu.memref_squeeze %dma_start3A_144 : memref<1x8xi32, #tpu.memory_space<vmem>> -> memref<8xi32, #tpu.memory_space<vmem>>
    %dma_start3A_146 = arith.constant 0 : i32
    %dma_start3A_147 = arith.constant 0 : i32
    %dma_start3A_148 = tpu.memref_slice %arg3[%dma_start3A_146, %dma_start3A_147] : memref<100000x1024xf32, #tpu.memory_space<hbm>> -> memref<100000x1024xf32, #tpu.memory_space<hbm>>
    tpu.enqueue_indirect_dma source(%dma_start3A_148 : memref<100000x1024xf32, #tpu.memory_space<hbm>>) target(%dma_start3A_142 : memref<8x1024xf32, #tpu.memory_space<vmem>>) offsets(%dma_start3A_145 : memref<8xi32, #tpu.memory_space<vmem>>) semaphore(%arg11 : memref<!tpu.dma_semaphore, #tpu.memory_space<semaphore_mem>>)
    %dma_start3A_149 = arith.constant 0 : i32
    %dma_start3A_150 = arith.constant 0 : i32
    %dma_start3A_151 = arith.constant 0 : i32
    %dma_start3A_152 = tpu.memref_slice %arg8[%dma_start3A_150, %dma_start3A_151] : memref<32x1024xf32, #tpu.memory_space<vmem>> -> memref<8x1024xf32, #tpu.memory_space<vmem>>
    %dma_start3A_153 = arith.constant 8 : i32
    %dma_start3A_154 = tpu.memref_slice %arg6[%dma_start3A_149, %dma_start3A_153] : memref<4x64xi32, #tpu.memory_space<vmem>> -> memref<1x8xi32, #tpu.memory_space<vmem>>
    %dma_start3A_155 = tpu.memref_squeeze %dma_start3A_154 : memref<1x8xi32, #tpu.memory_space<vmem>> -> memref<8xi32, #tpu.memory_space<vmem>>
    %dma_start3A_156 = arith.constant 0 : i32
    %dma_start3A_157 = arith.constant 0 : i32
    %dma_start3A_158 = tpu.memref_slice %arg3[%dma_start3A_156, %dma_start3A_157] : memref<100000x1024xf32, #tpu.memory_space<hbm>> -> memref<100000x1024xf32, #tpu.memory_space<hbm>>
    tpu.enqueue_indirect_dma source(%dma_start3A_158 : memref<100000x1024xf32, #tpu.memory_space<hbm>>) target(%dma_start3A_152 : memref<8x1024xf32, #tpu.memory_space<vmem>>) offsets(%dma_start3A_155 : memref<8xi32, #tpu.memory_space<vmem>>) semaphore(%arg12 : memref<!tpu.dma_semaphore, #tpu.memory_space<semaphore_mem>>)
    %dma_start3A_159 = arith.constant 1 : i32
    %dma_start3A_160 = arith.constant 8 : i32
    %dma_start3A_161 = arith.constant 0 : i32
    %dma_start3A_162 = tpu.memref_slice %arg8[%dma_start3A_160, %dma_start3A_161] : memref<32x1024xf32, #tpu.memory_space<vmem>> -> memref<8x1024xf32, #tpu.memory_space<vmem>>
    %dma_start3A_163 = arith.constant 8 : i32
    %dma_start3A_164 = tpu.memref_slice %arg6[%dma_start3A_159, %dma_start3A_163] : memref<4x64xi32, #tpu.memory_space<vmem>> -> memref<1x8xi32, #tpu.memory_space<vmem>>
    %dma_start3A_165 = tpu.memref_squeeze %dma_start3A_164 : memref<1x8xi32, #tpu.memory_space<vmem>> -> memref<8xi32, #tpu.memory_space<vmem>>
    %dma_start3A_166 = arith.constant 0 : i32
    %dma_start3A_167 = arith.constant 0 : i32
    %dma_start3A_168 = tpu.memref_slice %arg3[%dma_start3A_166, %dma_start3A_167] : memref<100000x1024xf32, #tpu.memory_space<hbm>> -> memref<100000x1024xf32, #tpu.memory_space<hbm>>
    tpu.enqueue_indirect_dma source(%dma_start3A_168 : memref<100000x1024xf32, #tpu.memory_space<hbm>>) target(%dma_start3A_162 : memref<8x1024xf32, #tpu.memory_space<vmem>>) offsets(%dma_start3A_165 : memref<8xi32, #tpu.memory_space<vmem>>) semaphore(%arg12 : memref<!tpu.dma_semaphore, #tpu.memory_space<semaphore_mem>>)
    %dma_start3A_169 = arith.constant 2 : i32
    %dma_start3A_170 = arith.constant 16 : i32
    %dma_start3A_171 = arith.constant 0 : i32
    %dma_start3A_172 = tpu.memref_slice %arg8[%dma_start3A_170, %dma_start3A_171] : memref<32x1024xf32, #tpu.memory_space<vmem>> -> memref<8x1024xf32, #tpu.memory_space<vmem>>
    %dma_start3A_173 = arith.constant 8 : i32
    %dma_start3A_174 = tpu.memref_slice %arg6[%dma_start3A_169, %dma_start3A_173] : memref<4x64xi32, #tpu.memory_space<vmem>> -> memref<1x8xi32, #tpu.memory_space<vmem>>
    %dma_start3A_175 = tpu.memref_squeeze %dma_start3A_174 : memref<1x8xi32, #tpu.memory_space<vmem>> -> memref<8xi32, #tpu.memory_space<vmem>>
    %dma_start3A_176 = arith.constant 0 : i32
    %dma_start3A_177 = arith.constant 0 : i32
    %dma_start3A_178 = tpu.memref_slice %arg3[%dma_start3A_176, %dma_start3A_177] : memref<100000x1024xf32, #tpu.memory_space<hbm>> -> memref<100000x1024xf32, #tpu.memory_space<hbm>>
    tpu.enqueue_indirect_dma source(%dma_start3A_178 : memref<100000x1024xf32, #tpu.memory_space<hbm>>) target(%dma_start3A_172 : memref<8x1024xf32, #tpu.memory_space<vmem>>) offsets(%dma_start3A_175 : memref<8xi32, #tpu.memory_space<vmem>>) semaphore(%arg12 : memref<!tpu.dma_semaphore, #tpu.memory_space<semaphore_mem>>)
    %dma_start3A_179 = arith.constant 3 : i32
    %dma_start3A_180 = arith.constant 24 : i32
    %dma_start3A_181 = arith.constant 0 : i32
    %dma_start3A_182 = tpu.memref_slice %arg8[%dma_start3A_180, %dma_start3A_181] : memref<32x1024xf32, #tpu.memory_space<vmem>> -> memref<8x1024xf32, #tpu.memory_space<vmem>>
    %dma_start3A_183 = arith.constant 8 : i32
    %dma_start3A_184 = tpu.memref_slice %arg6[%dma_start3A_179, %dma_start3A_183] : memref<4x64xi32, #tpu.memory_space<vmem>> -> memref<1x8xi32, #tpu.memory_space<vmem>>
    %dma_start3A_185 = tpu.memref_squeeze %dma_start3A_184 : memref<1x8xi32, #tpu.memory_space<vmem>> -> memref<8xi32, #tpu.memory_space<vmem>>
    %dma_start3A_186 = arith.constant 0 : i32
    %dma_start3A_187 = arith.constant 0 : i32
    %dma_start3A_188 = tpu.memref_slice %arg3[%dma_start3A_186, %dma_start3A_187] : memref<100000x1024xf32, #tpu.memory_space<hbm>> -> memref<100000x1024xf32, #tpu.memory_space<hbm>>
    tpu.enqueue_indirect_dma source(%dma_start3A_188 : memref<100000x1024xf32, #tpu.memory_space<hbm>>) target(%dma_start3A_182 : memref<8x1024xf32, #tpu.memory_space<vmem>>) offsets(%dma_start3A_185 : memref<8xi32, #tpu.memory_space<vmem>>) semaphore(%arg12 : memref<!tpu.dma_semaphore, #tpu.memory_space<semaphore_mem>>)
    %dma_wait3A_189 = arith.constant 0 : i32
    %dma_wait3A_190 = arith.constant 0 : i32
    %dma_wait3A_191 = arith.constant 0 : i32
    %dma_wait3A_192 = tpu.memref_slice %arg7[%dma_wait3A_190, %dma_wait3A_191] : memref<32x1024xf32, #tpu.memory_space<vmem>> -> memref<8x1024xf32, #tpu.memory_space<vmem>>
    %dma_wait3A_193 = arith.constant 0 : i32
    %dma_wait3A_194 = tpu.memref_slice %arg6[%dma_wait3A_189, %dma_wait3A_193] : memref<4x64xi32, #tpu.memory_space<vmem>> -> memref<1x8xi32, #tpu.memory_space<vmem>>
    %dma_wait3A_195 = tpu.memref_squeeze %dma_wait3A_194 : memref<1x8xi32, #tpu.memory_space<vmem>> -> memref<8xi32, #tpu.memory_space<vmem>>
    %dma_wait3A_196 = arith.constant 0 : i32
    %dma_wait3A_197 = arith.constant 0 : i32
    %dma_wait3A_198 = tpu.memref_slice %arg3[%dma_wait3A_196, %dma_wait3A_197] : memref<100000x1024xf32, #tpu.memory_space<hbm>> -> memref<100000x1024xf32, #tpu.memory_space<hbm>>
    tpu.wait_indirect_dma semaphore(%arg11 : memref<!tpu.dma_semaphore, #tpu.memory_space<semaphore_mem>>) src(%dma_wait3A_198 : memref<100000x1024xf32, #tpu.memory_space<hbm>>) dst(%dma_wait3A_192 : memref<8x1024xf32, #tpu.memory_space<vmem>>)
    %dma_wait3A_199 = arith.constant 1 : i32
    %dma_wait3A_200 = arith.constant 8 : i32
    %dma_wait3A_201 = arith.constant 0 : i32
    %dma_wait3A_202 = tpu.memref_slice %arg7[%dma_wait3A_200, %dma_wait3A_201] : memref<32x1024xf32, #tpu.memory_space<vmem>> -> memref<8x1024xf32, #tpu.memory_space<vmem>>
    %dma_wait3A_203 = arith.constant 0 : i32
    %dma_wait3A_204 = tpu.memref_slice %arg6[%dma_wait3A_199, %dma_wait3A_203] : memref<4x64xi32, #tpu.memory_space<vmem>> -> memref<1x8xi32, #tpu.memory_space<vmem>>
    %dma_wait3A_205 = tpu.memref_squeeze %dma_wait3A_204 : memref<1x8xi32, #tpu.memory_space<vmem>> -> memref<8xi32, #tpu.memory_space<vmem>>
    %dma_wait3A_206 = arith.constant 0 : i32
    %dma_wait3A_207 = arith.constant 0 : i32
    %dma_wait3A_208 = tpu.memref_slice %arg3[%dma_wait3A_206, %dma_wait3A_207] : memref<100000x1024xf32, #tpu.memory_space<hbm>> -> memref<100000x1024xf32, #tpu.memory_space<hbm>>
    tpu.wait_indirect_dma semaphore(%arg11 : memref<!tpu.dma_semaphore, #tpu.memory_space<semaphore_mem>>) src(%dma_wait3A_208 : memref<100000x1024xf32, #tpu.memory_space<hbm>>) dst(%dma_wait3A_202 : memref<8x1024xf32, #tpu.memory_space<vmem>>)
    %dma_wait3A_209 = arith.constant 2 : i32
    %dma_wait3A_210 = arith.constant 16 : i32
    %dma_wait3A_211 = arith.constant 0 : i32
    %dma_wait3A_212 = tpu.memref_slice %arg7[%dma_wait3A_210, %dma_wait3A_211] : memref<32x1024xf32, #tpu.memory_space<vmem>> -> memref<8x1024xf32, #tpu.memory_space<vmem>>
    %dma_wait3A_213 = arith.constant 0 : i32
    %dma_wait3A_214 = tpu.memref_slice %arg6[%dma_wait3A_209, %dma_wait3A_213] : memref<4x64xi32, #tpu.memory_space<vmem>> -> memref<1x8xi32, #tpu.memory_space<vmem>>
    %dma_wait3A_215 = tpu.memref_squeeze %dma_wait3A_214 : memref<1x8xi32, #tpu.memory_space<vmem>> -> memref<8xi32, #tpu.memory_space<vmem>>
    %dma_wait3A_216 = arith.constant 0 : i32
    %dma_wait3A_217 = arith.constant 0 : i32
    %dma_wait3A_218 = tpu.memref_slice %arg3[%dma_wait3A_216, %dma_wait3A_217] : memref<100000x1024xf32, #tpu.memory_space<hbm>> -> memref<100000x1024xf32, #tpu.memory_space<hbm>>
    tpu.wait_indirect_dma semaphore(%arg11 : memref<!tpu.dma_semaphore, #tpu.memory_space<semaphore_mem>>) src(%dma_wait3A_218 : memref<100000x1024xf32, #tpu.memory_space<hbm>>) dst(%dma_wait3A_212 : memref<8x1024xf32, #tpu.memory_space<vmem>>)
    %dma_wait3A_219 = arith.constant 3 : i32
    %dma_wait3A_220 = arith.constant 24 : i32
    %dma_wait3A_221 = arith.constant 0 : i32
    %dma_wait3A_222 = tpu.memref_slice %arg7[%dma_wait3A_220, %dma_wait3A_221] : memref<32x1024xf32, #tpu.memory_space<vmem>> -> memref<8x1024xf32, #tpu.memory_space<vmem>>
    %dma_wait3A_223 = arith.constant 0 : i32
    %dma_wait3A_224 = tpu.memref_slice %arg6[%dma_wait3A_219, %dma_wait3A_223] : memref<4x64xi32, #tpu.memory_space<vmem>> -> memref<1x8xi32, #tpu.memory_space<vmem>>
    %dma_wait3A_225 = tpu.memref_squeeze %dma_wait3A_224 : memref<1x8xi32, #tpu.memory_space<vmem>> -> memref<8xi32, #tpu.memory_space<vmem>>
    %dma_wait3A_226 = arith.constant 0 : i32
    %dma_wait3A_227 = arith.constant 0 : i32
    %dma_wait3A_228 = tpu.memref_slice %arg3[%dma_wait3A_226, %dma_wait3A_227] : memref<100000x1024xf32, #tpu.memory_space<hbm>> -> memref<100000x1024xf32, #tpu.memory_space<hbm>>
    tpu.wait_indirect_dma semaphore(%arg11 : memref<!tpu.dma_semaphore, #tpu.memory_space<semaphore_mem>>) src(%dma_wait3A_228 : memref<100000x1024xf32, #tpu.memory_space<hbm>>) dst(%dma_wait3A_222 : memref<8x1024xf32, #tpu.memory_space<vmem>>)
    %scan3A = arith.constant 0 : i32
    %scan3A_229 = arith.constant 0 : i32
    %scan3A_230 = arith.constant 8 : i32
    %scan3A_231 = arith.addi %scan3A_229, %scan3A_230 : i32
    %scan3A_232 = arith.constant 1 : i32
    %scan3A_233 = scf.for %scan3A_1700 = %scan3A_229 to %scan3A_231 step %scan3A_232 iter_args(%scan3A_1701 = %scan3A) -> (i32)  : i32 {
      %parallel_loop3A = arith.constant 0 : i32
      %parallel_loop3A_1702 = arith.constant 32 : i32
      %parallel_loop3A_1703 = arith.constant 1 : i32
      scf.for %parallel_loop3A_1705 = %parallel_loop3A to %parallel_loop3A_1702 step %parallel_loop3A_1703  : i32 {
        %parallel_loop3A_1706 = arith.constant 2 : i32
        %parallel_loop3A_1707 = arith.muli %parallel_loop3A_1705, %parallel_loop3A_1706 : i32
        %parallel_loop3A_1708 = arith.constant 16 : i32
        %parallel_loop3A_1709 = arith.muli %parallel_loop3A_1707, %parallel_loop3A_1708 : i32
        %parallel_loop3A_1710 = arith.index_cast %parallel_loop3A_1709 : i32 to index
        %parallel_loop3A_1711 = tpu.vector_load %arg10[%parallel_loop3A_1710] {strides = array<i32>} : memref<2048xf32, #tpu.memory_space<vmem>>, vector<16xf32>,
        %parallel_loop3A_1712 = vector.shape_cast %parallel_loop3A_1711 : vector<16xf32> to vector<16xf32>
        %parallel_loop3A_1713 = arith.constant 16 : i32
        %parallel_loop3A_1714 = arith.addi %parallel_loop3A_1709, %parallel_loop3A_1713 : i32
        %parallel_loop3A_1715 = arith.index_cast %parallel_loop3A_1714 : i32 to index
        %parallel_loop3A_1716 = tpu.vector_load %arg10[%parallel_loop3A_1715] {strides = array<i32>} : memref<2048xf32, #tpu.memory_space<vmem>>, vector<16xf32>,
        %parallel_loop3A_1717 = vector.shape_cast %parallel_loop3A_1716 : vector<16xf32> to vector<16xf32>
        %parallel_loop3A_1718 = arith.constant 16 : i32
        %parallel_loop3A_1719 = arith.muli %parallel_loop3A_1705, %parallel_loop3A_1718 : i32
        %parallel_loop3A_1720 = arith.constant 16 : i32
        %parallel_loop3A_1721 = arith.muli %parallel_loop3A_1705, %parallel_loop3A_1720 : i32
        %parallel_loop3A_1722 = arith.constant 512 : i32
        %parallel_loop3A_1723 = arith.addi %parallel_loop3A_1722, %parallel_loop3A_1721 : i32
        %parallel_loop3A_1724 = arith.constant 0 : i32
        %parallel_loop3A_1725 = arith.addi %parallel_loop3A_1724, %scan3A_1700 : i32
        %parallel_loop3A_1726 = arith.index_cast %parallel_loop3A_1725 : i32 to index
        %parallel_loop3A_1727 = arith.index_cast %parallel_loop3A_1719 : i32 to index
        %parallel_loop3A_1728 = tpu.vector_load %arg7[%parallel_loop3A_1726, %parallel_loop3A_1727] {strides = array<i32>} : memref<32x1024xf32, #tpu.memory_space<vmem>>, vector<1x16xf32>,
        %parallel_loop3A_1729 = vector.shape_cast %parallel_loop3A_1728 : vector<1x16xf32> to vector<16xf32>
        %parallel_loop3A_1730 = arith.constant 3.200000e+01 : f32
        %parallel_loop3A_1731 = vector.broadcast %parallel_loop3A_1730 : f32 to vector<16xf32>
        %parallel_loop3A_1732 = arith.mulf %parallel_loop3A_1729, %parallel_loop3A_1731 : vector<16xf32>
        %parallel_loop3A_1733 = arith.addf %parallel_loop3A_1732, %parallel_loop3A_1712 : vector<16xf32>
        %parallel_loop3A_1734 = arith.index_cast %parallel_loop3A_1725 : i32 to index
        %parallel_loop3A_1735 = arith.index_cast %parallel_loop3A_1719 : i32 to index
        %parallel_loop3A_1736 = tpu.vector_load %arg7[%parallel_loop3A_1734, %parallel_loop3A_1735] {strides = array<i32>} : memref<32x1024xf32, #tpu.memory_space<vmem>>, vector<1x16xf32>,
        %parallel_loop3A_1737 = vector.shape_cast %parallel_loop3A_1736 : vector<1x16xf32> to vector<16xf32>
        %parallel_loop3A_1738 = vector.shape_cast %parallel_loop3A_1733 : vector<16xf32> to vector<1x16xf32>
        tpu.vector_store %arg7[%parallel_loop3A_1734, %parallel_loop3A_1735], %parallel_loop3A_1738 {strides = array<i32>} : memref<32x1024xf32, #tpu.memory_space<vmem>>, vector<1x16xf32>,
        %parallel_loop3A_1739 = arith.index_cast %parallel_loop3A_1725 : i32 to index
        %parallel_loop3A_1740 = arith.index_cast %parallel_loop3A_1723 : i32 to index
        %parallel_loop3A_1741 = tpu.vector_load %arg7[%parallel_loop3A_1739, %parallel_loop3A_1740] {strides = array<i32>} : memref<32x1024xf32, #tpu.memory_space<vmem>>, vector<1x16xf32>,
        %parallel_loop3A_1742 = vector.shape_cast %parallel_loop3A_1741 : vector<1x16xf32> to vector<16xf32>
        %parallel_loop3A_1743 = arith.constant 3.200000e+01 : f32
        %parallel_loop3A_1744 = vector.broadcast %parallel_loop3A_1743 : f32 to vector<16xf32>
        %parallel_loop3A_1745 = arith.mulf %parallel_loop3A_1742, %parallel_loop3A_1744 : vector<16xf32>
        %parallel_loop3A_1746 = arith.addf %parallel_loop3A_1745, %parallel_loop3A_1717 : vector<16xf32>
        %parallel_loop3A_1747 = arith.index_cast %parallel_loop3A_1725 : i32 to index
        %parallel_loop3A_1748 = arith.index_cast %parallel_loop3A_1723 : i32 to index
        %parallel_loop3A_1749 = tpu.vector_load %arg7[%parallel_loop3A_1747, %parallel_loop3A_1748] {strides = array<i32>} : memref<32x1024xf32, #tpu.memory_space<vmem>>, vector<1x16xf32>,
        %parallel_loop3A_1750 = vector.shape_cast %parallel_loop3A_1749 : vector<1x16xf32> to vector<16xf32>
        %parallel_loop3A_1751 = vector.shape_cast %parallel_loop3A_1746 : vector<16xf32> to vector<1x16xf32>
        tpu.vector_store %arg7[%parallel_loop3A_1747, %parallel_loop3A_1748], %parallel_loop3A_1751 {strides = array<i32>} : memref<32x1024xf32, #tpu.memory_space<vmem>>, vector<1x16xf32>,
        %parallel_loop3A_1752 = arith.constant 8 : i32
        %parallel_loop3A_1753 = arith.addi %parallel_loop3A_1752, %scan3A_1700 : i32
        %parallel_loop3A_1754 = arith.index_cast %parallel_loop3A_1753 : i32 to index
        %parallel_loop3A_1755 = arith.index_cast %parallel_loop3A_1719 : i32 to index
        %parallel_loop3A_1756 = tpu.vector_load %arg7[%parallel_loop3A_1754, %parallel_loop3A_1755] {strides = array<i32>} : memref<32x1024xf32, #tpu.memory_space<vmem>>, vector<1x16xf32>,
        %parallel_loop3A_1757 = vector.shape_cast %parallel_loop3A_1756 : vector<1x16xf32> to vector<16xf32>
        %parallel_loop3A_1758 = arith.constant 3.200000e+01 : f32
        %parallel_loop3A_1759 = vector.broadcast %parallel_loop3A_1758 : f32 to vector<16xf32>
        %parallel_loop3A_1760 = arith.mulf %parallel_loop3A_1757, %parallel_loop3A_1759 : vector<16xf32>
        %parallel_loop3A_1761 = arith.addf %parallel_loop3A_1760, %parallel_loop3A_1712 : vector<16xf32>
        %parallel_loop3A_1762 = arith.index_cast %parallel_loop3A_1753 : i32 to index
        %parallel_loop3A_1763 = arith.index_cast %parallel_loop3A_1719 : i32 to index
        %parallel_loop3A_1764 = tpu.vector_load %arg7[%parallel_loop3A_1762, %parallel_loop3A_1763] {strides = array<i32>} : memref<32x1024xf32, #tpu.memory_space<vmem>>, vector<1x16xf32>,
        %parallel_loop3A_1765 = vector.shape_cast %parallel_loop3A_1764 : vector<1x16xf32> to vector<16xf32>
        %parallel_loop3A_1766 = vector.shape_cast %parallel_loop3A_1761 : vector<16xf32> to vector<1x16xf32>
        tpu.vector_store %arg7[%parallel_loop3A_1762, %parallel_loop3A_1763], %parallel_loop3A_1766 {strides = array<i32>} : memref<32x1024xf32, #tpu.memory_space<vmem>>, vector<1x16xf32>,
        %parallel_loop3A_1767 = arith.index_cast %parallel_loop3A_1753 : i32 to index
        %parallel_loop3A_1768 = arith.index_cast %parallel_loop3A_1723 : i32 to index
        %parallel_loop3A_1769 = tpu.vector_load %arg7[%parallel_loop3A_1767, %parallel_loop3A_1768] {strides = array<i32>} : memref<32x1024xf32, #tpu.memory_space<vmem>>, vector<1x16xf32>,
        %parallel_loop3A_1770 = vector.shape_cast %parallel_loop3A_1769 : vector<1x16xf32> to vector<16xf32>
        %parallel_loop3A_1771 = arith.constant 3.200000e+01 : f32
        %parallel_loop3A_1772 = vector.broadcast %parallel_loop3A_1771 : f32 to vector<16xf32>
        %parallel_loop3A_1773 = arith.mulf %parallel_loop3A_1770, %parallel_loop3A_1772 : vector<16xf32>
        %parallel_loop3A_1774 = arith.addf %parallel_loop3A_1773, %parallel_loop3A_1717 : vector<16xf32>
        %parallel_loop3A_1775 = arith.index_cast %parallel_loop3A_1753 : i32 to index
        %parallel_loop3A_1776 = arith.index_cast %parallel_loop3A_1723 : i32 to index
        %parallel_loop3A_1777 = tpu.vector_load %arg7[%parallel_loop3A_1775, %parallel_loop3A_1776] {strides = array<i32>} : memref<32x1024xf32, #tpu.memory_space<vmem>>, vector<1x16xf32>,
        %parallel_loop3A_1778 = vector.shape_cast %parallel_loop3A_1777 : vector<1x16xf32> to vector<16xf32>
        %parallel_loop3A_1779 = vector.shape_cast %parallel_loop3A_1774 : vector<16xf32> to vector<1x16xf32>
        tpu.vector_store %arg7[%parallel_loop3A_1775, %parallel_loop3A_1776], %parallel_loop3A_1779 {strides = array<i32>} : memref<32x1024xf32, #tpu.memory_space<vmem>>, vector<1x16xf32>,
        %parallel_loop3A_1780 = arith.constant 16 : i32
        %parallel_loop3A_1781 = arith.addi %parallel_loop3A_1780, %scan3A_1700 : i32
        %parallel_loop3A_1782 = arith.index_cast %parallel_loop3A_1781 : i32 to index
        %parallel_loop3A_1783 = arith.index_cast %parallel_loop3A_1719 : i32 to index
        %parallel_loop3A_1784 = tpu.vector_load %arg7[%parallel_loop3A_1782, %parallel_loop3A_1783] {strides = array<i32>} : memref<32x1024xf32, #tpu.memory_space<vmem>>, vector<1x16xf32>,
        %parallel_loop3A_1785 = vector.shape_cast %parallel_loop3A_1784 : vector<1x16xf32> to vector<16xf32>
        %parallel_loop3A_1786 = arith.constant 3.200000e+01 : f32
        %parallel_loop3A_1787 = vector.broadcast %parallel_loop3A_1786 : f32 to vector<16xf32>
        %parallel_loop3A_1788 = arith.mulf %parallel_loop3A_1785, %parallel_loop3A_1787 : vector<16xf32>
        %parallel_loop3A_1789 = arith.addf %parallel_loop3A_1788, %parallel_loop3A_1712 : vector<16xf32>
        %parallel_loop3A_1790 = arith.index_cast %parallel_loop3A_1781 : i32 to index
        %parallel_loop3A_1791 = arith.index_cast %parallel_loop3A_1719 : i32 to index
        %parallel_loop3A_1792 = tpu.vector_load %arg7[%parallel_loop3A_1790, %parallel_loop3A_1791] {strides = array<i32>} : memref<32x1024xf32, #tpu.memory_space<vmem>>, vector<1x16xf32>,
        %parallel_loop3A_1793 = vector.shape_cast %parallel_loop3A_1792 : vector<1x16xf32> to vector<16xf32>
        %parallel_loop3A_1794 = vector.shape_cast %parallel_loop3A_1789 : vector<16xf32> to vector<1x16xf32>
        tpu.vector_store %arg7[%parallel_loop3A_1790, %parallel_loop3A_1791], %parallel_loop3A_1794 {strides = array<i32>} : memref<32x1024xf32, #tpu.memory_space<vmem>>, vector<1x16xf32>,
        %parallel_loop3A_1795 = arith.index_cast %parallel_loop3A_1781 : i32 to index
        %parallel_loop3A_1796 = arith.index_cast %parallel_loop3A_1723 : i32 to index
        %parallel_loop3A_1797 = tpu.vector_load %arg7[%parallel_loop3A_1795, %parallel_loop3A_1796] {strides = array<i32>} : memref<32x1024xf32, #tpu.memory_space<vmem>>, vector<1x16xf32>,
        %parallel_loop3A_1798 = vector.shape_cast %parallel_loop3A_1797 : vector<1x16xf32> to vector<16xf32>
        %parallel_loop3A_1799 = arith.constant 3.200000e+01 : f32
        %parallel_loop3A_1800 = vector.broadcast %parallel_loop3A_1799 : f32 to vector<16xf32>
        %parallel_loop3A_1801 = arith.mulf %parallel_loop3A_1798, %parallel_loop3A_1800 : vector<16xf32>
        %parallel_loop3A_1802 = arith.addf %parallel_loop3A_1801, %parallel_loop3A_1717 : vector<16xf32>
        %parallel_loop3A_1803 = arith.index_cast %parallel_loop3A_1781 : i32 to index
        %parallel_loop3A_1804 = arith.index_cast %parallel_loop3A_1723 : i32 to index
        %parallel_loop3A_1805 = tpu.vector_load %arg7[%parallel_loop3A_1803, %parallel_loop3A_1804] {strides = array<i32>} : memref<32x1024xf32, #tpu.memory_space<vmem>>, vector<1x16xf32>,
        %parallel_loop3A_1806 = vector.shape_cast %parallel_loop3A_1805 : vector<1x16xf32> to vector<16xf32>
        %parallel_loop3A_1807 = vector.shape_cast %parallel_loop3A_1802 : vector<16xf32> to vector<1x16xf32>
        tpu.vector_store %arg7[%parallel_loop3A_1803, %parallel_loop3A_1804], %parallel_loop3A_1807 {strides = array<i32>} : memref<32x1024xf32, #tpu.memory_space<vmem>>, vector<1x16xf32>,
        %parallel_loop3A_1808 = arith.constant 24 : i32
        %parallel_loop3A_1809 = arith.addi %parallel_loop3A_1808, %scan3A_1700 : i32
        %parallel_loop3A_1810 = arith.index_cast %parallel_loop3A_1809 : i32 to index
        %parallel_loop3A_1811 = arith.index_cast %parallel_loop3A_1719 : i32 to index
        %parallel_loop3A_1812 = tpu.vector_load %arg7[%parallel_loop3A_1810, %parallel_loop3A_1811] {strides = array<i32>} : memref<32x1024xf32, #tpu.memory_space<vmem>>, vector<1x16xf32>,
        %parallel_loop3A_1813 = vector.shape_cast %parallel_loop3A_1812 : vector<1x16xf32> to vector<16xf32>
        %parallel_loop3A_1814 = arith.constant 3.200000e+01 : f32
        %parallel_loop3A_1815 = vector.broadcast %parallel_loop3A_1814 : f32 to vector<16xf32>
        %parallel_loop3A_1816 = arith.mulf %parallel_loop3A_1813, %parallel_loop3A_1815 : vector<16xf32>
        %parallel_loop3A_1817 = arith.addf %parallel_loop3A_1816, %parallel_loop3A_1712 : vector<16xf32>
        %parallel_loop3A_1818 = arith.index_cast %parallel_loop3A_1809 : i32 to index
        %parallel_loop3A_1819 = arith.index_cast %parallel_loop3A_1719 : i32 to index
        %parallel_loop3A_1820 = tpu.vector_load %arg7[%parallel_loop3A_1818, %parallel_loop3A_1819] {strides = array<i32>} : memref<32x1024xf32, #tpu.memory_space<vmem>>, vector<1x16xf32>,
        %parallel_loop3A_1821 = vector.shape_cast %parallel_loop3A_1820 : vector<1x16xf32> to vector<16xf32>
        %parallel_loop3A_1822 = vector.shape_cast %parallel_loop3A_1817 : vector<16xf32> to vector<1x16xf32>
        tpu.vector_store %arg7[%parallel_loop3A_1818, %parallel_loop3A_1819], %parallel_loop3A_1822 {strides = array<i32>} : memref<32x1024xf32, #tpu.memory_space<vmem>>, vector<1x16xf32>,
        %parallel_loop3A_1823 = arith.index_cast %parallel_loop3A_1809 : i32 to index
        %parallel_loop3A_1824 = arith.index_cast %parallel_loop3A_1723 : i32 to index
        %parallel_loop3A_1825 = tpu.vector_load %arg7[%parallel_loop3A_1823, %parallel_loop3A_1824] {strides = array<i32>} : memref<32x1024xf32, #tpu.memory_space<vmem>>, vector<1x16xf32>,
        %parallel_loop3A_1826 = vector.shape_cast %parallel_loop3A_1825 : vector<1x16xf32> to vector<16xf32>
        %parallel_loop3A_1827 = arith.constant 3.200000e+01 : f32
        %parallel_loop3A_1828 = vector.broadcast %parallel_loop3A_1827 : f32 to vector<16xf32>
        %parallel_loop3A_1829 = arith.mulf %parallel_loop3A_1826, %parallel_loop3A_1828 : vector<16xf32>
        %parallel_loop3A_1830 = arith.addf %parallel_loop3A_1829, %parallel_loop3A_1717 : vector<16xf32>
        %parallel_loop3A_1831 = arith.index_cast %parallel_loop3A_1809 : i32 to index
        %parallel_loop3A_1832 = arith.index_cast %parallel_loop3A_1723 : i32 to index
        %parallel_loop3A_1833 = tpu.vector_load %arg7[%parallel_loop3A_1831, %parallel_loop3A_1832] {strides = array<i32>} : memref<32x1024xf32, #tpu.memory_space<vmem>>, vector<1x16xf32>,
        %parallel_loop3A_1834 = vector.shape_cast %parallel_loop3A_1833 : vector<1x16xf32> to vector<16xf32>
        %parallel_loop3A_1835 = vector.shape_cast %parallel_loop3A_1830 : vector<16xf32> to vector<1x16xf32>
        tpu.vector_store %arg7[%parallel_loop3A_1831, %parallel_loop3A_1832], %parallel_loop3A_1835 {strides = array<i32>} : memref<32x1024xf32, #tpu.memory_space<vmem>>, vector<1x16xf32>,
        %parallel_loop3A_1836 = arith.constant 1024 : i32
        %parallel_loop3A_1837 = arith.addi %parallel_loop3A_1836, %parallel_loop3A_1709 : i32
        %parallel_loop3A_1838 = arith.index_cast %parallel_loop3A_1837 : i32 to index
        %parallel_loop3A_1839 = tpu.vector_load %arg10[%parallel_loop3A_1838] {strides = array<i32>} : memref<2048xf32, #tpu.memory_space<vmem>>, vector<16xf32>,
        %parallel_loop3A_1840 = vector.shape_cast %parallel_loop3A_1839 : vector<16xf32> to vector<16xf32>
        %parallel_loop3A_1841 = arith.constant 1024 : i32
        %parallel_loop3A_1842 = arith.addi %parallel_loop3A_1841, %parallel_loop3A_1709 : i32
        %parallel_loop3A_1843 = arith.constant 16 : i32
        %parallel_loop3A_1844 = arith.addi %parallel_loop3A_1842, %parallel_loop3A_1843 : i32
        %parallel_loop3A_1845 = arith.index_cast %parallel_loop3A_1844 : i32 to index
        %parallel_loop3A_1846 = tpu.vector_load %arg10[%parallel_loop3A_1845] {strides = array<i32>} : memref<2048xf32, #tpu.memory_space<vmem>>, vector<16xf32>,
        %parallel_loop3A_1847 = vector.shape_cast %parallel_loop3A_1846 : vector<16xf32> to vector<16xf32>
        %parallel_loop3A_1848 = arith.mulf %parallel_loop3A_1712, %parallel_loop3A_1840 : vector<16xf32>
        %parallel_loop3A_1849 = arith.mulf %parallel_loop3A_1717, %parallel_loop3A_1847 : vector<16xf32>
        %parallel_loop3A_1850 = arith.addf %parallel_loop3A_1848, %parallel_loop3A_1849 : vector<16xf32>
        %parallel_loop3A_1851 = arith.index_cast %parallel_loop3A_1709 : i32 to index
        %parallel_loop3A_1852 = tpu.vector_load %arg10[%parallel_loop3A_1851] {strides = array<i32>} : memref<2048xf32, #tpu.memory_space<vmem>>, vector<16xf32>,
        %parallel_loop3A_1853 = vector.shape_cast %parallel_loop3A_1852 : vector<16xf32> to vector<16xf32>
        %parallel_loop3A_1854 = vector.shape_cast %parallel_loop3A_1850 : vector<16xf32> to vector<16xf32>
        tpu.vector_store %arg10[%parallel_loop3A_1851], %parallel_loop3A_1854 {strides = array<i32>} : memref<2048xf32, #tpu.memory_space<vmem>>, vector<16xf32>,
        %parallel_loop3A_1855 = arith.mulf %parallel_loop3A_1717, %parallel_loop3A_1840 : vector<16xf32>
        %parallel_loop3A_1856 = arith.mulf %parallel_loop3A_1712, %parallel_loop3A_1847 : vector<16xf32>
        %parallel_loop3A_1857 = arith.subf %parallel_loop3A_1855, %parallel_loop3A_1856 : vector<16xf32>
        %parallel_loop3A_1858 = arith.constant 16 : i32
        %parallel_loop3A_1859 = arith.addi %parallel_loop3A_1709, %parallel_loop3A_1858 : i32
        %parallel_loop3A_1860 = arith.index_cast %parallel_loop3A_1859 : i32 to index
        %parallel_loop3A_1861 = tpu.vector_load %arg10[%parallel_loop3A_1860] {strides = array<i32>} : memref<2048xf32, #tpu.memory_space<vmem>>, vector<16xf32>,
        %parallel_loop3A_1862 = vector.shape_cast %parallel_loop3A_1861 : vector<16xf32> to vector<16xf32>
        %parallel_loop3A_1863 = vector.shape_cast %parallel_loop3A_1857 : vector<16xf32> to vector<16xf32>
        tpu.vector_store %arg10[%parallel_loop3A_1860], %parallel_loop3A_1863 {strides = array<i32>} : memref<2048xf32, #tpu.memory_space<vmem>>, vector<16xf32>,
      } {sc.loop_unroll_factor = 1 : i64, sc.parallel_access}
      %scan3A_1704 = arith.constant 0 : i32
      scf.yield %scan3A_1704 : i32
    }
    %scan3A_234 = arith.constant 8 : i32
    %add3A_235 = arith.constant 0 : i32
    %add3A_236 = arith.addi %mul3A_2, %add3A_235 : i32
    %dma_start3A_237 = arith.constant 0 : i32
    %dma_start3A_238 = arith.constant 0 : i32
    %dma_start3A_239 = arith.constant 0 : i32
    %dma_start3A_240 = tpu.memref_slice %arg7[%dma_start3A_238, %dma_start3A_239] : memref<32x1024xf32, #tpu.memory_space<vmem>> -> memref<8x1024xf32, #tpu.memory_space<vmem>>
    %dma_start3A_241 = arith.constant 0 : i32
    %dma_start3A_242 = tpu.memref_slice %arg5[%dma_start3A_237, %add3A_236, %dma_start3A_241] : memref<4x2048x1024xf32, #tpu.memory_space<hbm>> -> memref<1x8x1024xf32, #tpu.memory_space<hbm>>
    %dma_start3A_243 = tpu.memref_squeeze %dma_start3A_242 : memref<1x8x1024xf32, #tpu.memory_space<hbm>> -> memref<8x1024xf32, #tpu.memory_space<hbm>>
    %dma_start3A_244 = arith.constant 0 : i32
    %dma_start3A_245 = tpu.memref_slice %arg5[%dma_start3A_237, %add3A_236, %dma_start3A_244] : memref<4x2048x1024xf32, #tpu.memory_space<hbm>> -> memref<1x8x1024xf32, #tpu.memory_space<hbm>>
    %dma_start3A_246 = tpu.memref_squeeze %dma_start3A_245 : memref<1x8x1024xf32, #tpu.memory_space<hbm>> -> memref<8x1024xf32, #tpu.memory_space<hbm>>
    %dma_start3A_247 = arith.constant 0 : i32
    %dma_start3A_248 = arith.constant 0 : i32
    %dma_start3A_249 = tpu.memref_slice %arg7[%dma_start3A_247, %dma_start3A_248] : memref<32x1024xf32, #tpu.memory_space<vmem>> -> memref<8x1024xf32, #tpu.memory_space<vmem>>
    tpu.enqueue_dma source(%dma_start3A_249 : memref<8x1024xf32, #tpu.memory_space<vmem>>) target(%dma_start3A_246 : memref<8x1024xf32, #tpu.memory_space<hbm>>) target_semaphore(%arg14 : memref<!tpu.dma_semaphore, #tpu.memory_space<semaphore_mem>>)
    %add3A_250 = arith.constant 0 : i32
    %add3A_251 = arith.addi %mul3A_2, %add3A_250 : i32
    %dma_start3A_252 = arith.constant 1 : i32
    %dma_start3A_253 = arith.constant 8 : i32
    %dma_start3A_254 = arith.constant 0 : i32
    %dma_start3A_255 = tpu.memref_slice %arg7[%dma_start3A_253, %dma_start3A_254] : memref<32x1024xf32, #tpu.memory_space<vmem>> -> memref<8x1024xf32, #tpu.memory_space<vmem>>
    %dma_start3A_256 = arith.constant 0 : i32
    %dma_start3A_257 = tpu.memref_slice %arg5[%dma_start3A_252, %add3A_251, %dma_start3A_256] : memref<4x2048x1024xf32, #tpu.memory_space<hbm>> -> memref<1x8x1024xf32, #tpu.memory_space<hbm>>
    %dma_start3A_258 = tpu.memref_squeeze %dma_start3A_257 : memref<1x8x1024xf32, #tpu.memory_space<hbm>> -> memref<8x1024xf32, #tpu.memory_space<hbm>>
    %dma_start3A_259 = arith.constant 0 : i32
    %dma_start3A_260 = tpu.memref_slice %arg5[%dma_start3A_252, %add3A_251, %dma_start3A_259] : memref<4x2048x1024xf32, #tpu.memory_space<hbm>> -> memref<1x8x1024xf32, #tpu.memory_space<hbm>>
    %dma_start3A_261 = tpu.memref_squeeze %dma_start3A_260 : memref<1x8x1024xf32, #tpu.memory_space<hbm>> -> memref<8x1024xf32, #tpu.memory_space<hbm>>
    %dma_start3A_262 = arith.constant 8 : i32
    %dma_start3A_263 = arith.constant 0 : i32
    %dma_start3A_264 = tpu.memref_slice %arg7[%dma_start3A_262, %dma_start3A_263] : memref<32x1024xf32, #tpu.memory_space<vmem>> -> memref<8x1024xf32, #tpu.memory_space<vmem>>
    tpu.enqueue_dma source(%dma_start3A_264 : memref<8x1024xf32, #tpu.memory_space<vmem>>) target(%dma_start3A_261 : memref<8x1024xf32, #tpu.memory_space<hbm>>) target_semaphore(%arg14 : memref<!tpu.dma_semaphore, #tpu.memory_space<semaphore_mem>>)
    %add3A_265 = arith.constant 0 : i32
    %add3A_266 = arith.addi %mul3A_2, %add3A_265 : i32
    %dma_start3A_267 = arith.constant 2 : i32
    %dma_start3A_268 = arith.constant 16 : i32
    %dma_start3A_269 = arith.constant 0 : i32
    %dma_start3A_270 = tpu.memref_slice %arg7[%dma_start3A_268, %dma_start3A_269] : memref<32x1024xf32, #tpu.memory_space<vmem>> -> memref<8x1024xf32, #tpu.memory_space<vmem>>
    %dma_start3A_271 = arith.constant 0 : i32
    %dma_start3A_272 = tpu.memref_slice %arg5[%dma_start3A_267, %add3A_266, %dma_start3A_271] : memref<4x2048x1024xf32, #tpu.memory_space<hbm>> -> memref<1x8x1024xf32, #tpu.memory_space<hbm>>
    %dma_start3A_273 = tpu.memref_squeeze %dma_start3A_272 : memref<1x8x1024xf32, #tpu.memory_space<hbm>> -> memref<8x1024xf32, #tpu.memory_space<hbm>>
    %dma_start3A_274 = arith.constant 0 : i32
    %dma_start3A_275 = tpu.memref_slice %arg5[%dma_start3A_267, %add3A_266, %dma_start3A_274] : memref<4x2048x1024xf32, #tpu.memory_space<hbm>> -> memref<1x8x1024xf32, #tpu.memory_space<hbm>>
    %dma_start3A_276 = tpu.memref_squeeze %dma_start3A_275 : memref<1x8x1024xf32, #tpu.memory_space<hbm>> -> memref<8x1024xf32, #tpu.memory_space<hbm>>
    %dma_start3A_277 = arith.constant 16 : i32
    %dma_start3A_278 = arith.constant 0 : i32
    %dma_start3A_279 = tpu.memref_slice %arg7[%dma_start3A_277, %dma_start3A_278] : memref<32x1024xf32, #tpu.memory_space<vmem>> -> memref<8x1024xf32, #tpu.memory_space<vmem>>
    tpu.enqueue_dma source(%dma_start3A_279 : memref<8x1024xf32, #tpu.memory_space<vmem>>) target(%dma_start3A_276 : memref<8x1024xf32, #tpu.memory_space<hbm>>) target_semaphore(%arg14 : memref<!tpu.dma_semaphore, #tpu.memory_space<semaphore_mem>>)
    %add3A_280 = arith.constant 0 : i32
    %add3A_281 = arith.addi %mul3A_2, %add3A_280 : i32
    %dma_start3A_282 = arith.constant 3 : i32
    %dma_start3A_283 = arith.constant 24 : i32
    %dma_start3A_284 = arith.constant 0 : i32
    %dma_start3A_285 = tpu.memref_slice %arg7[%dma_start3A_283, %dma_start3A_284] : memref<32x1024xf32, #tpu.memory_space<vmem>> -> memref<8x1024xf32, #tpu.memory_space<vmem>>
    %dma_start3A_286 = arith.constant 0 : i32
    %dma_start3A_287 = tpu.memref_slice %arg5[%dma_start3A_282, %add3A_281, %dma_start3A_286] : memref<4x2048x1024xf32, #tpu.memory_space<hbm>> -> memref<1x8x1024xf32, #tpu.memory_space<hbm>>
    %dma_start3A_288 = tpu.memref_squeeze %dma_start3A_287 : memref<1x8x1024xf32, #tpu.memory_space<hbm>> -> memref<8x1024xf32, #tpu.memory_space<hbm>>
    %dma_start3A_289 = arith.constant 0 : i32
    %dma_start3A_290 = tpu.memref_slice %arg5[%dma_start3A_282, %add3A_281, %dma_start3A_289] : memref<4x2048x1024xf32, #tpu.memory_space<hbm>> -> memref<1x8x1024xf32, #tpu.memory_space<hbm>>
    %dma_start3A_291 = tpu.memref_squeeze %dma_start3A_290 : memref<1x8x1024xf32, #tpu.memory_space<hbm>> -> memref<8x1024xf32, #tpu.memory_space<hbm>>
    %dma_start3A_292 = arith.constant 24 : i32
    %dma_start3A_293 = arith.constant 0 : i32
    %dma_start3A_294 = tpu.memref_slice %arg7[%dma_start3A_292, %dma_start3A_293] : memref<32x1024xf32, #tpu.memory_space<vmem>> -> memref<8x1024xf32, #tpu.memory_space<vmem>>
    tpu.enqueue_dma source(%dma_start3A_294 : memref<8x1024xf32, #tpu.memory_space<vmem>>) target(%dma_start3A_291 : memref<8x1024xf32, #tpu.memory_space<hbm>>) target_semaphore(%arg14 : memref<!tpu.dma_semaphore, #tpu.memory_space<semaphore_mem>>)
    %dma_start3A_295 = arith.constant 0 : i32
    %dma_start3A_296 = arith.constant 0 : i32
    %dma_start3A_297 = arith.constant 0 : i32
    %dma_start3A_298 = tpu.memref_slice %arg9[%dma_start3A_296, %dma_start3A_297] : memref<32x1024xf32, #tpu.memory_space<vmem>> -> memref<8x1024xf32, #tpu.memory_space<vmem>>
    %dma_start3A_299 = arith.constant 16 : i32
    %dma_start3A_300 = tpu.memref_slice %arg6[%dma_start3A_295, %dma_start3A_299] : memref<4x64xi32, #tpu.memory_space<vmem>> -> memref<1x8xi32, #tpu.memory_space<vmem>>
    %dma_start3A_301 = tpu.memref_squeeze %dma_start3A_300 : memref<1x8xi32, #tpu.memory_space<vmem>> -> memref<8xi32, #tpu.memory_space<vmem>>
    %dma_start3A_302 = arith.constant 0 : i32
    %dma_start3A_303 = arith.constant 0 : i32
    %dma_start3A_304 = tpu.memref_slice %arg3[%dma_start3A_302, %dma_start3A_303] : memref<100000x1024xf32, #tpu.memory_space<hbm>> -> memref<100000x1024xf32, #tpu.memory_space<hbm>>
    tpu.enqueue_indirect_dma source(%dma_start3A_304 : memref<100000x1024xf32, #tpu.memory_space<hbm>>) target(%dma_start3A_298 : memref<8x1024xf32, #tpu.memory_space<vmem>>) offsets(%dma_start3A_301 : memref<8xi32, #tpu.memory_space<vmem>>) semaphore(%arg13 : memref<!tpu.dma_semaphore, #tpu.memory_space<semaphore_mem>>)
    %dma_start3A_305 = arith.constant 1 : i32
    %dma_start3A_306 = arith.constant 8 : i32
    %dma_start3A_307 = arith.constant 0 : i32
    %dma_start3A_308 = tpu.memref_slice %arg9[%dma_start3A_306, %dma_start3A_307] : memref<32x1024xf32, #tpu.memory_space<vmem>> -> memref<8x1024xf32, #tpu.memory_space<vmem>>
    %dma_start3A_309 = arith.constant 16 : i32
    %dma_start3A_310 = tpu.memref_slice %arg6[%dma_start3A_305, %dma_start3A_309] : memref<4x64xi32, #tpu.memory_space<vmem>> -> memref<1x8xi32, #tpu.memory_space<vmem>>
    %dma_start3A_311 = tpu.memref_squeeze %dma_start3A_310 : memref<1x8xi32, #tpu.memory_space<vmem>> -> memref<8xi32, #tpu.memory_space<vmem>>
    %dma_start3A_312 = arith.constant 0 : i32
    %dma_start3A_313 = arith.constant 0 : i32
    %dma_start3A_314 = tpu.memref_slice %arg3[%dma_start3A_312, %dma_start3A_313] : memref<100000x1024xf32, #tpu.memory_space<hbm>> -> memref<100000x1024xf32, #tpu.memory_space<hbm>>
    tpu.enqueue_indirect_dma source(%dma_start3A_314 : memref<100000x1024xf32, #tpu.memory_space<hbm>>) target(%dma_start3A_308 : memref<8x1024xf32, #tpu.memory_space<vmem>>) offsets(%dma_start3A_311 : memref<8xi32, #tpu.memory_space<vmem>>) semaphore(%arg13 : memref<!tpu.dma_semaphore, #tpu.memory_space<semaphore_mem>>)
    %dma_start3A_315 = arith.constant 2 : i32
    %dma_start3A_316 = arith.constant 16 : i32
    %dma_start3A_317 = arith.constant 0 : i32
    %dma_start3A_318 = tpu.memref_slice %arg9[%dma_start3A_316, %dma_start3A_317] : memref<32x1024xf32, #tpu.memory_space<vmem>> -> memref<8x1024xf32, #tpu.memory_space<vmem>>
    %dma_start3A_319 = arith.constant 16 : i32
    %dma_start3A_320 = tpu.memref_slice %arg6[%dma_start3A_315, %dma_start3A_319] : memref<4x64xi32, #tpu.memory_space<vmem>> -> memref<1x8xi32, #tpu.memory_space<vmem>>
    %dma_start3A_321 = tpu.memref_squeeze %dma_start3A_320 : memref<1x8xi32, #tpu.memory_space<vmem>> -> memref<8xi32, #tpu.memory_space<vmem>>
    %dma_start3A_322 = arith.constant 0 : i32
    %dma_start3A_323 = arith.constant 0 : i32
    %dma_start3A_324 = tpu.memref_slice %arg3[%dma_start3A_322, %dma_start3A_323] : memref<100000x1024xf32, #tpu.memory_space<hbm>> -> memref<100000x1024xf32, #tpu.memory_space<hbm>>
    tpu.enqueue_indirect_dma source(%dma_start3A_324 : memref<100000x1024xf32, #tpu.memory_space<hbm>>) target(%dma_start3A_318 : memref<8x1024xf32, #tpu.memory_space<vmem>>) offsets(%dma_start3A_321 : memref<8xi32, #tpu.memory_space<vmem>>) semaphore(%arg13 : memref<!tpu.dma_semaphore, #tpu.memory_space<semaphore_mem>>)
    %dma_start3A_325 = arith.constant 3 : i32
    %dma_start3A_326 = arith.constant 24 : i32
    %dma_start3A_327 = arith.constant 0 : i32
    %dma_start3A_328 = tpu.memref_slice %arg9[%dma_start3A_326, %dma_start3A_327] : memref<32x1024xf32, #tpu.memory_space<vmem>> -> memref<8x1024xf32, #tpu.memory_space<vmem>>
    %dma_start3A_329 = arith.constant 16 : i32
    %dma_start3A_330 = tpu.memref_slice %arg6[%dma_start3A_325, %dma_start3A_329] : memref<4x64xi32, #tpu.memory_space<vmem>> -> memref<1x8xi32, #tpu.memory_space<vmem>>
    %dma_start3A_331 = tpu.memref_squeeze %dma_start3A_330 : memref<1x8xi32, #tpu.memory_space<vmem>> -> memref<8xi32, #tpu.memory_space<vmem>>
    %dma_start3A_332 = arith.constant 0 : i32
    %dma_start3A_333 = arith.constant 0 : i32
    %dma_start3A_334 = tpu.memref_slice %arg3[%dma_start3A_332, %dma_start3A_333] : memref<100000x1024xf32, #tpu.memory_space<hbm>> -> memref<100000x1024xf32, #tpu.memory_space<hbm>>
    tpu.enqueue_indirect_dma source(%dma_start3A_334 : memref<100000x1024xf32, #tpu.memory_space<hbm>>) target(%dma_start3A_328 : memref<8x1024xf32, #tpu.memory_space<vmem>>) offsets(%dma_start3A_331 : memref<8xi32, #tpu.memory_space<vmem>>) semaphore(%arg13 : memref<!tpu.dma_semaphore, #tpu.memory_space<semaphore_mem>>)
    %dma_wait3A_335 = arith.constant 0 : i32
    %dma_wait3A_336 = arith.constant 0 : i32
    %dma_wait3A_337 = arith.constant 0 : i32
    %dma_wait3A_338 = tpu.memref_slice %arg8[%dma_wait3A_336, %dma_wait3A_337] : memref<32x1024xf32, #tpu.memory_space<vmem>> -> memref<8x1024xf32, #tpu.memory_space<vmem>>
    %dma_wait3A_339 = arith.constant 8 : i32
    %dma_wait3A_340 = tpu.memref_slice %arg6[%dma_wait3A_335, %dma_wait3A_339] : memref<4x64xi32, #tpu.memory_space<vmem>> -> memref<1x8xi32, #tpu.memory_space<vmem>>
    %dma_wait3A_341 = tpu.memref_squeeze %dma_wait3A_340 : memref<1x8xi32, #tpu.memory_space<vmem>> -> memref<8xi32, #tpu.memory_space<vmem>>
    %dma_wait3A_342 = arith.constant 0 : i32
    %dma_wait3A_343 = arith.constant 0 : i32
    %dma_wait3A_344 = tpu.memref_slice %arg3[%dma_wait3A_342, %dma_wait3A_343] : memref<100000x1024xf32, #tpu.memory_space<hbm>> -> memref<100000x1024xf32, #tpu.memory_space<hbm>>
    tpu.wait_indirect_dma semaphore(%arg12 : memref<!tpu.dma_semaphore, #tpu.memory_space<semaphore_mem>>) src(%dma_wait3A_344 : memref<100000x1024xf32, #tpu.memory_space<hbm>>) dst(%dma_wait3A_338 : memref<8x1024xf32, #tpu.memory_space<vmem>>)
    %dma_wait3A_345 = arith.constant 1 : i32
    %dma_wait3A_346 = arith.constant 8 : i32
    %dma_wait3A_347 = arith.constant 0 : i32
    %dma_wait3A_348 = tpu.memref_slice %arg8[%dma_wait3A_346, %dma_wait3A_347] : memref<32x1024xf32, #tpu.memory_space<vmem>> -> memref<8x1024xf32, #tpu.memory_space<vmem>>
    %dma_wait3A_349 = arith.constant 8 : i32
    %dma_wait3A_350 = tpu.memref_slice %arg6[%dma_wait3A_345, %dma_wait3A_349] : memref<4x64xi32, #tpu.memory_space<vmem>> -> memref<1x8xi32, #tpu.memory_space<vmem>>
    %dma_wait3A_351 = tpu.memref_squeeze %dma_wait3A_350 : memref<1x8xi32, #tpu.memory_space<vmem>> -> memref<8xi32, #tpu.memory_space<vmem>>
    %dma_wait3A_352 = arith.constant 0 : i32
    %dma_wait3A_353 = arith.constant 0 : i32
    %dma_wait3A_354 = tpu.memref_slice %arg3[%dma_wait3A_352, %dma_wait3A_353] : memref<100000x1024xf32, #tpu.memory_space<hbm>> -> memref<100000x1024xf32, #tpu.memory_space<hbm>>
    tpu.wait_indirect_dma semaphore(%arg12 : memref<!tpu.dma_semaphore, #tpu.memory_space<semaphore_mem>>) src(%dma_wait3A_354 : memref<100000x1024xf32, #tpu.memory_space<hbm>>) dst(%dma_wait3A_348 : memref<8x1024xf32, #tpu.memory_space<vmem>>)
    %dma_wait3A_355 = arith.constant 2 : i32
    %dma_wait3A_356 = arith.constant 16 : i32
    %dma_wait3A_357 = arith.constant 0 : i32
    %dma_wait3A_358 = tpu.memref_slice %arg8[%dma_wait3A_356, %dma_wait3A_357] : memref<32x1024xf32, #tpu.memory_space<vmem>> -> memref<8x1024xf32, #tpu.memory_space<vmem>>
    %dma_wait3A_359 = arith.constant 8 : i32
    %dma_wait3A_360 = tpu.memref_slice %arg6[%dma_wait3A_355, %dma_wait3A_359] : memref<4x64xi32, #tpu.memory_space<vmem>> -> memref<1x8xi32, #tpu.memory_space<vmem>>
    %dma_wait3A_361 = tpu.memref_squeeze %dma_wait3A_360 : memref<1x8xi32, #tpu.memory_space<vmem>> -> memref<8xi32, #tpu.memory_space<vmem>>
    %dma_wait3A_362 = arith.constant 0 : i32
    %dma_wait3A_363 = arith.constant 0 : i32
    %dma_wait3A_364 = tpu.memref_slice %arg3[%dma_wait3A_362, %dma_wait3A_363] : memref<100000x1024xf32, #tpu.memory_space<hbm>> -> memref<100000x1024xf32, #tpu.memory_space<hbm>>
    tpu.wait_indirect_dma semaphore(%arg12 : memref<!tpu.dma_semaphore, #tpu.memory_space<semaphore_mem>>) src(%dma_wait3A_364 : memref<100000x1024xf32, #tpu.memory_space<hbm>>) dst(%dma_wait3A_358 : memref<8x1024xf32, #tpu.memory_space<vmem>>)
    %dma_wait3A_365 = arith.constant 3 : i32
    %dma_wait3A_366 = arith.constant 24 : i32
    %dma_wait3A_367 = arith.constant 0 : i32
    %dma_wait3A_368 = tpu.memref_slice %arg8[%dma_wait3A_366, %dma_wait3A_367] : memref<32x1024xf32, #tpu.memory_space<vmem>> -> memref<8x1024xf32, #tpu.memory_space<vmem>>
    %dma_wait3A_369 = arith.constant 8 : i32
    %dma_wait3A_370 = tpu.memref_slice %arg6[%dma_wait3A_365, %dma_wait3A_369] : memref<4x64xi32, #tpu.memory_space<vmem>> -> memref<1x8xi32, #tpu.memory_space<vmem>>
    %dma_wait3A_371 = tpu.memref_squeeze %dma_wait3A_370 : memref<1x8xi32, #tpu.memory_space<vmem>> -> memref<8xi32, #tpu.memory_space<vmem>>
    %dma_wait3A_372 = arith.constant 0 : i32
    %dma_wait3A_373 = arith.constant 0 : i32
    %dma_wait3A_374 = tpu.memref_slice %arg3[%dma_wait3A_372, %dma_wait3A_373] : memref<100000x1024xf32, #tpu.memory_space<hbm>> -> memref<100000x1024xf32, #tpu.memory_space<hbm>>
    tpu.wait_indirect_dma semaphore(%arg12 : memref<!tpu.dma_semaphore, #tpu.memory_space<semaphore_mem>>) src(%dma_wait3A_374 : memref<100000x1024xf32, #tpu.memory_space<hbm>>) dst(%dma_wait3A_368 : memref<8x1024xf32, #tpu.memory_space<vmem>>)
    %scan3A_375 = arith.constant 0 : i32
    %scan3A_376 = arith.constant 0 : i32
    %scan3A_377 = arith.constant 8 : i32
    %scan3A_378 = arith.addi %scan3A_376, %scan3A_377 : i32
    %scan3A_379 = arith.constant 1 : i32
    %scan3A_380 = scf.for %scan3A_1700 = %scan3A_376 to %scan3A_378 step %scan3A_379 iter_args(%scan3A_1701 = %scan3A_375) -> (i32)  : i32 {
      %parallel_loop3A = arith.constant 0 : i32
      %parallel_loop3A_1702 = arith.constant 32 : i32
      %parallel_loop3A_1703 = arith.constant 1 : i32
      scf.for %parallel_loop3A_1705 = %parallel_loop3A to %parallel_loop3A_1702 step %parallel_loop3A_1703  : i32 {
        %parallel_loop3A_1706 = arith.constant 2 : i32
        %parallel_loop3A_1707 = arith.muli %parallel_loop3A_1705, %parallel_loop3A_1706 : i32
        %parallel_loop3A_1708 = arith.constant 16 : i32
        %parallel_loop3A_1709 = arith.muli %parallel_loop3A_1707, %parallel_loop3A_1708 : i32
        %parallel_loop3A_1710 = arith.index_cast %parallel_loop3A_1709 : i32 to index
        %parallel_loop3A_1711 = tpu.vector_load %arg10[%parallel_loop3A_1710] {strides = array<i32>} : memref<2048xf32, #tpu.memory_space<vmem>>, vector<16xf32>,
        %parallel_loop3A_1712 = vector.shape_cast %parallel_loop3A_1711 : vector<16xf32> to vector<16xf32>
        %parallel_loop3A_1713 = arith.constant 16 : i32
        %parallel_loop3A_1714 = arith.addi %parallel_loop3A_1709, %parallel_loop3A_1713 : i32
        %parallel_loop3A_1715 = arith.index_cast %parallel_loop3A_1714 : i32 to index
        %parallel_loop3A_1716 = tpu.vector_load %arg10[%parallel_loop3A_1715] {strides = array<i32>} : memref<2048xf32, #tpu.memory_space<vmem>>, vector<16xf32>,
        %parallel_loop3A_1717 = vector.shape_cast %parallel_loop3A_1716 : vector<16xf32> to vector<16xf32>
        %parallel_loop3A_1718 = arith.constant 16 : i32
        %parallel_loop3A_1719 = arith.muli %parallel_loop3A_1705, %parallel_loop3A_1718 : i32
        %parallel_loop3A_1720 = arith.constant 16 : i32
        %parallel_loop3A_1721 = arith.muli %parallel_loop3A_1705, %parallel_loop3A_1720 : i32
        %parallel_loop3A_1722 = arith.constant 512 : i32
        %parallel_loop3A_1723 = arith.addi %parallel_loop3A_1722, %parallel_loop3A_1721 : i32
        %parallel_loop3A_1724 = arith.constant 0 : i32
        %parallel_loop3A_1725 = arith.addi %parallel_loop3A_1724, %scan3A_1700 : i32
        %parallel_loop3A_1726 = arith.index_cast %parallel_loop3A_1725 : i32 to index
        %parallel_loop3A_1727 = arith.index_cast %parallel_loop3A_1719 : i32 to index
        %parallel_loop3A_1728 = tpu.vector_load %arg8[%parallel_loop3A_1726, %parallel_loop3A_1727] {strides = array<i32>} : memref<32x1024xf32, #tpu.memory_space<vmem>>, vector<1x16xf32>,
        %parallel_loop3A_1729 = vector.shape_cast %parallel_loop3A_1728 : vector<1x16xf32> to vector<16xf32>
        %parallel_loop3A_1730 = arith.constant 3.200000e+01 : f32
        %parallel_loop3A_1731 = vector.broadcast %parallel_loop3A_1730 : f32 to vector<16xf32>
        %parallel_loop3A_1732 = arith.mulf %parallel_loop3A_1729, %parallel_loop3A_1731 : vector<16xf32>
        %parallel_loop3A_1733 = arith.addf %parallel_loop3A_1732, %parallel_loop3A_1712 : vector<16xf32>
        %parallel_loop3A_1734 = arith.index_cast %parallel_loop3A_1725 : i32 to index
        %parallel_loop3A_1735 = arith.index_cast %parallel_loop3A_1719 : i32 to index
        %parallel_loop3A_1736 = tpu.vector_load %arg8[%parallel_loop3A_1734, %parallel_loop3A_1735] {strides = array<i32>} : memref<32x1024xf32, #tpu.memory_space<vmem>>, vector<1x16xf32>,
        %parallel_loop3A_1737 = vector.shape_cast %parallel_loop3A_1736 : vector<1x16xf32> to vector<16xf32>
        %parallel_loop3A_1738 = vector.shape_cast %parallel_loop3A_1733 : vector<16xf32> to vector<1x16xf32>
        tpu.vector_store %arg8[%parallel_loop3A_1734, %parallel_loop3A_1735], %parallel_loop3A_1738 {strides = array<i32>} : memref<32x1024xf32, #tpu.memory_space<vmem>>, vector<1x16xf32>,
        %parallel_loop3A_1739 = arith.index_cast %parallel_loop3A_1725 : i32 to index
        %parallel_loop3A_1740 = arith.index_cast %parallel_loop3A_1723 : i32 to index
        %parallel_loop3A_1741 = tpu.vector_load %arg8[%parallel_loop3A_1739, %parallel_loop3A_1740] {strides = array<i32>} : memref<32x1024xf32, #tpu.memory_space<vmem>>, vector<1x16xf32>,
        %parallel_loop3A_1742 = vector.shape_cast %parallel_loop3A_1741 : vector<1x16xf32> to vector<16xf32>
        %parallel_loop3A_1743 = arith.constant 3.200000e+01 : f32
        %parallel_loop3A_1744 = vector.broadcast %parallel_loop3A_1743 : f32 to vector<16xf32>
        %parallel_loop3A_1745 = arith.mulf %parallel_loop3A_1742, %parallel_loop3A_1744 : vector<16xf32>
        %parallel_loop3A_1746 = arith.addf %parallel_loop3A_1745, %parallel_loop3A_1717 : vector<16xf32>
        %parallel_loop3A_1747 = arith.index_cast %parallel_loop3A_1725 : i32 to index
        %parallel_loop3A_1748 = arith.index_cast %parallel_loop3A_1723 : i32 to index
        %parallel_loop3A_1749 = tpu.vector_load %arg8[%parallel_loop3A_1747, %parallel_loop3A_1748] {strides = array<i32>} : memref<32x1024xf32, #tpu.memory_space<vmem>>, vector<1x16xf32>,
        %parallel_loop3A_1750 = vector.shape_cast %parallel_loop3A_1749 : vector<1x16xf32> to vector<16xf32>
        %parallel_loop3A_1751 = vector.shape_cast %parallel_loop3A_1746 : vector<16xf32> to vector<1x16xf32>
        tpu.vector_store %arg8[%parallel_loop3A_1747, %parallel_loop3A_1748], %parallel_loop3A_1751 {strides = array<i32>} : memref<32x1024xf32, #tpu.memory_space<vmem>>, vector<1x16xf32>,
        %parallel_loop3A_1752 = arith.constant 8 : i32
        %parallel_loop3A_1753 = arith.addi %parallel_loop3A_1752, %scan3A_1700 : i32
        %parallel_loop3A_1754 = arith.index_cast %parallel_loop3A_1753 : i32 to index
        %parallel_loop3A_1755 = arith.index_cast %parallel_loop3A_1719 : i32 to index
        %parallel_loop3A_1756 = tpu.vector_load %arg8[%parallel_loop3A_1754, %parallel_loop3A_1755] {strides = array<i32>} : memref<32x1024xf32, #tpu.memory_space<vmem>>, vector<1x16xf32>,
        %parallel_loop3A_1757 = vector.shape_cast %parallel_loop3A_1756 : vector<1x16xf32> to vector<16xf32>
        %parallel_loop3A_1758 = arith.constant 3.200000e+01 : f32
        %parallel_loop3A_1759 = vector.broadcast %parallel_loop3A_1758 : f32 to vector<16xf32>
        %parallel_loop3A_1760 = arith.mulf %parallel_loop3A_1757, %parallel_loop3A_1759 : vector<16xf32>
        %parallel_loop3A_1761 = arith.addf %parallel_loop3A_1760, %parallel_loop3A_1712 : vector<16xf32>
        %parallel_loop3A_1762 = arith.index_cast %parallel_loop3A_1753 : i32 to index
        %parallel_loop3A_1763 = arith.index_cast %parallel_loop3A_1719 : i32 to index
        %parallel_loop3A_1764 = tpu.vector_load %arg8[%parallel_loop3A_1762, %parallel_loop3A_1763] {strides = array<i32>} : memref<32x1024xf32, #tpu.memory_space<vmem>>, vector<1x16xf32>,
        %parallel_loop3A_1765 = vector.shape_cast %parallel_loop3A_1764 : vector<1x16xf32> to vector<16xf32>
        %parallel_loop3A_1766 = vector.shape_cast %parallel_loop3A_1761 : vector<16xf32> to vector<1x16xf32>
        tpu.vector_store %arg8[%parallel_loop3A_1762, %parallel_loop3A_1763], %parallel_loop3A_1766 {strides = array<i32>} : memref<32x1024xf32, #tpu.memory_space<vmem>>, vector<1x16xf32>,
        %parallel_loop3A_1767 = arith.index_cast %parallel_loop3A_1753 : i32 to index
        %parallel_loop3A_1768 = arith.index_cast %parallel_loop3A_1723 : i32 to index
        %parallel_loop3A_1769 = tpu.vector_load %arg8[%parallel_loop3A_1767, %parallel_loop3A_1768] {strides = array<i32>} : memref<32x1024xf32, #tpu.memory_space<vmem>>, vector<1x16xf32>,
        %parallel_loop3A_1770 = vector.shape_cast %parallel_loop3A_1769 : vector<1x16xf32> to vector<16xf32>
        %parallel_loop3A_1771 = arith.constant 3.200000e+01 : f32
        %parallel_loop3A_1772 = vector.broadcast %parallel_loop3A_1771 : f32 to vector<16xf32>
        %parallel_loop3A_1773 = arith.mulf %parallel_loop3A_1770, %parallel_loop3A_1772 : vector<16xf32>
        %parallel_loop3A_1774 = arith.addf %parallel_loop3A_1773, %parallel_loop3A_1717 : vector<16xf32>
        %parallel_loop3A_1775 = arith.index_cast %parallel_loop3A_1753 : i32 to index
        %parallel_loop3A_1776 = arith.index_cast %parallel_loop3A_1723 : i32 to index
        %parallel_loop3A_1777 = tpu.vector_load %arg8[%parallel_loop3A_1775, %parallel_loop3A_1776] {strides = array<i32>} : memref<32x1024xf32, #tpu.memory_space<vmem>>, vector<1x16xf32>,
        %parallel_loop3A_1778 = vector.shape_cast %parallel_loop3A_1777 : vector<1x16xf32> to vector<16xf32>
        %parallel_loop3A_1779 = vector.shape_cast %parallel_loop3A_1774 : vector<16xf32> to vector<1x16xf32>
        tpu.vector_store %arg8[%parallel_loop3A_1775, %parallel_loop3A_1776], %parallel_loop3A_1779 {strides = array<i32>} : memref<32x1024xf32, #tpu.memory_space<vmem>>, vector<1x16xf32>,
        %parallel_loop3A_1780 = arith.constant 16 : i32
        %parallel_loop3A_1781 = arith.addi %parallel_loop3A_1780, %scan3A_1700 : i32
        %parallel_loop3A_1782 = arith.index_cast %parallel_loop3A_1781 : i32 to index
        %parallel_loop3A_1783 = arith.index_cast %parallel_loop3A_1719 : i32 to index
        %parallel_loop3A_1784 = tpu.vector_load %arg8[%parallel_loop3A_1782, %parallel_loop3A_1783] {strides = array<i32>} : memref<32x1024xf32, #tpu.memory_space<vmem>>, vector<1x16xf32>,
        %parallel_loop3A_1785 = vector.shape_cast %parallel_loop3A_1784 : vector<1x16xf32> to vector<16xf32>
        %parallel_loop3A_1786 = arith.constant 3.200000e+01 : f32
        %parallel_loop3A_1787 = vector.broadcast %parallel_loop3A_1786 : f32 to vector<16xf32>
        %parallel_loop3A_1788 = arith.mulf %parallel_loop3A_1785, %parallel_loop3A_1787 : vector<16xf32>
        %parallel_loop3A_1789 = arith.addf %parallel_loop3A_1788, %parallel_loop3A_1712 : vector<16xf32>
        %parallel_loop3A_1790 = arith.index_cast %parallel_loop3A_1781 : i32 to index
        %parallel_loop3A_1791 = arith.index_cast %parallel_loop3A_1719 : i32 to index
        %parallel_loop3A_1792 = tpu.vector_load %arg8[%parallel_loop3A_1790, %parallel_loop3A_1791] {strides = array<i32>} : memref<32x1024xf32, #tpu.memory_space<vmem>>, vector<1x16xf32>,
        %parallel_loop3A_1793 = vector.shape_cast %parallel_loop3A_1792 : vector<1x16xf32> to vector<16xf32>
        %parallel_loop3A_1794 = vector.shape_cast %parallel_loop3A_1789 : vector<16xf32> to vector<1x16xf32>
        tpu.vector_store %arg8[%parallel_loop3A_1790, %parallel_loop3A_1791], %parallel_loop3A_1794 {strides = array<i32>} : memref<32x1024xf32, #tpu.memory_space<vmem>>, vector<1x16xf32>,
        %parallel_loop3A_1795 = arith.index_cast %parallel_loop3A_1781 : i32 to index
        %parallel_loop3A_1796 = arith.index_cast %parallel_loop3A_1723 : i32 to index
        %parallel_loop3A_1797 = tpu.vector_load %arg8[%parallel_loop3A_1795, %parallel_loop3A_1796] {strides = array<i32>} : memref<32x1024xf32, #tpu.memory_space<vmem>>, vector<1x16xf32>,
        %parallel_loop3A_1798 = vector.shape_cast %parallel_loop3A_1797 : vector<1x16xf32> to vector<16xf32>
        %parallel_loop3A_1799 = arith.constant 3.200000e+01 : f32
        %parallel_loop3A_1800 = vector.broadcast %parallel_loop3A_1799 : f32 to vector<16xf32>
        %parallel_loop3A_1801 = arith.mulf %parallel_loop3A_1798, %parallel_loop3A_1800 : vector<16xf32>
        %parallel_loop3A_1802 = arith.addf %parallel_loop3A_1801, %parallel_loop3A_1717 : vector<16xf32>
        %parallel_loop3A_1803 = arith.index_cast %parallel_loop3A_1781 : i32 to index
        %parallel_loop3A_1804 = arith.index_cast %parallel_loop3A_1723 : i32 to index
        %parallel_loop3A_1805 = tpu.vector_load %arg8[%parallel_loop3A_1803, %parallel_loop3A_1804] {strides = array<i32>} : memref<32x1024xf32, #tpu.memory_space<vmem>>, vector<1x16xf32>,
        %parallel_loop3A_1806 = vector.shape_cast %parallel_loop3A_1805 : vector<1x16xf32> to vector<16xf32>
        %parallel_loop3A_1807 = vector.shape_cast %parallel_loop3A_1802 : vector<16xf32> to vector<1x16xf32>
        tpu.vector_store %arg8[%parallel_loop3A_1803, %parallel_loop3A_1804], %parallel_loop3A_1807 {strides = array<i32>} : memref<32x1024xf32, #tpu.memory_space<vmem>>, vector<1x16xf32>,
        %parallel_loop3A_1808 = arith.constant 24 : i32
        %parallel_loop3A_1809 = arith.addi %parallel_loop3A_1808, %scan3A_1700 : i32
        %parallel_loop3A_1810 = arith.index_cast %parallel_loop3A_1809 : i32 to index
        %parallel_loop3A_1811 = arith.index_cast %parallel_loop3A_1719 : i32 to index
        %parallel_loop3A_1812 = tpu.vector_load %arg8[%parallel_loop3A_1810, %parallel_loop3A_1811] {strides = array<i32>} : memref<32x1024xf32, #tpu.memory_space<vmem>>, vector<1x16xf32>,
        %parallel_loop3A_1813 = vector.shape_cast %parallel_loop3A_1812 : vector<1x16xf32> to vector<16xf32>
        %parallel_loop3A_1814 = arith.constant 3.200000e+01 : f32
        %parallel_loop3A_1815 = vector.broadcast %parallel_loop3A_1814 : f32 to vector<16xf32>
        %parallel_loop3A_1816 = arith.mulf %parallel_loop3A_1813, %parallel_loop3A_1815 : vector<16xf32>
        %parallel_loop3A_1817 = arith.addf %parallel_loop3A_1816, %parallel_loop3A_1712 : vector<16xf32>
        %parallel_loop3A_1818 = arith.index_cast %parallel_loop3A_1809 : i32 to index
        %parallel_loop3A_1819 = arith.index_cast %parallel_loop3A_1719 : i32 to index
        %parallel_loop3A_1820 = tpu.vector_load %arg8[%parallel_loop3A_1818, %parallel_loop3A_1819] {strides = array<i32>} : memref<32x1024xf32, #tpu.memory_space<vmem>>, vector<1x16xf32>,
        %parallel_loop3A_1821 = vector.shape_cast %parallel_loop3A_1820 : vector<1x16xf32> to vector<16xf32>
        %parallel_loop3A_1822 = vector.shape_cast %parallel_loop3A_1817 : vector<16xf32> to vector<1x16xf32>
        tpu.vector_store %arg8[%parallel_loop3A_1818, %parallel_loop3A_1819], %parallel_loop3A_1822 {strides = array<i32>} : memref<32x1024xf32, #tpu.memory_space<vmem>>, vector<1x16xf32>,
        %parallel_loop3A_1823 = arith.index_cast %parallel_loop3A_1809 : i32 to index
        %parallel_loop3A_1824 = arith.index_cast %parallel_loop3A_1723 : i32 to index
        %parallel_loop3A_1825 = tpu.vector_load %arg8[%parallel_loop3A_1823, %parallel_loop3A_1824] {strides = array<i32>} : memref<32x1024xf32, #tpu.memory_space<vmem>>, vector<1x16xf32>,
        %parallel_loop3A_1826 = vector.shape_cast %parallel_loop3A_1825 : vector<1x16xf32> to vector<16xf32>
        %parallel_loop3A_1827 = arith.constant 3.200000e+01 : f32
        %parallel_loop3A_1828 = vector.broadcast %parallel_loop3A_1827 : f32 to vector<16xf32>
        %parallel_loop3A_1829 = arith.mulf %parallel_loop3A_1826, %parallel_loop3A_1828 : vector<16xf32>
        %parallel_loop3A_1830 = arith.addf %parallel_loop3A_1829, %parallel_loop3A_1717 : vector<16xf32>
        %parallel_loop3A_1831 = arith.index_cast %parallel_loop3A_1809 : i32 to index
        %parallel_loop3A_1832 = arith.index_cast %parallel_loop3A_1723 : i32 to index
        %parallel_loop3A_1833 = tpu.vector_load %arg8[%parallel_loop3A_1831, %parallel_loop3A_1832] {strides = array<i32>} : memref<32x1024xf32, #tpu.memory_space<vmem>>, vector<1x16xf32>,
        %parallel_loop3A_1834 = vector.shape_cast %parallel_loop3A_1833 : vector<1x16xf32> to vector<16xf32>
        %parallel_loop3A_1835 = vector.shape_cast %parallel_loop3A_1830 : vector<16xf32> to vector<1x16xf32>
        tpu.vector_store %arg8[%parallel_loop3A_1831, %parallel_loop3A_1832], %parallel_loop3A_1835 {strides = array<i32>} : memref<32x1024xf32, #tpu.memory_space<vmem>>, vector<1x16xf32>,
        %parallel_loop3A_1836 = arith.constant 1024 : i32
        %parallel_loop3A_1837 = arith.addi %parallel_loop3A_1836, %parallel_loop3A_1709 : i32
        %parallel_loop3A_1838 = arith.index_cast %parallel_loop3A_1837 : i32 to index
        %parallel_loop3A_1839 = tpu.vector_load %arg10[%parallel_loop3A_1838] {strides = array<i32>} : memref<2048xf32, #tpu.memory_space<vmem>>, vector<16xf32>,
        %parallel_loop3A_1840 = vector.shape_cast %parallel_loop3A_1839 : vector<16xf32> to vector<16xf32>
        %parallel_loop3A_1841 = arith.constant 1024 : i32
        %parallel_loop3A_1842 = arith.addi %parallel_loop3A_1841, %parallel_loop3A_1709 : i32
        %parallel_loop3A_1843 = arith.constant 16 : i32
        %parallel_loop3A_1844 = arith.addi %parallel_loop3A_1842, %parallel_loop3A_1843 : i32
        %parallel_loop3A_1845 = arith.index_cast %parallel_loop3A_1844 : i32 to index
        %parallel_loop3A_1846 = tpu.vector_load %arg10[%parallel_loop3A_1845] {strides = array<i32>} : memref<2048xf32, #tpu.memory_space<vmem>>, vector<16xf32>,
        %parallel_loop3A_1847 = vector.shape_cast %parallel_loop3A_1846 : vector<16xf32> to vector<16xf32>
        %parallel_loop3A_1848 = arith.mulf %parallel_loop3A_1712, %parallel_loop3A_1840 : vector<16xf32>
        %parallel_loop3A_1849 = arith.mulf %parallel_loop3A_1717, %parallel_loop3A_1847 : vector<16xf32>
        %parallel_loop3A_1850 = arith.addf %parallel_loop3A_1848, %parallel_loop3A_1849 : vector<16xf32>
        %parallel_loop3A_1851 = arith.index_cast %parallel_loop3A_1709 : i32 to index
        %parallel_loop3A_1852 = tpu.vector_load %arg10[%parallel_loop3A_1851] {strides = array<i32>} : memref<2048xf32, #tpu.memory_space<vmem>>, vector<16xf32>,
        %parallel_loop3A_1853 = vector.shape_cast %parallel_loop3A_1852 : vector<16xf32> to vector<16xf32>
        %parallel_loop3A_1854 = vector.shape_cast %parallel_loop3A_1850 : vector<16xf32> to vector<16xf32>
        tpu.vector_store %arg10[%parallel_loop3A_1851], %parallel_loop3A_1854 {strides = array<i32>} : memref<2048xf32, #tpu.memory_space<vmem>>, vector<16xf32>,
        %parallel_loop3A_1855 = arith.mulf %parallel_loop3A_1717, %parallel_loop3A_1840 : vector<16xf32>
        %parallel_loop3A_1856 = arith.mulf %parallel_loop3A_1712, %parallel_loop3A_1847 : vector<16xf32>
        %parallel_loop3A_1857 = arith.subf %parallel_loop3A_1855, %parallel_loop3A_1856 : vector<16xf32>
        %parallel_loop3A_1858 = arith.constant 16 : i32
        %parallel_loop3A_1859 = arith.addi %parallel_loop3A_1709, %parallel_loop3A_1858 : i32
        %parallel_loop3A_1860 = arith.index_cast %parallel_loop3A_1859 : i32 to index
        %parallel_loop3A_1861 = tpu.vector_load %arg10[%parallel_loop3A_1860] {strides = array<i32>} : memref<2048xf32, #tpu.memory_space<vmem>>, vector<16xf32>,
        %parallel_loop3A_1862 = vector.shape_cast %parallel_loop3A_1861 : vector<16xf32> to vector<16xf32>
        %parallel_loop3A_1863 = vector.shape_cast %parallel_loop3A_1857 : vector<16xf32> to vector<16xf32>
        tpu.vector_store %arg10[%parallel_loop3A_1860], %parallel_loop3A_1863 {strides = array<i32>} : memref<2048xf32, #tpu.memory_space<vmem>>, vector<16xf32>,
      } {sc.loop_unroll_factor = 1 : i64, sc.parallel_access}
      %scan3A_1704 = arith.constant 0 : i32
      scf.yield %scan3A_1704 : i32
    }
    %scan3A_381 = arith.constant 8 : i32
    %add3A_382 = arith.constant 8 : i32
    %add3A_383 = arith.addi %mul3A_2, %add3A_382 : i32
    %dma_start3A_384 = arith.constant 0 : i32
    %dma_start3A_385 = arith.constant 0 : i32
    %dma_start3A_386 = arith.constant 0 : i32
    %dma_start3A_387 = tpu.memref_slice %arg8[%dma_start3A_385, %dma_start3A_386] : memref<32x1024xf32, #tpu.memory_space<vmem>> -> memref<8x1024xf32, #tpu.memory_space<vmem>>
    %dma_start3A_388 = arith.constant 0 : i32
    %dma_start3A_389 = tpu.memref_slice %arg5[%dma_start3A_384, %add3A_383, %dma_start3A_388] : memref<4x2048x1024xf32, #tpu.memory_space<hbm>> -> memref<1x8x1024xf32, #tpu.memory_space<hbm>>
    %dma_start3A_390 = tpu.memref_squeeze %dma_start3A_389 : memref<1x8x1024xf32, #tpu.memory_space<hbm>> -> memref<8x1024xf32, #tpu.memory_space<hbm>>
    %dma_start3A_391 = arith.constant 0 : i32
    %dma_start3A_392 = tpu.memref_slice %arg5[%dma_start3A_384, %add3A_383, %dma_start3A_391] : memref<4x2048x1024xf32, #tpu.memory_space<hbm>> -> memref<1x8x1024xf32, #tpu.memory_space<hbm>>
    %dma_start3A_393 = tpu.memref_squeeze %dma_start3A_392 : memref<1x8x1024xf32, #tpu.memory_space<hbm>> -> memref<8x1024xf32, #tpu.memory_space<hbm>>
    %dma_start3A_394 = arith.constant 0 : i32
    %dma_start3A_395 = arith.constant 0 : i32
    %dma_start3A_396 = tpu.memref_slice %arg8[%dma_start3A_394, %dma_start3A_395] : memref<32x1024xf32, #tpu.memory_space<vmem>> -> memref<8x1024xf32, #tpu.memory_space<vmem>>
    tpu.enqueue_dma source(%dma_start3A_396 : memref<8x1024xf32, #tpu.memory_space<vmem>>) target(%dma_start3A_393 : memref<8x1024xf32, #tpu.memory_space<hbm>>) target_semaphore(%arg15 : memref<!tpu.dma_semaphore, #tpu.memory_space<semaphore_mem>>)
    %add3A_397 = arith.constant 8 : i32
    %add3A_398 = arith.addi %mul3A_2, %add3A_397 : i32
    %dma_start3A_399 = arith.constant 1 : i32
    %dma_start3A_400 = arith.constant 8 : i32
    %dma_start3A_401 = arith.constant 0 : i32
    %dma_start3A_402 = tpu.memref_slice %arg8[%dma_start3A_400, %dma_start3A_401] : memref<32x1024xf32, #tpu.memory_space<vmem>> -> memref<8x1024xf32, #tpu.memory_space<vmem>>
    %dma_start3A_403 = arith.constant 0 : i32
    %dma_start3A_404 = tpu.memref_slice %arg5[%dma_start3A_399, %add3A_398, %dma_start3A_403] : memref<4x2048x1024xf32, #tpu.memory_space<hbm>> -> memref<1x8x1024xf32, #tpu.memory_space<hbm>>
    %dma_start3A_405 = tpu.memref_squeeze %dma_start3A_404 : memref<1x8x1024xf32, #tpu.memory_space<hbm>> -> memref<8x1024xf32, #tpu.memory_space<hbm>>
    %dma_start3A_406 = arith.constant 0 : i32
    %dma_start3A_407 = tpu.memref_slice %arg5[%dma_start3A_399, %add3A_398, %dma_start3A_406] : memref<4x2048x1024xf32, #tpu.memory_space<hbm>> -> memref<1x8x1024xf32, #tpu.memory_space<hbm>>
    %dma_start3A_408 = tpu.memref_squeeze %dma_start3A_407 : memref<1x8x1024xf32, #tpu.memory_space<hbm>> -> memref<8x1024xf32, #tpu.memory_space<hbm>>
    %dma_start3A_409 = arith.constant 8 : i32
    %dma_start3A_410 = arith.constant 0 : i32
    %dma_start3A_411 = tpu.memref_slice %arg8[%dma_start3A_409, %dma_start3A_410] : memref<32x1024xf32, #tpu.memory_space<vmem>> -> memref<8x1024xf32, #tpu.memory_space<vmem>>
    tpu.enqueue_dma source(%dma_start3A_411 : memref<8x1024xf32, #tpu.memory_space<vmem>>) target(%dma_start3A_408 : memref<8x1024xf32, #tpu.memory_space<hbm>>) target_semaphore(%arg15 : memref<!tpu.dma_semaphore, #tpu.memory_space<semaphore_mem>>)
    %add3A_412 = arith.constant 8 : i32
    %add3A_413 = arith.addi %mul3A_2, %add3A_412 : i32
    %dma_start3A_414 = arith.constant 2 : i32
    %dma_start3A_415 = arith.constant 16 : i32
    %dma_start3A_416 = arith.constant 0 : i32
    %dma_start3A_417 = tpu.memref_slice %arg8[%dma_start3A_415, %dma_start3A_416] : memref<32x1024xf32, #tpu.memory_space<vmem>> -> memref<8x1024xf32, #tpu.memory_space<vmem>>
    %dma_start3A_418 = arith.constant 0 : i32
    %dma_start3A_419 = tpu.memref_slice %arg5[%dma_start3A_414, %add3A_413, %dma_start3A_418] : memref<4x2048x1024xf32, #tpu.memory_space<hbm>> -> memref<1x8x1024xf32, #tpu.memory_space<hbm>>
    %dma_start3A_420 = tpu.memref_squeeze %dma_start3A_419 : memref<1x8x1024xf32, #tpu.memory_space<hbm>> -> memref<8x1024xf32, #tpu.memory_space<hbm>>
    %dma_start3A_421 = arith.constant 0 : i32
    %dma_start3A_422 = tpu.memref_slice %arg5[%dma_start3A_414, %add3A_413, %dma_start3A_421] : memref<4x2048x1024xf32, #tpu.memory_space<hbm>> -> memref<1x8x1024xf32, #tpu.memory_space<hbm>>
    %dma_start3A_423 = tpu.memref_squeeze %dma_start3A_422 : memref<1x8x1024xf32, #tpu.memory_space<hbm>> -> memref<8x1024xf32, #tpu.memory_space<hbm>>
    %dma_start3A_424 = arith.constant 16 : i32
    %dma_start3A_425 = arith.constant 0 : i32
    %dma_start3A_426 = tpu.memref_slice %arg8[%dma_start3A_424, %dma_start3A_425] : memref<32x1024xf32, #tpu.memory_space<vmem>> -> memref<8x1024xf32, #tpu.memory_space<vmem>>
    tpu.enqueue_dma source(%dma_start3A_426 : memref<8x1024xf32, #tpu.memory_space<vmem>>) target(%dma_start3A_423 : memref<8x1024xf32, #tpu.memory_space<hbm>>) target_semaphore(%arg15 : memref<!tpu.dma_semaphore, #tpu.memory_space<semaphore_mem>>)
    %add3A_427 = arith.constant 8 : i32
    %add3A_428 = arith.addi %mul3A_2, %add3A_427 : i32
    %dma_start3A_429 = arith.constant 3 : i32
    %dma_start3A_430 = arith.constant 24 : i32
    %dma_start3A_431 = arith.constant 0 : i32
    %dma_start3A_432 = tpu.memref_slice %arg8[%dma_start3A_430, %dma_start3A_431] : memref<32x1024xf32, #tpu.memory_space<vmem>> -> memref<8x1024xf32, #tpu.memory_space<vmem>>
    %dma_start3A_433 = arith.constant 0 : i32
    %dma_start3A_434 = tpu.memref_slice %arg5[%dma_start3A_429, %add3A_428, %dma_start3A_433] : memref<4x2048x1024xf32, #tpu.memory_space<hbm>> -> memref<1x8x1024xf32, #tpu.memory_space<hbm>>
    %dma_start3A_435 = tpu.memref_squeeze %dma_start3A_434 : memref<1x8x1024xf32, #tpu.memory_space<hbm>> -> memref<8x1024xf32, #tpu.memory_space<hbm>>
    %dma_start3A_436 = arith.constant 0 : i32
    %dma_start3A_437 = tpu.memref_slice %arg5[%dma_start3A_429, %add3A_428, %dma_start3A_436] : memref<4x2048x1024xf32, #tpu.memory_space<hbm>> -> memref<1x8x1024xf32, #tpu.memory_space<hbm>>
    %dma_start3A_438 = tpu.memref_squeeze %dma_start3A_437 : memref<1x8x1024xf32, #tpu.memory_space<hbm>> -> memref<8x1024xf32, #tpu.memory_space<hbm>>
    %dma_start3A_439 = arith.constant 24 : i32
    %dma_start3A_440 = arith.constant 0 : i32
    %dma_start3A_441 = tpu.memref_slice %arg8[%dma_start3A_439, %dma_start3A_440] : memref<32x1024xf32, #tpu.memory_space<vmem>> -> memref<8x1024xf32, #tpu.memory_space<vmem>>
    tpu.enqueue_dma source(%dma_start3A_441 : memref<8x1024xf32, #tpu.memory_space<vmem>>) target(%dma_start3A_438 : memref<8x1024xf32, #tpu.memory_space<hbm>>) target_semaphore(%arg15 : memref<!tpu.dma_semaphore, #tpu.memory_space<semaphore_mem>>)
    %dma_wait3A_442 = arith.constant 0 : i32
    %dma_wait3A_443 = arith.constant 0 : i32
    %dma_wait3A_444 = arith.constant 0 : i32
    %dma_wait3A_445 = tpu.memref_slice %arg7[%dma_wait3A_443, %dma_wait3A_444] : memref<32x1024xf32, #tpu.memory_space<vmem>> -> memref<8x1024xf32, #tpu.memory_space<vmem>>
    %dma_wait3A_446 = arith.constant 0 : i32
    %dma_wait3A_447 = tpu.memref_slice %arg5[%dma_wait3A_442, %add3A_236, %dma_wait3A_446] : memref<4x2048x1024xf32, #tpu.memory_space<hbm>> -> memref<1x8x1024xf32, #tpu.memory_space<hbm>>
    %dma_wait3A_448 = tpu.memref_squeeze %dma_wait3A_447 : memref<1x8x1024xf32, #tpu.memory_space<hbm>> -> memref<8x1024xf32, #tpu.memory_space<hbm>>
    %dma_wait3A_449 = arith.constant 0 : i32
    %dma_wait3A_450 = tpu.memref_slice %arg5[%dma_wait3A_442, %add3A_236, %dma_wait3A_449] : memref<4x2048x1024xf32, #tpu.memory_space<hbm>> -> memref<1x8x1024xf32, #tpu.memory_space<hbm>>
    %dma_wait3A_451 = tpu.memref_squeeze %dma_wait3A_450 : memref<1x8x1024xf32, #tpu.memory_space<hbm>> -> memref<8x1024xf32, #tpu.memory_space<hbm>>
    %dma_wait3A_452 = arith.constant 0 : i32
    %dma_wait3A_453 = arith.constant 0 : i32
    %dma_wait3A_454 = tpu.memref_slice %arg7[%dma_wait3A_452, %dma_wait3A_453] : memref<32x1024xf32, #tpu.memory_space<vmem>> -> memref<8x1024xf32, #tpu.memory_space<vmem>>
    tpu.wait_dma2 semaphore(%arg14 : memref<!tpu.dma_semaphore, #tpu.memory_space<semaphore_mem>>) src(%dma_wait3A_454 : memref<8x1024xf32, #tpu.memory_space<vmem>>) dst(%dma_wait3A_451 : memref<8x1024xf32, #tpu.memory_space<hbm>>)
    %dma_wait3A_455 = arith.constant 1 : i32
    %dma_wait3A_456 = arith.constant 8 : i32
    %dma_wait3A_457 = arith.constant 0 : i32
    %dma_wait3A_458 = tpu.memref_slice %arg7[%dma_wait3A_456, %dma_wait3A_457] : memref<32x1024xf32, #tpu.memory_space<vmem>> -> memref<8x1024xf32, #tpu.memory_space<vmem>>
    %dma_wait3A_459 = arith.constant 0 : i32
    %dma_wait3A_460 = tpu.memref_slice %arg5[%dma_wait3A_455, %add3A_251, %dma_wait3A_459] : memref<4x2048x1024xf32, #tpu.memory_space<hbm>> -> memref<1x8x1024xf32, #tpu.memory_space<hbm>>
    %dma_wait3A_461 = tpu.memref_squeeze %dma_wait3A_460 : memref<1x8x1024xf32, #tpu.memory_space<hbm>> -> memref<8x1024xf32, #tpu.memory_space<hbm>>
    %dma_wait3A_462 = arith.constant 0 : i32
    %dma_wait3A_463 = tpu.memref_slice %arg5[%dma_wait3A_455, %add3A_251, %dma_wait3A_462] : memref<4x2048x1024xf32, #tpu.memory_space<hbm>> -> memref<1x8x1024xf32, #tpu.memory_space<hbm>>
    %dma_wait3A_464 = tpu.memref_squeeze %dma_wait3A_463 : memref<1x8x1024xf32, #tpu.memory_space<hbm>> -> memref<8x1024xf32, #tpu.memory_space<hbm>>
    %dma_wait3A_465 = arith.constant 8 : i32
    %dma_wait3A_466 = arith.constant 0 : i32
    %dma_wait3A_467 = tpu.memref_slice %arg7[%dma_wait3A_465, %dma_wait3A_466] : memref<32x1024xf32, #tpu.memory_space<vmem>> -> memref<8x1024xf32, #tpu.memory_space<vmem>>
    tpu.wait_dma2 semaphore(%arg14 : memref<!tpu.dma_semaphore, #tpu.memory_space<semaphore_mem>>) src(%dma_wait3A_467 : memref<8x1024xf32, #tpu.memory_space<vmem>>) dst(%dma_wait3A_464 : memref<8x1024xf32, #tpu.memory_space<hbm>>)
    %dma_wait3A_468 = arith.constant 2 : i32
    %dma_wait3A_469 = arith.constant 16 : i32
    %dma_wait3A_470 = arith.constant 0 : i32
    %dma_wait3A_471 = tpu.memref_slice %arg7[%dma_wait3A_469, %dma_wait3A_470] : memref<32x1024xf32, #tpu.memory_space<vmem>> -> memref<8x1024xf32, #tpu.memory_space<vmem>>
    %dma_wait3A_472 = arith.constant 0 : i32
    %dma_wait3A_473 = tpu.memref_slice %arg5[%dma_wait3A_468, %add3A_266, %dma_wait3A_472] : memref<4x2048x1024xf32, #tpu.memory_space<hbm>> -> memref<1x8x1024xf32, #tpu.memory_space<hbm>>
    %dma_wait3A_474 = tpu.memref_squeeze %dma_wait3A_473 : memref<1x8x1024xf32, #tpu.memory_space<hbm>> -> memref<8x1024xf32, #tpu.memory_space<hbm>>
    %dma_wait3A_475 = arith.constant 0 : i32
    %dma_wait3A_476 = tpu.memref_slice %arg5[%dma_wait3A_468, %add3A_266, %dma_wait3A_475] : memref<4x2048x1024xf32, #tpu.memory_space<hbm>> -> memref<1x8x1024xf32, #tpu.memory_space<hbm>>
    %dma_wait3A_477 = tpu.memref_squeeze %dma_wait3A_476 : memref<1x8x1024xf32, #tpu.memory_space<hbm>> -> memref<8x1024xf32, #tpu.memory_space<hbm>>
    %dma_wait3A_478 = arith.constant 16 : i32
    %dma_wait3A_479 = arith.constant 0 : i32
    %dma_wait3A_480 = tpu.memref_slice %arg7[%dma_wait3A_478, %dma_wait3A_479] : memref<32x1024xf32, #tpu.memory_space<vmem>> -> memref<8x1024xf32, #tpu.memory_space<vmem>>
    tpu.wait_dma2 semaphore(%arg14 : memref<!tpu.dma_semaphore, #tpu.memory_space<semaphore_mem>>) src(%dma_wait3A_480 : memref<8x1024xf32, #tpu.memory_space<vmem>>) dst(%dma_wait3A_477 : memref<8x1024xf32, #tpu.memory_space<hbm>>)
    %dma_wait3A_481 = arith.constant 3 : i32
    %dma_wait3A_482 = arith.constant 24 : i32
    %dma_wait3A_483 = arith.constant 0 : i32
    %dma_wait3A_484 = tpu.memref_slice %arg7[%dma_wait3A_482, %dma_wait3A_483] : memref<32x1024xf32, #tpu.memory_space<vmem>> -> memref<8x1024xf32, #tpu.memory_space<vmem>>
    %dma_wait3A_485 = arith.constant 0 : i32
    %dma_wait3A_486 = tpu.memref_slice %arg5[%dma_wait3A_481, %add3A_281, %dma_wait3A_485] : memref<4x2048x1024xf32, #tpu.memory_space<hbm>> -> memref<1x8x1024xf32, #tpu.memory_space<hbm>>
    %dma_wait3A_487 = tpu.memref_squeeze %dma_wait3A_486 : memref<1x8x1024xf32, #tpu.memory_space<hbm>> -> memref<8x1024xf32, #tpu.memory_space<hbm>>
    %dma_wait3A_488 = arith.constant 0 : i32
    %dma_wait3A_489 = tpu.memref_slice %arg5[%dma_wait3A_481, %add3A_281, %dma_wait3A_488] : memref<4x2048x1024xf32, #tpu.memory_space<hbm>> -> memref<1x8x1024xf32, #tpu.memory_space<hbm>>
    %dma_wait3A_490 = tpu.memref_squeeze %dma_wait3A_489 : memref<1x8x1024xf32, #tpu.memory_space<hbm>> -> memref<8x1024xf32, #tpu.memory_space<hbm>>
    %dma_wait3A_491 = arith.constant 24 : i32
    %dma_wait3A_492 = arith.constant 0 : i32
    %dma_wait3A_493 = tpu.memref_slice %arg7[%dma_wait3A_491, %dma_wait3A_492] : memref<32x1024xf32, #tpu.memory_space<vmem>> -> memref<8x1024xf32, #tpu.memory_space<vmem>>
    tpu.wait_dma2 semaphore(%arg14 : memref<!tpu.dma_semaphore, #tpu.memory_space<semaphore_mem>>) src(%dma_wait3A_493 : memref<8x1024xf32, #tpu.memory_space<vmem>>) dst(%dma_wait3A_490 : memref<8x1024xf32, #tpu.memory_space<hbm>>)
    %dma_start3A_494 = arith.constant 0 : i32
    %dma_start3A_495 = arith.constant 0 : i32
    %dma_start3A_496 = arith.constant 0 : i32
    %dma_start3A_497 = tpu.memref_slice %arg7[%dma_start3A_495, %dma_start3A_496] : memref<32x1024xf32, #tpu.memory_space<vmem>> -> memref<8x1024xf32, #tpu.memory_space<vmem>>
    %dma_start3A_498 = arith.constant 24 : i32
    %dma_start3A_499 = tpu.memref_slice %arg6[%dma_start3A_494, %dma_start3A_498] : memref<4x64xi32, #tpu.memory_space<vmem>> -> memref<1x8xi32, #tpu.memory_space<vmem>>
    %dma_start3A_500 = tpu.memref_squeeze %dma_start3A_499 : memref<1x8xi32, #tpu.memory_space<vmem>> -> memref<8xi32, #tpu.memory_space<vmem>>
    %dma_start3A_501 = arith.constant 0 : i32
    %dma_start3A_502 = arith.constant 0 : i32
    %dma_start3A_503 = tpu.memref_slice %arg3[%dma_start3A_501, %dma_start3A_502] : memref<100000x1024xf32, #tpu.memory_space<hbm>> -> memref<100000x1024xf32, #tpu.memory_space<hbm>>
    tpu.enqueue_indirect_dma source(%dma_start3A_503 : memref<100000x1024xf32, #tpu.memory_space<hbm>>) target(%dma_start3A_497 : memref<8x1024xf32, #tpu.memory_space<vmem>>) offsets(%dma_start3A_500 : memref<8xi32, #tpu.memory_space<vmem>>) semaphore(%arg11 : memref<!tpu.dma_semaphore, #tpu.memory_space<semaphore_mem>>)
    %dma_start3A_504 = arith.constant 1 : i32
    %dma_start3A_505 = arith.constant 8 : i32
    %dma_start3A_506 = arith.constant 0 : i32
    %dma_start3A_507 = tpu.memref_slice %arg7[%dma_start3A_505, %dma_start3A_506] : memref<32x1024xf32, #tpu.memory_space<vmem>> -> memref<8x1024xf32, #tpu.memory_space<vmem>>
    %dma_start3A_508 = arith.constant 24 : i32
    %dma_start3A_509 = tpu.memref_slice %arg6[%dma_start3A_504, %dma_start3A_508] : memref<4x64xi32, #tpu.memory_space<vmem>> -> memref<1x8xi32, #tpu.memory_space<vmem>>
    %dma_start3A_510 = tpu.memref_squeeze %dma_start3A_509 : memref<1x8xi32, #tpu.memory_space<vmem>> -> memref<8xi32, #tpu.memory_space<vmem>>
    %dma_start3A_511 = arith.constant 0 : i32
    %dma_start3A_512 = arith.constant 0 : i32
    %dma_start3A_513 = tpu.memref_slice %arg3[%dma_start3A_511, %dma_start3A_512] : memref<100000x1024xf32, #tpu.memory_space<hbm>> -> memref<100000x1024xf32, #tpu.memory_space<hbm>>
    tpu.enqueue_indirect_dma source(%dma_start3A_513 : memref<100000x1024xf32, #tpu.memory_space<hbm>>) target(%dma_start3A_507 : memref<8x1024xf32, #tpu.memory_space<vmem>>) offsets(%dma_start3A_510 : memref<8xi32, #tpu.memory_space<vmem>>) semaphore(%arg11 : memref<!tpu.dma_semaphore, #tpu.memory_space<semaphore_mem>>)
    %dma_start3A_514 = arith.constant 2 : i32
    %dma_start3A_515 = arith.constant 16 : i32
    %dma_start3A_516 = arith.constant 0 : i32
    %dma_start3A_517 = tpu.memref_slice %arg7[%dma_start3A_515, %dma_start3A_516] : memref<32x1024xf32, #tpu.memory_space<vmem>> -> memref<8x1024xf32, #tpu.memory_space<vmem>>
    %dma_start3A_518 = arith.constant 24 : i32
    %dma_start3A_519 = tpu.memref_slice %arg6[%dma_start3A_514, %dma_start3A_518] : memref<4x64xi32, #tpu.memory_space<vmem>> -> memref<1x8xi32, #tpu.memory_space<vmem>>
    %dma_start3A_520 = tpu.memref_squeeze %dma_start3A_519 : memref<1x8xi32, #tpu.memory_space<vmem>> -> memref<8xi32, #tpu.memory_space<vmem>>
    %dma_start3A_521 = arith.constant 0 : i32
    %dma_start3A_522 = arith.constant 0 : i32
    %dma_start3A_523 = tpu.memref_slice %arg3[%dma_start3A_521, %dma_start3A_522] : memref<100000x1024xf32, #tpu.memory_space<hbm>> -> memref<100000x1024xf32, #tpu.memory_space<hbm>>
    tpu.enqueue_indirect_dma source(%dma_start3A_523 : memref<100000x1024xf32, #tpu.memory_space<hbm>>) target(%dma_start3A_517 : memref<8x1024xf32, #tpu.memory_space<vmem>>) offsets(%dma_start3A_520 : memref<8xi32, #tpu.memory_space<vmem>>) semaphore(%arg11 : memref<!tpu.dma_semaphore, #tpu.memory_space<semaphore_mem>>)
    %dma_start3A_524 = arith.constant 3 : i32
    %dma_start3A_525 = arith.constant 24 : i32
    %dma_start3A_526 = arith.constant 0 : i32
    %dma_start3A_527 = tpu.memref_slice %arg7[%dma_start3A_525, %dma_start3A_526] : memref<32x1024xf32, #tpu.memory_space<vmem>> -> memref<8x1024xf32, #tpu.memory_space<vmem>>
    %dma_start3A_528 = arith.constant 24 : i32
    %dma_start3A_529 = tpu.memref_slice %arg6[%dma_start3A_524, %dma_start3A_528] : memref<4x64xi32, #tpu.memory_space<vmem>> -> memref<1x8xi32, #tpu.memory_space<vmem>>
    %dma_start3A_530 = tpu.memref_squeeze %dma_start3A_529 : memref<1x8xi32, #tpu.memory_space<vmem>> -> memref<8xi32, #tpu.memory_space<vmem>>
    %dma_start3A_531 = arith.constant 0 : i32
    %dma_start3A_532 = arith.constant 0 : i32
    %dma_start3A_533 = tpu.memref_slice %arg3[%dma_start3A_531, %dma_start3A_532] : memref<100000x1024xf32, #tpu.memory_space<hbm>> -> memref<100000x1024xf32, #tpu.memory_space<hbm>>
    tpu.enqueue_indirect_dma source(%dma_start3A_533 : memref<100000x1024xf32, #tpu.memory_space<hbm>>) target(%dma_start3A_527 : memref<8x1024xf32, #tpu.memory_space<vmem>>) offsets(%dma_start3A_530 : memref<8xi32, #tpu.memory_space<vmem>>) semaphore(%arg11 : memref<!tpu.dma_semaphore, #tpu.memory_space<semaphore_mem>>)
    %dma_wait3A_534 = arith.constant 0 : i32
    %dma_wait3A_535 = arith.constant 0 : i32
    %dma_wait3A_536 = arith.constant 0 : i32
    %dma_wait3A_537 = tpu.memref_slice %arg9[%dma_wait3A_535, %dma_wait3A_536] : memref<32x1024xf32, #tpu.memory_space<vmem>> -> memref<8x1024xf32, #tpu.memory_space<vmem>>
    %dma_wait3A_538 = arith.constant 16 : i32
    %dma_wait3A_539 = tpu.memref_slice %arg6[%dma_wait3A_534, %dma_wait3A_538] : memref<4x64xi32, #tpu.memory_space<vmem>> -> memref<1x8xi32, #tpu.memory_space<vmem>>
    %dma_wait3A_540 = tpu.memref_squeeze %dma_wait3A_539 : memref<1x8xi32, #tpu.memory_space<vmem>> -> memref<8xi32, #tpu.memory_space<vmem>>
    %dma_wait3A_541 = arith.constant 0 : i32
    %dma_wait3A_542 = arith.constant 0 : i32
    %dma_wait3A_543 = tpu.memref_slice %arg3[%dma_wait3A_541, %dma_wait3A_542] : memref<100000x1024xf32, #tpu.memory_space<hbm>> -> memref<100000x1024xf32, #tpu.memory_space<hbm>>
    tpu.wait_indirect_dma semaphore(%arg13 : memref<!tpu.dma_semaphore, #tpu.memory_space<semaphore_mem>>) src(%dma_wait3A_543 : memref<100000x1024xf32, #tpu.memory_space<hbm>>) dst(%dma_wait3A_537 : memref<8x1024xf32, #tpu.memory_space<vmem>>)
    %dma_wait3A_544 = arith.constant 1 : i32
    %dma_wait3A_545 = arith.constant 8 : i32
    %dma_wait3A_546 = arith.constant 0 : i32
    %dma_wait3A_547 = tpu.memref_slice %arg9[%dma_wait3A_545, %dma_wait3A_546] : memref<32x1024xf32, #tpu.memory_space<vmem>> -> memref<8x1024xf32, #tpu.memory_space<vmem>>
    %dma_wait3A_548 = arith.constant 16 : i32
    %dma_wait3A_549 = tpu.memref_slice %arg6[%dma_wait3A_544, %dma_wait3A_548] : memref<4x64xi32, #tpu.memory_space<vmem>> -> memref<1x8xi32, #tpu.memory_space<vmem>>
    %dma_wait3A_550 = tpu.memref_squeeze %dma_wait3A_549 : memref<1x8xi32, #tpu.memory_space<vmem>> -> memref<8xi32, #tpu.memory_space<vmem>>
    %dma_wait3A_551 = arith.constant 0 : i32
    %dma_wait3A_552 = arith.constant 0 : i32
    %dma_wait3A_553 = tpu.memref_slice %arg3[%dma_wait3A_551, %dma_wait3A_552] : memref<100000x1024xf32, #tpu.memory_space<hbm>> -> memref<100000x1024xf32, #tpu.memory_space<hbm>>
    tpu.wait_indirect_dma semaphore(%arg13 : memref<!tpu.dma_semaphore, #tpu.memory_space<semaphore_mem>>) src(%dma_wait3A_553 : memref<100000x1024xf32, #tpu.memory_space<hbm>>) dst(%dma_wait3A_547 : memref<8x1024xf32, #tpu.memory_space<vmem>>)
    %dma_wait3A_554 = arith.constant 2 : i32
    %dma_wait3A_555 = arith.constant 16 : i32
    %dma_wait3A_556 = arith.constant 0 : i32
    %dma_wait3A_557 = tpu.memref_slice %arg9[%dma_wait3A_555, %dma_wait3A_556] : memref<32x1024xf32, #tpu.memory_space<vmem>> -> memref<8x1024xf32, #tpu.memory_space<vmem>>
    %dma_wait3A_558 = arith.constant 16 : i32
    %dma_wait3A_559 = tpu.memref_slice %arg6[%dma_wait3A_554, %dma_wait3A_558] : memref<4x64xi32, #tpu.memory_space<vmem>> -> memref<1x8xi32, #tpu.memory_space<vmem>>
    %dma_wait3A_560 = tpu.memref_squeeze %dma_wait3A_559 : memref<1x8xi32, #tpu.memory_space<vmem>> -> memref<8xi32, #tpu.memory_space<vmem>>
    %dma_wait3A_561 = arith.constant 0 : i32
    %dma_wait3A_562 = arith.constant 0 : i32
    %dma_wait3A_563 = tpu.memref_slice %arg3[%dma_wait3A_561, %dma_wait3A_562] : memref<100000x1024xf32, #tpu.memory_space<hbm>> -> memref<100000x1024xf32, #tpu.memory_space<hbm>>
    tpu.wait_indirect_dma semaphore(%arg13 : memref<!tpu.dma_semaphore, #tpu.memory_space<semaphore_mem>>) src(%dma_wait3A_563 : memref<100000x1024xf32, #tpu.memory_space<hbm>>) dst(%dma_wait3A_557 : memref<8x1024xf32, #tpu.memory_space<vmem>>)
    %dma_wait3A_564 = arith.constant 3 : i32
    %dma_wait3A_565 = arith.constant 24 : i32
    %dma_wait3A_566 = arith.constant 0 : i32
    %dma_wait3A_567 = tpu.memref_slice %arg9[%dma_wait3A_565, %dma_wait3A_566] : memref<32x1024xf32, #tpu.memory_space<vmem>> -> memref<8x1024xf32, #tpu.memory_space<vmem>>
    %dma_wait3A_568 = arith.constant 16 : i32
    %dma_wait3A_569 = tpu.memref_slice %arg6[%dma_wait3A_564, %dma_wait3A_568] : memref<4x64xi32, #tpu.memory_space<vmem>> -> memref<1x8xi32, #tpu.memory_space<vmem>>
    %dma_wait3A_570 = tpu.memref_squeeze %dma_wait3A_569 : memref<1x8xi32, #tpu.memory_space<vmem>> -> memref<8xi32, #tpu.memory_space<vmem>>
    %dma_wait3A_571 = arith.constant 0 : i32
    %dma_wait3A_572 = arith.constant 0 : i32
    %dma_wait3A_573 = tpu.memref_slice %arg3[%dma_wait3A_571, %dma_wait3A_572] : memref<100000x1024xf32, #tpu.memory_space<hbm>> -> memref<100000x1024xf32, #tpu.memory_space<hbm>>
    tpu.wait_indirect_dma semaphore(%arg13 : memref<!tpu.dma_semaphore, #tpu.memory_space<semaphore_mem>>) src(%dma_wait3A_573 : memref<100000x1024xf32, #tpu.memory_space<hbm>>) dst(%dma_wait3A_567 : memref<8x1024xf32, #tpu.memory_space<vmem>>)
    %scan3A_574 = arith.constant 0 : i32
    %scan3A_575 = arith.constant 0 : i32
    %scan3A_576 = arith.constant 8 : i32
    %scan3A_577 = arith.addi %scan3A_575, %scan3A_576 : i32
    %scan3A_578 = arith.constant 1 : i32
    %scan3A_579 = scf.for %scan3A_1700 = %scan3A_575 to %scan3A_577 step %scan3A_578 iter_args(%scan3A_1701 = %scan3A_574) -> (i32)  : i32 {
      %parallel_loop3A = arith.constant 0 : i32
      %parallel_loop3A_1702 = arith.constant 32 : i32
      %parallel_loop3A_1703 = arith.constant 1 : i32
      scf.for %parallel_loop3A_1705 = %parallel_loop3A to %parallel_loop3A_1702 step %parallel_loop3A_1703  : i32 {
        %parallel_loop3A_1706 = arith.constant 2 : i32
        %parallel_loop3A_1707 = arith.muli %parallel_loop3A_1705, %parallel_loop3A_1706 : i32
        %parallel_loop3A_1708 = arith.constant 16 : i32
        %parallel_loop3A_1709 = arith.muli %parallel_loop3A_1707, %parallel_loop3A_1708 : i32
        %parallel_loop3A_1710 = arith.index_cast %parallel_loop3A_1709 : i32 to index
        %parallel_loop3A_1711 = tpu.vector_load %arg10[%parallel_loop3A_1710] {strides = array<i32>} : memref<2048xf32, #tpu.memory_space<vmem>>, vector<16xf32>,
        %parallel_loop3A_1712 = vector.shape_cast %parallel_loop3A_1711 : vector<16xf32> to vector<16xf32>
        %parallel_loop3A_1713 = arith.constant 16 : i32
        %parallel_loop3A_1714 = arith.addi %parallel_loop3A_1709, %parallel_loop3A_1713 : i32
        %parallel_loop3A_1715 = arith.index_cast %parallel_loop3A_1714 : i32 to index
        %parallel_loop3A_1716 = tpu.vector_load %arg10[%parallel_loop3A_1715] {strides = array<i32>} : memref<2048xf32, #tpu.memory_space<vmem>>, vector<16xf32>,
        %parallel_loop3A_1717 = vector.shape_cast %parallel_loop3A_1716 : vector<16xf32> to vector<16xf32>
        %parallel_loop3A_1718 = arith.constant 16 : i32
        %parallel_loop3A_1719 = arith.muli %parallel_loop3A_1705, %parallel_loop3A_1718 : i32
        %parallel_loop3A_1720 = arith.constant 16 : i32
        %parallel_loop3A_1721 = arith.muli %parallel_loop3A_1705, %parallel_loop3A_1720 : i32
        %parallel_loop3A_1722 = arith.constant 512 : i32
        %parallel_loop3A_1723 = arith.addi %parallel_loop3A_1722, %parallel_loop3A_1721 : i32
        %parallel_loop3A_1724 = arith.constant 0 : i32
        %parallel_loop3A_1725 = arith.addi %parallel_loop3A_1724, %scan3A_1700 : i32
        %parallel_loop3A_1726 = arith.index_cast %parallel_loop3A_1725 : i32 to index
        %parallel_loop3A_1727 = arith.index_cast %parallel_loop3A_1719 : i32 to index
        %parallel_loop3A_1728 = tpu.vector_load %arg9[%parallel_loop3A_1726, %parallel_loop3A_1727] {strides = array<i32>} : memref<32x1024xf32, #tpu.memory_space<vmem>>, vector<1x16xf32>,
        %parallel_loop3A_1729 = vector.shape_cast %parallel_loop3A_1728 : vector<1x16xf32> to vector<16xf32>
        %parallel_loop3A_1730 = arith.constant 3.200000e+01 : f32
        %parallel_loop3A_1731 = vector.broadcast %parallel_loop3A_1730 : f32 to vector<16xf32>
        %parallel_loop3A_1732 = arith.mulf %parallel_loop3A_1729, %parallel_loop3A_1731 : vector<16xf32>
        %parallel_loop3A_1733 = arith.addf %parallel_loop3A_1732, %parallel_loop3A_1712 : vector<16xf32>
        %parallel_loop3A_1734 = arith.index_cast %parallel_loop3A_1725 : i32 to index
        %parallel_loop3A_1735 = arith.index_cast %parallel_loop3A_1719 : i32 to index
        %parallel_loop3A_1736 = tpu.vector_load %arg9[%parallel_loop3A_1734, %parallel_loop3A_1735] {strides = array<i32>} : memref<32x1024xf32, #tpu.memory_space<vmem>>, vector<1x16xf32>,
        %parallel_loop3A_1737 = vector.shape_cast %parallel_loop3A_1736 : vector<1x16xf32> to vector<16xf32>
        %parallel_loop3A_1738 = vector.shape_cast %parallel_loop3A_1733 : vector<16xf32> to vector<1x16xf32>
        tpu.vector_store %arg9[%parallel_loop3A_1734, %parallel_loop3A_1735], %parallel_loop3A_1738 {strides = array<i32>} : memref<32x1024xf32, #tpu.memory_space<vmem>>, vector<1x16xf32>,
        %parallel_loop3A_1739 = arith.index_cast %parallel_loop3A_1725 : i32 to index
        %parallel_loop3A_1740 = arith.index_cast %parallel_loop3A_1723 : i32 to index
        %parallel_loop3A_1741 = tpu.vector_load %arg9[%parallel_loop3A_1739, %parallel_loop3A_1740] {strides = array<i32>} : memref<32x1024xf32, #tpu.memory_space<vmem>>, vector<1x16xf32>,
        %parallel_loop3A_1742 = vector.shape_cast %parallel_loop3A_1741 : vector<1x16xf32> to vector<16xf32>
        %parallel_loop3A_1743 = arith.constant 3.200000e+01 : f32
        %parallel_loop3A_1744 = vector.broadcast %parallel_loop3A_1743 : f32 to vector<16xf32>
        %parallel_loop3A_1745 = arith.mulf %parallel_loop3A_1742, %parallel_loop3A_1744 : vector<16xf32>
        %parallel_loop3A_1746 = arith.addf %parallel_loop3A_1745, %parallel_loop3A_1717 : vector<16xf32>
        %parallel_loop3A_1747 = arith.index_cast %parallel_loop3A_1725 : i32 to index
        %parallel_loop3A_1748 = arith.index_cast %parallel_loop3A_1723 : i32 to index
        %parallel_loop3A_1749 = tpu.vector_load %arg9[%parallel_loop3A_1747, %parallel_loop3A_1748] {strides = array<i32>} : memref<32x1024xf32, #tpu.memory_space<vmem>>, vector<1x16xf32>,
        %parallel_loop3A_1750 = vector.shape_cast %parallel_loop3A_1749 : vector<1x16xf32> to vector<16xf32>
        %parallel_loop3A_1751 = vector.shape_cast %parallel_loop3A_1746 : vector<16xf32> to vector<1x16xf32>
        tpu.vector_store %arg9[%parallel_loop3A_1747, %parallel_loop3A_1748], %parallel_loop3A_1751 {strides = array<i32>} : memref<32x1024xf32, #tpu.memory_space<vmem>>, vector<1x16xf32>,
        %parallel_loop3A_1752 = arith.constant 8 : i32
        %parallel_loop3A_1753 = arith.addi %parallel_loop3A_1752, %scan3A_1700 : i32
        %parallel_loop3A_1754 = arith.index_cast %parallel_loop3A_1753 : i32 to index
        %parallel_loop3A_1755 = arith.index_cast %parallel_loop3A_1719 : i32 to index
        %parallel_loop3A_1756 = tpu.vector_load %arg9[%parallel_loop3A_1754, %parallel_loop3A_1755] {strides = array<i32>} : memref<32x1024xf32, #tpu.memory_space<vmem>>, vector<1x16xf32>,
        %parallel_loop3A_1757 = vector.shape_cast %parallel_loop3A_1756 : vector<1x16xf32> to vector<16xf32>
        %parallel_loop3A_1758 = arith.constant 3.200000e+01 : f32
        %parallel_loop3A_1759 = vector.broadcast %parallel_loop3A_1758 : f32 to vector<16xf32>
        %parallel_loop3A_1760 = arith.mulf %parallel_loop3A_1757, %parallel_loop3A_1759 : vector<16xf32>
        %parallel_loop3A_1761 = arith.addf %parallel_loop3A_1760, %parallel_loop3A_1712 : vector<16xf32>
        %parallel_loop3A_1762 = arith.index_cast %parallel_loop3A_1753 : i32 to index
        %parallel_loop3A_1763 = arith.index_cast %parallel_loop3A_1719 : i32 to index
        %parallel_loop3A_1764 = tpu.vector_load %arg9[%parallel_loop3A_1762, %parallel_loop3A_1763] {strides = array<i32>} : memref<32x1024xf32, #tpu.memory_space<vmem>>, vector<1x16xf32>,
        %parallel_loop3A_1765 = vector.shape_cast %parallel_loop3A_1764 : vector<1x16xf32> to vector<16xf32>
        %parallel_loop3A_1766 = vector.shape_cast %parallel_loop3A_1761 : vector<16xf32> to vector<1x16xf32>
        tpu.vector_store %arg9[%parallel_loop3A_1762, %parallel_loop3A_1763], %parallel_loop3A_1766 {strides = array<i32>} : memref<32x1024xf32, #tpu.memory_space<vmem>>, vector<1x16xf32>,
        %parallel_loop3A_1767 = arith.index_cast %parallel_loop3A_1753 : i32 to index
        %parallel_loop3A_1768 = arith.index_cast %parallel_loop3A_1723 : i32 to index
        %parallel_loop3A_1769 = tpu.vector_load %arg9[%parallel_loop3A_1767, %parallel_loop3A_1768] {strides = array<i32>} : memref<32x1024xf32, #tpu.memory_space<vmem>>, vector<1x16xf32>,
        %parallel_loop3A_1770 = vector.shape_cast %parallel_loop3A_1769 : vector<1x16xf32> to vector<16xf32>
        %parallel_loop3A_1771 = arith.constant 3.200000e+01 : f32
        %parallel_loop3A_1772 = vector.broadcast %parallel_loop3A_1771 : f32 to vector<16xf32>
        %parallel_loop3A_1773 = arith.mulf %parallel_loop3A_1770, %parallel_loop3A_1772 : vector<16xf32>
        %parallel_loop3A_1774 = arith.addf %parallel_loop3A_1773, %parallel_loop3A_1717 : vector<16xf32>
        %parallel_loop3A_1775 = arith.index_cast %parallel_loop3A_1753 : i32 to index
        %parallel_loop3A_1776 = arith.index_cast %parallel_loop3A_1723 : i32 to index
        %parallel_loop3A_1777 = tpu.vector_load %arg9[%parallel_loop3A_1775, %parallel_loop3A_1776] {strides = array<i32>} : memref<32x1024xf32, #tpu.memory_space<vmem>>, vector<1x16xf32>,
        %parallel_loop3A_1778 = vector.shape_cast %parallel_loop3A_1777 : vector<1x16xf32> to vector<16xf32>
        %parallel_loop3A_1779 = vector.shape_cast %parallel_loop3A_1774 : vector<16xf32> to vector<1x16xf32>
        tpu.vector_store %arg9[%parallel_loop3A_1775, %parallel_loop3A_1776], %parallel_loop3A_1779 {strides = array<i32>} : memref<32x1024xf32, #tpu.memory_space<vmem>>, vector<1x16xf32>,
        %parallel_loop3A_1780 = arith.constant 16 : i32
        %parallel_loop3A_1781 = arith.addi %parallel_loop3A_1780, %scan3A_1700 : i32
        %parallel_loop3A_1782 = arith.index_cast %parallel_loop3A_1781 : i32 to index
        %parallel_loop3A_1783 = arith.index_cast %parallel_loop3A_1719 : i32 to index
        %parallel_loop3A_1784 = tpu.vector_load %arg9[%parallel_loop3A_1782, %parallel_loop3A_1783] {strides = array<i32>} : memref<32x1024xf32, #tpu.memory_space<vmem>>, vector<1x16xf32>,
        %parallel_loop3A_1785 = vector.shape_cast %parallel_loop3A_1784 : vector<1x16xf32> to vector<16xf32>
        %parallel_loop3A_1786 = arith.constant 3.200000e+01 : f32
        %parallel_loop3A_1787 = vector.broadcast %parallel_loop3A_1786 : f32 to vector<16xf32>
        %parallel_loop3A_1788 = arith.mulf %parallel_loop3A_1785, %parallel_loop3A_1787 : vector<16xf32>
        %parallel_loop3A_1789 = arith.addf %parallel_loop3A_1788, %parallel_loop3A_1712 : vector<16xf32>
        %parallel_loop3A_1790 = arith.index_cast %parallel_loop3A_1781 : i32 to index
        %parallel_loop3A_1791 = arith.index_cast %parallel_loop3A_1719 : i32 to index
        %parallel_loop3A_1792 = tpu.vector_load %arg9[%parallel_loop3A_1790, %parallel_loop3A_1791] {strides = array<i32>} : memref<32x1024xf32, #tpu.memory_space<vmem>>, vector<1x16xf32>,
        %parallel_loop3A_1793 = vector.shape_cast %parallel_loop3A_1792 : vector<1x16xf32> to vector<16xf32>
        %parallel_loop3A_1794 = vector.shape_cast %parallel_loop3A_1789 : vector<16xf32> to vector<1x16xf32>
        tpu.vector_store %arg9[%parallel_loop3A_1790, %parallel_loop3A_1791], %parallel_loop3A_1794 {strides = array<i32>} : memref<32x1024xf32, #tpu.memory_space<vmem>>, vector<1x16xf32>,
        %parallel_loop3A_1795 = arith.index_cast %parallel_loop3A_1781 : i32 to index
        %parallel_loop3A_1796 = arith.index_cast %parallel_loop3A_1723 : i32 to index
        %parallel_loop3A_1797 = tpu.vector_load %arg9[%parallel_loop3A_1795, %parallel_loop3A_1796] {strides = array<i32>} : memref<32x1024xf32, #tpu.memory_space<vmem>>, vector<1x16xf32>,
        %parallel_loop3A_1798 = vector.shape_cast %parallel_loop3A_1797 : vector<1x16xf32> to vector<16xf32>
        %parallel_loop3A_1799 = arith.constant 3.200000e+01 : f32
        %parallel_loop3A_1800 = vector.broadcast %parallel_loop3A_1799 : f32 to vector<16xf32>
        %parallel_loop3A_1801 = arith.mulf %parallel_loop3A_1798, %parallel_loop3A_1800 : vector<16xf32>
        %parallel_loop3A_1802 = arith.addf %parallel_loop3A_1801, %parallel_loop3A_1717 : vector<16xf32>
        %parallel_loop3A_1803 = arith.index_cast %parallel_loop3A_1781 : i32 to index
        %parallel_loop3A_1804 = arith.index_cast %parallel_loop3A_1723 : i32 to index
        %parallel_loop3A_1805 = tpu.vector_load %arg9[%parallel_loop3A_1803, %parallel_loop3A_1804] {strides = array<i32>} : memref<32x1024xf32, #tpu.memory_space<vmem>>, vector<1x16xf32>,
        %parallel_loop3A_1806 = vector.shape_cast %parallel_loop3A_1805 : vector<1x16xf32> to vector<16xf32>
        %parallel_loop3A_1807 = vector.shape_cast %parallel_loop3A_1802 : vector<16xf32> to vector<1x16xf32>
        tpu.vector_store %arg9[%parallel_loop3A_1803, %parallel_loop3A_1804], %parallel_loop3A_1807 {strides = array<i32>} : memref<32x1024xf32, #tpu.memory_space<vmem>>, vector<1x16xf32>,
        %parallel_loop3A_1808 = arith.constant 24 : i32
        %parallel_loop3A_1809 = arith.addi %parallel_loop3A_1808, %scan3A_1700 : i32
        %parallel_loop3A_1810 = arith.index_cast %parallel_loop3A_1809 : i32 to index
        %parallel_loop3A_1811 = arith.index_cast %parallel_loop3A_1719 : i32 to index
        %parallel_loop3A_1812 = tpu.vector_load %arg9[%parallel_loop3A_1810, %parallel_loop3A_1811] {strides = array<i32>} : memref<32x1024xf32, #tpu.memory_space<vmem>>, vector<1x16xf32>,
        %parallel_loop3A_1813 = vector.shape_cast %parallel_loop3A_1812 : vector<1x16xf32> to vector<16xf32>
        %parallel_loop3A_1814 = arith.constant 3.200000e+01 : f32
        %parallel_loop3A_1815 = vector.broadcast %parallel_loop3A_1814 : f32 to vector<16xf32>
        %parallel_loop3A_1816 = arith.mulf %parallel_loop3A_1813, %parallel_loop3A_1815 : vector<16xf32>
        %parallel_loop3A_1817 = arith.addf %parallel_loop3A_1816, %parallel_loop3A_1712 : vector<16xf32>
        %parallel_loop3A_1818 = arith.index_cast %parallel_loop3A_1809 : i32 to index
        %parallel_loop3A_1819 = arith.index_cast %parallel_loop3A_1719 : i32 to index
        %parallel_loop3A_1820 = tpu.vector_load %arg9[%parallel_loop3A_1818, %parallel_loop3A_1819] {strides = array<i32>} : memref<32x1024xf32, #tpu.memory_space<vmem>>, vector<1x16xf32>,
        %parallel_loop3A_1821 = vector.shape_cast %parallel_loop3A_1820 : vector<1x16xf32> to vector<16xf32>
        %parallel_loop3A_1822 = vector.shape_cast %parallel_loop3A_1817 : vector<16xf32> to vector<1x16xf32>
        tpu.vector_store %arg9[%parallel_loop3A_1818, %parallel_loop3A_1819], %parallel_loop3A_1822 {strides = array<i32>} : memref<32x1024xf32, #tpu.memory_space<vmem>>, vector<1x16xf32>,
        %parallel_loop3A_1823 = arith.index_cast %parallel_loop3A_1809 : i32 to index
        %parallel_loop3A_1824 = arith.index_cast %parallel_loop3A_1723 : i32 to index
        %parallel_loop3A_1825 = tpu.vector_load %arg9[%parallel_loop3A_1823, %parallel_loop3A_1824] {strides = array<i32>} : memref<32x1024xf32, #tpu.memory_space<vmem>>, vector<1x16xf32>,
        %parallel_loop3A_1826 = vector.shape_cast %parallel_loop3A_1825 : vector<1x16xf32> to vector<16xf32>
        %parallel_loop3A_1827 = arith.constant 3.200000e+01 : f32
        %parallel_loop3A_1828 = vector.broadcast %parallel_loop3A_1827 : f32 to vector<16xf32>
        %parallel_loop3A_1829 = arith.mulf %parallel_loop3A_1826, %parallel_loop3A_1828 : vector<16xf32>
        %parallel_loop3A_1830 = arith.addf %parallel_loop3A_1829, %parallel_loop3A_1717 : vector<16xf32>
        %parallel_loop3A_1831 = arith.index_cast %parallel_loop3A_1809 : i32 to index
        %parallel_loop3A_1832 = arith.index_cast %parallel_loop3A_1723 : i32 to index
        %parallel_loop3A_1833 = tpu.vector_load %arg9[%parallel_loop3A_1831, %parallel_loop3A_1832] {strides = array<i32>} : memref<32x1024xf32, #tpu.memory_space<vmem>>, vector<1x16xf32>,
        %parallel_loop3A_1834 = vector.shape_cast %parallel_loop3A_1833 : vector<1x16xf32> to vector<16xf32>
        %parallel_loop3A_1835 = vector.shape_cast %parallel_loop3A_1830 : vector<16xf32> to vector<1x16xf32>
        tpu.vector_store %arg9[%parallel_loop3A_1831, %parallel_loop3A_1832], %parallel_loop3A_1835 {strides = array<i32>} : memref<32x1024xf32, #tpu.memory_space<vmem>>, vector<1x16xf32>,
        %parallel_loop3A_1836 = arith.constant 1024 : i32
        %parallel_loop3A_1837 = arith.addi %parallel_loop3A_1836, %parallel_loop3A_1709 : i32
        %parallel_loop3A_1838 = arith.index_cast %parallel_loop3A_1837 : i32 to index
        %parallel_loop3A_1839 = tpu.vector_load %arg10[%parallel_loop3A_1838] {strides = array<i32>} : memref<2048xf32, #tpu.memory_space<vmem>>, vector<16xf32>,
        %parallel_loop3A_1840 = vector.shape_cast %parallel_loop3A_1839 : vector<16xf32> to vector<16xf32>
        %parallel_loop3A_1841 = arith.constant 1024 : i32
        %parallel_loop3A_1842 = arith.addi %parallel_loop3A_1841, %parallel_loop3A_1709 : i32
        %parallel_loop3A_1843 = arith.constant 16 : i32
        %parallel_loop3A_1844 = arith.addi %parallel_loop3A_1842, %parallel_loop3A_1843 : i32
        %parallel_loop3A_1845 = arith.index_cast %parallel_loop3A_1844 : i32 to index
        %parallel_loop3A_1846 = tpu.vector_load %arg10[%parallel_loop3A_1845] {strides = array<i32>} : memref<2048xf32, #tpu.memory_space<vmem>>, vector<16xf32>,
        %parallel_loop3A_1847 = vector.shape_cast %parallel_loop3A_1846 : vector<16xf32> to vector<16xf32>
        %parallel_loop3A_1848 = arith.mulf %parallel_loop3A_1712, %parallel_loop3A_1840 : vector<16xf32>
        %parallel_loop3A_1849 = arith.mulf %parallel_loop3A_1717, %parallel_loop3A_1847 : vector<16xf32>
        %parallel_loop3A_1850 = arith.addf %parallel_loop3A_1848, %parallel_loop3A_1849 : vector<16xf32>
        %parallel_loop3A_1851 = arith.index_cast %parallel_loop3A_1709 : i32 to index
        %parallel_loop3A_1852 = tpu.vector_load %arg10[%parallel_loop3A_1851] {strides = array<i32>} : memref<2048xf32, #tpu.memory_space<vmem>>, vector<16xf32>,
        %parallel_loop3A_1853 = vector.shape_cast %parallel_loop3A_1852 : vector<16xf32> to vector<16xf32>
        %parallel_loop3A_1854 = vector.shape_cast %parallel_loop3A_1850 : vector<16xf32> to vector<16xf32>
        tpu.vector_store %arg10[%parallel_loop3A_1851], %parallel_loop3A_1854 {strides = array<i32>} : memref<2048xf32, #tpu.memory_space<vmem>>, vector<16xf32>,
        %parallel_loop3A_1855 = arith.mulf %parallel_loop3A_1717, %parallel_loop3A_1840 : vector<16xf32>
        %parallel_loop3A_1856 = arith.mulf %parallel_loop3A_1712, %parallel_loop3A_1847 : vector<16xf32>
        %parallel_loop3A_1857 = arith.subf %parallel_loop3A_1855, %parallel_loop3A_1856 : vector<16xf32>
        %parallel_loop3A_1858 = arith.constant 16 : i32
        %parallel_loop3A_1859 = arith.addi %parallel_loop3A_1709, %parallel_loop3A_1858 : i32
        %parallel_loop3A_1860 = arith.index_cast %parallel_loop3A_1859 : i32 to index
        %parallel_loop3A_1861 = tpu.vector_load %arg10[%parallel_loop3A_1860] {strides = array<i32>} : memref<2048xf32, #tpu.memory_space<vmem>>, vector<16xf32>,
        %parallel_loop3A_1862 = vector.shape_cast %parallel_loop3A_1861 : vector<16xf32> to vector<16xf32>
        %parallel_loop3A_1863 = vector.shape_cast %parallel_loop3A_1857 : vector<16xf32> to vector<16xf32>
        tpu.vector_store %arg10[%parallel_loop3A_1860], %parallel_loop3A_1863 {strides = array<i32>} : memref<2048xf32, #tpu.memory_space<vmem>>, vector<16xf32>,
      } {sc.loop_unroll_factor = 1 : i64, sc.parallel_access}
      %scan3A_1704 = arith.constant 0 : i32
      scf.yield %scan3A_1704 : i32
    }
    %scan3A_580 = arith.constant 8 : i32
    %add3A_581 = arith.constant 16 : i32
    %add3A_582 = arith.addi %mul3A_2, %add3A_581 : i32
    %dma_start3A_583 = arith.constant 0 : i32
    %dma_start3A_584 = arith.constant 0 : i32
    %dma_start3A_585 = arith.constant 0 : i32
    %dma_start3A_586 = tpu.memref_slice %arg9[%dma_start3A_584, %dma_start3A_585] : memref<32x1024xf32, #tpu.memory_space<vmem>> -> memref<8x1024xf32, #tpu.memory_space<vmem>>
    %dma_start3A_587 = arith.constant 0 : i32
    %dma_start3A_588 = tpu.memref_slice %arg5[%dma_start3A_583, %add3A_582, %dma_start3A_587] : memref<4x2048x1024xf32, #tpu.memory_space<hbm>> -> memref<1x8x1024xf32, #tpu.memory_space<hbm>>
    %dma_start3A_589 = tpu.memref_squeeze %dma_start3A_588 : memref<1x8x1024xf32, #tpu.memory_space<hbm>> -> memref<8x1024xf32, #tpu.memory_space<hbm>>
    %dma_start3A_590 = arith.constant 0 : i32
    %dma_start3A_591 = tpu.memref_slice %arg5[%dma_start3A_583, %add3A_582, %dma_start3A_590] : memref<4x2048x1024xf32, #tpu.memory_space<hbm>> -> memref<1x8x1024xf32, #tpu.memory_space<hbm>>
    %dma_start3A_592 = tpu.memref_squeeze %dma_start3A_591 : memref<1x8x1024xf32, #tpu.memory_space<hbm>> -> memref<8x1024xf32, #tpu.memory_space<hbm>>
    %dma_start3A_593 = arith.constant 0 : i32
    %dma_start3A_594 = arith.constant 0 : i32
    %dma_start3A_595 = tpu.memref_slice %arg9[%dma_start3A_593, %dma_start3A_594] : memref<32x1024xf32, #tpu.memory_space<vmem>> -> memref<8x1024xf32, #tpu.memory_space<vmem>>
    tpu.enqueue_dma source(%dma_start3A_595 : memref<8x1024xf32, #tpu.memory_space<vmem>>) target(%dma_start3A_592 : memref<8x1024xf32, #tpu.memory_space<hbm>>) target_semaphore(%arg16 : memref<!tpu.dma_semaphore, #tpu.memory_space<semaphore_mem>>)
    %add3A_596 = arith.constant 16 : i32
    %add3A_597 = arith.addi %mul3A_2, %add3A_596 : i32
    %dma_start3A_598 = arith.constant 1 : i32
    %dma_start3A_599 = arith.constant 8 : i32
    %dma_start3A_600 = arith.constant 0 : i32
    %dma_start3A_601 = tpu.memref_slice %arg9[%dma_start3A_599, %dma_start3A_600] : memref<32x1024xf32, #tpu.memory_space<vmem>> -> memref<8x1024xf32, #tpu.memory_space<vmem>>
    %dma_start3A_602 = arith.constant 0 : i32
    %dma_start3A_603 = tpu.memref_slice %arg5[%dma_start3A_598, %add3A_597, %dma_start3A_602] : memref<4x2048x1024xf32, #tpu.memory_space<hbm>> -> memref<1x8x1024xf32, #tpu.memory_space<hbm>>
    %dma_start3A_604 = tpu.memref_squeeze %dma_start3A_603 : memref<1x8x1024xf32, #tpu.memory_space<hbm>> -> memref<8x1024xf32, #tpu.memory_space<hbm>>
    %dma_start3A_605 = arith.constant 0 : i32
    %dma_start3A_606 = tpu.memref_slice %arg5[%dma_start3A_598, %add3A_597, %dma_start3A_605] : memref<4x2048x1024xf32, #tpu.memory_space<hbm>> -> memref<1x8x1024xf32, #tpu.memory_space<hbm>>
    %dma_start3A_607 = tpu.memref_squeeze %dma_start3A_606 : memref<1x8x1024xf32, #tpu.memory_space<hbm>> -> memref<8x1024xf32, #tpu.memory_space<hbm>>
    %dma_start3A_608 = arith.constant 8 : i32
    %dma_start3A_609 = arith.constant 0 : i32
    %dma_start3A_610 = tpu.memref_slice %arg9[%dma_start3A_608, %dma_start3A_609] : memref<32x1024xf32, #tpu.memory_space<vmem>> -> memref<8x1024xf32, #tpu.memory_space<vmem>>
    tpu.enqueue_dma source(%dma_start3A_610 : memref<8x1024xf32, #tpu.memory_space<vmem>>) target(%dma_start3A_607 : memref<8x1024xf32, #tpu.memory_space<hbm>>) target_semaphore(%arg16 : memref<!tpu.dma_semaphore, #tpu.memory_space<semaphore_mem>>)
    %add3A_611 = arith.constant 16 : i32
    %add3A_612 = arith.addi %mul3A_2, %add3A_611 : i32
    %dma_start3A_613 = arith.constant 2 : i32
    %dma_start3A_614 = arith.constant 16 : i32
    %dma_start3A_615 = arith.constant 0 : i32
    %dma_start3A_616 = tpu.memref_slice %arg9[%dma_start3A_614, %dma_start3A_615] : memref<32x1024xf32, #tpu.memory_space<vmem>> -> memref<8x1024xf32, #tpu.memory_space<vmem>>
    %dma_start3A_617 = arith.constant 0 : i32
    %dma_start3A_618 = tpu.memref_slice %arg5[%dma_start3A_613, %add3A_612, %dma_start3A_617] : memref<4x2048x1024xf32, #tpu.memory_space<hbm>> -> memref<1x8x1024xf32, #tpu.memory_space<hbm>>
    %dma_start3A_619 = tpu.memref_squeeze %dma_start3A_618 : memref<1x8x1024xf32, #tpu.memory_space<hbm>> -> memref<8x1024xf32, #tpu.memory_space<hbm>>
    %dma_start3A_620 = arith.constant 0 : i32
    %dma_start3A_621 = tpu.memref_slice %arg5[%dma_start3A_613, %add3A_612, %dma_start3A_620] : memref<4x2048x1024xf32, #tpu.memory_space<hbm>> -> memref<1x8x1024xf32, #tpu.memory_space<hbm>>
    %dma_start3A_622 = tpu.memref_squeeze %dma_start3A_621 : memref<1x8x1024xf32, #tpu.memory_space<hbm>> -> memref<8x1024xf32, #tpu.memory_space<hbm>>
    %dma_start3A_623 = arith.constant 16 : i32
    %dma_start3A_624 = arith.constant 0 : i32
    %dma_start3A_625 = tpu.memref_slice %arg9[%dma_start3A_623, %dma_start3A_624] : memref<32x1024xf32, #tpu.memory_space<vmem>> -> memref<8x1024xf32, #tpu.memory_space<vmem>>
    tpu.enqueue_dma source(%dma_start3A_625 : memref<8x1024xf32, #tpu.memory_space<vmem>>) target(%dma_start3A_622 : memref<8x1024xf32, #tpu.memory_space<hbm>>) target_semaphore(%arg16 : memref<!tpu.dma_semaphore, #tpu.memory_space<semaphore_mem>>)
    %add3A_626 = arith.constant 16 : i32
    %add3A_627 = arith.addi %mul3A_2, %add3A_626 : i32
    %dma_start3A_628 = arith.constant 3 : i32
    %dma_start3A_629 = arith.constant 24 : i32
    %dma_start3A_630 = arith.constant 0 : i32
    %dma_start3A_631 = tpu.memref_slice %arg9[%dma_start3A_629, %dma_start3A_630] : memref<32x1024xf32, #tpu.memory_space<vmem>> -> memref<8x1024xf32, #tpu.memory_space<vmem>>
    %dma_start3A_632 = arith.constant 0 : i32
    %dma_start3A_633 = tpu.memref_slice %arg5[%dma_start3A_628, %add3A_627, %dma_start3A_632] : memref<4x2048x1024xf32, #tpu.memory_space<hbm>> -> memref<1x8x1024xf32, #tpu.memory_space<hbm>>
    %dma_start3A_634 = tpu.memref_squeeze %dma_start3A_633 : memref<1x8x1024xf32, #tpu.memory_space<hbm>> -> memref<8x1024xf32, #tpu.memory_space<hbm>>
    %dma_start3A_635 = arith.constant 0 : i32
    %dma_start3A_636 = tpu.memref_slice %arg5[%dma_start3A_628, %add3A_627, %dma_start3A_635] : memref<4x2048x1024xf32, #tpu.memory_space<hbm>> -> memref<1x8x1024xf32, #tpu.memory_space<hbm>>
    %dma_start3A_637 = tpu.memref_squeeze %dma_start3A_636 : memref<1x8x1024xf32, #tpu.memory_space<hbm>> -> memref<8x1024xf32, #tpu.memory_space<hbm>>
    %dma_start3A_638 = arith.constant 24 : i32
    %dma_start3A_639 = arith.constant 0 : i32
    %dma_start3A_640 = tpu.memref_slice %arg9[%dma_start3A_638, %dma_start3A_639] : memref<32x1024xf32, #tpu.memory_space<vmem>> -> memref<8x1024xf32, #tpu.memory_space<vmem>>
    tpu.enqueue_dma source(%dma_start3A_640 : memref<8x1024xf32, #tpu.memory_space<vmem>>) target(%dma_start3A_637 : memref<8x1024xf32, #tpu.memory_space<hbm>>) target_semaphore(%arg16 : memref<!tpu.dma_semaphore, #tpu.memory_space<semaphore_mem>>)
    %dma_wait3A_641 = arith.constant 0 : i32
    %dma_wait3A_642 = arith.constant 0 : i32
    %dma_wait3A_643 = arith.constant 0 : i32
    %dma_wait3A_644 = tpu.memref_slice %arg8[%dma_wait3A_642, %dma_wait3A_643] : memref<32x1024xf32, #tpu.memory_space<vmem>> -> memref<8x1024xf32, #tpu.memory_space<vmem>>
    %dma_wait3A_645 = arith.constant 0 : i32
    %dma_wait3A_646 = tpu.memref_slice %arg5[%dma_wait3A_641, %add3A_383, %dma_wait3A_645] : memref<4x2048x1024xf32, #tpu.memory_space<hbm>> -> memref<1x8x1024xf32, #tpu.memory_space<hbm>>
    %dma_wait3A_647 = tpu.memref_squeeze %dma_wait3A_646 : memref<1x8x1024xf32, #tpu.memory_space<hbm>> -> memref<8x1024xf32, #tpu.memory_space<hbm>>
    %dma_wait3A_648 = arith.constant 0 : i32
    %dma_wait3A_649 = tpu.memref_slice %arg5[%dma_wait3A_641, %add3A_383, %dma_wait3A_648] : memref<4x2048x1024xf32, #tpu.memory_space<hbm>> -> memref<1x8x1024xf32, #tpu.memory_space<hbm>>
    %dma_wait3A_650 = tpu.memref_squeeze %dma_wait3A_649 : memref<1x8x1024xf32, #tpu.memory_space<hbm>> -> memref<8x1024xf32, #tpu.memory_space<hbm>>
    %dma_wait3A_651 = arith.constant 0 : i32
    %dma_wait3A_652 = arith.constant 0 : i32
    %dma_wait3A_653 = tpu.memref_slice %arg8[%dma_wait3A_651, %dma_wait3A_652] : memref<32x1024xf32, #tpu.memory_space<vmem>> -> memref<8x1024xf32, #tpu.memory_space<vmem>>
    tpu.wait_dma2 semaphore(%arg15 : memref<!tpu.dma_semaphore, #tpu.memory_space<semaphore_mem>>) src(%dma_wait3A_653 : memref<8x1024xf32, #tpu.memory_space<vmem>>) dst(%dma_wait3A_650 : memref<8x1024xf32, #tpu.memory_space<hbm>>)
    %dma_wait3A_654 = arith.constant 1 : i32
    %dma_wait3A_655 = arith.constant 8 : i32
    %dma_wait3A_656 = arith.constant 0 : i32
    %dma_wait3A_657 = tpu.memref_slice %arg8[%dma_wait3A_655, %dma_wait3A_656] : memref<32x1024xf32, #tpu.memory_space<vmem>> -> memref<8x1024xf32, #tpu.memory_space<vmem>>
    %dma_wait3A_658 = arith.constant 0 : i32
    %dma_wait3A_659 = tpu.memref_slice %arg5[%dma_wait3A_654, %add3A_398, %dma_wait3A_658] : memref<4x2048x1024xf32, #tpu.memory_space<hbm>> -> memref<1x8x1024xf32, #tpu.memory_space<hbm>>
    %dma_wait3A_660 = tpu.memref_squeeze %dma_wait3A_659 : memref<1x8x1024xf32, #tpu.memory_space<hbm>> -> memref<8x1024xf32, #tpu.memory_space<hbm>>
    %dma_wait3A_661 = arith.constant 0 : i32
    %dma_wait3A_662 = tpu.memref_slice %arg5[%dma_wait3A_654, %add3A_398, %dma_wait3A_661] : memref<4x2048x1024xf32, #tpu.memory_space<hbm>> -> memref<1x8x1024xf32, #tpu.memory_space<hbm>>
    %dma_wait3A_663 = tpu.memref_squeeze %dma_wait3A_662 : memref<1x8x1024xf32, #tpu.memory_space<hbm>> -> memref<8x1024xf32, #tpu.memory_space<hbm>>
    %dma_wait3A_664 = arith.constant 8 : i32
    %dma_wait3A_665 = arith.constant 0 : i32
    %dma_wait3A_666 = tpu.memref_slice %arg8[%dma_wait3A_664, %dma_wait3A_665] : memref<32x1024xf32, #tpu.memory_space<vmem>> -> memref<8x1024xf32, #tpu.memory_space<vmem>>
    tpu.wait_dma2 semaphore(%arg15 : memref<!tpu.dma_semaphore, #tpu.memory_space<semaphore_mem>>) src(%dma_wait3A_666 : memref<8x1024xf32, #tpu.memory_space<vmem>>) dst(%dma_wait3A_663 : memref<8x1024xf32, #tpu.memory_space<hbm>>)
    %dma_wait3A_667 = arith.constant 2 : i32
    %dma_wait3A_668 = arith.constant 16 : i32
    %dma_wait3A_669 = arith.constant 0 : i32
    %dma_wait3A_670 = tpu.memref_slice %arg8[%dma_wait3A_668, %dma_wait3A_669] : memref<32x1024xf32, #tpu.memory_space<vmem>> -> memref<8x1024xf32, #tpu.memory_space<vmem>>
    %dma_wait3A_671 = arith.constant 0 : i32
    %dma_wait3A_672 = tpu.memref_slice %arg5[%dma_wait3A_667, %add3A_413, %dma_wait3A_671] : memref<4x2048x1024xf32, #tpu.memory_space<hbm>> -> memref<1x8x1024xf32, #tpu.memory_space<hbm>>
    %dma_wait3A_673 = tpu.memref_squeeze %dma_wait3A_672 : memref<1x8x1024xf32, #tpu.memory_space<hbm>> -> memref<8x1024xf32, #tpu.memory_space<hbm>>
    %dma_wait3A_674 = arith.constant 0 : i32
    %dma_wait3A_675 = tpu.memref_slice %arg5[%dma_wait3A_667, %add3A_413, %dma_wait3A_674] : memref<4x2048x1024xf32, #tpu.memory_space<hbm>> -> memref<1x8x1024xf32, #tpu.memory_space<hbm>>
    %dma_wait3A_676 = tpu.memref_squeeze %dma_wait3A_675 : memref<1x8x1024xf32, #tpu.memory_space<hbm>> -> memref<8x1024xf32, #tpu.memory_space<hbm>>
    %dma_wait3A_677 = arith.constant 16 : i32
    %dma_wait3A_678 = arith.constant 0 : i32
    %dma_wait3A_679 = tpu.memref_slice %arg8[%dma_wait3A_677, %dma_wait3A_678] : memref<32x1024xf32, #tpu.memory_space<vmem>> -> memref<8x1024xf32, #tpu.memory_space<vmem>>
    tpu.wait_dma2 semaphore(%arg15 : memref<!tpu.dma_semaphore, #tpu.memory_space<semaphore_mem>>) src(%dma_wait3A_679 : memref<8x1024xf32, #tpu.memory_space<vmem>>) dst(%dma_wait3A_676 : memref<8x1024xf32, #tpu.memory_space<hbm>>)
    %dma_wait3A_680 = arith.constant 3 : i32
    %dma_wait3A_681 = arith.constant 24 : i32
    %dma_wait3A_682 = arith.constant 0 : i32
    %dma_wait3A_683 = tpu.memref_slice %arg8[%dma_wait3A_681, %dma_wait3A_682] : memref<32x1024xf32, #tpu.memory_space<vmem>> -> memref<8x1024xf32, #tpu.memory_space<vmem>>
    %dma_wait3A_684 = arith.constant 0 : i32
    %dma_wait3A_685 = tpu.memref_slice %arg5[%dma_wait3A_680, %add3A_428, %dma_wait3A_684] : memref<4x2048x1024xf32, #tpu.memory_space<hbm>> -> memref<1x8x1024xf32, #tpu.memory_space<hbm>>
    %dma_wait3A_686 = tpu.memref_squeeze %dma_wait3A_685 : memref<1x8x1024xf32, #tpu.memory_space<hbm>> -> memref<8x1024xf32, #tpu.memory_space<hbm>>
    %dma_wait3A_687 = arith.constant 0 : i32
    %dma_wait3A_688 = tpu.memref_slice %arg5[%dma_wait3A_680, %add3A_428, %dma_wait3A_687] : memref<4x2048x1024xf32, #tpu.memory_space<hbm>> -> memref<1x8x1024xf32, #tpu.memory_space<hbm>>
    %dma_wait3A_689 = tpu.memref_squeeze %dma_wait3A_688 : memref<1x8x1024xf32, #tpu.memory_space<hbm>> -> memref<8x1024xf32, #tpu.memory_space<hbm>>
    %dma_wait3A_690 = arith.constant 24 : i32
    %dma_wait3A_691 = arith.constant 0 : i32
    %dma_wait3A_692 = tpu.memref_slice %arg8[%dma_wait3A_690, %dma_wait3A_691] : memref<32x1024xf32, #tpu.memory_space<vmem>> -> memref<8x1024xf32, #tpu.memory_space<vmem>>
    tpu.wait_dma2 semaphore(%arg15 : memref<!tpu.dma_semaphore, #tpu.memory_space<semaphore_mem>>) src(%dma_wait3A_692 : memref<8x1024xf32, #tpu.memory_space<vmem>>) dst(%dma_wait3A_689 : memref<8x1024xf32, #tpu.memory_space<hbm>>)
    %dma_start3A_693 = arith.constant 0 : i32
    %dma_start3A_694 = arith.constant 0 : i32
    %dma_start3A_695 = arith.constant 0 : i32
    %dma_start3A_696 = tpu.memref_slice %arg8[%dma_start3A_694, %dma_start3A_695] : memref<32x1024xf32, #tpu.memory_space<vmem>> -> memref<8x1024xf32, #tpu.memory_space<vmem>>
    %dma_start3A_697 = arith.constant 32 : i32
    %dma_start3A_698 = tpu.memref_slice %arg6[%dma_start3A_693, %dma_start3A_697] : memref<4x64xi32, #tpu.memory_space<vmem>> -> memref<1x8xi32, #tpu.memory_space<vmem>>
    %dma_start3A_699 = tpu.memref_squeeze %dma_start3A_698 : memref<1x8xi32, #tpu.memory_space<vmem>> -> memref<8xi32, #tpu.memory_space<vmem>>
    %dma_start3A_700 = arith.constant 0 : i32
    %dma_start3A_701 = arith.constant 0 : i32
    %dma_start3A_702 = tpu.memref_slice %arg3[%dma_start3A_700, %dma_start3A_701] : memref<100000x1024xf32, #tpu.memory_space<hbm>> -> memref<100000x1024xf32, #tpu.memory_space<hbm>>
    tpu.enqueue_indirect_dma source(%dma_start3A_702 : memref<100000x1024xf32, #tpu.memory_space<hbm>>) target(%dma_start3A_696 : memref<8x1024xf32, #tpu.memory_space<vmem>>) offsets(%dma_start3A_699 : memref<8xi32, #tpu.memory_space<vmem>>) semaphore(%arg12 : memref<!tpu.dma_semaphore, #tpu.memory_space<semaphore_mem>>)
    %dma_start3A_703 = arith.constant 1 : i32
    %dma_start3A_704 = arith.constant 8 : i32
    %dma_start3A_705 = arith.constant 0 : i32
    %dma_start3A_706 = tpu.memref_slice %arg8[%dma_start3A_704, %dma_start3A_705] : memref<32x1024xf32, #tpu.memory_space<vmem>> -> memref<8x1024xf32, #tpu.memory_space<vmem>>
    %dma_start3A_707 = arith.constant 32 : i32
    %dma_start3A_708 = tpu.memref_slice %arg6[%dma_start3A_703, %dma_start3A_707] : memref<4x64xi32, #tpu.memory_space<vmem>> -> memref<1x8xi32, #tpu.memory_space<vmem>>
    %dma_start3A_709 = tpu.memref_squeeze %dma_start3A_708 : memref<1x8xi32, #tpu.memory_space<vmem>> -> memref<8xi32, #tpu.memory_space<vmem>>
    %dma_start3A_710 = arith.constant 0 : i32
    %dma_start3A_711 = arith.constant 0 : i32
    %dma_start3A_712 = tpu.memref_slice %arg3[%dma_start3A_710, %dma_start3A_711] : memref<100000x1024xf32, #tpu.memory_space<hbm>> -> memref<100000x1024xf32, #tpu.memory_space<hbm>>
    tpu.enqueue_indirect_dma source(%dma_start3A_712 : memref<100000x1024xf32, #tpu.memory_space<hbm>>) target(%dma_start3A_706 : memref<8x1024xf32, #tpu.memory_space<vmem>>) offsets(%dma_start3A_709 : memref<8xi32, #tpu.memory_space<vmem>>) semaphore(%arg12 : memref<!tpu.dma_semaphore, #tpu.memory_space<semaphore_mem>>)
    %dma_start3A_713 = arith.constant 2 : i32
    %dma_start3A_714 = arith.constant 16 : i32
    %dma_start3A_715 = arith.constant 0 : i32
    %dma_start3A_716 = tpu.memref_slice %arg8[%dma_start3A_714, %dma_start3A_715] : memref<32x1024xf32, #tpu.memory_space<vmem>> -> memref<8x1024xf32, #tpu.memory_space<vmem>>
    %dma_start3A_717 = arith.constant 32 : i32
    %dma_start3A_718 = tpu.memref_slice %arg6[%dma_start3A_713, %dma_start3A_717] : memref<4x64xi32, #tpu.memory_space<vmem>> -> memref<1x8xi32, #tpu.memory_space<vmem>>
    %dma_start3A_719 = tpu.memref_squeeze %dma_start3A_718 : memref<1x8xi32, #tpu.memory_space<vmem>> -> memref<8xi32, #tpu.memory_space<vmem>>
    %dma_start3A_720 = arith.constant 0 : i32
    %dma_start3A_721 = arith.constant 0 : i32
    %dma_start3A_722 = tpu.memref_slice %arg3[%dma_start3A_720, %dma_start3A_721] : memref<100000x1024xf32, #tpu.memory_space<hbm>> -> memref<100000x1024xf32, #tpu.memory_space<hbm>>
    tpu.enqueue_indirect_dma source(%dma_start3A_722 : memref<100000x1024xf32, #tpu.memory_space<hbm>>) target(%dma_start3A_716 : memref<8x1024xf32, #tpu.memory_space<vmem>>) offsets(%dma_start3A_719 : memref<8xi32, #tpu.memory_space<vmem>>) semaphore(%arg12 : memref<!tpu.dma_semaphore, #tpu.memory_space<semaphore_mem>>)
    %dma_start3A_723 = arith.constant 3 : i32
    %dma_start3A_724 = arith.constant 24 : i32
    %dma_start3A_725 = arith.constant 0 : i32
    %dma_start3A_726 = tpu.memref_slice %arg8[%dma_start3A_724, %dma_start3A_725] : memref<32x1024xf32, #tpu.memory_space<vmem>> -> memref<8x1024xf32, #tpu.memory_space<vmem>>
    %dma_start3A_727 = arith.constant 32 : i32
    %dma_start3A_728 = tpu.memref_slice %arg6[%dma_start3A_723, %dma_start3A_727] : memref<4x64xi32, #tpu.memory_space<vmem>> -> memref<1x8xi32, #tpu.memory_space<vmem>>
    %dma_start3A_729 = tpu.memref_squeeze %dma_start3A_728 : memref<1x8xi32, #tpu.memory_space<vmem>> -> memref<8xi32, #tpu.memory_space<vmem>>
    %dma_start3A_730 = arith.constant 0 : i32
    %dma_start3A_731 = arith.constant 0 : i32
    %dma_start3A_732 = tpu.memref_slice %arg3[%dma_start3A_730, %dma_start3A_731] : memref<100000x1024xf32, #tpu.memory_space<hbm>> -> memref<100000x1024xf32, #tpu.memory_space<hbm>>
    tpu.enqueue_indirect_dma source(%dma_start3A_732 : memref<100000x1024xf32, #tpu.memory_space<hbm>>) target(%dma_start3A_726 : memref<8x1024xf32, #tpu.memory_space<vmem>>) offsets(%dma_start3A_729 : memref<8xi32, #tpu.memory_space<vmem>>) semaphore(%arg12 : memref<!tpu.dma_semaphore, #tpu.memory_space<semaphore_mem>>)
    %dma_wait3A_733 = arith.constant 0 : i32
    %dma_wait3A_734 = arith.constant 0 : i32
    %dma_wait3A_735 = arith.constant 0 : i32
    %dma_wait3A_736 = tpu.memref_slice %arg7[%dma_wait3A_734, %dma_wait3A_735] : memref<32x1024xf32, #tpu.memory_space<vmem>> -> memref<8x1024xf32, #tpu.memory_space<vmem>>
    %dma_wait3A_737 = arith.constant 24 : i32
    %dma_wait3A_738 = tpu.memref_slice %arg6[%dma_wait3A_733, %dma_wait3A_737] : memref<4x64xi32, #tpu.memory_space<vmem>> -> memref<1x8xi32, #tpu.memory_space<vmem>>
    %dma_wait3A_739 = tpu.memref_squeeze %dma_wait3A_738 : memref<1x8xi32, #tpu.memory_space<vmem>> -> memref<8xi32, #tpu.memory_space<vmem>>
    %dma_wait3A_740 = arith.constant 0 : i32
    %dma_wait3A_741 = arith.constant 0 : i32
    %dma_wait3A_742 = tpu.memref_slice %arg3[%dma_wait3A_740, %dma_wait3A_741] : memref<100000x1024xf32, #tpu.memory_space<hbm>> -> memref<100000x1024xf32, #tpu.memory_space<hbm>>
    tpu.wait_indirect_dma semaphore(%arg11 : memref<!tpu.dma_semaphore, #tpu.memory_space<semaphore_mem>>) src(%dma_wait3A_742 : memref<100000x1024xf32, #tpu.memory_space<hbm>>) dst(%dma_wait3A_736 : memref<8x1024xf32, #tpu.memory_space<vmem>>)
    %dma_wait3A_743 = arith.constant 1 : i32
    %dma_wait3A_744 = arith.constant 8 : i32
    %dma_wait3A_745 = arith.constant 0 : i32
    %dma_wait3A_746 = tpu.memref_slice %arg7[%dma_wait3A_744, %dma_wait3A_745] : memref<32x1024xf32, #tpu.memory_space<vmem>> -> memref<8x1024xf32, #tpu.memory_space<vmem>>
    %dma_wait3A_747 = arith.constant 24 : i32
    %dma_wait3A_748 = tpu.memref_slice %arg6[%dma_wait3A_743, %dma_wait3A_747] : memref<4x64xi32, #tpu.memory_space<vmem>> -> memref<1x8xi32, #tpu.memory_space<vmem>>
    %dma_wait3A_749 = tpu.memref_squeeze %dma_wait3A_748 : memref<1x8xi32, #tpu.memory_space<vmem>> -> memref<8xi32, #tpu.memory_space<vmem>>
    %dma_wait3A_750 = arith.constant 0 : i32
    %dma_wait3A_751 = arith.constant 0 : i32
    %dma_wait3A_752 = tpu.memref_slice %arg3[%dma_wait3A_750, %dma_wait3A_751] : memref<100000x1024xf32, #tpu.memory_space<hbm>> -> memref<100000x1024xf32, #tpu.memory_space<hbm>>
    tpu.wait_indirect_dma semaphore(%arg11 : memref<!tpu.dma_semaphore, #tpu.memory_space<semaphore_mem>>) src(%dma_wait3A_752 : memref<100000x1024xf32, #tpu.memory_space<hbm>>) dst(%dma_wait3A_746 : memref<8x1024xf32, #tpu.memory_space<vmem>>)
    %dma_wait3A_753 = arith.constant 2 : i32
    %dma_wait3A_754 = arith.constant 16 : i32
    %dma_wait3A_755 = arith.constant 0 : i32
    %dma_wait3A_756 = tpu.memref_slice %arg7[%dma_wait3A_754, %dma_wait3A_755] : memref<32x1024xf32, #tpu.memory_space<vmem>> -> memref<8x1024xf32, #tpu.memory_space<vmem>>
    %dma_wait3A_757 = arith.constant 24 : i32
    %dma_wait3A_758 = tpu.memref_slice %arg6[%dma_wait3A_753, %dma_wait3A_757] : memref<4x64xi32, #tpu.memory_space<vmem>> -> memref<1x8xi32, #tpu.memory_space<vmem>>
    %dma_wait3A_759 = tpu.memref_squeeze %dma_wait3A_758 : memref<1x8xi32, #tpu.memory_space<vmem>> -> memref<8xi32, #tpu.memory_space<vmem>>
    %dma_wait3A_760 = arith.constant 0 : i32
    %dma_wait3A_761 = arith.constant 0 : i32
    %dma_wait3A_762 = tpu.memref_slice %arg3[%dma_wait3A_760, %dma_wait3A_761] : memref<100000x1024xf32, #tpu.memory_space<hbm>> -> memref<100000x1024xf32, #tpu.memory_space<hbm>>
    tpu.wait_indirect_dma semaphore(%arg11 : memref<!tpu.dma_semaphore, #tpu.memory_space<semaphore_mem>>) src(%dma_wait3A_762 : memref<100000x1024xf32, #tpu.memory_space<hbm>>) dst(%dma_wait3A_756 : memref<8x1024xf32, #tpu.memory_space<vmem>>)
    %dma_wait3A_763 = arith.constant 3 : i32
    %dma_wait3A_764 = arith.constant 24 : i32
    %dma_wait3A_765 = arith.constant 0 : i32
    %dma_wait3A_766 = tpu.memref_slice %arg7[%dma_wait3A_764, %dma_wait3A_765] : memref<32x1024xf32, #tpu.memory_space<vmem>> -> memref<8x1024xf32, #tpu.memory_space<vmem>>
    %dma_wait3A_767 = arith.constant 24 : i32
    %dma_wait3A_768 = tpu.memref_slice %arg6[%dma_wait3A_763, %dma_wait3A_767] : memref<4x64xi32, #tpu.memory_space<vmem>> -> memref<1x8xi32, #tpu.memory_space<vmem>>
    %dma_wait3A_769 = tpu.memref_squeeze %dma_wait3A_768 : memref<1x8xi32, #tpu.memory_space<vmem>> -> memref<8xi32, #tpu.memory_space<vmem>>
    %dma_wait3A_770 = arith.constant 0 : i32
    %dma_wait3A_771 = arith.constant 0 : i32
    %dma_wait3A_772 = tpu.memref_slice %arg3[%dma_wait3A_770, %dma_wait3A_771] : memref<100000x1024xf32, #tpu.memory_space<hbm>> -> memref<100000x1024xf32, #tpu.memory_space<hbm>>
    tpu.wait_indirect_dma semaphore(%arg11 : memref<!tpu.dma_semaphore, #tpu.memory_space<semaphore_mem>>) src(%dma_wait3A_772 : memref<100000x1024xf32, #tpu.memory_space<hbm>>) dst(%dma_wait3A_766 : memref<8x1024xf32, #tpu.memory_space<vmem>>)
    %scan3A_773 = arith.constant 0 : i32
    %scan3A_774 = arith.constant 0 : i32
    %scan3A_775 = arith.constant 8 : i32
    %scan3A_776 = arith.addi %scan3A_774, %scan3A_775 : i32
    %scan3A_777 = arith.constant 1 : i32
    %scan3A_778 = scf.for %scan3A_1700 = %scan3A_774 to %scan3A_776 step %scan3A_777 iter_args(%scan3A_1701 = %scan3A_773) -> (i32)  : i32 {
      %parallel_loop3A = arith.constant 0 : i32
      %parallel_loop3A_1702 = arith.constant 32 : i32
      %parallel_loop3A_1703 = arith.constant 1 : i32
      scf.for %parallel_loop3A_1705 = %parallel_loop3A to %parallel_loop3A_1702 step %parallel_loop3A_1703  : i32 {
        %parallel_loop3A_1706 = arith.constant 2 : i32
        %parallel_loop3A_1707 = arith.muli %parallel_loop3A_1705, %parallel_loop3A_1706 : i32
        %parallel_loop3A_1708 = arith.constant 16 : i32
        %parallel_loop3A_1709 = arith.muli %parallel_loop3A_1707, %parallel_loop3A_1708 : i32
        %parallel_loop3A_1710 = arith.index_cast %parallel_loop3A_1709 : i32 to index
        %parallel_loop3A_1711 = tpu.vector_load %arg10[%parallel_loop3A_1710] {strides = array<i32>} : memref<2048xf32, #tpu.memory_space<vmem>>, vector<16xf32>,
        %parallel_loop3A_1712 = vector.shape_cast %parallel_loop3A_1711 : vector<16xf32> to vector<16xf32>
        %parallel_loop3A_1713 = arith.constant 16 : i32
        %parallel_loop3A_1714 = arith.addi %parallel_loop3A_1709, %parallel_loop3A_1713 : i32
        %parallel_loop3A_1715 = arith.index_cast %parallel_loop3A_1714 : i32 to index
        %parallel_loop3A_1716 = tpu.vector_load %arg10[%parallel_loop3A_1715] {strides = array<i32>} : memref<2048xf32, #tpu.memory_space<vmem>>, vector<16xf32>,
        %parallel_loop3A_1717 = vector.shape_cast %parallel_loop3A_1716 : vector<16xf32> to vector<16xf32>
        %parallel_loop3A_1718 = arith.constant 16 : i32
        %parallel_loop3A_1719 = arith.muli %parallel_loop3A_1705, %parallel_loop3A_1718 : i32
        %parallel_loop3A_1720 = arith.constant 16 : i32
        %parallel_loop3A_1721 = arith.muli %parallel_loop3A_1705, %parallel_loop3A_1720 : i32
        %parallel_loop3A_1722 = arith.constant 512 : i32
        %parallel_loop3A_1723 = arith.addi %parallel_loop3A_1722, %parallel_loop3A_1721 : i32
        %parallel_loop3A_1724 = arith.constant 0 : i32
        %parallel_loop3A_1725 = arith.addi %parallel_loop3A_1724, %scan3A_1700 : i32
        %parallel_loop3A_1726 = arith.index_cast %parallel_loop3A_1725 : i32 to index
        %parallel_loop3A_1727 = arith.index_cast %parallel_loop3A_1719 : i32 to index
        %parallel_loop3A_1728 = tpu.vector_load %arg7[%parallel_loop3A_1726, %parallel_loop3A_1727] {strides = array<i32>} : memref<32x1024xf32, #tpu.memory_space<vmem>>, vector<1x16xf32>,
        %parallel_loop3A_1729 = vector.shape_cast %parallel_loop3A_1728 : vector<1x16xf32> to vector<16xf32>
        %parallel_loop3A_1730 = arith.constant 3.200000e+01 : f32
        %parallel_loop3A_1731 = vector.broadcast %parallel_loop3A_1730 : f32 to vector<16xf32>
        %parallel_loop3A_1732 = arith.mulf %parallel_loop3A_1729, %parallel_loop3A_1731 : vector<16xf32>
        %parallel_loop3A_1733 = arith.addf %parallel_loop3A_1732, %parallel_loop3A_1712 : vector<16xf32>
        %parallel_loop3A_1734 = arith.index_cast %parallel_loop3A_1725 : i32 to index
        %parallel_loop3A_1735 = arith.index_cast %parallel_loop3A_1719 : i32 to index
        %parallel_loop3A_1736 = tpu.vector_load %arg7[%parallel_loop3A_1734, %parallel_loop3A_1735] {strides = array<i32>} : memref<32x1024xf32, #tpu.memory_space<vmem>>, vector<1x16xf32>,
        %parallel_loop3A_1737 = vector.shape_cast %parallel_loop3A_1736 : vector<1x16xf32> to vector<16xf32>
        %parallel_loop3A_1738 = vector.shape_cast %parallel_loop3A_1733 : vector<16xf32> to vector<1x16xf32>
        tpu.vector_store %arg7[%parallel_loop3A_1734, %parallel_loop3A_1735], %parallel_loop3A_1738 {strides = array<i32>} : memref<32x1024xf32, #tpu.memory_space<vmem>>, vector<1x16xf32>,
        %parallel_loop3A_1739 = arith.index_cast %parallel_loop3A_1725 : i32 to index
        %parallel_loop3A_1740 = arith.index_cast %parallel_loop3A_1723 : i32 to index
        %parallel_loop3A_1741 = tpu.vector_load %arg7[%parallel_loop3A_1739, %parallel_loop3A_1740] {strides = array<i32>} : memref<32x1024xf32, #tpu.memory_space<vmem>>, vector<1x16xf32>,
        %parallel_loop3A_1742 = vector.shape_cast %parallel_loop3A_1741 : vector<1x16xf32> to vector<16xf32>
        %parallel_loop3A_1743 = arith.constant 3.200000e+01 : f32
        %parallel_loop3A_1744 = vector.broadcast %parallel_loop3A_1743 : f32 to vector<16xf32>
        %parallel_loop3A_1745 = arith.mulf %parallel_loop3A_1742, %parallel_loop3A_1744 : vector<16xf32>
        %parallel_loop3A_1746 = arith.addf %parallel_loop3A_1745, %parallel_loop3A_1717 : vector<16xf32>
        %parallel_loop3A_1747 = arith.index_cast %parallel_loop3A_1725 : i32 to index
        %parallel_loop3A_1748 = arith.index_cast %parallel_loop3A_1723 : i32 to index
        %parallel_loop3A_1749 = tpu.vector_load %arg7[%parallel_loop3A_1747, %parallel_loop3A_1748] {strides = array<i32>} : memref<32x1024xf32, #tpu.memory_space<vmem>>, vector<1x16xf32>,
        %parallel_loop3A_1750 = vector.shape_cast %parallel_loop3A_1749 : vector<1x16xf32> to vector<16xf32>
        %parallel_loop3A_1751 = vector.shape_cast %parallel_loop3A_1746 : vector<16xf32> to vector<1x16xf32>
        tpu.vector_store %arg7[%parallel_loop3A_1747, %parallel_loop3A_1748], %parallel_loop3A_1751 {strides = array<i32>} : memref<32x1024xf32, #tpu.memory_space<vmem>>, vector<1x16xf32>,
        %parallel_loop3A_1752 = arith.constant 8 : i32
        %parallel_loop3A_1753 = arith.addi %parallel_loop3A_1752, %scan3A_1700 : i32
        %parallel_loop3A_1754 = arith.index_cast %parallel_loop3A_1753 : i32 to index
        %parallel_loop3A_1755 = arith.index_cast %parallel_loop3A_1719 : i32 to index
        %parallel_loop3A_1756 = tpu.vector_load %arg7[%parallel_loop3A_1754, %parallel_loop3A_1755] {strides = array<i32>} : memref<32x1024xf32, #tpu.memory_space<vmem>>, vector<1x16xf32>,
        %parallel_loop3A_1757 = vector.shape_cast %parallel_loop3A_1756 : vector<1x16xf32> to vector<16xf32>
        %parallel_loop3A_1758 = arith.constant 3.200000e+01 : f32
        %parallel_loop3A_1759 = vector.broadcast %parallel_loop3A_1758 : f32 to vector<16xf32>
        %parallel_loop3A_1760 = arith.mulf %parallel_loop3A_1757, %parallel_loop3A_1759 : vector<16xf32>
        %parallel_loop3A_1761 = arith.addf %parallel_loop3A_1760, %parallel_loop3A_1712 : vector<16xf32>
        %parallel_loop3A_1762 = arith.index_cast %parallel_loop3A_1753 : i32 to index
        %parallel_loop3A_1763 = arith.index_cast %parallel_loop3A_1719 : i32 to index
        %parallel_loop3A_1764 = tpu.vector_load %arg7[%parallel_loop3A_1762, %parallel_loop3A_1763] {strides = array<i32>} : memref<32x1024xf32, #tpu.memory_space<vmem>>, vector<1x16xf32>,
        %parallel_loop3A_1765 = vector.shape_cast %parallel_loop3A_1764 : vector<1x16xf32> to vector<16xf32>
        %parallel_loop3A_1766 = vector.shape_cast %parallel_loop3A_1761 : vector<16xf32> to vector<1x16xf32>
        tpu.vector_store %arg7[%parallel_loop3A_1762, %parallel_loop3A_1763], %parallel_loop3A_1766 {strides = array<i32>} : memref<32x1024xf32, #tpu.memory_space<vmem>>, vector<1x16xf32>,
        %parallel_loop3A_1767 = arith.index_cast %parallel_loop3A_1753 : i32 to index
        %parallel_loop3A_1768 = arith.index_cast %parallel_loop3A_1723 : i32 to index
        %parallel_loop3A_1769 = tpu.vector_load %arg7[%parallel_loop3A_1767, %parallel_loop3A_1768] {strides = array<i32>} : memref<32x1024xf32, #tpu.memory_space<vmem>>, vector<1x16xf32>,
        %parallel_loop3A_1770 = vector.shape_cast %parallel_loop3A_1769 : vector<1x16xf32> to vector<16xf32>
        %parallel_loop3A_1771 = arith.constant 3.200000e+01 : f32
        %parallel_loop3A_1772 = vector.broadcast %parallel_loop3A_1771 : f32 to vector<16xf32>
        %parallel_loop3A_1773 = arith.mulf %parallel_loop3A_1770, %parallel_loop3A_1772 : vector<16xf32>
        %parallel_loop3A_1774 = arith.addf %parallel_loop3A_1773, %parallel_loop3A_1717 : vector<16xf32>
        %parallel_loop3A_1775 = arith.index_cast %parallel_loop3A_1753 : i32 to index
        %parallel_loop3A_1776 = arith.index_cast %parallel_loop3A_1723 : i32 to index
        %parallel_loop3A_1777 = tpu.vector_load %arg7[%parallel_loop3A_1775, %parallel_loop3A_1776] {strides = array<i32>} : memref<32x1024xf32, #tpu.memory_space<vmem>>, vector<1x16xf32>,
        %parallel_loop3A_1778 = vector.shape_cast %parallel_loop3A_1777 : vector<1x16xf32> to vector<16xf32>
        %parallel_loop3A_1779 = vector.shape_cast %parallel_loop3A_1774 : vector<16xf32> to vector<1x16xf32>
        tpu.vector_store %arg7[%parallel_loop3A_1775, %parallel_loop3A_1776], %parallel_loop3A_1779 {strides = array<i32>} : memref<32x1024xf32, #tpu.memory_space<vmem>>, vector<1x16xf32>,
        %parallel_loop3A_1780 = arith.constant 16 : i32
        %parallel_loop3A_1781 = arith.addi %parallel_loop3A_1780, %scan3A_1700 : i32
        %parallel_loop3A_1782 = arith.index_cast %parallel_loop3A_1781 : i32 to index
        %parallel_loop3A_1783 = arith.index_cast %parallel_loop3A_1719 : i32 to index
        %parallel_loop3A_1784 = tpu.vector_load %arg7[%parallel_loop3A_1782, %parallel_loop3A_1783] {strides = array<i32>} : memref<32x1024xf32, #tpu.memory_space<vmem>>, vector<1x16xf32>,
        %parallel_loop3A_1785 = vector.shape_cast %parallel_loop3A_1784 : vector<1x16xf32> to vector<16xf32>
        %parallel_loop3A_1786 = arith.constant 3.200000e+01 : f32
        %parallel_loop3A_1787 = vector.broadcast %parallel_loop3A_1786 : f32 to vector<16xf32>
        %parallel_loop3A_1788 = arith.mulf %parallel_loop3A_1785, %parallel_loop3A_1787 : vector<16xf32>
        %parallel_loop3A_1789 = arith.addf %parallel_loop3A_1788, %parallel_loop3A_1712 : vector<16xf32>
        %parallel_loop3A_1790 = arith.index_cast %parallel_loop3A_1781 : i32 to index
        %parallel_loop3A_1791 = arith.index_cast %parallel_loop3A_1719 : i32 to index
        %parallel_loop3A_1792 = tpu.vector_load %arg7[%parallel_loop3A_1790, %parallel_loop3A_1791] {strides = array<i32>} : memref<32x1024xf32, #tpu.memory_space<vmem>>, vector<1x16xf32>,
        %parallel_loop3A_1793 = vector.shape_cast %parallel_loop3A_1792 : vector<1x16xf32> to vector<16xf32>
        %parallel_loop3A_1794 = vector.shape_cast %parallel_loop3A_1789 : vector<16xf32> to vector<1x16xf32>
        tpu.vector_store %arg7[%parallel_loop3A_1790, %parallel_loop3A_1791], %parallel_loop3A_1794 {strides = array<i32>} : memref<32x1024xf32, #tpu.memory_space<vmem>>, vector<1x16xf32>,
        %parallel_loop3A_1795 = arith.index_cast %parallel_loop3A_1781 : i32 to index
        %parallel_loop3A_1796 = arith.index_cast %parallel_loop3A_1723 : i32 to index
        %parallel_loop3A_1797 = tpu.vector_load %arg7[%parallel_loop3A_1795, %parallel_loop3A_1796] {strides = array<i32>} : memref<32x1024xf32, #tpu.memory_space<vmem>>, vector<1x16xf32>,
        %parallel_loop3A_1798 = vector.shape_cast %parallel_loop3A_1797 : vector<1x16xf32> to vector<16xf32>
        %parallel_loop3A_1799 = arith.constant 3.200000e+01 : f32
        %parallel_loop3A_1800 = vector.broadcast %parallel_loop3A_1799 : f32 to vector<16xf32>
        %parallel_loop3A_1801 = arith.mulf %parallel_loop3A_1798, %parallel_loop3A_1800 : vector<16xf32>
        %parallel_loop3A_1802 = arith.addf %parallel_loop3A_1801, %parallel_loop3A_1717 : vector<16xf32>
        %parallel_loop3A_1803 = arith.index_cast %parallel_loop3A_1781 : i32 to index
        %parallel_loop3A_1804 = arith.index_cast %parallel_loop3A_1723 : i32 to index
        %parallel_loop3A_1805 = tpu.vector_load %arg7[%parallel_loop3A_1803, %parallel_loop3A_1804] {strides = array<i32>} : memref<32x1024xf32, #tpu.memory_space<vmem>>, vector<1x16xf32>,
        %parallel_loop3A_1806 = vector.shape_cast %parallel_loop3A_1805 : vector<1x16xf32> to vector<16xf32>
        %parallel_loop3A_1807 = vector.shape_cast %parallel_loop3A_1802 : vector<16xf32> to vector<1x16xf32>
        tpu.vector_store %arg7[%parallel_loop3A_1803, %parallel_loop3A_1804], %parallel_loop3A_1807 {strides = array<i32>} : memref<32x1024xf32, #tpu.memory_space<vmem>>, vector<1x16xf32>,
        %parallel_loop3A_1808 = arith.constant 24 : i32
        %parallel_loop3A_1809 = arith.addi %parallel_loop3A_1808, %scan3A_1700 : i32
        %parallel_loop3A_1810 = arith.index_cast %parallel_loop3A_1809 : i32 to index
        %parallel_loop3A_1811 = arith.index_cast %parallel_loop3A_1719 : i32 to index
        %parallel_loop3A_1812 = tpu.vector_load %arg7[%parallel_loop3A_1810, %parallel_loop3A_1811] {strides = array<i32>} : memref<32x1024xf32, #tpu.memory_space<vmem>>, vector<1x16xf32>,
        %parallel_loop3A_1813 = vector.shape_cast %parallel_loop3A_1812 : vector<1x16xf32> to vector<16xf32>
        %parallel_loop3A_1814 = arith.constant 3.200000e+01 : f32
        %parallel_loop3A_1815 = vector.broadcast %parallel_loop3A_1814 : f32 to vector<16xf32>
        %parallel_loop3A_1816 = arith.mulf %parallel_loop3A_1813, %parallel_loop3A_1815 : vector<16xf32>
        %parallel_loop3A_1817 = arith.addf %parallel_loop3A_1816, %parallel_loop3A_1712 : vector<16xf32>
        %parallel_loop3A_1818 = arith.index_cast %parallel_loop3A_1809 : i32 to index
        %parallel_loop3A_1819 = arith.index_cast %parallel_loop3A_1719 : i32 to index
        %parallel_loop3A_1820 = tpu.vector_load %arg7[%parallel_loop3A_1818, %parallel_loop3A_1819] {strides = array<i32>} : memref<32x1024xf32, #tpu.memory_space<vmem>>, vector<1x16xf32>,
        %parallel_loop3A_1821 = vector.shape_cast %parallel_loop3A_1820 : vector<1x16xf32> to vector<16xf32>
        %parallel_loop3A_1822 = vector.shape_cast %parallel_loop3A_1817 : vector<16xf32> to vector<1x16xf32>
        tpu.vector_store %arg7[%parallel_loop3A_1818, %parallel_loop3A_1819], %parallel_loop3A_1822 {strides = array<i32>} : memref<32x1024xf32, #tpu.memory_space<vmem>>, vector<1x16xf32>,
        %parallel_loop3A_1823 = arith.index_cast %parallel_loop3A_1809 : i32 to index
        %parallel_loop3A_1824 = arith.index_cast %parallel_loop3A_1723 : i32 to index
        %parallel_loop3A_1825 = tpu.vector_load %arg7[%parallel_loop3A_1823, %parallel_loop3A_1824] {strides = array<i32>} : memref<32x1024xf32, #tpu.memory_space<vmem>>, vector<1x16xf32>,
        %parallel_loop3A_1826 = vector.shape_cast %parallel_loop3A_1825 : vector<1x16xf32> to vector<16xf32>
        %parallel_loop3A_1827 = arith.constant 3.200000e+01 : f32
        %parallel_loop3A_1828 = vector.broadcast %parallel_loop3A_1827 : f32 to vector<16xf32>
        %parallel_loop3A_1829 = arith.mulf %parallel_loop3A_1826, %parallel_loop3A_1828 : vector<16xf32>
        %parallel_loop3A_1830 = arith.addf %parallel_loop3A_1829, %parallel_loop3A_1717 : vector<16xf32>
        %parallel_loop3A_1831 = arith.index_cast %parallel_loop3A_1809 : i32 to index
        %parallel_loop3A_1832 = arith.index_cast %parallel_loop3A_1723 : i32 to index
        %parallel_loop3A_1833 = tpu.vector_load %arg7[%parallel_loop3A_1831, %parallel_loop3A_1832] {strides = array<i32>} : memref<32x1024xf32, #tpu.memory_space<vmem>>, vector<1x16xf32>,
        %parallel_loop3A_1834 = vector.shape_cast %parallel_loop3A_1833 : vector<1x16xf32> to vector<16xf32>
        %parallel_loop3A_1835 = vector.shape_cast %parallel_loop3A_1830 : vector<16xf32> to vector<1x16xf32>
        tpu.vector_store %arg7[%parallel_loop3A_1831, %parallel_loop3A_1832], %parallel_loop3A_1835 {strides = array<i32>} : memref<32x1024xf32, #tpu.memory_space<vmem>>, vector<1x16xf32>,
        %parallel_loop3A_1836 = arith.constant 1024 : i32
        %parallel_loop3A_1837 = arith.addi %parallel_loop3A_1836, %parallel_loop3A_1709 : i32
        %parallel_loop3A_1838 = arith.index_cast %parallel_loop3A_1837 : i32 to index
        %parallel_loop3A_1839 = tpu.vector_load %arg10[%parallel_loop3A_1838] {strides = array<i32>} : memref<2048xf32, #tpu.memory_space<vmem>>, vector<16xf32>,
        %parallel_loop3A_1840 = vector.shape_cast %parallel_loop3A_1839 : vector<16xf32> to vector<16xf32>
        %parallel_loop3A_1841 = arith.constant 1024 : i32
        %parallel_loop3A_1842 = arith.addi %parallel_loop3A_1841, %parallel_loop3A_1709 : i32
        %parallel_loop3A_1843 = arith.constant 16 : i32
        %parallel_loop3A_1844 = arith.addi %parallel_loop3A_1842, %parallel_loop3A_1843 : i32
        %parallel_loop3A_1845 = arith.index_cast %parallel_loop3A_1844 : i32 to index
        %parallel_loop3A_1846 = tpu.vector_load %arg10[%parallel_loop3A_1845] {strides = array<i32>} : memref<2048xf32, #tpu.memory_space<vmem>>, vector<16xf32>,
        %parallel_loop3A_1847 = vector.shape_cast %parallel_loop3A_1846 : vector<16xf32> to vector<16xf32>
        %parallel_loop3A_1848 = arith.mulf %parallel_loop3A_1712, %parallel_loop3A_1840 : vector<16xf32>
        %parallel_loop3A_1849 = arith.mulf %parallel_loop3A_1717, %parallel_loop3A_1847 : vector<16xf32>
        %parallel_loop3A_1850 = arith.addf %parallel_loop3A_1848, %parallel_loop3A_1849 : vector<16xf32>
        %parallel_loop3A_1851 = arith.index_cast %parallel_loop3A_1709 : i32 to index
        %parallel_loop3A_1852 = tpu.vector_load %arg10[%parallel_loop3A_1851] {strides = array<i32>} : memref<2048xf32, #tpu.memory_space<vmem>>, vector<16xf32>,
        %parallel_loop3A_1853 = vector.shape_cast %parallel_loop3A_1852 : vector<16xf32> to vector<16xf32>
        %parallel_loop3A_1854 = vector.shape_cast %parallel_loop3A_1850 : vector<16xf32> to vector<16xf32>
        tpu.vector_store %arg10[%parallel_loop3A_1851], %parallel_loop3A_1854 {strides = array<i32>} : memref<2048xf32, #tpu.memory_space<vmem>>, vector<16xf32>,
        %parallel_loop3A_1855 = arith.mulf %parallel_loop3A_1717, %parallel_loop3A_1840 : vector<16xf32>
        %parallel_loop3A_1856 = arith.mulf %parallel_loop3A_1712, %parallel_loop3A_1847 : vector<16xf32>
        %parallel_loop3A_1857 = arith.subf %parallel_loop3A_1855, %parallel_loop3A_1856 : vector<16xf32>
        %parallel_loop3A_1858 = arith.constant 16 : i32
        %parallel_loop3A_1859 = arith.addi %parallel_loop3A_1709, %parallel_loop3A_1858 : i32
        %parallel_loop3A_1860 = arith.index_cast %parallel_loop3A_1859 : i32 to index
        %parallel_loop3A_1861 = tpu.vector_load %arg10[%parallel_loop3A_1860] {strides = array<i32>} : memref<2048xf32, #tpu.memory_space<vmem>>, vector<16xf32>,
        %parallel_loop3A_1862 = vector.shape_cast %parallel_loop3A_1861 : vector<16xf32> to vector<16xf32>
        %parallel_loop3A_1863 = vector.shape_cast %parallel_loop3A_1857 : vector<16xf32> to vector<16xf32>
        tpu.vector_store %arg10[%parallel_loop3A_1860], %parallel_loop3A_1863 {strides = array<i32>} : memref<2048xf32, #tpu.memory_space<vmem>>, vector<16xf32>,
      } {sc.loop_unroll_factor = 1 : i64, sc.parallel_access}
      %scan3A_1704 = arith.constant 0 : i32
      scf.yield %scan3A_1704 : i32
    }
    %scan3A_779 = arith.constant 8 : i32
    %add3A_780 = arith.constant 24 : i32
    %add3A_781 = arith.addi %mul3A_2, %add3A_780 : i32
    %dma_start3A_782 = arith.constant 0 : i32
    %dma_start3A_783 = arith.constant 0 : i32
    %dma_start3A_784 = arith.constant 0 : i32
    %dma_start3A_785 = tpu.memref_slice %arg7[%dma_start3A_783, %dma_start3A_784] : memref<32x1024xf32, #tpu.memory_space<vmem>> -> memref<8x1024xf32, #tpu.memory_space<vmem>>
    %dma_start3A_786 = arith.constant 0 : i32
    %dma_start3A_787 = tpu.memref_slice %arg5[%dma_start3A_782, %add3A_781, %dma_start3A_786] : memref<4x2048x1024xf32, #tpu.memory_space<hbm>> -> memref<1x8x1024xf32, #tpu.memory_space<hbm>>
    %dma_start3A_788 = tpu.memref_squeeze %dma_start3A_787 : memref<1x8x1024xf32, #tpu.memory_space<hbm>> -> memref<8x1024xf32, #tpu.memory_space<hbm>>
    %dma_start3A_789 = arith.constant 0 : i32
    %dma_start3A_790 = tpu.memref_slice %arg5[%dma_start3A_782, %add3A_781, %dma_start3A_789] : memref<4x2048x1024xf32, #tpu.memory_space<hbm>> -> memref<1x8x1024xf32, #tpu.memory_space<hbm>>
    %dma_start3A_791 = tpu.memref_squeeze %dma_start3A_790 : memref<1x8x1024xf32, #tpu.memory_space<hbm>> -> memref<8x1024xf32, #tpu.memory_space<hbm>>
    %dma_start3A_792 = arith.constant 0 : i32
    %dma_start3A_793 = arith.constant 0 : i32
    %dma_start3A_794 = tpu.memref_slice %arg7[%dma_start3A_792, %dma_start3A_793] : memref<32x1024xf32, #tpu.memory_space<vmem>> -> memref<8x1024xf32, #tpu.memory_space<vmem>>
    tpu.enqueue_dma source(%dma_start3A_794 : memref<8x1024xf32, #tpu.memory_space<vmem>>) target(%dma_start3A_791 : memref<8x1024xf32, #tpu.memory_space<hbm>>) target_semaphore(%arg14 : memref<!tpu.dma_semaphore, #tpu.memory_space<semaphore_mem>>)
    %add3A_795 = arith.constant 24 : i32
    %add3A_796 = arith.addi %mul3A_2, %add3A_795 : i32
    %dma_start3A_797 = arith.constant 1 : i32
    %dma_start3A_798 = arith.constant 8 : i32
    %dma_start3A_799 = arith.constant 0 : i32
    %dma_start3A_800 = tpu.memref_slice %arg7[%dma_start3A_798, %dma_start3A_799] : memref<32x1024xf32, #tpu.memory_space<vmem>> -> memref<8x1024xf32, #tpu.memory_space<vmem>>
    %dma_start3A_801 = arith.constant 0 : i32
    %dma_start3A_802 = tpu.memref_slice %arg5[%dma_start3A_797, %add3A_796, %dma_start3A_801] : memref<4x2048x1024xf32, #tpu.memory_space<hbm>> -> memref<1x8x1024xf32, #tpu.memory_space<hbm>>
    %dma_start3A_803 = tpu.memref_squeeze %dma_start3A_802 : memref<1x8x1024xf32, #tpu.memory_space<hbm>> -> memref<8x1024xf32, #tpu.memory_space<hbm>>
    %dma_start3A_804 = arith.constant 0 : i32
    %dma_start3A_805 = tpu.memref_slice %arg5[%dma_start3A_797, %add3A_796, %dma_start3A_804] : memref<4x2048x1024xf32, #tpu.memory_space<hbm>> -> memref<1x8x1024xf32, #tpu.memory_space<hbm>>
    %dma_start3A_806 = tpu.memref_squeeze %dma_start3A_805 : memref<1x8x1024xf32, #tpu.memory_space<hbm>> -> memref<8x1024xf32, #tpu.memory_space<hbm>>
    %dma_start3A_807 = arith.constant 8 : i32
    %dma_start3A_808 = arith.constant 0 : i32
    %dma_start3A_809 = tpu.memref_slice %arg7[%dma_start3A_807, %dma_start3A_808] : memref<32x1024xf32, #tpu.memory_space<vmem>> -> memref<8x1024xf32, #tpu.memory_space<vmem>>
    tpu.enqueue_dma source(%dma_start3A_809 : memref<8x1024xf32, #tpu.memory_space<vmem>>) target(%dma_start3A_806 : memref<8x1024xf32, #tpu.memory_space<hbm>>) target_semaphore(%arg14 : memref<!tpu.dma_semaphore, #tpu.memory_space<semaphore_mem>>)
    %add3A_810 = arith.constant 24 : i32
    %add3A_811 = arith.addi %mul3A_2, %add3A_810 : i32
    %dma_start3A_812 = arith.constant 2 : i32
    %dma_start3A_813 = arith.constant 16 : i32
    %dma_start3A_814 = arith.constant 0 : i32
    %dma_start3A_815 = tpu.memref_slice %arg7[%dma_start3A_813, %dma_start3A_814] : memref<32x1024xf32, #tpu.memory_space<vmem>> -> memref<8x1024xf32, #tpu.memory_space<vmem>>
    %dma_start3A_816 = arith.constant 0 : i32
    %dma_start3A_817 = tpu.memref_slice %arg5[%dma_start3A_812, %add3A_811, %dma_start3A_816] : memref<4x2048x1024xf32, #tpu.memory_space<hbm>> -> memref<1x8x1024xf32, #tpu.memory_space<hbm>>
    %dma_start3A_818 = tpu.memref_squeeze %dma_start3A_817 : memref<1x8x1024xf32, #tpu.memory_space<hbm>> -> memref<8x1024xf32, #tpu.memory_space<hbm>>
    %dma_start3A_819 = arith.constant 0 : i32
    %dma_start3A_820 = tpu.memref_slice %arg5[%dma_start3A_812, %add3A_811, %dma_start3A_819] : memref<4x2048x1024xf32, #tpu.memory_space<hbm>> -> memref<1x8x1024xf32, #tpu.memory_space<hbm>>
    %dma_start3A_821 = tpu.memref_squeeze %dma_start3A_820 : memref<1x8x1024xf32, #tpu.memory_space<hbm>> -> memref<8x1024xf32, #tpu.memory_space<hbm>>
    %dma_start3A_822 = arith.constant 16 : i32
    %dma_start3A_823 = arith.constant 0 : i32
    %dma_start3A_824 = tpu.memref_slice %arg7[%dma_start3A_822, %dma_start3A_823] : memref<32x1024xf32, #tpu.memory_space<vmem>> -> memref<8x1024xf32, #tpu.memory_space<vmem>>
    tpu.enqueue_dma source(%dma_start3A_824 : memref<8x1024xf32, #tpu.memory_space<vmem>>) target(%dma_start3A_821 : memref<8x1024xf32, #tpu.memory_space<hbm>>) target_semaphore(%arg14 : memref<!tpu.dma_semaphore, #tpu.memory_space<semaphore_mem>>)
    %add3A_825 = arith.constant 24 : i32
    %add3A_826 = arith.addi %mul3A_2, %add3A_825 : i32
    %dma_start3A_827 = arith.constant 3 : i32
    %dma_start3A_828 = arith.constant 24 : i32
    %dma_start3A_829 = arith.constant 0 : i32
    %dma_start3A_830 = tpu.memref_slice %arg7[%dma_start3A_828, %dma_start3A_829] : memref<32x1024xf32, #tpu.memory_space<vmem>> -> memref<8x1024xf32, #tpu.memory_space<vmem>>
    %dma_start3A_831 = arith.constant 0 : i32
    %dma_start3A_832 = tpu.memref_slice %arg5[%dma_start3A_827, %add3A_826, %dma_start3A_831] : memref<4x2048x1024xf32, #tpu.memory_space<hbm>> -> memref<1x8x1024xf32, #tpu.memory_space<hbm>>
    %dma_start3A_833 = tpu.memref_squeeze %dma_start3A_832 : memref<1x8x1024xf32, #tpu.memory_space<hbm>> -> memref<8x1024xf32, #tpu.memory_space<hbm>>
    %dma_start3A_834 = arith.constant 0 : i32
    %dma_start3A_835 = tpu.memref_slice %arg5[%dma_start3A_827, %add3A_826, %dma_start3A_834] : memref<4x2048x1024xf32, #tpu.memory_space<hbm>> -> memref<1x8x1024xf32, #tpu.memory_space<hbm>>
    %dma_start3A_836 = tpu.memref_squeeze %dma_start3A_835 : memref<1x8x1024xf32, #tpu.memory_space<hbm>> -> memref<8x1024xf32, #tpu.memory_space<hbm>>
    %dma_start3A_837 = arith.constant 24 : i32
    %dma_start3A_838 = arith.constant 0 : i32
    %dma_start3A_839 = tpu.memref_slice %arg7[%dma_start3A_837, %dma_start3A_838] : memref<32x1024xf32, #tpu.memory_space<vmem>> -> memref<8x1024xf32, #tpu.memory_space<vmem>>
    tpu.enqueue_dma source(%dma_start3A_839 : memref<8x1024xf32, #tpu.memory_space<vmem>>) target(%dma_start3A_836 : memref<8x1024xf32, #tpu.memory_space<hbm>>) target_semaphore(%arg14 : memref<!tpu.dma_semaphore, #tpu.memory_space<semaphore_mem>>)
    %dma_wait3A_840 = arith.constant 0 : i32
    %dma_wait3A_841 = arith.constant 0 : i32
    %dma_wait3A_842 = arith.constant 0 : i32
    %dma_wait3A_843 = tpu.memref_slice %arg9[%dma_wait3A_841, %dma_wait3A_842] : memref<32x1024xf32, #tpu.memory_space<vmem>> -> memref<8x1024xf32, #tpu.memory_space<vmem>>
    %dma_wait3A_844 = arith.constant 0 : i32
    %dma_wait3A_845 = tpu.memref_slice %arg5[%dma_wait3A_840, %add3A_582, %dma_wait3A_844] : memref<4x2048x1024xf32, #tpu.memory_space<hbm>> -> memref<1x8x1024xf32, #tpu.memory_space<hbm>>
    %dma_wait3A_846 = tpu.memref_squeeze %dma_wait3A_845 : memref<1x8x1024xf32, #tpu.memory_space<hbm>> -> memref<8x1024xf32, #tpu.memory_space<hbm>>
    %dma_wait3A_847 = arith.constant 0 : i32
    %dma_wait3A_848 = tpu.memref_slice %arg5[%dma_wait3A_840, %add3A_582, %dma_wait3A_847] : memref<4x2048x1024xf32, #tpu.memory_space<hbm>> -> memref<1x8x1024xf32, #tpu.memory_space<hbm>>
    %dma_wait3A_849 = tpu.memref_squeeze %dma_wait3A_848 : memref<1x8x1024xf32, #tpu.memory_space<hbm>> -> memref<8x1024xf32, #tpu.memory_space<hbm>>
    %dma_wait3A_850 = arith.constant 0 : i32
    %dma_wait3A_851 = arith.constant 0 : i32
    %dma_wait3A_852 = tpu.memref_slice %arg9[%dma_wait3A_850, %dma_wait3A_851] : memref<32x1024xf32, #tpu.memory_space<vmem>> -> memref<8x1024xf32, #tpu.memory_space<vmem>>
    tpu.wait_dma2 semaphore(%arg16 : memref<!tpu.dma_semaphore, #tpu.memory_space<semaphore_mem>>) src(%dma_wait3A_852 : memref<8x1024xf32, #tpu.memory_space<vmem>>) dst(%dma_wait3A_849 : memref<8x1024xf32, #tpu.memory_space<hbm>>)
    %dma_wait3A_853 = arith.constant 1 : i32
    %dma_wait3A_854 = arith.constant 8 : i32
    %dma_wait3A_855 = arith.constant 0 : i32
    %dma_wait3A_856 = tpu.memref_slice %arg9[%dma_wait3A_854, %dma_wait3A_855] : memref<32x1024xf32, #tpu.memory_space<vmem>> -> memref<8x1024xf32, #tpu.memory_space<vmem>>
    %dma_wait3A_857 = arith.constant 0 : i32
    %dma_wait3A_858 = tpu.memref_slice %arg5[%dma_wait3A_853, %add3A_597, %dma_wait3A_857] : memref<4x2048x1024xf32, #tpu.memory_space<hbm>> -> memref<1x8x1024xf32, #tpu.memory_space<hbm>>
    %dma_wait3A_859 = tpu.memref_squeeze %dma_wait3A_858 : memref<1x8x1024xf32, #tpu.memory_space<hbm>> -> memref<8x1024xf32, #tpu.memory_space<hbm>>
    %dma_wait3A_860 = arith.constant 0 : i32
    %dma_wait3A_861 = tpu.memref_slice %arg5[%dma_wait3A_853, %add3A_597, %dma_wait3A_860] : memref<4x2048x1024xf32, #tpu.memory_space<hbm>> -> memref<1x8x1024xf32, #tpu.memory_space<hbm>>
    %dma_wait3A_862 = tpu.memref_squeeze %dma_wait3A_861 : memref<1x8x1024xf32, #tpu.memory_space<hbm>> -> memref<8x1024xf32, #tpu.memory_space<hbm>>
    %dma_wait3A_863 = arith.constant 8 : i32
    %dma_wait3A_864 = arith.constant 0 : i32
    %dma_wait3A_865 = tpu.memref_slice %arg9[%dma_wait3A_863, %dma_wait3A_864] : memref<32x1024xf32, #tpu.memory_space<vmem>> -> memref<8x1024xf32, #tpu.memory_space<vmem>>
    tpu.wait_dma2 semaphore(%arg16 : memref<!tpu.dma_semaphore, #tpu.memory_space<semaphore_mem>>) src(%dma_wait3A_865 : memref<8x1024xf32, #tpu.memory_space<vmem>>) dst(%dma_wait3A_862 : memref<8x1024xf32, #tpu.memory_space<hbm>>)
    %dma_wait3A_866 = arith.constant 2 : i32
    %dma_wait3A_867 = arith.constant 16 : i32
    %dma_wait3A_868 = arith.constant 0 : i32
    %dma_wait3A_869 = tpu.memref_slice %arg9[%dma_wait3A_867, %dma_wait3A_868] : memref<32x1024xf32, #tpu.memory_space<vmem>> -> memref<8x1024xf32, #tpu.memory_space<vmem>>
    %dma_wait3A_870 = arith.constant 0 : i32
    %dma_wait3A_871 = tpu.memref_slice %arg5[%dma_wait3A_866, %add3A_612, %dma_wait3A_870] : memref<4x2048x1024xf32, #tpu.memory_space<hbm>> -> memref<1x8x1024xf32, #tpu.memory_space<hbm>>
    %dma_wait3A_872 = tpu.memref_squeeze %dma_wait3A_871 : memref<1x8x1024xf32, #tpu.memory_space<hbm>> -> memref<8x1024xf32, #tpu.memory_space<hbm>>
    %dma_wait3A_873 = arith.constant 0 : i32
    %dma_wait3A_874 = tpu.memref_slice %arg5[%dma_wait3A_866, %add3A_612, %dma_wait3A_873] : memref<4x2048x1024xf32, #tpu.memory_space<hbm>> -> memref<1x8x1024xf32, #tpu.memory_space<hbm>>
    %dma_wait3A_875 = tpu.memref_squeeze %dma_wait3A_874 : memref<1x8x1024xf32, #tpu.memory_space<hbm>> -> memref<8x1024xf32, #tpu.memory_space<hbm>>
    %dma_wait3A_876 = arith.constant 16 : i32
    %dma_wait3A_877 = arith.constant 0 : i32
    %dma_wait3A_878 = tpu.memref_slice %arg9[%dma_wait3A_876, %dma_wait3A_877] : memref<32x1024xf32, #tpu.memory_space<vmem>> -> memref<8x1024xf32, #tpu.memory_space<vmem>>
    tpu.wait_dma2 semaphore(%arg16 : memref<!tpu.dma_semaphore, #tpu.memory_space<semaphore_mem>>) src(%dma_wait3A_878 : memref<8x1024xf32, #tpu.memory_space<vmem>>) dst(%dma_wait3A_875 : memref<8x1024xf32, #tpu.memory_space<hbm>>)
    %dma_wait3A_879 = arith.constant 3 : i32
    %dma_wait3A_880 = arith.constant 24 : i32
    %dma_wait3A_881 = arith.constant 0 : i32
    %dma_wait3A_882 = tpu.memref_slice %arg9[%dma_wait3A_880, %dma_wait3A_881] : memref<32x1024xf32, #tpu.memory_space<vmem>> -> memref<8x1024xf32, #tpu.memory_space<vmem>>
    %dma_wait3A_883 = arith.constant 0 : i32
    %dma_wait3A_884 = tpu.memref_slice %arg5[%dma_wait3A_879, %add3A_627, %dma_wait3A_883] : memref<4x2048x1024xf32, #tpu.memory_space<hbm>> -> memref<1x8x1024xf32, #tpu.memory_space<hbm>>
    %dma_wait3A_885 = tpu.memref_squeeze %dma_wait3A_884 : memref<1x8x1024xf32, #tpu.memory_space<hbm>> -> memref<8x1024xf32, #tpu.memory_space<hbm>>
    %dma_wait3A_886 = arith.constant 0 : i32
    %dma_wait3A_887 = tpu.memref_slice %arg5[%dma_wait3A_879, %add3A_627, %dma_wait3A_886] : memref<4x2048x1024xf32, #tpu.memory_space<hbm>> -> memref<1x8x1024xf32, #tpu.memory_space<hbm>>
    %dma_wait3A_888 = tpu.memref_squeeze %dma_wait3A_887 : memref<1x8x1024xf32, #tpu.memory_space<hbm>> -> memref<8x1024xf32, #tpu.memory_space<hbm>>
    %dma_wait3A_889 = arith.constant 24 : i32
    %dma_wait3A_890 = arith.constant 0 : i32
    %dma_wait3A_891 = tpu.memref_slice %arg9[%dma_wait3A_889, %dma_wait3A_890] : memref<32x1024xf32, #tpu.memory_space<vmem>> -> memref<8x1024xf32, #tpu.memory_space<vmem>>
    tpu.wait_dma2 semaphore(%arg16 : memref<!tpu.dma_semaphore, #tpu.memory_space<semaphore_mem>>) src(%dma_wait3A_891 : memref<8x1024xf32, #tpu.memory_space<vmem>>) dst(%dma_wait3A_888 : memref<8x1024xf32, #tpu.memory_space<hbm>>)
    %dma_start3A_892 = arith.constant 0 : i32
    %dma_start3A_893 = arith.constant 0 : i32
    %dma_start3A_894 = arith.constant 0 : i32
    %dma_start3A_895 = tpu.memref_slice %arg9[%dma_start3A_893, %dma_start3A_894] : memref<32x1024xf32, #tpu.memory_space<vmem>> -> memref<8x1024xf32, #tpu.memory_space<vmem>>
    %dma_start3A_896 = arith.constant 40 : i32
    %dma_start3A_897 = tpu.memref_slice %arg6[%dma_start3A_892, %dma_start3A_896] : memref<4x64xi32, #tpu.memory_space<vmem>> -> memref<1x8xi32, #tpu.memory_space<vmem>>
    %dma_start3A_898 = tpu.memref_squeeze %dma_start3A_897 : memref<1x8xi32, #tpu.memory_space<vmem>> -> memref<8xi32, #tpu.memory_space<vmem>>
    %dma_start3A_899 = arith.constant 0 : i32
    %dma_start3A_900 = arith.constant 0 : i32
    %dma_start3A_901 = tpu.memref_slice %arg3[%dma_start3A_899, %dma_start3A_900] : memref<100000x1024xf32, #tpu.memory_space<hbm>> -> memref<100000x1024xf32, #tpu.memory_space<hbm>>
    tpu.enqueue_indirect_dma source(%dma_start3A_901 : memref<100000x1024xf32, #tpu.memory_space<hbm>>) target(%dma_start3A_895 : memref<8x1024xf32, #tpu.memory_space<vmem>>) offsets(%dma_start3A_898 : memref<8xi32, #tpu.memory_space<vmem>>) semaphore(%arg13 : memref<!tpu.dma_semaphore, #tpu.memory_space<semaphore_mem>>)
    %dma_start3A_902 = arith.constant 1 : i32
    %dma_start3A_903 = arith.constant 8 : i32
    %dma_start3A_904 = arith.constant 0 : i32
    %dma_start3A_905 = tpu.memref_slice %arg9[%dma_start3A_903, %dma_start3A_904] : memref<32x1024xf32, #tpu.memory_space<vmem>> -> memref<8x1024xf32, #tpu.memory_space<vmem>>
    %dma_start3A_906 = arith.constant 40 : i32
    %dma_start3A_907 = tpu.memref_slice %arg6[%dma_start3A_902, %dma_start3A_906] : memref<4x64xi32, #tpu.memory_space<vmem>> -> memref<1x8xi32, #tpu.memory_space<vmem>>
    %dma_start3A_908 = tpu.memref_squeeze %dma_start3A_907 : memref<1x8xi32, #tpu.memory_space<vmem>> -> memref<8xi32, #tpu.memory_space<vmem>>
    %dma_start3A_909 = arith.constant 0 : i32
    %dma_start3A_910 = arith.constant 0 : i32
    %dma_start3A_911 = tpu.memref_slice %arg3[%dma_start3A_909, %dma_start3A_910] : memref<100000x1024xf32, #tpu.memory_space<hbm>> -> memref<100000x1024xf32, #tpu.memory_space<hbm>>
    tpu.enqueue_indirect_dma source(%dma_start3A_911 : memref<100000x1024xf32, #tpu.memory_space<hbm>>) target(%dma_start3A_905 : memref<8x1024xf32, #tpu.memory_space<vmem>>) offsets(%dma_start3A_908 : memref<8xi32, #tpu.memory_space<vmem>>) semaphore(%arg13 : memref<!tpu.dma_semaphore, #tpu.memory_space<semaphore_mem>>)
    %dma_start3A_912 = arith.constant 2 : i32
    %dma_start3A_913 = arith.constant 16 : i32
    %dma_start3A_914 = arith.constant 0 : i32
    %dma_start3A_915 = tpu.memref_slice %arg9[%dma_start3A_913, %dma_start3A_914] : memref<32x1024xf32, #tpu.memory_space<vmem>> -> memref<8x1024xf32, #tpu.memory_space<vmem>>
    %dma_start3A_916 = arith.constant 40 : i32
    %dma_start3A_917 = tpu.memref_slice %arg6[%dma_start3A_912, %dma_start3A_916] : memref<4x64xi32, #tpu.memory_space<vmem>> -> memref<1x8xi32, #tpu.memory_space<vmem>>
    %dma_start3A_918 = tpu.memref_squeeze %dma_start3A_917 : memref<1x8xi32, #tpu.memory_space<vmem>> -> memref<8xi32, #tpu.memory_space<vmem>>
    %dma_start3A_919 = arith.constant 0 : i32
    %dma_start3A_920 = arith.constant 0 : i32
    %dma_start3A_921 = tpu.memref_slice %arg3[%dma_start3A_919, %dma_start3A_920] : memref<100000x1024xf32, #tpu.memory_space<hbm>> -> memref<100000x1024xf32, #tpu.memory_space<hbm>>
    tpu.enqueue_indirect_dma source(%dma_start3A_921 : memref<100000x1024xf32, #tpu.memory_space<hbm>>) target(%dma_start3A_915 : memref<8x1024xf32, #tpu.memory_space<vmem>>) offsets(%dma_start3A_918 : memref<8xi32, #tpu.memory_space<vmem>>) semaphore(%arg13 : memref<!tpu.dma_semaphore, #tpu.memory_space<semaphore_mem>>)
    %dma_start3A_922 = arith.constant 3 : i32
    %dma_start3A_923 = arith.constant 24 : i32
    %dma_start3A_924 = arith.constant 0 : i32
    %dma_start3A_925 = tpu.memref_slice %arg9[%dma_start3A_923, %dma_start3A_924] : memref<32x1024xf32, #tpu.memory_space<vmem>> -> memref<8x1024xf32, #tpu.memory_space<vmem>>
    %dma_start3A_926 = arith.constant 40 : i32
    %dma_start3A_927 = tpu.memref_slice %arg6[%dma_start3A_922, %dma_start3A_926] : memref<4x64xi32, #tpu.memory_space<vmem>> -> memref<1x8xi32, #tpu.memory_space<vmem>>
    %dma_start3A_928 = tpu.memref_squeeze %dma_start3A_927 : memref<1x8xi32, #tpu.memory_space<vmem>> -> memref<8xi32, #tpu.memory_space<vmem>>
    %dma_start3A_929 = arith.constant 0 : i32
    %dma_start3A_930 = arith.constant 0 : i32
    %dma_start3A_931 = tpu.memref_slice %arg3[%dma_start3A_929, %dma_start3A_930] : memref<100000x1024xf32, #tpu.memory_space<hbm>> -> memref<100000x1024xf32, #tpu.memory_space<hbm>>
    tpu.enqueue_indirect_dma source(%dma_start3A_931 : memref<100000x1024xf32, #tpu.memory_space<hbm>>) target(%dma_start3A_925 : memref<8x1024xf32, #tpu.memory_space<vmem>>) offsets(%dma_start3A_928 : memref<8xi32, #tpu.memory_space<vmem>>) semaphore(%arg13 : memref<!tpu.dma_semaphore, #tpu.memory_space<semaphore_mem>>)
    %dma_wait3A_932 = arith.constant 0 : i32
    %dma_wait3A_933 = arith.constant 0 : i32
    %dma_wait3A_934 = arith.constant 0 : i32
    %dma_wait3A_935 = tpu.memref_slice %arg8[%dma_wait3A_933, %dma_wait3A_934] : memref<32x1024xf32, #tpu.memory_space<vmem>> -> memref<8x1024xf32, #tpu.memory_space<vmem>>
    %dma_wait3A_936 = arith.constant 32 : i32
    %dma_wait3A_937 = tpu.memref_slice %arg6[%dma_wait3A_932, %dma_wait3A_936] : memref<4x64xi32, #tpu.memory_space<vmem>> -> memref<1x8xi32, #tpu.memory_space<vmem>>
    %dma_wait3A_938 = tpu.memref_squeeze %dma_wait3A_937 : memref<1x8xi32, #tpu.memory_space<vmem>> -> memref<8xi32, #tpu.memory_space<vmem>>
    %dma_wait3A_939 = arith.constant 0 : i32
    %dma_wait3A_940 = arith.constant 0 : i32
    %dma_wait3A_941 = tpu.memref_slice %arg3[%dma_wait3A_939, %dma_wait3A_940] : memref<100000x1024xf32, #tpu.memory_space<hbm>> -> memref<100000x1024xf32, #tpu.memory_space<hbm>>
    tpu.wait_indirect_dma semaphore(%arg12 : memref<!tpu.dma_semaphore, #tpu.memory_space<semaphore_mem>>) src(%dma_wait3A_941 : memref<100000x1024xf32, #tpu.memory_space<hbm>>) dst(%dma_wait3A_935 : memref<8x1024xf32, #tpu.memory_space<vmem>>)
    %dma_wait3A_942 = arith.constant 1 : i32
    %dma_wait3A_943 = arith.constant 8 : i32
    %dma_wait3A_944 = arith.constant 0 : i32
    %dma_wait3A_945 = tpu.memref_slice %arg8[%dma_wait3A_943, %dma_wait3A_944] : memref<32x1024xf32, #tpu.memory_space<vmem>> -> memref<8x1024xf32, #tpu.memory_space<vmem>>
    %dma_wait3A_946 = arith.constant 32 : i32
    %dma_wait3A_947 = tpu.memref_slice %arg6[%dma_wait3A_942, %dma_wait3A_946] : memref<4x64xi32, #tpu.memory_space<vmem>> -> memref<1x8xi32, #tpu.memory_space<vmem>>
    %dma_wait3A_948 = tpu.memref_squeeze %dma_wait3A_947 : memref<1x8xi32, #tpu.memory_space<vmem>> -> memref<8xi32, #tpu.memory_space<vmem>>
    %dma_wait3A_949 = arith.constant 0 : i32
    %dma_wait3A_950 = arith.constant 0 : i32
    %dma_wait3A_951 = tpu.memref_slice %arg3[%dma_wait3A_949, %dma_wait3A_950] : memref<100000x1024xf32, #tpu.memory_space<hbm>> -> memref<100000x1024xf32, #tpu.memory_space<hbm>>
    tpu.wait_indirect_dma semaphore(%arg12 : memref<!tpu.dma_semaphore, #tpu.memory_space<semaphore_mem>>) src(%dma_wait3A_951 : memref<100000x1024xf32, #tpu.memory_space<hbm>>) dst(%dma_wait3A_945 : memref<8x1024xf32, #tpu.memory_space<vmem>>)
    %dma_wait3A_952 = arith.constant 2 : i32
    %dma_wait3A_953 = arith.constant 16 : i32
    %dma_wait3A_954 = arith.constant 0 : i32
    %dma_wait3A_955 = tpu.memref_slice %arg8[%dma_wait3A_953, %dma_wait3A_954] : memref<32x1024xf32, #tpu.memory_space<vmem>> -> memref<8x1024xf32, #tpu.memory_space<vmem>>
    %dma_wait3A_956 = arith.constant 32 : i32
    %dma_wait3A_957 = tpu.memref_slice %arg6[%dma_wait3A_952, %dma_wait3A_956] : memref<4x64xi32, #tpu.memory_space<vmem>> -> memref<1x8xi32, #tpu.memory_space<vmem>>
    %dma_wait3A_958 = tpu.memref_squeeze %dma_wait3A_957 : memref<1x8xi32, #tpu.memory_space<vmem>> -> memref<8xi32, #tpu.memory_space<vmem>>
    %dma_wait3A_959 = arith.constant 0 : i32
    %dma_wait3A_960 = arith.constant 0 : i32
    %dma_wait3A_961 = tpu.memref_slice %arg3[%dma_wait3A_959, %dma_wait3A_960] : memref<100000x1024xf32, #tpu.memory_space<hbm>> -> memref<100000x1024xf32, #tpu.memory_space<hbm>>
    tpu.wait_indirect_dma semaphore(%arg12 : memref<!tpu.dma_semaphore, #tpu.memory_space<semaphore_mem>>) src(%dma_wait3A_961 : memref<100000x1024xf32, #tpu.memory_space<hbm>>) dst(%dma_wait3A_955 : memref<8x1024xf32, #tpu.memory_space<vmem>>)
    %dma_wait3A_962 = arith.constant 3 : i32
    %dma_wait3A_963 = arith.constant 24 : i32
    %dma_wait3A_964 = arith.constant 0 : i32
    %dma_wait3A_965 = tpu.memref_slice %arg8[%dma_wait3A_963, %dma_wait3A_964] : memref<32x1024xf32, #tpu.memory_space<vmem>> -> memref<8x1024xf32, #tpu.memory_space<vmem>>
    %dma_wait3A_966 = arith.constant 32 : i32
    %dma_wait3A_967 = tpu.memref_slice %arg6[%dma_wait3A_962, %dma_wait3A_966] : memref<4x64xi32, #tpu.memory_space<vmem>> -> memref<1x8xi32, #tpu.memory_space<vmem>>
    %dma_wait3A_968 = tpu.memref_squeeze %dma_wait3A_967 : memref<1x8xi32, #tpu.memory_space<vmem>> -> memref<8xi32, #tpu.memory_space<vmem>>
    %dma_wait3A_969 = arith.constant 0 : i32
    %dma_wait3A_970 = arith.constant 0 : i32
    %dma_wait3A_971 = tpu.memref_slice %arg3[%dma_wait3A_969, %dma_wait3A_970] : memref<100000x1024xf32, #tpu.memory_space<hbm>> -> memref<100000x1024xf32, #tpu.memory_space<hbm>>
    tpu.wait_indirect_dma semaphore(%arg12 : memref<!tpu.dma_semaphore, #tpu.memory_space<semaphore_mem>>) src(%dma_wait3A_971 : memref<100000x1024xf32, #tpu.memory_space<hbm>>) dst(%dma_wait3A_965 : memref<8x1024xf32, #tpu.memory_space<vmem>>)
    %scan3A_972 = arith.constant 0 : i32
    %scan3A_973 = arith.constant 0 : i32
    %scan3A_974 = arith.constant 8 : i32
    %scan3A_975 = arith.addi %scan3A_973, %scan3A_974 : i32
    %scan3A_976 = arith.constant 1 : i32
    %scan3A_977 = scf.for %scan3A_1700 = %scan3A_973 to %scan3A_975 step %scan3A_976 iter_args(%scan3A_1701 = %scan3A_972) -> (i32)  : i32 {
      %parallel_loop3A = arith.constant 0 : i32
      %parallel_loop3A_1702 = arith.constant 32 : i32
      %parallel_loop3A_1703 = arith.constant 1 : i32
      scf.for %parallel_loop3A_1705 = %parallel_loop3A to %parallel_loop3A_1702 step %parallel_loop3A_1703  : i32 {
        %parallel_loop3A_1706 = arith.constant 2 : i32
        %parallel_loop3A_1707 = arith.muli %parallel_loop3A_1705, %parallel_loop3A_1706 : i32
        %parallel_loop3A_1708 = arith.constant 16 : i32
        %parallel_loop3A_1709 = arith.muli %parallel_loop3A_1707, %parallel_loop3A_1708 : i32
        %parallel_loop3A_1710 = arith.index_cast %parallel_loop3A_1709 : i32 to index
        %parallel_loop3A_1711 = tpu.vector_load %arg10[%parallel_loop3A_1710] {strides = array<i32>} : memref<2048xf32, #tpu.memory_space<vmem>>, vector<16xf32>,
        %parallel_loop3A_1712 = vector.shape_cast %parallel_loop3A_1711 : vector<16xf32> to vector<16xf32>
        %parallel_loop3A_1713 = arith.constant 16 : i32
        %parallel_loop3A_1714 = arith.addi %parallel_loop3A_1709, %parallel_loop3A_1713 : i32
        %parallel_loop3A_1715 = arith.index_cast %parallel_loop3A_1714 : i32 to index
        %parallel_loop3A_1716 = tpu.vector_load %arg10[%parallel_loop3A_1715] {strides = array<i32>} : memref<2048xf32, #tpu.memory_space<vmem>>, vector<16xf32>,
        %parallel_loop3A_1717 = vector.shape_cast %parallel_loop3A_1716 : vector<16xf32> to vector<16xf32>
        %parallel_loop3A_1718 = arith.constant 16 : i32
        %parallel_loop3A_1719 = arith.muli %parallel_loop3A_1705, %parallel_loop3A_1718 : i32
        %parallel_loop3A_1720 = arith.constant 16 : i32
        %parallel_loop3A_1721 = arith.muli %parallel_loop3A_1705, %parallel_loop3A_1720 : i32
        %parallel_loop3A_1722 = arith.constant 512 : i32
        %parallel_loop3A_1723 = arith.addi %parallel_loop3A_1722, %parallel_loop3A_1721 : i32
        %parallel_loop3A_1724 = arith.constant 0 : i32
        %parallel_loop3A_1725 = arith.addi %parallel_loop3A_1724, %scan3A_1700 : i32
        %parallel_loop3A_1726 = arith.index_cast %parallel_loop3A_1725 : i32 to index
        %parallel_loop3A_1727 = arith.index_cast %parallel_loop3A_1719 : i32 to index
        %parallel_loop3A_1728 = tpu.vector_load %arg8[%parallel_loop3A_1726, %parallel_loop3A_1727] {strides = array<i32>} : memref<32x1024xf32, #tpu.memory_space<vmem>>, vector<1x16xf32>,
        %parallel_loop3A_1729 = vector.shape_cast %parallel_loop3A_1728 : vector<1x16xf32> to vector<16xf32>
        %parallel_loop3A_1730 = arith.constant 3.200000e+01 : f32
        %parallel_loop3A_1731 = vector.broadcast %parallel_loop3A_1730 : f32 to vector<16xf32>
        %parallel_loop3A_1732 = arith.mulf %parallel_loop3A_1729, %parallel_loop3A_1731 : vector<16xf32>
        %parallel_loop3A_1733 = arith.addf %parallel_loop3A_1732, %parallel_loop3A_1712 : vector<16xf32>
        %parallel_loop3A_1734 = arith.index_cast %parallel_loop3A_1725 : i32 to index
        %parallel_loop3A_1735 = arith.index_cast %parallel_loop3A_1719 : i32 to index
        %parallel_loop3A_1736 = tpu.vector_load %arg8[%parallel_loop3A_1734, %parallel_loop3A_1735] {strides = array<i32>} : memref<32x1024xf32, #tpu.memory_space<vmem>>, vector<1x16xf32>,
        %parallel_loop3A_1737 = vector.shape_cast %parallel_loop3A_1736 : vector<1x16xf32> to vector<16xf32>
        %parallel_loop3A_1738 = vector.shape_cast %parallel_loop3A_1733 : vector<16xf32> to vector<1x16xf32>
        tpu.vector_store %arg8[%parallel_loop3A_1734, %parallel_loop3A_1735], %parallel_loop3A_1738 {strides = array<i32>} : memref<32x1024xf32, #tpu.memory_space<vmem>>, vector<1x16xf32>,
        %parallel_loop3A_1739 = arith.index_cast %parallel_loop3A_1725 : i32 to index
        %parallel_loop3A_1740 = arith.index_cast %parallel_loop3A_1723 : i32 to index
        %parallel_loop3A_1741 = tpu.vector_load %arg8[%parallel_loop3A_1739, %parallel_loop3A_1740] {strides = array<i32>} : memref<32x1024xf32, #tpu.memory_space<vmem>>, vector<1x16xf32>,
        %parallel_loop3A_1742 = vector.shape_cast %parallel_loop3A_1741 : vector<1x16xf32> to vector<16xf32>
        %parallel_loop3A_1743 = arith.constant 3.200000e+01 : f32
        %parallel_loop3A_1744 = vector.broadcast %parallel_loop3A_1743 : f32 to vector<16xf32>
        %parallel_loop3A_1745 = arith.mulf %parallel_loop3A_1742, %parallel_loop3A_1744 : vector<16xf32>
        %parallel_loop3A_1746 = arith.addf %parallel_loop3A_1745, %parallel_loop3A_1717 : vector<16xf32>
        %parallel_loop3A_1747 = arith.index_cast %parallel_loop3A_1725 : i32 to index
        %parallel_loop3A_1748 = arith.index_cast %parallel_loop3A_1723 : i32 to index
        %parallel_loop3A_1749 = tpu.vector_load %arg8[%parallel_loop3A_1747, %parallel_loop3A_1748] {strides = array<i32>} : memref<32x1024xf32, #tpu.memory_space<vmem>>, vector<1x16xf32>,
        %parallel_loop3A_1750 = vector.shape_cast %parallel_loop3A_1749 : vector<1x16xf32> to vector<16xf32>
        %parallel_loop3A_1751 = vector.shape_cast %parallel_loop3A_1746 : vector<16xf32> to vector<1x16xf32>
        tpu.vector_store %arg8[%parallel_loop3A_1747, %parallel_loop3A_1748], %parallel_loop3A_1751 {strides = array<i32>} : memref<32x1024xf32, #tpu.memory_space<vmem>>, vector<1x16xf32>,
        %parallel_loop3A_1752 = arith.constant 8 : i32
        %parallel_loop3A_1753 = arith.addi %parallel_loop3A_1752, %scan3A_1700 : i32
        %parallel_loop3A_1754 = arith.index_cast %parallel_loop3A_1753 : i32 to index
        %parallel_loop3A_1755 = arith.index_cast %parallel_loop3A_1719 : i32 to index
        %parallel_loop3A_1756 = tpu.vector_load %arg8[%parallel_loop3A_1754, %parallel_loop3A_1755] {strides = array<i32>} : memref<32x1024xf32, #tpu.memory_space<vmem>>, vector<1x16xf32>,
        %parallel_loop3A_1757 = vector.shape_cast %parallel_loop3A_1756 : vector<1x16xf32> to vector<16xf32>
        %parallel_loop3A_1758 = arith.constant 3.200000e+01 : f32
        %parallel_loop3A_1759 = vector.broadcast %parallel_loop3A_1758 : f32 to vector<16xf32>
        %parallel_loop3A_1760 = arith.mulf %parallel_loop3A_1757, %parallel_loop3A_1759 : vector<16xf32>
        %parallel_loop3A_1761 = arith.addf %parallel_loop3A_1760, %parallel_loop3A_1712 : vector<16xf32>
        %parallel_loop3A_1762 = arith.index_cast %parallel_loop3A_1753 : i32 to index
        %parallel_loop3A_1763 = arith.index_cast %parallel_loop3A_1719 : i32 to index
        %parallel_loop3A_1764 = tpu.vector_load %arg8[%parallel_loop3A_1762, %parallel_loop3A_1763] {strides = array<i32>} : memref<32x1024xf32, #tpu.memory_space<vmem>>, vector<1x16xf32>,
        %parallel_loop3A_1765 = vector.shape_cast %parallel_loop3A_1764 : vector<1x16xf32> to vector<16xf32>
        %parallel_loop3A_1766 = vector.shape_cast %parallel_loop3A_1761 : vector<16xf32> to vector<1x16xf32>
        tpu.vector_store %arg8[%parallel_loop3A_1762, %parallel_loop3A_1763], %parallel_loop3A_1766 {strides = array<i32>} : memref<32x1024xf32, #tpu.memory_space<vmem>>, vector<1x16xf32>,
        %parallel_loop3A_1767 = arith.index_cast %parallel_loop3A_1753 : i32 to index
        %parallel_loop3A_1768 = arith.index_cast %parallel_loop3A_1723 : i32 to index
        %parallel_loop3A_1769 = tpu.vector_load %arg8[%parallel_loop3A_1767, %parallel_loop3A_1768] {strides = array<i32>} : memref<32x1024xf32, #tpu.memory_space<vmem>>, vector<1x16xf32>,
        %parallel_loop3A_1770 = vector.shape_cast %parallel_loop3A_1769 : vector<1x16xf32> to vector<16xf32>
        %parallel_loop3A_1771 = arith.constant 3.200000e+01 : f32
        %parallel_loop3A_1772 = vector.broadcast %parallel_loop3A_1771 : f32 to vector<16xf32>
        %parallel_loop3A_1773 = arith.mulf %parallel_loop3A_1770, %parallel_loop3A_1772 : vector<16xf32>
        %parallel_loop3A_1774 = arith.addf %parallel_loop3A_1773, %parallel_loop3A_1717 : vector<16xf32>
        %parallel_loop3A_1775 = arith.index_cast %parallel_loop3A_1753 : i32 to index
        %parallel_loop3A_1776 = arith.index_cast %parallel_loop3A_1723 : i32 to index
        %parallel_loop3A_1777 = tpu.vector_load %arg8[%parallel_loop3A_1775, %parallel_loop3A_1776] {strides = array<i32>} : memref<32x1024xf32, #tpu.memory_space<vmem>>, vector<1x16xf32>,
        %parallel_loop3A_1778 = vector.shape_cast %parallel_loop3A_1777 : vector<1x16xf32> to vector<16xf32>
        %parallel_loop3A_1779 = vector.shape_cast %parallel_loop3A_1774 : vector<16xf32> to vector<1x16xf32>
        tpu.vector_store %arg8[%parallel_loop3A_1775, %parallel_loop3A_1776], %parallel_loop3A_1779 {strides = array<i32>} : memref<32x1024xf32, #tpu.memory_space<vmem>>, vector<1x16xf32>,
        %parallel_loop3A_1780 = arith.constant 16 : i32
        %parallel_loop3A_1781 = arith.addi %parallel_loop3A_1780, %scan3A_1700 : i32
        %parallel_loop3A_1782 = arith.index_cast %parallel_loop3A_1781 : i32 to index
        %parallel_loop3A_1783 = arith.index_cast %parallel_loop3A_1719 : i32 to index
        %parallel_loop3A_1784 = tpu.vector_load %arg8[%parallel_loop3A_1782, %parallel_loop3A_1783] {strides = array<i32>} : memref<32x1024xf32, #tpu.memory_space<vmem>>, vector<1x16xf32>,
        %parallel_loop3A_1785 = vector.shape_cast %parallel_loop3A_1784 : vector<1x16xf32> to vector<16xf32>
        %parallel_loop3A_1786 = arith.constant 3.200000e+01 : f32
        %parallel_loop3A_1787 = vector.broadcast %parallel_loop3A_1786 : f32 to vector<16xf32>
        %parallel_loop3A_1788 = arith.mulf %parallel_loop3A_1785, %parallel_loop3A_1787 : vector<16xf32>
        %parallel_loop3A_1789 = arith.addf %parallel_loop3A_1788, %parallel_loop3A_1712 : vector<16xf32>
        %parallel_loop3A_1790 = arith.index_cast %parallel_loop3A_1781 : i32 to index
        %parallel_loop3A_1791 = arith.index_cast %parallel_loop3A_1719 : i32 to index
        %parallel_loop3A_1792 = tpu.vector_load %arg8[%parallel_loop3A_1790, %parallel_loop3A_1791] {strides = array<i32>} : memref<32x1024xf32, #tpu.memory_space<vmem>>, vector<1x16xf32>,
        %parallel_loop3A_1793 = vector.shape_cast %parallel_loop3A_1792 : vector<1x16xf32> to vector<16xf32>
        %parallel_loop3A_1794 = vector.shape_cast %parallel_loop3A_1789 : vector<16xf32> to vector<1x16xf32>
        tpu.vector_store %arg8[%parallel_loop3A_1790, %parallel_loop3A_1791], %parallel_loop3A_1794 {strides = array<i32>} : memref<32x1024xf32, #tpu.memory_space<vmem>>, vector<1x16xf32>,
        %parallel_loop3A_1795 = arith.index_cast %parallel_loop3A_1781 : i32 to index
        %parallel_loop3A_1796 = arith.index_cast %parallel_loop3A_1723 : i32 to index
        %parallel_loop3A_1797 = tpu.vector_load %arg8[%parallel_loop3A_1795, %parallel_loop3A_1796] {strides = array<i32>} : memref<32x1024xf32, #tpu.memory_space<vmem>>, vector<1x16xf32>,
        %parallel_loop3A_1798 = vector.shape_cast %parallel_loop3A_1797 : vector<1x16xf32> to vector<16xf32>
        %parallel_loop3A_1799 = arith.constant 3.200000e+01 : f32
        %parallel_loop3A_1800 = vector.broadcast %parallel_loop3A_1799 : f32 to vector<16xf32>
        %parallel_loop3A_1801 = arith.mulf %parallel_loop3A_1798, %parallel_loop3A_1800 : vector<16xf32>
        %parallel_loop3A_1802 = arith.addf %parallel_loop3A_1801, %parallel_loop3A_1717 : vector<16xf32>
        %parallel_loop3A_1803 = arith.index_cast %parallel_loop3A_1781 : i32 to index
        %parallel_loop3A_1804 = arith.index_cast %parallel_loop3A_1723 : i32 to index
        %parallel_loop3A_1805 = tpu.vector_load %arg8[%parallel_loop3A_1803, %parallel_loop3A_1804] {strides = array<i32>} : memref<32x1024xf32, #tpu.memory_space<vmem>>, vector<1x16xf32>,
        %parallel_loop3A_1806 = vector.shape_cast %parallel_loop3A_1805 : vector<1x16xf32> to vector<16xf32>
        %parallel_loop3A_1807 = vector.shape_cast %parallel_loop3A_1802 : vector<16xf32> to vector<1x16xf32>
        tpu.vector_store %arg8[%parallel_loop3A_1803, %parallel_loop3A_1804], %parallel_loop3A_1807 {strides = array<i32>} : memref<32x1024xf32, #tpu.memory_space<vmem>>, vector<1x16xf32>,
        %parallel_loop3A_1808 = arith.constant 24 : i32
        %parallel_loop3A_1809 = arith.addi %parallel_loop3A_1808, %scan3A_1700 : i32
        %parallel_loop3A_1810 = arith.index_cast %parallel_loop3A_1809 : i32 to index
        %parallel_loop3A_1811 = arith.index_cast %parallel_loop3A_1719 : i32 to index
        %parallel_loop3A_1812 = tpu.vector_load %arg8[%parallel_loop3A_1810, %parallel_loop3A_1811] {strides = array<i32>} : memref<32x1024xf32, #tpu.memory_space<vmem>>, vector<1x16xf32>,
        %parallel_loop3A_1813 = vector.shape_cast %parallel_loop3A_1812 : vector<1x16xf32> to vector<16xf32>
        %parallel_loop3A_1814 = arith.constant 3.200000e+01 : f32
        %parallel_loop3A_1815 = vector.broadcast %parallel_loop3A_1814 : f32 to vector<16xf32>
        %parallel_loop3A_1816 = arith.mulf %parallel_loop3A_1813, %parallel_loop3A_1815 : vector<16xf32>
        %parallel_loop3A_1817 = arith.addf %parallel_loop3A_1816, %parallel_loop3A_1712 : vector<16xf32>
        %parallel_loop3A_1818 = arith.index_cast %parallel_loop3A_1809 : i32 to index
        %parallel_loop3A_1819 = arith.index_cast %parallel_loop3A_1719 : i32 to index
        %parallel_loop3A_1820 = tpu.vector_load %arg8[%parallel_loop3A_1818, %parallel_loop3A_1819] {strides = array<i32>} : memref<32x1024xf32, #tpu.memory_space<vmem>>, vector<1x16xf32>,
        %parallel_loop3A_1821 = vector.shape_cast %parallel_loop3A_1820 : vector<1x16xf32> to vector<16xf32>
        %parallel_loop3A_1822 = vector.shape_cast %parallel_loop3A_1817 : vector<16xf32> to vector<1x16xf32>
        tpu.vector_store %arg8[%parallel_loop3A_1818, %parallel_loop3A_1819], %parallel_loop3A_1822 {strides = array<i32>} : memref<32x1024xf32, #tpu.memory_space<vmem>>, vector<1x16xf32>,
        %parallel_loop3A_1823 = arith.index_cast %parallel_loop3A_1809 : i32 to index
        %parallel_loop3A_1824 = arith.index_cast %parallel_loop3A_1723 : i32 to index
        %parallel_loop3A_1825 = tpu.vector_load %arg8[%parallel_loop3A_1823, %parallel_loop3A_1824] {strides = array<i32>} : memref<32x1024xf32, #tpu.memory_space<vmem>>, vector<1x16xf32>,
        %parallel_loop3A_1826 = vector.shape_cast %parallel_loop3A_1825 : vector<1x16xf32> to vector<16xf32>
        %parallel_loop3A_1827 = arith.constant 3.200000e+01 : f32
        %parallel_loop3A_1828 = vector.broadcast %parallel_loop3A_1827 : f32 to vector<16xf32>
        %parallel_loop3A_1829 = arith.mulf %parallel_loop3A_1826, %parallel_loop3A_1828 : vector<16xf32>
        %parallel_loop3A_1830 = arith.addf %parallel_loop3A_1829, %parallel_loop3A_1717 : vector<16xf32>
        %parallel_loop3A_1831 = arith.index_cast %parallel_loop3A_1809 : i32 to index
        %parallel_loop3A_1832 = arith.index_cast %parallel_loop3A_1723 : i32 to index
        %parallel_loop3A_1833 = tpu.vector_load %arg8[%parallel_loop3A_1831, %parallel_loop3A_1832] {strides = array<i32>} : memref<32x1024xf32, #tpu.memory_space<vmem>>, vector<1x16xf32>,
        %parallel_loop3A_1834 = vector.shape_cast %parallel_loop3A_1833 : vector<1x16xf32> to vector<16xf32>
        %parallel_loop3A_1835 = vector.shape_cast %parallel_loop3A_1830 : vector<16xf32> to vector<1x16xf32>
        tpu.vector_store %arg8[%parallel_loop3A_1831, %parallel_loop3A_1832], %parallel_loop3A_1835 {strides = array<i32>} : memref<32x1024xf32, #tpu.memory_space<vmem>>, vector<1x16xf32>,
        %parallel_loop3A_1836 = arith.constant 1024 : i32
        %parallel_loop3A_1837 = arith.addi %parallel_loop3A_1836, %parallel_loop3A_1709 : i32
        %parallel_loop3A_1838 = arith.index_cast %parallel_loop3A_1837 : i32 to index
        %parallel_loop3A_1839 = tpu.vector_load %arg10[%parallel_loop3A_1838] {strides = array<i32>} : memref<2048xf32, #tpu.memory_space<vmem>>, vector<16xf32>,
        %parallel_loop3A_1840 = vector.shape_cast %parallel_loop3A_1839 : vector<16xf32> to vector<16xf32>
        %parallel_loop3A_1841 = arith.constant 1024 : i32
        %parallel_loop3A_1842 = arith.addi %parallel_loop3A_1841, %parallel_loop3A_1709 : i32
        %parallel_loop3A_1843 = arith.constant 16 : i32
        %parallel_loop3A_1844 = arith.addi %parallel_loop3A_1842, %parallel_loop3A_1843 : i32
        %parallel_loop3A_1845 = arith.index_cast %parallel_loop3A_1844 : i32 to index
        %parallel_loop3A_1846 = tpu.vector_load %arg10[%parallel_loop3A_1845] {strides = array<i32>} : memref<2048xf32, #tpu.memory_space<vmem>>, vector<16xf32>,
        %parallel_loop3A_1847 = vector.shape_cast %parallel_loop3A_1846 : vector<16xf32> to vector<16xf32>
        %parallel_loop3A_1848 = arith.mulf %parallel_loop3A_1712, %parallel_loop3A_1840 : vector<16xf32>
        %parallel_loop3A_1849 = arith.mulf %parallel_loop3A_1717, %parallel_loop3A_1847 : vector<16xf32>
        %parallel_loop3A_1850 = arith.addf %parallel_loop3A_1848, %parallel_loop3A_1849 : vector<16xf32>
        %parallel_loop3A_1851 = arith.index_cast %parallel_loop3A_1709 : i32 to index
        %parallel_loop3A_1852 = tpu.vector_load %arg10[%parallel_loop3A_1851] {strides = array<i32>} : memref<2048xf32, #tpu.memory_space<vmem>>, vector<16xf32>,
        %parallel_loop3A_1853 = vector.shape_cast %parallel_loop3A_1852 : vector<16xf32> to vector<16xf32>
        %parallel_loop3A_1854 = vector.shape_cast %parallel_loop3A_1850 : vector<16xf32> to vector<16xf32>
        tpu.vector_store %arg10[%parallel_loop3A_1851], %parallel_loop3A_1854 {strides = array<i32>} : memref<2048xf32, #tpu.memory_space<vmem>>, vector<16xf32>,
        %parallel_loop3A_1855 = arith.mulf %parallel_loop3A_1717, %parallel_loop3A_1840 : vector<16xf32>
        %parallel_loop3A_1856 = arith.mulf %parallel_loop3A_1712, %parallel_loop3A_1847 : vector<16xf32>
        %parallel_loop3A_1857 = arith.subf %parallel_loop3A_1855, %parallel_loop3A_1856 : vector<16xf32>
        %parallel_loop3A_1858 = arith.constant 16 : i32
        %parallel_loop3A_1859 = arith.addi %parallel_loop3A_1709, %parallel_loop3A_1858 : i32
        %parallel_loop3A_1860 = arith.index_cast %parallel_loop3A_1859 : i32 to index
        %parallel_loop3A_1861 = tpu.vector_load %arg10[%parallel_loop3A_1860] {strides = array<i32>} : memref<2048xf32, #tpu.memory_space<vmem>>, vector<16xf32>,
        %parallel_loop3A_1862 = vector.shape_cast %parallel_loop3A_1861 : vector<16xf32> to vector<16xf32>
        %parallel_loop3A_1863 = vector.shape_cast %parallel_loop3A_1857 : vector<16xf32> to vector<16xf32>
        tpu.vector_store %arg10[%parallel_loop3A_1860], %parallel_loop3A_1863 {strides = array<i32>} : memref<2048xf32, #tpu.memory_space<vmem>>, vector<16xf32>,
      } {sc.loop_unroll_factor = 1 : i64, sc.parallel_access}
      %scan3A_1704 = arith.constant 0 : i32
      scf.yield %scan3A_1704 : i32
    }
    %scan3A_978 = arith.constant 8 : i32
    %add3A_979 = arith.constant 32 : i32
    %add3A_980 = arith.addi %mul3A_2, %add3A_979 : i32
    %dma_start3A_981 = arith.constant 0 : i32
    %dma_start3A_982 = arith.constant 0 : i32
    %dma_start3A_983 = arith.constant 0 : i32
    %dma_start3A_984 = tpu.memref_slice %arg8[%dma_start3A_982, %dma_start3A_983] : memref<32x1024xf32, #tpu.memory_space<vmem>> -> memref<8x1024xf32, #tpu.memory_space<vmem>>
    %dma_start3A_985 = arith.constant 0 : i32
    %dma_start3A_986 = tpu.memref_slice %arg5[%dma_start3A_981, %add3A_980, %dma_start3A_985] : memref<4x2048x1024xf32, #tpu.memory_space<hbm>> -> memref<1x8x1024xf32, #tpu.memory_space<hbm>>
    %dma_start3A_987 = tpu.memref_squeeze %dma_start3A_986 : memref<1x8x1024xf32, #tpu.memory_space<hbm>> -> memref<8x1024xf32, #tpu.memory_space<hbm>>
    %dma_start3A_988 = arith.constant 0 : i32
    %dma_start3A_989 = tpu.memref_slice %arg5[%dma_start3A_981, %add3A_980, %dma_start3A_988] : memref<4x2048x1024xf32, #tpu.memory_space<hbm>> -> memref<1x8x1024xf32, #tpu.memory_space<hbm>>
    %dma_start3A_990 = tpu.memref_squeeze %dma_start3A_989 : memref<1x8x1024xf32, #tpu.memory_space<hbm>> -> memref<8x1024xf32, #tpu.memory_space<hbm>>
    %dma_start3A_991 = arith.constant 0 : i32
    %dma_start3A_992 = arith.constant 0 : i32
    %dma_start3A_993 = tpu.memref_slice %arg8[%dma_start3A_991, %dma_start3A_992] : memref<32x1024xf32, #tpu.memory_space<vmem>> -> memref<8x1024xf32, #tpu.memory_space<vmem>>
    tpu.enqueue_dma source(%dma_start3A_993 : memref<8x1024xf32, #tpu.memory_space<vmem>>) target(%dma_start3A_990 : memref<8x1024xf32, #tpu.memory_space<hbm>>) target_semaphore(%arg15 : memref<!tpu.dma_semaphore, #tpu.memory_space<semaphore_mem>>)
    %add3A_994 = arith.constant 32 : i32
    %add3A_995 = arith.addi %mul3A_2, %add3A_994 : i32
    %dma_start3A_996 = arith.constant 1 : i32
    %dma_start3A_997 = arith.constant 8 : i32
    %dma_start3A_998 = arith.constant 0 : i32
    %dma_start3A_999 = tpu.memref_slice %arg8[%dma_start3A_997, %dma_start3A_998] : memref<32x1024xf32, #tpu.memory_space<vmem>> -> memref<8x1024xf32, #tpu.memory_space<vmem>>
    %dma_start3A_1000 = arith.constant 0 : i32
    %dma_start3A_1001 = tpu.memref_slice %arg5[%dma_start3A_996, %add3A_995, %dma_start3A_1000] : memref<4x2048x1024xf32, #tpu.memory_space<hbm>> -> memref<1x8x1024xf32, #tpu.memory_space<hbm>>
    %dma_start3A_1002 = tpu.memref_squeeze %dma_start3A_1001 : memref<1x8x1024xf32, #tpu.memory_space<hbm>> -> memref<8x1024xf32, #tpu.memory_space<hbm>>
    %dma_start3A_1003 = arith.constant 0 : i32
    %dma_start3A_1004 = tpu.memref_slice %arg5[%dma_start3A_996, %add3A_995, %dma_start3A_1003] : memref<4x2048x1024xf32, #tpu.memory_space<hbm>> -> memref<1x8x1024xf32, #tpu.memory_space<hbm>>
    %dma_start3A_1005 = tpu.memref_squeeze %dma_start3A_1004 : memref<1x8x1024xf32, #tpu.memory_space<hbm>> -> memref<8x1024xf32, #tpu.memory_space<hbm>>
    %dma_start3A_1006 = arith.constant 8 : i32
    %dma_start3A_1007 = arith.constant 0 : i32
    %dma_start3A_1008 = tpu.memref_slice %arg8[%dma_start3A_1006, %dma_start3A_1007] : memref<32x1024xf32, #tpu.memory_space<vmem>> -> memref<8x1024xf32, #tpu.memory_space<vmem>>
    tpu.enqueue_dma source(%dma_start3A_1008 : memref<8x1024xf32, #tpu.memory_space<vmem>>) target(%dma_start3A_1005 : memref<8x1024xf32, #tpu.memory_space<hbm>>) target_semaphore(%arg15 : memref<!tpu.dma_semaphore, #tpu.memory_space<semaphore_mem>>)
    %add3A_1009 = arith.constant 32 : i32
    %add3A_1010 = arith.addi %mul3A_2, %add3A_1009 : i32
    %dma_start3A_1011 = arith.constant 2 : i32
    %dma_start3A_1012 = arith.constant 16 : i32
    %dma_start3A_1013 = arith.constant 0 : i32
    %dma_start3A_1014 = tpu.memref_slice %arg8[%dma_start3A_1012, %dma_start3A_1013] : memref<32x1024xf32, #tpu.memory_space<vmem>> -> memref<8x1024xf32, #tpu.memory_space<vmem>>
    %dma_start3A_1015 = arith.constant 0 : i32
    %dma_start3A_1016 = tpu.memref_slice %arg5[%dma_start3A_1011, %add3A_1010, %dma_start3A_1015] : memref<4x2048x1024xf32, #tpu.memory_space<hbm>> -> memref<1x8x1024xf32, #tpu.memory_space<hbm>>
    %dma_start3A_1017 = tpu.memref_squeeze %dma_start3A_1016 : memref<1x8x1024xf32, #tpu.memory_space<hbm>> -> memref<8x1024xf32, #tpu.memory_space<hbm>>
    %dma_start3A_1018 = arith.constant 0 : i32
    %dma_start3A_1019 = tpu.memref_slice %arg5[%dma_start3A_1011, %add3A_1010, %dma_start3A_1018] : memref<4x2048x1024xf32, #tpu.memory_space<hbm>> -> memref<1x8x1024xf32, #tpu.memory_space<hbm>>
    %dma_start3A_1020 = tpu.memref_squeeze %dma_start3A_1019 : memref<1x8x1024xf32, #tpu.memory_space<hbm>> -> memref<8x1024xf32, #tpu.memory_space<hbm>>
    %dma_start3A_1021 = arith.constant 16 : i32
    %dma_start3A_1022 = arith.constant 0 : i32
    %dma_start3A_1023 = tpu.memref_slice %arg8[%dma_start3A_1021, %dma_start3A_1022] : memref<32x1024xf32, #tpu.memory_space<vmem>> -> memref<8x1024xf32, #tpu.memory_space<vmem>>
    tpu.enqueue_dma source(%dma_start3A_1023 : memref<8x1024xf32, #tpu.memory_space<vmem>>) target(%dma_start3A_1020 : memref<8x1024xf32, #tpu.memory_space<hbm>>) target_semaphore(%arg15 : memref<!tpu.dma_semaphore, #tpu.memory_space<semaphore_mem>>)
    %add3A_1024 = arith.constant 32 : i32
    %add3A_1025 = arith.addi %mul3A_2, %add3A_1024 : i32
    %dma_start3A_1026 = arith.constant 3 : i32
    %dma_start3A_1027 = arith.constant 24 : i32
    %dma_start3A_1028 = arith.constant 0 : i32
    %dma_start3A_1029 = tpu.memref_slice %arg8[%dma_start3A_1027, %dma_start3A_1028] : memref<32x1024xf32, #tpu.memory_space<vmem>> -> memref<8x1024xf32, #tpu.memory_space<vmem>>
    %dma_start3A_1030 = arith.constant 0 : i32
    %dma_start3A_1031 = tpu.memref_slice %arg5[%dma_start3A_1026, %add3A_1025, %dma_start3A_1030] : memref<4x2048x1024xf32, #tpu.memory_space<hbm>> -> memref<1x8x1024xf32, #tpu.memory_space<hbm>>
    %dma_start3A_1032 = tpu.memref_squeeze %dma_start3A_1031 : memref<1x8x1024xf32, #tpu.memory_space<hbm>> -> memref<8x1024xf32, #tpu.memory_space<hbm>>
    %dma_start3A_1033 = arith.constant 0 : i32
    %dma_start3A_1034 = tpu.memref_slice %arg5[%dma_start3A_1026, %add3A_1025, %dma_start3A_1033] : memref<4x2048x1024xf32, #tpu.memory_space<hbm>> -> memref<1x8x1024xf32, #tpu.memory_space<hbm>>
    %dma_start3A_1035 = tpu.memref_squeeze %dma_start3A_1034 : memref<1x8x1024xf32, #tpu.memory_space<hbm>> -> memref<8x1024xf32, #tpu.memory_space<hbm>>
    %dma_start3A_1036 = arith.constant 24 : i32
    %dma_start3A_1037 = arith.constant 0 : i32
    %dma_start3A_1038 = tpu.memref_slice %arg8[%dma_start3A_1036, %dma_start3A_1037] : memref<32x1024xf32, #tpu.memory_space<vmem>> -> memref<8x1024xf32, #tpu.memory_space<vmem>>
    tpu.enqueue_dma source(%dma_start3A_1038 : memref<8x1024xf32, #tpu.memory_space<vmem>>) target(%dma_start3A_1035 : memref<8x1024xf32, #tpu.memory_space<hbm>>) target_semaphore(%arg15 : memref<!tpu.dma_semaphore, #tpu.memory_space<semaphore_mem>>)
    %dma_wait3A_1039 = arith.constant 0 : i32
    %dma_wait3A_1040 = arith.constant 0 : i32
    %dma_wait3A_1041 = arith.constant 0 : i32
    %dma_wait3A_1042 = tpu.memref_slice %arg7[%dma_wait3A_1040, %dma_wait3A_1041] : memref<32x1024xf32, #tpu.memory_space<vmem>> -> memref<8x1024xf32, #tpu.memory_space<vmem>>
    %dma_wait3A_1043 = arith.constant 0 : i32
    %dma_wait3A_1044 = tpu.memref_slice %arg5[%dma_wait3A_1039, %add3A_781, %dma_wait3A_1043] : memref<4x2048x1024xf32, #tpu.memory_space<hbm>> -> memref<1x8x1024xf32, #tpu.memory_space<hbm>>
    %dma_wait3A_1045 = tpu.memref_squeeze %dma_wait3A_1044 : memref<1x8x1024xf32, #tpu.memory_space<hbm>> -> memref<8x1024xf32, #tpu.memory_space<hbm>>
    %dma_wait3A_1046 = arith.constant 0 : i32
    %dma_wait3A_1047 = tpu.memref_slice %arg5[%dma_wait3A_1039, %add3A_781, %dma_wait3A_1046] : memref<4x2048x1024xf32, #tpu.memory_space<hbm>> -> memref<1x8x1024xf32, #tpu.memory_space<hbm>>
    %dma_wait3A_1048 = tpu.memref_squeeze %dma_wait3A_1047 : memref<1x8x1024xf32, #tpu.memory_space<hbm>> -> memref<8x1024xf32, #tpu.memory_space<hbm>>
    %dma_wait3A_1049 = arith.constant 0 : i32
    %dma_wait3A_1050 = arith.constant 0 : i32
    %dma_wait3A_1051 = tpu.memref_slice %arg7[%dma_wait3A_1049, %dma_wait3A_1050] : memref<32x1024xf32, #tpu.memory_space<vmem>> -> memref<8x1024xf32, #tpu.memory_space<vmem>>
    tpu.wait_dma2 semaphore(%arg14 : memref<!tpu.dma_semaphore, #tpu.memory_space<semaphore_mem>>) src(%dma_wait3A_1051 : memref<8x1024xf32, #tpu.memory_space<vmem>>) dst(%dma_wait3A_1048 : memref<8x1024xf32, #tpu.memory_space<hbm>>)
    %dma_wait3A_1052 = arith.constant 1 : i32
    %dma_wait3A_1053 = arith.constant 8 : i32
    %dma_wait3A_1054 = arith.constant 0 : i32
    %dma_wait3A_1055 = tpu.memref_slice %arg7[%dma_wait3A_1053, %dma_wait3A_1054] : memref<32x1024xf32, #tpu.memory_space<vmem>> -> memref<8x1024xf32, #tpu.memory_space<vmem>>
    %dma_wait3A_1056 = arith.constant 0 : i32
    %dma_wait3A_1057 = tpu.memref_slice %arg5[%dma_wait3A_1052, %add3A_796, %dma_wait3A_1056] : memref<4x2048x1024xf32, #tpu.memory_space<hbm>> -> memref<1x8x1024xf32, #tpu.memory_space<hbm>>
    %dma_wait3A_1058 = tpu.memref_squeeze %dma_wait3A_1057 : memref<1x8x1024xf32, #tpu.memory_space<hbm>> -> memref<8x1024xf32, #tpu.memory_space<hbm>>
    %dma_wait3A_1059 = arith.constant 0 : i32
    %dma_wait3A_1060 = tpu.memref_slice %arg5[%dma_wait3A_1052, %add3A_796, %dma_wait3A_1059] : memref<4x2048x1024xf32, #tpu.memory_space<hbm>> -> memref<1x8x1024xf32, #tpu.memory_space<hbm>>
    %dma_wait3A_1061 = tpu.memref_squeeze %dma_wait3A_1060 : memref<1x8x1024xf32, #tpu.memory_space<hbm>> -> memref<8x1024xf32, #tpu.memory_space<hbm>>
    %dma_wait3A_1062 = arith.constant 8 : i32
    %dma_wait3A_1063 = arith.constant 0 : i32
    %dma_wait3A_1064 = tpu.memref_slice %arg7[%dma_wait3A_1062, %dma_wait3A_1063] : memref<32x1024xf32, #tpu.memory_space<vmem>> -> memref<8x1024xf32, #tpu.memory_space<vmem>>
    tpu.wait_dma2 semaphore(%arg14 : memref<!tpu.dma_semaphore, #tpu.memory_space<semaphore_mem>>) src(%dma_wait3A_1064 : memref<8x1024xf32, #tpu.memory_space<vmem>>) dst(%dma_wait3A_1061 : memref<8x1024xf32, #tpu.memory_space<hbm>>)
    %dma_wait3A_1065 = arith.constant 2 : i32
    %dma_wait3A_1066 = arith.constant 16 : i32
    %dma_wait3A_1067 = arith.constant 0 : i32
    %dma_wait3A_1068 = tpu.memref_slice %arg7[%dma_wait3A_1066, %dma_wait3A_1067] : memref<32x1024xf32, #tpu.memory_space<vmem>> -> memref<8x1024xf32, #tpu.memory_space<vmem>>
    %dma_wait3A_1069 = arith.constant 0 : i32
    %dma_wait3A_1070 = tpu.memref_slice %arg5[%dma_wait3A_1065, %add3A_811, %dma_wait3A_1069] : memref<4x2048x1024xf32, #tpu.memory_space<hbm>> -> memref<1x8x1024xf32, #tpu.memory_space<hbm>>
    %dma_wait3A_1071 = tpu.memref_squeeze %dma_wait3A_1070 : memref<1x8x1024xf32, #tpu.memory_space<hbm>> -> memref<8x1024xf32, #tpu.memory_space<hbm>>
    %dma_wait3A_1072 = arith.constant 0 : i32
    %dma_wait3A_1073 = tpu.memref_slice %arg5[%dma_wait3A_1065, %add3A_811, %dma_wait3A_1072] : memref<4x2048x1024xf32, #tpu.memory_space<hbm>> -> memref<1x8x1024xf32, #tpu.memory_space<hbm>>
    %dma_wait3A_1074 = tpu.memref_squeeze %dma_wait3A_1073 : memref<1x8x1024xf32, #tpu.memory_space<hbm>> -> memref<8x1024xf32, #tpu.memory_space<hbm>>
    %dma_wait3A_1075 = arith.constant 16 : i32
    %dma_wait3A_1076 = arith.constant 0 : i32
    %dma_wait3A_1077 = tpu.memref_slice %arg7[%dma_wait3A_1075, %dma_wait3A_1076] : memref<32x1024xf32, #tpu.memory_space<vmem>> -> memref<8x1024xf32, #tpu.memory_space<vmem>>
    tpu.wait_dma2 semaphore(%arg14 : memref<!tpu.dma_semaphore, #tpu.memory_space<semaphore_mem>>) src(%dma_wait3A_1077 : memref<8x1024xf32, #tpu.memory_space<vmem>>) dst(%dma_wait3A_1074 : memref<8x1024xf32, #tpu.memory_space<hbm>>)
    %dma_wait3A_1078 = arith.constant 3 : i32
    %dma_wait3A_1079 = arith.constant 24 : i32
    %dma_wait3A_1080 = arith.constant 0 : i32
    %dma_wait3A_1081 = tpu.memref_slice %arg7[%dma_wait3A_1079, %dma_wait3A_1080] : memref<32x1024xf32, #tpu.memory_space<vmem>> -> memref<8x1024xf32, #tpu.memory_space<vmem>>
    %dma_wait3A_1082 = arith.constant 0 : i32
    %dma_wait3A_1083 = tpu.memref_slice %arg5[%dma_wait3A_1078, %add3A_826, %dma_wait3A_1082] : memref<4x2048x1024xf32, #tpu.memory_space<hbm>> -> memref<1x8x1024xf32, #tpu.memory_space<hbm>>
    %dma_wait3A_1084 = tpu.memref_squeeze %dma_wait3A_1083 : memref<1x8x1024xf32, #tpu.memory_space<hbm>> -> memref<8x1024xf32, #tpu.memory_space<hbm>>
    %dma_wait3A_1085 = arith.constant 0 : i32
    %dma_wait3A_1086 = tpu.memref_slice %arg5[%dma_wait3A_1078, %add3A_826, %dma_wait3A_1085] : memref<4x2048x1024xf32, #tpu.memory_space<hbm>> -> memref<1x8x1024xf32, #tpu.memory_space<hbm>>
    %dma_wait3A_1087 = tpu.memref_squeeze %dma_wait3A_1086 : memref<1x8x1024xf32, #tpu.memory_space<hbm>> -> memref<8x1024xf32, #tpu.memory_space<hbm>>
    %dma_wait3A_1088 = arith.constant 24 : i32
    %dma_wait3A_1089 = arith.constant 0 : i32
    %dma_wait3A_1090 = tpu.memref_slice %arg7[%dma_wait3A_1088, %dma_wait3A_1089] : memref<32x1024xf32, #tpu.memory_space<vmem>> -> memref<8x1024xf32, #tpu.memory_space<vmem>>
    tpu.wait_dma2 semaphore(%arg14 : memref<!tpu.dma_semaphore, #tpu.memory_space<semaphore_mem>>) src(%dma_wait3A_1090 : memref<8x1024xf32, #tpu.memory_space<vmem>>) dst(%dma_wait3A_1087 : memref<8x1024xf32, #tpu.memory_space<hbm>>)
    %dma_start3A_1091 = arith.constant 0 : i32
    %dma_start3A_1092 = arith.constant 0 : i32
    %dma_start3A_1093 = arith.constant 0 : i32
    %dma_start3A_1094 = tpu.memref_slice %arg7[%dma_start3A_1092, %dma_start3A_1093] : memref<32x1024xf32, #tpu.memory_space<vmem>> -> memref<8x1024xf32, #tpu.memory_space<vmem>>
    %dma_start3A_1095 = arith.constant 48 : i32
    %dma_start3A_1096 = tpu.memref_slice %arg6[%dma_start3A_1091, %dma_start3A_1095] : memref<4x64xi32, #tpu.memory_space<vmem>> -> memref<1x8xi32, #tpu.memory_space<vmem>>
    %dma_start3A_1097 = tpu.memref_squeeze %dma_start3A_1096 : memref<1x8xi32, #tpu.memory_space<vmem>> -> memref<8xi32, #tpu.memory_space<vmem>>
    %dma_start3A_1098 = arith.constant 0 : i32
    %dma_start3A_1099 = arith.constant 0 : i32
    %dma_start3A_1100 = tpu.memref_slice %arg3[%dma_start3A_1098, %dma_start3A_1099] : memref<100000x1024xf32, #tpu.memory_space<hbm>> -> memref<100000x1024xf32, #tpu.memory_space<hbm>>
    tpu.enqueue_indirect_dma source(%dma_start3A_1100 : memref<100000x1024xf32, #tpu.memory_space<hbm>>) target(%dma_start3A_1094 : memref<8x1024xf32, #tpu.memory_space<vmem>>) offsets(%dma_start3A_1097 : memref<8xi32, #tpu.memory_space<vmem>>) semaphore(%arg11 : memref<!tpu.dma_semaphore, #tpu.memory_space<semaphore_mem>>)
    %dma_start3A_1101 = arith.constant 1 : i32
    %dma_start3A_1102 = arith.constant 8 : i32
    %dma_start3A_1103 = arith.constant 0 : i32
    %dma_start3A_1104 = tpu.memref_slice %arg7[%dma_start3A_1102, %dma_start3A_1103] : memref<32x1024xf32, #tpu.memory_space<vmem>> -> memref<8x1024xf32, #tpu.memory_space<vmem>>
    %dma_start3A_1105 = arith.constant 48 : i32
    %dma_start3A_1106 = tpu.memref_slice %arg6[%dma_start3A_1101, %dma_start3A_1105] : memref<4x64xi32, #tpu.memory_space<vmem>> -> memref<1x8xi32, #tpu.memory_space<vmem>>
    %dma_start3A_1107 = tpu.memref_squeeze %dma_start3A_1106 : memref<1x8xi32, #tpu.memory_space<vmem>> -> memref<8xi32, #tpu.memory_space<vmem>>
    %dma_start3A_1108 = arith.constant 0 : i32
    %dma_start3A_1109 = arith.constant 0 : i32
    %dma_start3A_1110 = tpu.memref_slice %arg3[%dma_start3A_1108, %dma_start3A_1109] : memref<100000x1024xf32, #tpu.memory_space<hbm>> -> memref<100000x1024xf32, #tpu.memory_space<hbm>>
    tpu.enqueue_indirect_dma source(%dma_start3A_1110 : memref<100000x1024xf32, #tpu.memory_space<hbm>>) target(%dma_start3A_1104 : memref<8x1024xf32, #tpu.memory_space<vmem>>) offsets(%dma_start3A_1107 : memref<8xi32, #tpu.memory_space<vmem>>) semaphore(%arg11 : memref<!tpu.dma_semaphore, #tpu.memory_space<semaphore_mem>>)
    %dma_start3A_1111 = arith.constant 2 : i32
    %dma_start3A_1112 = arith.constant 16 : i32
    %dma_start3A_1113 = arith.constant 0 : i32
    %dma_start3A_1114 = tpu.memref_slice %arg7[%dma_start3A_1112, %dma_start3A_1113] : memref<32x1024xf32, #tpu.memory_space<vmem>> -> memref<8x1024xf32, #tpu.memory_space<vmem>>
    %dma_start3A_1115 = arith.constant 48 : i32
    %dma_start3A_1116 = tpu.memref_slice %arg6[%dma_start3A_1111, %dma_start3A_1115] : memref<4x64xi32, #tpu.memory_space<vmem>> -> memref<1x8xi32, #tpu.memory_space<vmem>>
    %dma_start3A_1117 = tpu.memref_squeeze %dma_start3A_1116 : memref<1x8xi32, #tpu.memory_space<vmem>> -> memref<8xi32, #tpu.memory_space<vmem>>
    %dma_start3A_1118 = arith.constant 0 : i32
    %dma_start3A_1119 = arith.constant 0 : i32
    %dma_start3A_1120 = tpu.memref_slice %arg3[%dma_start3A_1118, %dma_start3A_1119] : memref<100000x1024xf32, #tpu.memory_space<hbm>> -> memref<100000x1024xf32, #tpu.memory_space<hbm>>
    tpu.enqueue_indirect_dma source(%dma_start3A_1120 : memref<100000x1024xf32, #tpu.memory_space<hbm>>) target(%dma_start3A_1114 : memref<8x1024xf32, #tpu.memory_space<vmem>>) offsets(%dma_start3A_1117 : memref<8xi32, #tpu.memory_space<vmem>>) semaphore(%arg11 : memref<!tpu.dma_semaphore, #tpu.memory_space<semaphore_mem>>)
    %dma_start3A_1121 = arith.constant 3 : i32
    %dma_start3A_1122 = arith.constant 24 : i32
    %dma_start3A_1123 = arith.constant 0 : i32
    %dma_start3A_1124 = tpu.memref_slice %arg7[%dma_start3A_1122, %dma_start3A_1123] : memref<32x1024xf32, #tpu.memory_space<vmem>> -> memref<8x1024xf32, #tpu.memory_space<vmem>>
    %dma_start3A_1125 = arith.constant 48 : i32
    %dma_start3A_1126 = tpu.memref_slice %arg6[%dma_start3A_1121, %dma_start3A_1125] : memref<4x64xi32, #tpu.memory_space<vmem>> -> memref<1x8xi32, #tpu.memory_space<vmem>>
    %dma_start3A_1127 = tpu.memref_squeeze %dma_start3A_1126 : memref<1x8xi32, #tpu.memory_space<vmem>> -> memref<8xi32, #tpu.memory_space<vmem>>
    %dma_start3A_1128 = arith.constant 0 : i32
    %dma_start3A_1129 = arith.constant 0 : i32
    %dma_start3A_1130 = tpu.memref_slice %arg3[%dma_start3A_1128, %dma_start3A_1129] : memref<100000x1024xf32, #tpu.memory_space<hbm>> -> memref<100000x1024xf32, #tpu.memory_space<hbm>>
    tpu.enqueue_indirect_dma source(%dma_start3A_1130 : memref<100000x1024xf32, #tpu.memory_space<hbm>>) target(%dma_start3A_1124 : memref<8x1024xf32, #tpu.memory_space<vmem>>) offsets(%dma_start3A_1127 : memref<8xi32, #tpu.memory_space<vmem>>) semaphore(%arg11 : memref<!tpu.dma_semaphore, #tpu.memory_space<semaphore_mem>>)
    %dma_wait3A_1131 = arith.constant 0 : i32
    %dma_wait3A_1132 = arith.constant 0 : i32
    %dma_wait3A_1133 = arith.constant 0 : i32
    %dma_wait3A_1134 = tpu.memref_slice %arg9[%dma_wait3A_1132, %dma_wait3A_1133] : memref<32x1024xf32, #tpu.memory_space<vmem>> -> memref<8x1024xf32, #tpu.memory_space<vmem>>
    %dma_wait3A_1135 = arith.constant 40 : i32
    %dma_wait3A_1136 = tpu.memref_slice %arg6[%dma_wait3A_1131, %dma_wait3A_1135] : memref<4x64xi32, #tpu.memory_space<vmem>> -> memref<1x8xi32, #tpu.memory_space<vmem>>
    %dma_wait3A_1137 = tpu.memref_squeeze %dma_wait3A_1136 : memref<1x8xi32, #tpu.memory_space<vmem>> -> memref<8xi32, #tpu.memory_space<vmem>>
    %dma_wait3A_1138 = arith.constant 0 : i32
    %dma_wait3A_1139 = arith.constant 0 : i32
    %dma_wait3A_1140 = tpu.memref_slice %arg3[%dma_wait3A_1138, %dma_wait3A_1139] : memref<100000x1024xf32, #tpu.memory_space<hbm>> -> memref<100000x1024xf32, #tpu.memory_space<hbm>>
    tpu.wait_indirect_dma semaphore(%arg13 : memref<!tpu.dma_semaphore, #tpu.memory_space<semaphore_mem>>) src(%dma_wait3A_1140 : memref<100000x1024xf32, #tpu.memory_space<hbm>>) dst(%dma_wait3A_1134 : memref<8x1024xf32, #tpu.memory_space<vmem>>)
    %dma_wait3A_1141 = arith.constant 1 : i32
    %dma_wait3A_1142 = arith.constant 8 : i32
    %dma_wait3A_1143 = arith.constant 0 : i32
    %dma_wait3A_1144 = tpu.memref_slice %arg9[%dma_wait3A_1142, %dma_wait3A_1143] : memref<32x1024xf32, #tpu.memory_space<vmem>> -> memref<8x1024xf32, #tpu.memory_space<vmem>>
    %dma_wait3A_1145 = arith.constant 40 : i32
    %dma_wait3A_1146 = tpu.memref_slice %arg6[%dma_wait3A_1141, %dma_wait3A_1145] : memref<4x64xi32, #tpu.memory_space<vmem>> -> memref<1x8xi32, #tpu.memory_space<vmem>>
    %dma_wait3A_1147 = tpu.memref_squeeze %dma_wait3A_1146 : memref<1x8xi32, #tpu.memory_space<vmem>> -> memref<8xi32, #tpu.memory_space<vmem>>
    %dma_wait3A_1148 = arith.constant 0 : i32
    %dma_wait3A_1149 = arith.constant 0 : i32
    %dma_wait3A_1150 = tpu.memref_slice %arg3[%dma_wait3A_1148, %dma_wait3A_1149] : memref<100000x1024xf32, #tpu.memory_space<hbm>> -> memref<100000x1024xf32, #tpu.memory_space<hbm>>
    tpu.wait_indirect_dma semaphore(%arg13 : memref<!tpu.dma_semaphore, #tpu.memory_space<semaphore_mem>>) src(%dma_wait3A_1150 : memref<100000x1024xf32, #tpu.memory_space<hbm>>) dst(%dma_wait3A_1144 : memref<8x1024xf32, #tpu.memory_space<vmem>>)
    %dma_wait3A_1151 = arith.constant 2 : i32
    %dma_wait3A_1152 = arith.constant 16 : i32
    %dma_wait3A_1153 = arith.constant 0 : i32
    %dma_wait3A_1154 = tpu.memref_slice %arg9[%dma_wait3A_1152, %dma_wait3A_1153] : memref<32x1024xf32, #tpu.memory_space<vmem>> -> memref<8x1024xf32, #tpu.memory_space<vmem>>
    %dma_wait3A_1155 = arith.constant 40 : i32
    %dma_wait3A_1156 = tpu.memref_slice %arg6[%dma_wait3A_1151, %dma_wait3A_1155] : memref<4x64xi32, #tpu.memory_space<vmem>> -> memref<1x8xi32, #tpu.memory_space<vmem>>
    %dma_wait3A_1157 = tpu.memref_squeeze %dma_wait3A_1156 : memref<1x8xi32, #tpu.memory_space<vmem>> -> memref<8xi32, #tpu.memory_space<vmem>>
    %dma_wait3A_1158 = arith.constant 0 : i32
    %dma_wait3A_1159 = arith.constant 0 : i32
    %dma_wait3A_1160 = tpu.memref_slice %arg3[%dma_wait3A_1158, %dma_wait3A_1159] : memref<100000x1024xf32, #tpu.memory_space<hbm>> -> memref<100000x1024xf32, #tpu.memory_space<hbm>>
    tpu.wait_indirect_dma semaphore(%arg13 : memref<!tpu.dma_semaphore, #tpu.memory_space<semaphore_mem>>) src(%dma_wait3A_1160 : memref<100000x1024xf32, #tpu.memory_space<hbm>>) dst(%dma_wait3A_1154 : memref<8x1024xf32, #tpu.memory_space<vmem>>)
    %dma_wait3A_1161 = arith.constant 3 : i32
    %dma_wait3A_1162 = arith.constant 24 : i32
    %dma_wait3A_1163 = arith.constant 0 : i32
    %dma_wait3A_1164 = tpu.memref_slice %arg9[%dma_wait3A_1162, %dma_wait3A_1163] : memref<32x1024xf32, #tpu.memory_space<vmem>> -> memref<8x1024xf32, #tpu.memory_space<vmem>>
    %dma_wait3A_1165 = arith.constant 40 : i32
    %dma_wait3A_1166 = tpu.memref_slice %arg6[%dma_wait3A_1161, %dma_wait3A_1165] : memref<4x64xi32, #tpu.memory_space<vmem>> -> memref<1x8xi32, #tpu.memory_space<vmem>>
    %dma_wait3A_1167 = tpu.memref_squeeze %dma_wait3A_1166 : memref<1x8xi32, #tpu.memory_space<vmem>> -> memref<8xi32, #tpu.memory_space<vmem>>
    %dma_wait3A_1168 = arith.constant 0 : i32
    %dma_wait3A_1169 = arith.constant 0 : i32
    %dma_wait3A_1170 = tpu.memref_slice %arg3[%dma_wait3A_1168, %dma_wait3A_1169] : memref<100000x1024xf32, #tpu.memory_space<hbm>> -> memref<100000x1024xf32, #tpu.memory_space<hbm>>
    tpu.wait_indirect_dma semaphore(%arg13 : memref<!tpu.dma_semaphore, #tpu.memory_space<semaphore_mem>>) src(%dma_wait3A_1170 : memref<100000x1024xf32, #tpu.memory_space<hbm>>) dst(%dma_wait3A_1164 : memref<8x1024xf32, #tpu.memory_space<vmem>>)
    %scan3A_1171 = arith.constant 0 : i32
    %scan3A_1172 = arith.constant 0 : i32
    %scan3A_1173 = arith.constant 8 : i32
    %scan3A_1174 = arith.addi %scan3A_1172, %scan3A_1173 : i32
    %scan3A_1175 = arith.constant 1 : i32
    %scan3A_1176 = scf.for %scan3A_1700 = %scan3A_1172 to %scan3A_1174 step %scan3A_1175 iter_args(%scan3A_1701 = %scan3A_1171) -> (i32)  : i32 {
      %parallel_loop3A = arith.constant 0 : i32
      %parallel_loop3A_1702 = arith.constant 32 : i32
      %parallel_loop3A_1703 = arith.constant 1 : i32
      scf.for %parallel_loop3A_1705 = %parallel_loop3A to %parallel_loop3A_1702 step %parallel_loop3A_1703  : i32 {
        %parallel_loop3A_1706 = arith.constant 2 : i32
        %parallel_loop3A_1707 = arith.muli %parallel_loop3A_1705, %parallel_loop3A_1706 : i32
        %parallel_loop3A_1708 = arith.constant 16 : i32
        %parallel_loop3A_1709 = arith.muli %parallel_loop3A_1707, %parallel_loop3A_1708 : i32
        %parallel_loop3A_1710 = arith.index_cast %parallel_loop3A_1709 : i32 to index
        %parallel_loop3A_1711 = tpu.vector_load %arg10[%parallel_loop3A_1710] {strides = array<i32>} : memref<2048xf32, #tpu.memory_space<vmem>>, vector<16xf32>,
        %parallel_loop3A_1712 = vector.shape_cast %parallel_loop3A_1711 : vector<16xf32> to vector<16xf32>
        %parallel_loop3A_1713 = arith.constant 16 : i32
        %parallel_loop3A_1714 = arith.addi %parallel_loop3A_1709, %parallel_loop3A_1713 : i32
        %parallel_loop3A_1715 = arith.index_cast %parallel_loop3A_1714 : i32 to index
        %parallel_loop3A_1716 = tpu.vector_load %arg10[%parallel_loop3A_1715] {strides = array<i32>} : memref<2048xf32, #tpu.memory_space<vmem>>, vector<16xf32>,
        %parallel_loop3A_1717 = vector.shape_cast %parallel_loop3A_1716 : vector<16xf32> to vector<16xf32>
        %parallel_loop3A_1718 = arith.constant 16 : i32
        %parallel_loop3A_1719 = arith.muli %parallel_loop3A_1705, %parallel_loop3A_1718 : i32
        %parallel_loop3A_1720 = arith.constant 16 : i32
        %parallel_loop3A_1721 = arith.muli %parallel_loop3A_1705, %parallel_loop3A_1720 : i32
        %parallel_loop3A_1722 = arith.constant 512 : i32
        %parallel_loop3A_1723 = arith.addi %parallel_loop3A_1722, %parallel_loop3A_1721 : i32
        %parallel_loop3A_1724 = arith.constant 0 : i32
        %parallel_loop3A_1725 = arith.addi %parallel_loop3A_1724, %scan3A_1700 : i32
        %parallel_loop3A_1726 = arith.index_cast %parallel_loop3A_1725 : i32 to index
        %parallel_loop3A_1727 = arith.index_cast %parallel_loop3A_1719 : i32 to index
        %parallel_loop3A_1728 = tpu.vector_load %arg9[%parallel_loop3A_1726, %parallel_loop3A_1727] {strides = array<i32>} : memref<32x1024xf32, #tpu.memory_space<vmem>>, vector<1x16xf32>,
        %parallel_loop3A_1729 = vector.shape_cast %parallel_loop3A_1728 : vector<1x16xf32> to vector<16xf32>
        %parallel_loop3A_1730 = arith.constant 3.200000e+01 : f32
        %parallel_loop3A_1731 = vector.broadcast %parallel_loop3A_1730 : f32 to vector<16xf32>
        %parallel_loop3A_1732 = arith.mulf %parallel_loop3A_1729, %parallel_loop3A_1731 : vector<16xf32>
        %parallel_loop3A_1733 = arith.addf %parallel_loop3A_1732, %parallel_loop3A_1712 : vector<16xf32>
        %parallel_loop3A_1734 = arith.index_cast %parallel_loop3A_1725 : i32 to index
        %parallel_loop3A_1735 = arith.index_cast %parallel_loop3A_1719 : i32 to index
        %parallel_loop3A_1736 = tpu.vector_load %arg9[%parallel_loop3A_1734, %parallel_loop3A_1735] {strides = array<i32>} : memref<32x1024xf32, #tpu.memory_space<vmem>>, vector<1x16xf32>,
        %parallel_loop3A_1737 = vector.shape_cast %parallel_loop3A_1736 : vector<1x16xf32> to vector<16xf32>
        %parallel_loop3A_1738 = vector.shape_cast %parallel_loop3A_1733 : vector<16xf32> to vector<1x16xf32>
        tpu.vector_store %arg9[%parallel_loop3A_1734, %parallel_loop3A_1735], %parallel_loop3A_1738 {strides = array<i32>} : memref<32x1024xf32, #tpu.memory_space<vmem>>, vector<1x16xf32>,
        %parallel_loop3A_1739 = arith.index_cast %parallel_loop3A_1725 : i32 to index
        %parallel_loop3A_1740 = arith.index_cast %parallel_loop3A_1723 : i32 to index
        %parallel_loop3A_1741 = tpu.vector_load %arg9[%parallel_loop3A_1739, %parallel_loop3A_1740] {strides = array<i32>} : memref<32x1024xf32, #tpu.memory_space<vmem>>, vector<1x16xf32>,
        %parallel_loop3A_1742 = vector.shape_cast %parallel_loop3A_1741 : vector<1x16xf32> to vector<16xf32>
        %parallel_loop3A_1743 = arith.constant 3.200000e+01 : f32
        %parallel_loop3A_1744 = vector.broadcast %parallel_loop3A_1743 : f32 to vector<16xf32>
        %parallel_loop3A_1745 = arith.mulf %parallel_loop3A_1742, %parallel_loop3A_1744 : vector<16xf32>
        %parallel_loop3A_1746 = arith.addf %parallel_loop3A_1745, %parallel_loop3A_1717 : vector<16xf32>
        %parallel_loop3A_1747 = arith.index_cast %parallel_loop3A_1725 : i32 to index
        %parallel_loop3A_1748 = arith.index_cast %parallel_loop3A_1723 : i32 to index
        %parallel_loop3A_1749 = tpu.vector_load %arg9[%parallel_loop3A_1747, %parallel_loop3A_1748] {strides = array<i32>} : memref<32x1024xf32, #tpu.memory_space<vmem>>, vector<1x16xf32>,
        %parallel_loop3A_1750 = vector.shape_cast %parallel_loop3A_1749 : vector<1x16xf32> to vector<16xf32>
        %parallel_loop3A_1751 = vector.shape_cast %parallel_loop3A_1746 : vector<16xf32> to vector<1x16xf32>
        tpu.vector_store %arg9[%parallel_loop3A_1747, %parallel_loop3A_1748], %parallel_loop3A_1751 {strides = array<i32>} : memref<32x1024xf32, #tpu.memory_space<vmem>>, vector<1x16xf32>,
        %parallel_loop3A_1752 = arith.constant 8 : i32
        %parallel_loop3A_1753 = arith.addi %parallel_loop3A_1752, %scan3A_1700 : i32
        %parallel_loop3A_1754 = arith.index_cast %parallel_loop3A_1753 : i32 to index
        %parallel_loop3A_1755 = arith.index_cast %parallel_loop3A_1719 : i32 to index
        %parallel_loop3A_1756 = tpu.vector_load %arg9[%parallel_loop3A_1754, %parallel_loop3A_1755] {strides = array<i32>} : memref<32x1024xf32, #tpu.memory_space<vmem>>, vector<1x16xf32>,
        %parallel_loop3A_1757 = vector.shape_cast %parallel_loop3A_1756 : vector<1x16xf32> to vector<16xf32>
        %parallel_loop3A_1758 = arith.constant 3.200000e+01 : f32
        %parallel_loop3A_1759 = vector.broadcast %parallel_loop3A_1758 : f32 to vector<16xf32>
        %parallel_loop3A_1760 = arith.mulf %parallel_loop3A_1757, %parallel_loop3A_1759 : vector<16xf32>
        %parallel_loop3A_1761 = arith.addf %parallel_loop3A_1760, %parallel_loop3A_1712 : vector<16xf32>
        %parallel_loop3A_1762 = arith.index_cast %parallel_loop3A_1753 : i32 to index
        %parallel_loop3A_1763 = arith.index_cast %parallel_loop3A_1719 : i32 to index
        %parallel_loop3A_1764 = tpu.vector_load %arg9[%parallel_loop3A_1762, %parallel_loop3A_1763] {strides = array<i32>} : memref<32x1024xf32, #tpu.memory_space<vmem>>, vector<1x16xf32>,
        %parallel_loop3A_1765 = vector.shape_cast %parallel_loop3A_1764 : vector<1x16xf32> to vector<16xf32>
        %parallel_loop3A_1766 = vector.shape_cast %parallel_loop3A_1761 : vector<16xf32> to vector<1x16xf32>
        tpu.vector_store %arg9[%parallel_loop3A_1762, %parallel_loop3A_1763], %parallel_loop3A_1766 {strides = array<i32>} : memref<32x1024xf32, #tpu.memory_space<vmem>>, vector<1x16xf32>,
        %parallel_loop3A_1767 = arith.index_cast %parallel_loop3A_1753 : i32 to index
        %parallel_loop3A_1768 = arith.index_cast %parallel_loop3A_1723 : i32 to index
        %parallel_loop3A_1769 = tpu.vector_load %arg9[%parallel_loop3A_1767, %parallel_loop3A_1768] {strides = array<i32>} : memref<32x1024xf32, #tpu.memory_space<vmem>>, vector<1x16xf32>,
        %parallel_loop3A_1770 = vector.shape_cast %parallel_loop3A_1769 : vector<1x16xf32> to vector<16xf32>
        %parallel_loop3A_1771 = arith.constant 3.200000e+01 : f32
        %parallel_loop3A_1772 = vector.broadcast %parallel_loop3A_1771 : f32 to vector<16xf32>
        %parallel_loop3A_1773 = arith.mulf %parallel_loop3A_1770, %parallel_loop3A_1772 : vector<16xf32>
        %parallel_loop3A_1774 = arith.addf %parallel_loop3A_1773, %parallel_loop3A_1717 : vector<16xf32>
        %parallel_loop3A_1775 = arith.index_cast %parallel_loop3A_1753 : i32 to index
        %parallel_loop3A_1776 = arith.index_cast %parallel_loop3A_1723 : i32 to index
        %parallel_loop3A_1777 = tpu.vector_load %arg9[%parallel_loop3A_1775, %parallel_loop3A_1776] {strides = array<i32>} : memref<32x1024xf32, #tpu.memory_space<vmem>>, vector<1x16xf32>,
        %parallel_loop3A_1778 = vector.shape_cast %parallel_loop3A_1777 : vector<1x16xf32> to vector<16xf32>
        %parallel_loop3A_1779 = vector.shape_cast %parallel_loop3A_1774 : vector<16xf32> to vector<1x16xf32>
        tpu.vector_store %arg9[%parallel_loop3A_1775, %parallel_loop3A_1776], %parallel_loop3A_1779 {strides = array<i32>} : memref<32x1024xf32, #tpu.memory_space<vmem>>, vector<1x16xf32>,
        %parallel_loop3A_1780 = arith.constant 16 : i32
        %parallel_loop3A_1781 = arith.addi %parallel_loop3A_1780, %scan3A_1700 : i32
        %parallel_loop3A_1782 = arith.index_cast %parallel_loop3A_1781 : i32 to index
        %parallel_loop3A_1783 = arith.index_cast %parallel_loop3A_1719 : i32 to index
        %parallel_loop3A_1784 = tpu.vector_load %arg9[%parallel_loop3A_1782, %parallel_loop3A_1783] {strides = array<i32>} : memref<32x1024xf32, #tpu.memory_space<vmem>>, vector<1x16xf32>,
        %parallel_loop3A_1785 = vector.shape_cast %parallel_loop3A_1784 : vector<1x16xf32> to vector<16xf32>
        %parallel_loop3A_1786 = arith.constant 3.200000e+01 : f32
        %parallel_loop3A_1787 = vector.broadcast %parallel_loop3A_1786 : f32 to vector<16xf32>
        %parallel_loop3A_1788 = arith.mulf %parallel_loop3A_1785, %parallel_loop3A_1787 : vector<16xf32>
        %parallel_loop3A_1789 = arith.addf %parallel_loop3A_1788, %parallel_loop3A_1712 : vector<16xf32>
        %parallel_loop3A_1790 = arith.index_cast %parallel_loop3A_1781 : i32 to index
        %parallel_loop3A_1791 = arith.index_cast %parallel_loop3A_1719 : i32 to index
        %parallel_loop3A_1792 = tpu.vector_load %arg9[%parallel_loop3A_1790, %parallel_loop3A_1791] {strides = array<i32>} : memref<32x1024xf32, #tpu.memory_space<vmem>>, vector<1x16xf32>,
        %parallel_loop3A_1793 = vector.shape_cast %parallel_loop3A_1792 : vector<1x16xf32> to vector<16xf32>
        %parallel_loop3A_1794 = vector.shape_cast %parallel_loop3A_1789 : vector<16xf32> to vector<1x16xf32>
        tpu.vector_store %arg9[%parallel_loop3A_1790, %parallel_loop3A_1791], %parallel_loop3A_1794 {strides = array<i32>} : memref<32x1024xf32, #tpu.memory_space<vmem>>, vector<1x16xf32>,
        %parallel_loop3A_1795 = arith.index_cast %parallel_loop3A_1781 : i32 to index
        %parallel_loop3A_1796 = arith.index_cast %parallel_loop3A_1723 : i32 to index
        %parallel_loop3A_1797 = tpu.vector_load %arg9[%parallel_loop3A_1795, %parallel_loop3A_1796] {strides = array<i32>} : memref<32x1024xf32, #tpu.memory_space<vmem>>, vector<1x16xf32>,
        %parallel_loop3A_1798 = vector.shape_cast %parallel_loop3A_1797 : vector<1x16xf32> to vector<16xf32>
        %parallel_loop3A_1799 = arith.constant 3.200000e+01 : f32
        %parallel_loop3A_1800 = vector.broadcast %parallel_loop3A_1799 : f32 to vector<16xf32>
        %parallel_loop3A_1801 = arith.mulf %parallel_loop3A_1798, %parallel_loop3A_1800 : vector<16xf32>
        %parallel_loop3A_1802 = arith.addf %parallel_loop3A_1801, %parallel_loop3A_1717 : vector<16xf32>
        %parallel_loop3A_1803 = arith.index_cast %parallel_loop3A_1781 : i32 to index
        %parallel_loop3A_1804 = arith.index_cast %parallel_loop3A_1723 : i32 to index
        %parallel_loop3A_1805 = tpu.vector_load %arg9[%parallel_loop3A_1803, %parallel_loop3A_1804] {strides = array<i32>} : memref<32x1024xf32, #tpu.memory_space<vmem>>, vector<1x16xf32>,
        %parallel_loop3A_1806 = vector.shape_cast %parallel_loop3A_1805 : vector<1x16xf32> to vector<16xf32>
        %parallel_loop3A_1807 = vector.shape_cast %parallel_loop3A_1802 : vector<16xf32> to vector<1x16xf32>
        tpu.vector_store %arg9[%parallel_loop3A_1803, %parallel_loop3A_1804], %parallel_loop3A_1807 {strides = array<i32>} : memref<32x1024xf32, #tpu.memory_space<vmem>>, vector<1x16xf32>,
        %parallel_loop3A_1808 = arith.constant 24 : i32
        %parallel_loop3A_1809 = arith.addi %parallel_loop3A_1808, %scan3A_1700 : i32
        %parallel_loop3A_1810 = arith.index_cast %parallel_loop3A_1809 : i32 to index
        %parallel_loop3A_1811 = arith.index_cast %parallel_loop3A_1719 : i32 to index
        %parallel_loop3A_1812 = tpu.vector_load %arg9[%parallel_loop3A_1810, %parallel_loop3A_1811] {strides = array<i32>} : memref<32x1024xf32, #tpu.memory_space<vmem>>, vector<1x16xf32>,
        %parallel_loop3A_1813 = vector.shape_cast %parallel_loop3A_1812 : vector<1x16xf32> to vector<16xf32>
        %parallel_loop3A_1814 = arith.constant 3.200000e+01 : f32
        %parallel_loop3A_1815 = vector.broadcast %parallel_loop3A_1814 : f32 to vector<16xf32>
        %parallel_loop3A_1816 = arith.mulf %parallel_loop3A_1813, %parallel_loop3A_1815 : vector<16xf32>
        %parallel_loop3A_1817 = arith.addf %parallel_loop3A_1816, %parallel_loop3A_1712 : vector<16xf32>
        %parallel_loop3A_1818 = arith.index_cast %parallel_loop3A_1809 : i32 to index
        %parallel_loop3A_1819 = arith.index_cast %parallel_loop3A_1719 : i32 to index
        %parallel_loop3A_1820 = tpu.vector_load %arg9[%parallel_loop3A_1818, %parallel_loop3A_1819] {strides = array<i32>} : memref<32x1024xf32, #tpu.memory_space<vmem>>, vector<1x16xf32>,
        %parallel_loop3A_1821 = vector.shape_cast %parallel_loop3A_1820 : vector<1x16xf32> to vector<16xf32>
        %parallel_loop3A_1822 = vector.shape_cast %parallel_loop3A_1817 : vector<16xf32> to vector<1x16xf32>
        tpu.vector_store %arg9[%parallel_loop3A_1818, %parallel_loop3A_1819], %parallel_loop3A_1822 {strides = array<i32>} : memref<32x1024xf32, #tpu.memory_space<vmem>>, vector<1x16xf32>,
        %parallel_loop3A_1823 = arith.index_cast %parallel_loop3A_1809 : i32 to index
        %parallel_loop3A_1824 = arith.index_cast %parallel_loop3A_1723 : i32 to index
        %parallel_loop3A_1825 = tpu.vector_load %arg9[%parallel_loop3A_1823, %parallel_loop3A_1824] {strides = array<i32>} : memref<32x1024xf32, #tpu.memory_space<vmem>>, vector<1x16xf32>,
        %parallel_loop3A_1826 = vector.shape_cast %parallel_loop3A_1825 : vector<1x16xf32> to vector<16xf32>
        %parallel_loop3A_1827 = arith.constant 3.200000e+01 : f32
        %parallel_loop3A_1828 = vector.broadcast %parallel_loop3A_1827 : f32 to vector<16xf32>
        %parallel_loop3A_1829 = arith.mulf %parallel_loop3A_1826, %parallel_loop3A_1828 : vector<16xf32>
        %parallel_loop3A_1830 = arith.addf %parallel_loop3A_1829, %parallel_loop3A_1717 : vector<16xf32>
        %parallel_loop3A_1831 = arith.index_cast %parallel_loop3A_1809 : i32 to index
        %parallel_loop3A_1832 = arith.index_cast %parallel_loop3A_1723 : i32 to index
        %parallel_loop3A_1833 = tpu.vector_load %arg9[%parallel_loop3A_1831, %parallel_loop3A_1832] {strides = array<i32>} : memref<32x1024xf32, #tpu.memory_space<vmem>>, vector<1x16xf32>,
        %parallel_loop3A_1834 = vector.shape_cast %parallel_loop3A_1833 : vector<1x16xf32> to vector<16xf32>
        %parallel_loop3A_1835 = vector.shape_cast %parallel_loop3A_1830 : vector<16xf32> to vector<1x16xf32>
        tpu.vector_store %arg9[%parallel_loop3A_1831, %parallel_loop3A_1832], %parallel_loop3A_1835 {strides = array<i32>} : memref<32x1024xf32, #tpu.memory_space<vmem>>, vector<1x16xf32>,
        %parallel_loop3A_1836 = arith.constant 1024 : i32
        %parallel_loop3A_1837 = arith.addi %parallel_loop3A_1836, %parallel_loop3A_1709 : i32
        %parallel_loop3A_1838 = arith.index_cast %parallel_loop3A_1837 : i32 to index
        %parallel_loop3A_1839 = tpu.vector_load %arg10[%parallel_loop3A_1838] {strides = array<i32>} : memref<2048xf32, #tpu.memory_space<vmem>>, vector<16xf32>,
        %parallel_loop3A_1840 = vector.shape_cast %parallel_loop3A_1839 : vector<16xf32> to vector<16xf32>
        %parallel_loop3A_1841 = arith.constant 1024 : i32
        %parallel_loop3A_1842 = arith.addi %parallel_loop3A_1841, %parallel_loop3A_1709 : i32
        %parallel_loop3A_1843 = arith.constant 16 : i32
        %parallel_loop3A_1844 = arith.addi %parallel_loop3A_1842, %parallel_loop3A_1843 : i32
        %parallel_loop3A_1845 = arith.index_cast %parallel_loop3A_1844 : i32 to index
        %parallel_loop3A_1846 = tpu.vector_load %arg10[%parallel_loop3A_1845] {strides = array<i32>} : memref<2048xf32, #tpu.memory_space<vmem>>, vector<16xf32>,
        %parallel_loop3A_1847 = vector.shape_cast %parallel_loop3A_1846 : vector<16xf32> to vector<16xf32>
        %parallel_loop3A_1848 = arith.mulf %parallel_loop3A_1712, %parallel_loop3A_1840 : vector<16xf32>
        %parallel_loop3A_1849 = arith.mulf %parallel_loop3A_1717, %parallel_loop3A_1847 : vector<16xf32>
        %parallel_loop3A_1850 = arith.addf %parallel_loop3A_1848, %parallel_loop3A_1849 : vector<16xf32>
        %parallel_loop3A_1851 = arith.index_cast %parallel_loop3A_1709 : i32 to index
        %parallel_loop3A_1852 = tpu.vector_load %arg10[%parallel_loop3A_1851] {strides = array<i32>} : memref<2048xf32, #tpu.memory_space<vmem>>, vector<16xf32>,
        %parallel_loop3A_1853 = vector.shape_cast %parallel_loop3A_1852 : vector<16xf32> to vector<16xf32>
        %parallel_loop3A_1854 = vector.shape_cast %parallel_loop3A_1850 : vector<16xf32> to vector<16xf32>
        tpu.vector_store %arg10[%parallel_loop3A_1851], %parallel_loop3A_1854 {strides = array<i32>} : memref<2048xf32, #tpu.memory_space<vmem>>, vector<16xf32>,
        %parallel_loop3A_1855 = arith.mulf %parallel_loop3A_1717, %parallel_loop3A_1840 : vector<16xf32>
        %parallel_loop3A_1856 = arith.mulf %parallel_loop3A_1712, %parallel_loop3A_1847 : vector<16xf32>
        %parallel_loop3A_1857 = arith.subf %parallel_loop3A_1855, %parallel_loop3A_1856 : vector<16xf32>
        %parallel_loop3A_1858 = arith.constant 16 : i32
        %parallel_loop3A_1859 = arith.addi %parallel_loop3A_1709, %parallel_loop3A_1858 : i32
        %parallel_loop3A_1860 = arith.index_cast %parallel_loop3A_1859 : i32 to index
        %parallel_loop3A_1861 = tpu.vector_load %arg10[%parallel_loop3A_1860] {strides = array<i32>} : memref<2048xf32, #tpu.memory_space<vmem>>, vector<16xf32>,
        %parallel_loop3A_1862 = vector.shape_cast %parallel_loop3A_1861 : vector<16xf32> to vector<16xf32>
        %parallel_loop3A_1863 = vector.shape_cast %parallel_loop3A_1857 : vector<16xf32> to vector<16xf32>
        tpu.vector_store %arg10[%parallel_loop3A_1860], %parallel_loop3A_1863 {strides = array<i32>} : memref<2048xf32, #tpu.memory_space<vmem>>, vector<16xf32>,
      } {sc.loop_unroll_factor = 1 : i64, sc.parallel_access}
      %scan3A_1704 = arith.constant 0 : i32
      scf.yield %scan3A_1704 : i32
    }
    %scan3A_1177 = arith.constant 8 : i32
    %add3A_1178 = arith.constant 40 : i32
    %add3A_1179 = arith.addi %mul3A_2, %add3A_1178 : i32
    %dma_start3A_1180 = arith.constant 0 : i32
    %dma_start3A_1181 = arith.constant 0 : i32
    %dma_start3A_1182 = arith.constant 0 : i32
    %dma_start3A_1183 = tpu.memref_slice %arg9[%dma_start3A_1181, %dma_start3A_1182] : memref<32x1024xf32, #tpu.memory_space<vmem>> -> memref<8x1024xf32, #tpu.memory_space<vmem>>
    %dma_start3A_1184 = arith.constant 0 : i32
    %dma_start3A_1185 = tpu.memref_slice %arg5[%dma_start3A_1180, %add3A_1179, %dma_start3A_1184] : memref<4x2048x1024xf32, #tpu.memory_space<hbm>> -> memref<1x8x1024xf32, #tpu.memory_space<hbm>>
    %dma_start3A_1186 = tpu.memref_squeeze %dma_start3A_1185 : memref<1x8x1024xf32, #tpu.memory_space<hbm>> -> memref<8x1024xf32, #tpu.memory_space<hbm>>
    %dma_start3A_1187 = arith.constant 0 : i32
    %dma_start3A_1188 = tpu.memref_slice %arg5[%dma_start3A_1180, %add3A_1179, %dma_start3A_1187] : memref<4x2048x1024xf32, #tpu.memory_space<hbm>> -> memref<1x8x1024xf32, #tpu.memory_space<hbm>>
    %dma_start3A_1189 = tpu.memref_squeeze %dma_start3A_1188 : memref<1x8x1024xf32, #tpu.memory_space<hbm>> -> memref<8x1024xf32, #tpu.memory_space<hbm>>
    %dma_start3A_1190 = arith.constant 0 : i32
    %dma_start3A_1191 = arith.constant 0 : i32
    %dma_start3A_1192 = tpu.memref_slice %arg9[%dma_start3A_1190, %dma_start3A_1191] : memref<32x1024xf32, #tpu.memory_space<vmem>> -> memref<8x1024xf32, #tpu.memory_space<vmem>>
    tpu.enqueue_dma source(%dma_start3A_1192 : memref<8x1024xf32, #tpu.memory_space<vmem>>) target(%dma_start3A_1189 : memref<8x1024xf32, #tpu.memory_space<hbm>>) target_semaphore(%arg16 : memref<!tpu.dma_semaphore, #tpu.memory_space<semaphore_mem>>)
    %add3A_1193 = arith.constant 40 : i32
    %add3A_1194 = arith.addi %mul3A_2, %add3A_1193 : i32
    %dma_start3A_1195 = arith.constant 1 : i32
    %dma_start3A_1196 = arith.constant 8 : i32
    %dma_start3A_1197 = arith.constant 0 : i32
    %dma_start3A_1198 = tpu.memref_slice %arg9[%dma_start3A_1196, %dma_start3A_1197] : memref<32x1024xf32, #tpu.memory_space<vmem>> -> memref<8x1024xf32, #tpu.memory_space<vmem>>
    %dma_start3A_1199 = arith.constant 0 : i32
    %dma_start3A_1200 = tpu.memref_slice %arg5[%dma_start3A_1195, %add3A_1194, %dma_start3A_1199] : memref<4x2048x1024xf32, #tpu.memory_space<hbm>> -> memref<1x8x1024xf32, #tpu.memory_space<hbm>>
    %dma_start3A_1201 = tpu.memref_squeeze %dma_start3A_1200 : memref<1x8x1024xf32, #tpu.memory_space<hbm>> -> memref<8x1024xf32, #tpu.memory_space<hbm>>
    %dma_start3A_1202 = arith.constant 0 : i32
    %dma_start3A_1203 = tpu.memref_slice %arg5[%dma_start3A_1195, %add3A_1194, %dma_start3A_1202] : memref<4x2048x1024xf32, #tpu.memory_space<hbm>> -> memref<1x8x1024xf32, #tpu.memory_space<hbm>>
    %dma_start3A_1204 = tpu.memref_squeeze %dma_start3A_1203 : memref<1x8x1024xf32, #tpu.memory_space<hbm>> -> memref<8x1024xf32, #tpu.memory_space<hbm>>
    %dma_start3A_1205 = arith.constant 8 : i32
    %dma_start3A_1206 = arith.constant 0 : i32
    %dma_start3A_1207 = tpu.memref_slice %arg9[%dma_start3A_1205, %dma_start3A_1206] : memref<32x1024xf32, #tpu.memory_space<vmem>> -> memref<8x1024xf32, #tpu.memory_space<vmem>>
    tpu.enqueue_dma source(%dma_start3A_1207 : memref<8x1024xf32, #tpu.memory_space<vmem>>) target(%dma_start3A_1204 : memref<8x1024xf32, #tpu.memory_space<hbm>>) target_semaphore(%arg16 : memref<!tpu.dma_semaphore, #tpu.memory_space<semaphore_mem>>)
    %add3A_1208 = arith.constant 40 : i32
    %add3A_1209 = arith.addi %mul3A_2, %add3A_1208 : i32
    %dma_start3A_1210 = arith.constant 2 : i32
    %dma_start3A_1211 = arith.constant 16 : i32
    %dma_start3A_1212 = arith.constant 0 : i32
    %dma_start3A_1213 = tpu.memref_slice %arg9[%dma_start3A_1211, %dma_start3A_1212] : memref<32x1024xf32, #tpu.memory_space<vmem>> -> memref<8x1024xf32, #tpu.memory_space<vmem>>
    %dma_start3A_1214 = arith.constant 0 : i32
    %dma_start3A_1215 = tpu.memref_slice %arg5[%dma_start3A_1210, %add3A_1209, %dma_start3A_1214] : memref<4x2048x1024xf32, #tpu.memory_space<hbm>> -> memref<1x8x1024xf32, #tpu.memory_space<hbm>>
    %dma_start3A_1216 = tpu.memref_squeeze %dma_start3A_1215 : memref<1x8x1024xf32, #tpu.memory_space<hbm>> -> memref<8x1024xf32, #tpu.memory_space<hbm>>
    %dma_start3A_1217 = arith.constant 0 : i32
    %dma_start3A_1218 = tpu.memref_slice %arg5[%dma_start3A_1210, %add3A_1209, %dma_start3A_1217] : memref<4x2048x1024xf32, #tpu.memory_space<hbm>> -> memref<1x8x1024xf32, #tpu.memory_space<hbm>>
    %dma_start3A_1219 = tpu.memref_squeeze %dma_start3A_1218 : memref<1x8x1024xf32, #tpu.memory_space<hbm>> -> memref<8x1024xf32, #tpu.memory_space<hbm>>
    %dma_start3A_1220 = arith.constant 16 : i32
    %dma_start3A_1221 = arith.constant 0 : i32
    %dma_start3A_1222 = tpu.memref_slice %arg9[%dma_start3A_1220, %dma_start3A_1221] : memref<32x1024xf32, #tpu.memory_space<vmem>> -> memref<8x1024xf32, #tpu.memory_space<vmem>>
    tpu.enqueue_dma source(%dma_start3A_1222 : memref<8x1024xf32, #tpu.memory_space<vmem>>) target(%dma_start3A_1219 : memref<8x1024xf32, #tpu.memory_space<hbm>>) target_semaphore(%arg16 : memref<!tpu.dma_semaphore, #tpu.memory_space<semaphore_mem>>)
    %add3A_1223 = arith.constant 40 : i32
    %add3A_1224 = arith.addi %mul3A_2, %add3A_1223 : i32
    %dma_start3A_1225 = arith.constant 3 : i32
    %dma_start3A_1226 = arith.constant 24 : i32
    %dma_start3A_1227 = arith.constant 0 : i32
    %dma_start3A_1228 = tpu.memref_slice %arg9[%dma_start3A_1226, %dma_start3A_1227] : memref<32x1024xf32, #tpu.memory_space<vmem>> -> memref<8x1024xf32, #tpu.memory_space<vmem>>
    %dma_start3A_1229 = arith.constant 0 : i32
    %dma_start3A_1230 = tpu.memref_slice %arg5[%dma_start3A_1225, %add3A_1224, %dma_start3A_1229] : memref<4x2048x1024xf32, #tpu.memory_space<hbm>> -> memref<1x8x1024xf32, #tpu.memory_space<hbm>>
    %dma_start3A_1231 = tpu.memref_squeeze %dma_start3A_1230 : memref<1x8x1024xf32, #tpu.memory_space<hbm>> -> memref<8x1024xf32, #tpu.memory_space<hbm>>
    %dma_start3A_1232 = arith.constant 0 : i32
    %dma_start3A_1233 = tpu.memref_slice %arg5[%dma_start3A_1225, %add3A_1224, %dma_start3A_1232] : memref<4x2048x1024xf32, #tpu.memory_space<hbm>> -> memref<1x8x1024xf32, #tpu.memory_space<hbm>>
    %dma_start3A_1234 = tpu.memref_squeeze %dma_start3A_1233 : memref<1x8x1024xf32, #tpu.memory_space<hbm>> -> memref<8x1024xf32, #tpu.memory_space<hbm>>
    %dma_start3A_1235 = arith.constant 24 : i32
    %dma_start3A_1236 = arith.constant 0 : i32
    %dma_start3A_1237 = tpu.memref_slice %arg9[%dma_start3A_1235, %dma_start3A_1236] : memref<32x1024xf32, #tpu.memory_space<vmem>> -> memref<8x1024xf32, #tpu.memory_space<vmem>>
    tpu.enqueue_dma source(%dma_start3A_1237 : memref<8x1024xf32, #tpu.memory_space<vmem>>) target(%dma_start3A_1234 : memref<8x1024xf32, #tpu.memory_space<hbm>>) target_semaphore(%arg16 : memref<!tpu.dma_semaphore, #tpu.memory_space<semaphore_mem>>)
    %dma_wait3A_1238 = arith.constant 0 : i32
    %dma_wait3A_1239 = arith.constant 0 : i32
    %dma_wait3A_1240 = arith.constant 0 : i32
    %dma_wait3A_1241 = tpu.memref_slice %arg8[%dma_wait3A_1239, %dma_wait3A_1240] : memref<32x1024xf32, #tpu.memory_space<vmem>> -> memref<8x1024xf32, #tpu.memory_space<vmem>>
    %dma_wait3A_1242 = arith.constant 0 : i32
    %dma_wait3A_1243 = tpu.memref_slice %arg5[%dma_wait3A_1238, %add3A_980, %dma_wait3A_1242] : memref<4x2048x1024xf32, #tpu.memory_space<hbm>> -> memref<1x8x1024xf32, #tpu.memory_space<hbm>>
    %dma_wait3A_1244 = tpu.memref_squeeze %dma_wait3A_1243 : memref<1x8x1024xf32, #tpu.memory_space<hbm>> -> memref<8x1024xf32, #tpu.memory_space<hbm>>
    %dma_wait3A_1245 = arith.constant 0 : i32
    %dma_wait3A_1246 = tpu.memref_slice %arg5[%dma_wait3A_1238, %add3A_980, %dma_wait3A_1245] : memref<4x2048x1024xf32, #tpu.memory_space<hbm>> -> memref<1x8x1024xf32, #tpu.memory_space<hbm>>
    %dma_wait3A_1247 = tpu.memref_squeeze %dma_wait3A_1246 : memref<1x8x1024xf32, #tpu.memory_space<hbm>> -> memref<8x1024xf32, #tpu.memory_space<hbm>>
    %dma_wait3A_1248 = arith.constant 0 : i32
    %dma_wait3A_1249 = arith.constant 0 : i32
    %dma_wait3A_1250 = tpu.memref_slice %arg8[%dma_wait3A_1248, %dma_wait3A_1249] : memref<32x1024xf32, #tpu.memory_space<vmem>> -> memref<8x1024xf32, #tpu.memory_space<vmem>>
    tpu.wait_dma2 semaphore(%arg15 : memref<!tpu.dma_semaphore, #tpu.memory_space<semaphore_mem>>) src(%dma_wait3A_1250 : memref<8x1024xf32, #tpu.memory_space<vmem>>) dst(%dma_wait3A_1247 : memref<8x1024xf32, #tpu.memory_space<hbm>>)
    %dma_wait3A_1251 = arith.constant 1 : i32
    %dma_wait3A_1252 = arith.constant 8 : i32
    %dma_wait3A_1253 = arith.constant 0 : i32
    %dma_wait3A_1254 = tpu.memref_slice %arg8[%dma_wait3A_1252, %dma_wait3A_1253] : memref<32x1024xf32, #tpu.memory_space<vmem>> -> memref<8x1024xf32, #tpu.memory_space<vmem>>
    %dma_wait3A_1255 = arith.constant 0 : i32
    %dma_wait3A_1256 = tpu.memref_slice %arg5[%dma_wait3A_1251, %add3A_995, %dma_wait3A_1255] : memref<4x2048x1024xf32, #tpu.memory_space<hbm>> -> memref<1x8x1024xf32, #tpu.memory_space<hbm>>
    %dma_wait3A_1257 = tpu.memref_squeeze %dma_wait3A_1256 : memref<1x8x1024xf32, #tpu.memory_space<hbm>> -> memref<8x1024xf32, #tpu.memory_space<hbm>>
    %dma_wait3A_1258 = arith.constant 0 : i32
    %dma_wait3A_1259 = tpu.memref_slice %arg5[%dma_wait3A_1251, %add3A_995, %dma_wait3A_1258] : memref<4x2048x1024xf32, #tpu.memory_space<hbm>> -> memref<1x8x1024xf32, #tpu.memory_space<hbm>>
    %dma_wait3A_1260 = tpu.memref_squeeze %dma_wait3A_1259 : memref<1x8x1024xf32, #tpu.memory_space<hbm>> -> memref<8x1024xf32, #tpu.memory_space<hbm>>
    %dma_wait3A_1261 = arith.constant 8 : i32
    %dma_wait3A_1262 = arith.constant 0 : i32
    %dma_wait3A_1263 = tpu.memref_slice %arg8[%dma_wait3A_1261, %dma_wait3A_1262] : memref<32x1024xf32, #tpu.memory_space<vmem>> -> memref<8x1024xf32, #tpu.memory_space<vmem>>
    tpu.wait_dma2 semaphore(%arg15 : memref<!tpu.dma_semaphore, #tpu.memory_space<semaphore_mem>>) src(%dma_wait3A_1263 : memref<8x1024xf32, #tpu.memory_space<vmem>>) dst(%dma_wait3A_1260 : memref<8x1024xf32, #tpu.memory_space<hbm>>)
    %dma_wait3A_1264 = arith.constant 2 : i32
    %dma_wait3A_1265 = arith.constant 16 : i32
    %dma_wait3A_1266 = arith.constant 0 : i32
    %dma_wait3A_1267 = tpu.memref_slice %arg8[%dma_wait3A_1265, %dma_wait3A_1266] : memref<32x1024xf32, #tpu.memory_space<vmem>> -> memref<8x1024xf32, #tpu.memory_space<vmem>>
    %dma_wait3A_1268 = arith.constant 0 : i32
    %dma_wait3A_1269 = tpu.memref_slice %arg5[%dma_wait3A_1264, %add3A_1010, %dma_wait3A_1268] : memref<4x2048x1024xf32, #tpu.memory_space<hbm>> -> memref<1x8x1024xf32, #tpu.memory_space<hbm>>
    %dma_wait3A_1270 = tpu.memref_squeeze %dma_wait3A_1269 : memref<1x8x1024xf32, #tpu.memory_space<hbm>> -> memref<8x1024xf32, #tpu.memory_space<hbm>>
    %dma_wait3A_1271 = arith.constant 0 : i32
    %dma_wait3A_1272 = tpu.memref_slice %arg5[%dma_wait3A_1264, %add3A_1010, %dma_wait3A_1271] : memref<4x2048x1024xf32, #tpu.memory_space<hbm>> -> memref<1x8x1024xf32, #tpu.memory_space<hbm>>
    %dma_wait3A_1273 = tpu.memref_squeeze %dma_wait3A_1272 : memref<1x8x1024xf32, #tpu.memory_space<hbm>> -> memref<8x1024xf32, #tpu.memory_space<hbm>>
    %dma_wait3A_1274 = arith.constant 16 : i32
    %dma_wait3A_1275 = arith.constant 0 : i32
    %dma_wait3A_1276 = tpu.memref_slice %arg8[%dma_wait3A_1274, %dma_wait3A_1275] : memref<32x1024xf32, #tpu.memory_space<vmem>> -> memref<8x1024xf32, #tpu.memory_space<vmem>>
    tpu.wait_dma2 semaphore(%arg15 : memref<!tpu.dma_semaphore, #tpu.memory_space<semaphore_mem>>) src(%dma_wait3A_1276 : memref<8x1024xf32, #tpu.memory_space<vmem>>) dst(%dma_wait3A_1273 : memref<8x1024xf32, #tpu.memory_space<hbm>>)
    %dma_wait3A_1277 = arith.constant 3 : i32
    %dma_wait3A_1278 = arith.constant 24 : i32
    %dma_wait3A_1279 = arith.constant 0 : i32
    %dma_wait3A_1280 = tpu.memref_slice %arg8[%dma_wait3A_1278, %dma_wait3A_1279] : memref<32x1024xf32, #tpu.memory_space<vmem>> -> memref<8x1024xf32, #tpu.memory_space<vmem>>
    %dma_wait3A_1281 = arith.constant 0 : i32
    %dma_wait3A_1282 = tpu.memref_slice %arg5[%dma_wait3A_1277, %add3A_1025, %dma_wait3A_1281] : memref<4x2048x1024xf32, #tpu.memory_space<hbm>> -> memref<1x8x1024xf32, #tpu.memory_space<hbm>>
    %dma_wait3A_1283 = tpu.memref_squeeze %dma_wait3A_1282 : memref<1x8x1024xf32, #tpu.memory_space<hbm>> -> memref<8x1024xf32, #tpu.memory_space<hbm>>
    %dma_wait3A_1284 = arith.constant 0 : i32
    %dma_wait3A_1285 = tpu.memref_slice %arg5[%dma_wait3A_1277, %add3A_1025, %dma_wait3A_1284] : memref<4x2048x1024xf32, #tpu.memory_space<hbm>> -> memref<1x8x1024xf32, #tpu.memory_space<hbm>>
    %dma_wait3A_1286 = tpu.memref_squeeze %dma_wait3A_1285 : memref<1x8x1024xf32, #tpu.memory_space<hbm>> -> memref<8x1024xf32, #tpu.memory_space<hbm>>
    %dma_wait3A_1287 = arith.constant 24 : i32
    %dma_wait3A_1288 = arith.constant 0 : i32
    %dma_wait3A_1289 = tpu.memref_slice %arg8[%dma_wait3A_1287, %dma_wait3A_1288] : memref<32x1024xf32, #tpu.memory_space<vmem>> -> memref<8x1024xf32, #tpu.memory_space<vmem>>
    tpu.wait_dma2 semaphore(%arg15 : memref<!tpu.dma_semaphore, #tpu.memory_space<semaphore_mem>>) src(%dma_wait3A_1289 : memref<8x1024xf32, #tpu.memory_space<vmem>>) dst(%dma_wait3A_1286 : memref<8x1024xf32, #tpu.memory_space<hbm>>)
    %dma_start3A_1290 = arith.constant 0 : i32
    %dma_start3A_1291 = arith.constant 0 : i32
    %dma_start3A_1292 = arith.constant 0 : i32
    %dma_start3A_1293 = tpu.memref_slice %arg8[%dma_start3A_1291, %dma_start3A_1292] : memref<32x1024xf32, #tpu.memory_space<vmem>> -> memref<8x1024xf32, #tpu.memory_space<vmem>>
    %dma_start3A_1294 = arith.constant 56 : i32
    %dma_start3A_1295 = tpu.memref_slice %arg6[%dma_start3A_1290, %dma_start3A_1294] : memref<4x64xi32, #tpu.memory_space<vmem>> -> memref<1x8xi32, #tpu.memory_space<vmem>>
    %dma_start3A_1296 = tpu.memref_squeeze %dma_start3A_1295 : memref<1x8xi32, #tpu.memory_space<vmem>> -> memref<8xi32, #tpu.memory_space<vmem>>
    %dma_start3A_1297 = arith.constant 0 : i32
    %dma_start3A_1298 = arith.constant 0 : i32
    %dma_start3A_1299 = tpu.memref_slice %arg3[%dma_start3A_1297, %dma_start3A_1298] : memref<100000x1024xf32, #tpu.memory_space<hbm>> -> memref<100000x1024xf32, #tpu.memory_space<hbm>>
    tpu.enqueue_indirect_dma source(%dma_start3A_1299 : memref<100000x1024xf32, #tpu.memory_space<hbm>>) target(%dma_start3A_1293 : memref<8x1024xf32, #tpu.memory_space<vmem>>) offsets(%dma_start3A_1296 : memref<8xi32, #tpu.memory_space<vmem>>) semaphore(%arg12 : memref<!tpu.dma_semaphore, #tpu.memory_space<semaphore_mem>>)
    %dma_start3A_1300 = arith.constant 1 : i32
    %dma_start3A_1301 = arith.constant 8 : i32
    %dma_start3A_1302 = arith.constant 0 : i32
    %dma_start3A_1303 = tpu.memref_slice %arg8[%dma_start3A_1301, %dma_start3A_1302] : memref<32x1024xf32, #tpu.memory_space<vmem>> -> memref<8x1024xf32, #tpu.memory_space<vmem>>
    %dma_start3A_1304 = arith.constant 56 : i32
    %dma_start3A_1305 = tpu.memref_slice %arg6[%dma_start3A_1300, %dma_start3A_1304] : memref<4x64xi32, #tpu.memory_space<vmem>> -> memref<1x8xi32, #tpu.memory_space<vmem>>
    %dma_start3A_1306 = tpu.memref_squeeze %dma_start3A_1305 : memref<1x8xi32, #tpu.memory_space<vmem>> -> memref<8xi32, #tpu.memory_space<vmem>>
    %dma_start3A_1307 = arith.constant 0 : i32
    %dma_start3A_1308 = arith.constant 0 : i32
    %dma_start3A_1309 = tpu.memref_slice %arg3[%dma_start3A_1307, %dma_start3A_1308] : memref<100000x1024xf32, #tpu.memory_space<hbm>> -> memref<100000x1024xf32, #tpu.memory_space<hbm>>
    tpu.enqueue_indirect_dma source(%dma_start3A_1309 : memref<100000x1024xf32, #tpu.memory_space<hbm>>) target(%dma_start3A_1303 : memref<8x1024xf32, #tpu.memory_space<vmem>>) offsets(%dma_start3A_1306 : memref<8xi32, #tpu.memory_space<vmem>>) semaphore(%arg12 : memref<!tpu.dma_semaphore, #tpu.memory_space<semaphore_mem>>)
    %dma_start3A_1310 = arith.constant 2 : i32
    %dma_start3A_1311 = arith.constant 16 : i32
    %dma_start3A_1312 = arith.constant 0 : i32
    %dma_start3A_1313 = tpu.memref_slice %arg8[%dma_start3A_1311, %dma_start3A_1312] : memref<32x1024xf32, #tpu.memory_space<vmem>> -> memref<8x1024xf32, #tpu.memory_space<vmem>>
    %dma_start3A_1314 = arith.constant 56 : i32
    %dma_start3A_1315 = tpu.memref_slice %arg6[%dma_start3A_1310, %dma_start3A_1314] : memref<4x64xi32, #tpu.memory_space<vmem>> -> memref<1x8xi32, #tpu.memory_space<vmem>>
    %dma_start3A_1316 = tpu.memref_squeeze %dma_start3A_1315 : memref<1x8xi32, #tpu.memory_space<vmem>> -> memref<8xi32, #tpu.memory_space<vmem>>
    %dma_start3A_1317 = arith.constant 0 : i32
    %dma_start3A_1318 = arith.constant 0 : i32
    %dma_start3A_1319 = tpu.memref_slice %arg3[%dma_start3A_1317, %dma_start3A_1318] : memref<100000x1024xf32, #tpu.memory_space<hbm>> -> memref<100000x1024xf32, #tpu.memory_space<hbm>>
    tpu.enqueue_indirect_dma source(%dma_start3A_1319 : memref<100000x1024xf32, #tpu.memory_space<hbm>>) target(%dma_start3A_1313 : memref<8x1024xf32, #tpu.memory_space<vmem>>) offsets(%dma_start3A_1316 : memref<8xi32, #tpu.memory_space<vmem>>) semaphore(%arg12 : memref<!tpu.dma_semaphore, #tpu.memory_space<semaphore_mem>>)
    %dma_start3A_1320 = arith.constant 3 : i32
    %dma_start3A_1321 = arith.constant 24 : i32
    %dma_start3A_1322 = arith.constant 0 : i32
    %dma_start3A_1323 = tpu.memref_slice %arg8[%dma_start3A_1321, %dma_start3A_1322] : memref<32x1024xf32, #tpu.memory_space<vmem>> -> memref<8x1024xf32, #tpu.memory_space<vmem>>
    %dma_start3A_1324 = arith.constant 56 : i32
    %dma_start3A_1325 = tpu.memref_slice %arg6[%dma_start3A_1320, %dma_start3A_1324] : memref<4x64xi32, #tpu.memory_space<vmem>> -> memref<1x8xi32, #tpu.memory_space<vmem>>
    %dma_start3A_1326 = tpu.memref_squeeze %dma_start3A_1325 : memref<1x8xi32, #tpu.memory_space<vmem>> -> memref<8xi32, #tpu.memory_space<vmem>>
    %dma_start3A_1327 = arith.constant 0 : i32
    %dma_start3A_1328 = arith.constant 0 : i32
    %dma_start3A_1329 = tpu.memref_slice %arg3[%dma_start3A_1327, %dma_start3A_1328] : memref<100000x1024xf32, #tpu.memory_space<hbm>> -> memref<100000x1024xf32, #tpu.memory_space<hbm>>
    tpu.enqueue_indirect_dma source(%dma_start3A_1329 : memref<100000x1024xf32, #tpu.memory_space<hbm>>) target(%dma_start3A_1323 : memref<8x1024xf32, #tpu.memory_space<vmem>>) offsets(%dma_start3A_1326 : memref<8xi32, #tpu.memory_space<vmem>>) semaphore(%arg12 : memref<!tpu.dma_semaphore, #tpu.memory_space<semaphore_mem>>)
    %dma_wait3A_1330 = arith.constant 0 : i32
    %dma_wait3A_1331 = arith.constant 0 : i32
    %dma_wait3A_1332 = arith.constant 0 : i32
    %dma_wait3A_1333 = tpu.memref_slice %arg7[%dma_wait3A_1331, %dma_wait3A_1332] : memref<32x1024xf32, #tpu.memory_space<vmem>> -> memref<8x1024xf32, #tpu.memory_space<vmem>>
    %dma_wait3A_1334 = arith.constant 48 : i32
    %dma_wait3A_1335 = tpu.memref_slice %arg6[%dma_wait3A_1330, %dma_wait3A_1334] : memref<4x64xi32, #tpu.memory_space<vmem>> -> memref<1x8xi32, #tpu.memory_space<vmem>>
    %dma_wait3A_1336 = tpu.memref_squeeze %dma_wait3A_1335 : memref<1x8xi32, #tpu.memory_space<vmem>> -> memref<8xi32, #tpu.memory_space<vmem>>
    %dma_wait3A_1337 = arith.constant 0 : i32
    %dma_wait3A_1338 = arith.constant 0 : i32
    %dma_wait3A_1339 = tpu.memref_slice %arg3[%dma_wait3A_1337, %dma_wait3A_1338] : memref<100000x1024xf32, #tpu.memory_space<hbm>> -> memref<100000x1024xf32, #tpu.memory_space<hbm>>
    tpu.wait_indirect_dma semaphore(%arg11 : memref<!tpu.dma_semaphore, #tpu.memory_space<semaphore_mem>>) src(%dma_wait3A_1339 : memref<100000x1024xf32, #tpu.memory_space<hbm>>) dst(%dma_wait3A_1333 : memref<8x1024xf32, #tpu.memory_space<vmem>>)
    %dma_wait3A_1340 = arith.constant 1 : i32
    %dma_wait3A_1341 = arith.constant 8 : i32
    %dma_wait3A_1342 = arith.constant 0 : i32
    %dma_wait3A_1343 = tpu.memref_slice %arg7[%dma_wait3A_1341, %dma_wait3A_1342] : memref<32x1024xf32, #tpu.memory_space<vmem>> -> memref<8x1024xf32, #tpu.memory_space<vmem>>
    %dma_wait3A_1344 = arith.constant 48 : i32
    %dma_wait3A_1345 = tpu.memref_slice %arg6[%dma_wait3A_1340, %dma_wait3A_1344] : memref<4x64xi32, #tpu.memory_space<vmem>> -> memref<1x8xi32, #tpu.memory_space<vmem>>
    %dma_wait3A_1346 = tpu.memref_squeeze %dma_wait3A_1345 : memref<1x8xi32, #tpu.memory_space<vmem>> -> memref<8xi32, #tpu.memory_space<vmem>>
    %dma_wait3A_1347 = arith.constant 0 : i32
    %dma_wait3A_1348 = arith.constant 0 : i32
    %dma_wait3A_1349 = tpu.memref_slice %arg3[%dma_wait3A_1347, %dma_wait3A_1348] : memref<100000x1024xf32, #tpu.memory_space<hbm>> -> memref<100000x1024xf32, #tpu.memory_space<hbm>>
    tpu.wait_indirect_dma semaphore(%arg11 : memref<!tpu.dma_semaphore, #tpu.memory_space<semaphore_mem>>) src(%dma_wait3A_1349 : memref<100000x1024xf32, #tpu.memory_space<hbm>>) dst(%dma_wait3A_1343 : memref<8x1024xf32, #tpu.memory_space<vmem>>)
    %dma_wait3A_1350 = arith.constant 2 : i32
    %dma_wait3A_1351 = arith.constant 16 : i32
    %dma_wait3A_1352 = arith.constant 0 : i32
    %dma_wait3A_1353 = tpu.memref_slice %arg7[%dma_wait3A_1351, %dma_wait3A_1352] : memref<32x1024xf32, #tpu.memory_space<vmem>> -> memref<8x1024xf32, #tpu.memory_space<vmem>>
    %dma_wait3A_1354 = arith.constant 48 : i32
    %dma_wait3A_1355 = tpu.memref_slice %arg6[%dma_wait3A_1350, %dma_wait3A_1354] : memref<4x64xi32, #tpu.memory_space<vmem>> -> memref<1x8xi32, #tpu.memory_space<vmem>>
    %dma_wait3A_1356 = tpu.memref_squeeze %dma_wait3A_1355 : memref<1x8xi32, #tpu.memory_space<vmem>> -> memref<8xi32, #tpu.memory_space<vmem>>
    %dma_wait3A_1357 = arith.constant 0 : i32
    %dma_wait3A_1358 = arith.constant 0 : i32
    %dma_wait3A_1359 = tpu.memref_slice %arg3[%dma_wait3A_1357, %dma_wait3A_1358] : memref<100000x1024xf32, #tpu.memory_space<hbm>> -> memref<100000x1024xf32, #tpu.memory_space<hbm>>
    tpu.wait_indirect_dma semaphore(%arg11 : memref<!tpu.dma_semaphore, #tpu.memory_space<semaphore_mem>>) src(%dma_wait3A_1359 : memref<100000x1024xf32, #tpu.memory_space<hbm>>) dst(%dma_wait3A_1353 : memref<8x1024xf32, #tpu.memory_space<vmem>>)
    %dma_wait3A_1360 = arith.constant 3 : i32
    %dma_wait3A_1361 = arith.constant 24 : i32
    %dma_wait3A_1362 = arith.constant 0 : i32
    %dma_wait3A_1363 = tpu.memref_slice %arg7[%dma_wait3A_1361, %dma_wait3A_1362] : memref<32x1024xf32, #tpu.memory_space<vmem>> -> memref<8x1024xf32, #tpu.memory_space<vmem>>
    %dma_wait3A_1364 = arith.constant 48 : i32
    %dma_wait3A_1365 = tpu.memref_slice %arg6[%dma_wait3A_1360, %dma_wait3A_1364] : memref<4x64xi32, #tpu.memory_space<vmem>> -> memref<1x8xi32, #tpu.memory_space<vmem>>
    %dma_wait3A_1366 = tpu.memref_squeeze %dma_wait3A_1365 : memref<1x8xi32, #tpu.memory_space<vmem>> -> memref<8xi32, #tpu.memory_space<vmem>>
    %dma_wait3A_1367 = arith.constant 0 : i32
    %dma_wait3A_1368 = arith.constant 0 : i32
    %dma_wait3A_1369 = tpu.memref_slice %arg3[%dma_wait3A_1367, %dma_wait3A_1368] : memref<100000x1024xf32, #tpu.memory_space<hbm>> -> memref<100000x1024xf32, #tpu.memory_space<hbm>>
    tpu.wait_indirect_dma semaphore(%arg11 : memref<!tpu.dma_semaphore, #tpu.memory_space<semaphore_mem>>) src(%dma_wait3A_1369 : memref<100000x1024xf32, #tpu.memory_space<hbm>>) dst(%dma_wait3A_1363 : memref<8x1024xf32, #tpu.memory_space<vmem>>)
    %scan3A_1370 = arith.constant 0 : i32
    %scan3A_1371 = arith.constant 0 : i32
    %scan3A_1372 = arith.constant 8 : i32
    %scan3A_1373 = arith.addi %scan3A_1371, %scan3A_1372 : i32
    %scan3A_1374 = arith.constant 1 : i32
    %scan3A_1375 = scf.for %scan3A_1700 = %scan3A_1371 to %scan3A_1373 step %scan3A_1374 iter_args(%scan3A_1701 = %scan3A_1370) -> (i32)  : i32 {
      %parallel_loop3A = arith.constant 0 : i32
      %parallel_loop3A_1702 = arith.constant 32 : i32
      %parallel_loop3A_1703 = arith.constant 1 : i32
      scf.for %parallel_loop3A_1705 = %parallel_loop3A to %parallel_loop3A_1702 step %parallel_loop3A_1703  : i32 {
        %parallel_loop3A_1706 = arith.constant 2 : i32
        %parallel_loop3A_1707 = arith.muli %parallel_loop3A_1705, %parallel_loop3A_1706 : i32
        %parallel_loop3A_1708 = arith.constant 16 : i32
        %parallel_loop3A_1709 = arith.muli %parallel_loop3A_1707, %parallel_loop3A_1708 : i32
        %parallel_loop3A_1710 = arith.index_cast %parallel_loop3A_1709 : i32 to index
        %parallel_loop3A_1711 = tpu.vector_load %arg10[%parallel_loop3A_1710] {strides = array<i32>} : memref<2048xf32, #tpu.memory_space<vmem>>, vector<16xf32>,
        %parallel_loop3A_1712 = vector.shape_cast %parallel_loop3A_1711 : vector<16xf32> to vector<16xf32>
        %parallel_loop3A_1713 = arith.constant 16 : i32
        %parallel_loop3A_1714 = arith.addi %parallel_loop3A_1709, %parallel_loop3A_1713 : i32
        %parallel_loop3A_1715 = arith.index_cast %parallel_loop3A_1714 : i32 to index
        %parallel_loop3A_1716 = tpu.vector_load %arg10[%parallel_loop3A_1715] {strides = array<i32>} : memref<2048xf32, #tpu.memory_space<vmem>>, vector<16xf32>,
        %parallel_loop3A_1717 = vector.shape_cast %parallel_loop3A_1716 : vector<16xf32> to vector<16xf32>
        %parallel_loop3A_1718 = arith.constant 16 : i32
        %parallel_loop3A_1719 = arith.muli %parallel_loop3A_1705, %parallel_loop3A_1718 : i32
        %parallel_loop3A_1720 = arith.constant 16 : i32
        %parallel_loop3A_1721 = arith.muli %parallel_loop3A_1705, %parallel_loop3A_1720 : i32
        %parallel_loop3A_1722 = arith.constant 512 : i32
        %parallel_loop3A_1723 = arith.addi %parallel_loop3A_1722, %parallel_loop3A_1721 : i32
        %parallel_loop3A_1724 = arith.constant 0 : i32
        %parallel_loop3A_1725 = arith.addi %parallel_loop3A_1724, %scan3A_1700 : i32
        %parallel_loop3A_1726 = arith.index_cast %parallel_loop3A_1725 : i32 to index
        %parallel_loop3A_1727 = arith.index_cast %parallel_loop3A_1719 : i32 to index
        %parallel_loop3A_1728 = tpu.vector_load %arg7[%parallel_loop3A_1726, %parallel_loop3A_1727] {strides = array<i32>} : memref<32x1024xf32, #tpu.memory_space<vmem>>, vector<1x16xf32>,
        %parallel_loop3A_1729 = vector.shape_cast %parallel_loop3A_1728 : vector<1x16xf32> to vector<16xf32>
        %parallel_loop3A_1730 = arith.constant 3.200000e+01 : f32
        %parallel_loop3A_1731 = vector.broadcast %parallel_loop3A_1730 : f32 to vector<16xf32>
        %parallel_loop3A_1732 = arith.mulf %parallel_loop3A_1729, %parallel_loop3A_1731 : vector<16xf32>
        %parallel_loop3A_1733 = arith.addf %parallel_loop3A_1732, %parallel_loop3A_1712 : vector<16xf32>
        %parallel_loop3A_1734 = arith.index_cast %parallel_loop3A_1725 : i32 to index
        %parallel_loop3A_1735 = arith.index_cast %parallel_loop3A_1719 : i32 to index
        %parallel_loop3A_1736 = tpu.vector_load %arg7[%parallel_loop3A_1734, %parallel_loop3A_1735] {strides = array<i32>} : memref<32x1024xf32, #tpu.memory_space<vmem>>, vector<1x16xf32>,
        %parallel_loop3A_1737 = vector.shape_cast %parallel_loop3A_1736 : vector<1x16xf32> to vector<16xf32>
        %parallel_loop3A_1738 = vector.shape_cast %parallel_loop3A_1733 : vector<16xf32> to vector<1x16xf32>
        tpu.vector_store %arg7[%parallel_loop3A_1734, %parallel_loop3A_1735], %parallel_loop3A_1738 {strides = array<i32>} : memref<32x1024xf32, #tpu.memory_space<vmem>>, vector<1x16xf32>,
        %parallel_loop3A_1739 = arith.index_cast %parallel_loop3A_1725 : i32 to index
        %parallel_loop3A_1740 = arith.index_cast %parallel_loop3A_1723 : i32 to index
        %parallel_loop3A_1741 = tpu.vector_load %arg7[%parallel_loop3A_1739, %parallel_loop3A_1740] {strides = array<i32>} : memref<32x1024xf32, #tpu.memory_space<vmem>>, vector<1x16xf32>,
        %parallel_loop3A_1742 = vector.shape_cast %parallel_loop3A_1741 : vector<1x16xf32> to vector<16xf32>
        %parallel_loop3A_1743 = arith.constant 3.200000e+01 : f32
        %parallel_loop3A_1744 = vector.broadcast %parallel_loop3A_1743 : f32 to vector<16xf32>
        %parallel_loop3A_1745 = arith.mulf %parallel_loop3A_1742, %parallel_loop3A_1744 : vector<16xf32>
        %parallel_loop3A_1746 = arith.addf %parallel_loop3A_1745, %parallel_loop3A_1717 : vector<16xf32>
        %parallel_loop3A_1747 = arith.index_cast %parallel_loop3A_1725 : i32 to index
        %parallel_loop3A_1748 = arith.index_cast %parallel_loop3A_1723 : i32 to index
        %parallel_loop3A_1749 = tpu.vector_load %arg7[%parallel_loop3A_1747, %parallel_loop3A_1748] {strides = array<i32>} : memref<32x1024xf32, #tpu.memory_space<vmem>>, vector<1x16xf32>,
        %parallel_loop3A_1750 = vector.shape_cast %parallel_loop3A_1749 : vector<1x16xf32> to vector<16xf32>
        %parallel_loop3A_1751 = vector.shape_cast %parallel_loop3A_1746 : vector<16xf32> to vector<1x16xf32>
        tpu.vector_store %arg7[%parallel_loop3A_1747, %parallel_loop3A_1748], %parallel_loop3A_1751 {strides = array<i32>} : memref<32x1024xf32, #tpu.memory_space<vmem>>, vector<1x16xf32>,
        %parallel_loop3A_1752 = arith.constant 8 : i32
        %parallel_loop3A_1753 = arith.addi %parallel_loop3A_1752, %scan3A_1700 : i32
        %parallel_loop3A_1754 = arith.index_cast %parallel_loop3A_1753 : i32 to index
        %parallel_loop3A_1755 = arith.index_cast %parallel_loop3A_1719 : i32 to index
        %parallel_loop3A_1756 = tpu.vector_load %arg7[%parallel_loop3A_1754, %parallel_loop3A_1755] {strides = array<i32>} : memref<32x1024xf32, #tpu.memory_space<vmem>>, vector<1x16xf32>,
        %parallel_loop3A_1757 = vector.shape_cast %parallel_loop3A_1756 : vector<1x16xf32> to vector<16xf32>
        %parallel_loop3A_1758 = arith.constant 3.200000e+01 : f32
        %parallel_loop3A_1759 = vector.broadcast %parallel_loop3A_1758 : f32 to vector<16xf32>
        %parallel_loop3A_1760 = arith.mulf %parallel_loop3A_1757, %parallel_loop3A_1759 : vector<16xf32>
        %parallel_loop3A_1761 = arith.addf %parallel_loop3A_1760, %parallel_loop3A_1712 : vector<16xf32>
        %parallel_loop3A_1762 = arith.index_cast %parallel_loop3A_1753 : i32 to index
        %parallel_loop3A_1763 = arith.index_cast %parallel_loop3A_1719 : i32 to index
        %parallel_loop3A_1764 = tpu.vector_load %arg7[%parallel_loop3A_1762, %parallel_loop3A_1763] {strides = array<i32>} : memref<32x1024xf32, #tpu.memory_space<vmem>>, vector<1x16xf32>,
        %parallel_loop3A_1765 = vector.shape_cast %parallel_loop3A_1764 : vector<1x16xf32> to vector<16xf32>
        %parallel_loop3A_1766 = vector.shape_cast %parallel_loop3A_1761 : vector<16xf32> to vector<1x16xf32>
        tpu.vector_store %arg7[%parallel_loop3A_1762, %parallel_loop3A_1763], %parallel_loop3A_1766 {strides = array<i32>} : memref<32x1024xf32, #tpu.memory_space<vmem>>, vector<1x16xf32>,
        %parallel_loop3A_1767 = arith.index_cast %parallel_loop3A_1753 : i32 to index
        %parallel_loop3A_1768 = arith.index_cast %parallel_loop3A_1723 : i32 to index
        %parallel_loop3A_1769 = tpu.vector_load %arg7[%parallel_loop3A_1767, %parallel_loop3A_1768] {strides = array<i32>} : memref<32x1024xf32, #tpu.memory_space<vmem>>, vector<1x16xf32>,
        %parallel_loop3A_1770 = vector.shape_cast %parallel_loop3A_1769 : vector<1x16xf32> to vector<16xf32>
        %parallel_loop3A_1771 = arith.constant 3.200000e+01 : f32
        %parallel_loop3A_1772 = vector.broadcast %parallel_loop3A_1771 : f32 to vector<16xf32>
        %parallel_loop3A_1773 = arith.mulf %parallel_loop3A_1770, %parallel_loop3A_1772 : vector<16xf32>
        %parallel_loop3A_1774 = arith.addf %parallel_loop3A_1773, %parallel_loop3A_1717 : vector<16xf32>
        %parallel_loop3A_1775 = arith.index_cast %parallel_loop3A_1753 : i32 to index
        %parallel_loop3A_1776 = arith.index_cast %parallel_loop3A_1723 : i32 to index
        %parallel_loop3A_1777 = tpu.vector_load %arg7[%parallel_loop3A_1775, %parallel_loop3A_1776] {strides = array<i32>} : memref<32x1024xf32, #tpu.memory_space<vmem>>, vector<1x16xf32>,
        %parallel_loop3A_1778 = vector.shape_cast %parallel_loop3A_1777 : vector<1x16xf32> to vector<16xf32>
        %parallel_loop3A_1779 = vector.shape_cast %parallel_loop3A_1774 : vector<16xf32> to vector<1x16xf32>
        tpu.vector_store %arg7[%parallel_loop3A_1775, %parallel_loop3A_1776], %parallel_loop3A_1779 {strides = array<i32>} : memref<32x1024xf32, #tpu.memory_space<vmem>>, vector<1x16xf32>,
        %parallel_loop3A_1780 = arith.constant 16 : i32
        %parallel_loop3A_1781 = arith.addi %parallel_loop3A_1780, %scan3A_1700 : i32
        %parallel_loop3A_1782 = arith.index_cast %parallel_loop3A_1781 : i32 to index
        %parallel_loop3A_1783 = arith.index_cast %parallel_loop3A_1719 : i32 to index
        %parallel_loop3A_1784 = tpu.vector_load %arg7[%parallel_loop3A_1782, %parallel_loop3A_1783] {strides = array<i32>} : memref<32x1024xf32, #tpu.memory_space<vmem>>, vector<1x16xf32>,
        %parallel_loop3A_1785 = vector.shape_cast %parallel_loop3A_1784 : vector<1x16xf32> to vector<16xf32>
        %parallel_loop3A_1786 = arith.constant 3.200000e+01 : f32
        %parallel_loop3A_1787 = vector.broadcast %parallel_loop3A_1786 : f32 to vector<16xf32>
        %parallel_loop3A_1788 = arith.mulf %parallel_loop3A_1785, %parallel_loop3A_1787 : vector<16xf32>
        %parallel_loop3A_1789 = arith.addf %parallel_loop3A_1788, %parallel_loop3A_1712 : vector<16xf32>
        %parallel_loop3A_1790 = arith.index_cast %parallel_loop3A_1781 : i32 to index
        %parallel_loop3A_1791 = arith.index_cast %parallel_loop3A_1719 : i32 to index
        %parallel_loop3A_1792 = tpu.vector_load %arg7[%parallel_loop3A_1790, %parallel_loop3A_1791] {strides = array<i32>} : memref<32x1024xf32, #tpu.memory_space<vmem>>, vector<1x16xf32>,
        %parallel_loop3A_1793 = vector.shape_cast %parallel_loop3A_1792 : vector<1x16xf32> to vector<16xf32>
        %parallel_loop3A_1794 = vector.shape_cast %parallel_loop3A_1789 : vector<16xf32> to vector<1x16xf32>
        tpu.vector_store %arg7[%parallel_loop3A_1790, %parallel_loop3A_1791], %parallel_loop3A_1794 {strides = array<i32>} : memref<32x1024xf32, #tpu.memory_space<vmem>>, vector<1x16xf32>,
        %parallel_loop3A_1795 = arith.index_cast %parallel_loop3A_1781 : i32 to index
        %parallel_loop3A_1796 = arith.index_cast %parallel_loop3A_1723 : i32 to index
        %parallel_loop3A_1797 = tpu.vector_load %arg7[%parallel_loop3A_1795, %parallel_loop3A_1796] {strides = array<i32>} : memref<32x1024xf32, #tpu.memory_space<vmem>>, vector<1x16xf32>,
        %parallel_loop3A_1798 = vector.shape_cast %parallel_loop3A_1797 : vector<1x16xf32> to vector<16xf32>
        %parallel_loop3A_1799 = arith.constant 3.200000e+01 : f32
        %parallel_loop3A_1800 = vector.broadcast %parallel_loop3A_1799 : f32 to vector<16xf32>
        %parallel_loop3A_1801 = arith.mulf %parallel_loop3A_1798, %parallel_loop3A_1800 : vector<16xf32>
        %parallel_loop3A_1802 = arith.addf %parallel_loop3A_1801, %parallel_loop3A_1717 : vector<16xf32>
        %parallel_loop3A_1803 = arith.index_cast %parallel_loop3A_1781 : i32 to index
        %parallel_loop3A_1804 = arith.index_cast %parallel_loop3A_1723 : i32 to index
        %parallel_loop3A_1805 = tpu.vector_load %arg7[%parallel_loop3A_1803, %parallel_loop3A_1804] {strides = array<i32>} : memref<32x1024xf32, #tpu.memory_space<vmem>>, vector<1x16xf32>,
        %parallel_loop3A_1806 = vector.shape_cast %parallel_loop3A_1805 : vector<1x16xf32> to vector<16xf32>
        %parallel_loop3A_1807 = vector.shape_cast %parallel_loop3A_1802 : vector<16xf32> to vector<1x16xf32>
        tpu.vector_store %arg7[%parallel_loop3A_1803, %parallel_loop3A_1804], %parallel_loop3A_1807 {strides = array<i32>} : memref<32x1024xf32, #tpu.memory_space<vmem>>, vector<1x16xf32>,
        %parallel_loop3A_1808 = arith.constant 24 : i32
        %parallel_loop3A_1809 = arith.addi %parallel_loop3A_1808, %scan3A_1700 : i32
        %parallel_loop3A_1810 = arith.index_cast %parallel_loop3A_1809 : i32 to index
        %parallel_loop3A_1811 = arith.index_cast %parallel_loop3A_1719 : i32 to index
        %parallel_loop3A_1812 = tpu.vector_load %arg7[%parallel_loop3A_1810, %parallel_loop3A_1811] {strides = array<i32>} : memref<32x1024xf32, #tpu.memory_space<vmem>>, vector<1x16xf32>,
        %parallel_loop3A_1813 = vector.shape_cast %parallel_loop3A_1812 : vector<1x16xf32> to vector<16xf32>
        %parallel_loop3A_1814 = arith.constant 3.200000e+01 : f32
        %parallel_loop3A_1815 = vector.broadcast %parallel_loop3A_1814 : f32 to vector<16xf32>
        %parallel_loop3A_1816 = arith.mulf %parallel_loop3A_1813, %parallel_loop3A_1815 : vector<16xf32>
        %parallel_loop3A_1817 = arith.addf %parallel_loop3A_1816, %parallel_loop3A_1712 : vector<16xf32>
        %parallel_loop3A_1818 = arith.index_cast %parallel_loop3A_1809 : i32 to index
        %parallel_loop3A_1819 = arith.index_cast %parallel_loop3A_1719 : i32 to index
        %parallel_loop3A_1820 = tpu.vector_load %arg7[%parallel_loop3A_1818, %parallel_loop3A_1819] {strides = array<i32>} : memref<32x1024xf32, #tpu.memory_space<vmem>>, vector<1x16xf32>,
        %parallel_loop3A_1821 = vector.shape_cast %parallel_loop3A_1820 : vector<1x16xf32> to vector<16xf32>
        %parallel_loop3A_1822 = vector.shape_cast %parallel_loop3A_1817 : vector<16xf32> to vector<1x16xf32>
        tpu.vector_store %arg7[%parallel_loop3A_1818, %parallel_loop3A_1819], %parallel_loop3A_1822 {strides = array<i32>} : memref<32x1024xf32, #tpu.memory_space<vmem>>, vector<1x16xf32>,
        %parallel_loop3A_1823 = arith.index_cast %parallel_loop3A_1809 : i32 to index
        %parallel_loop3A_1824 = arith.index_cast %parallel_loop3A_1723 : i32 to index
        %parallel_loop3A_1825 = tpu.vector_load %arg7[%parallel_loop3A_1823, %parallel_loop3A_1824] {strides = array<i32>} : memref<32x1024xf32, #tpu.memory_space<vmem>>, vector<1x16xf32>,
        %parallel_loop3A_1826 = vector.shape_cast %parallel_loop3A_1825 : vector<1x16xf32> to vector<16xf32>
        %parallel_loop3A_1827 = arith.constant 3.200000e+01 : f32
        %parallel_loop3A_1828 = vector.broadcast %parallel_loop3A_1827 : f32 to vector<16xf32>
        %parallel_loop3A_1829 = arith.mulf %parallel_loop3A_1826, %parallel_loop3A_1828 : vector<16xf32>
        %parallel_loop3A_1830 = arith.addf %parallel_loop3A_1829, %parallel_loop3A_1717 : vector<16xf32>
        %parallel_loop3A_1831 = arith.index_cast %parallel_loop3A_1809 : i32 to index
        %parallel_loop3A_1832 = arith.index_cast %parallel_loop3A_1723 : i32 to index
        %parallel_loop3A_1833 = tpu.vector_load %arg7[%parallel_loop3A_1831, %parallel_loop3A_1832] {strides = array<i32>} : memref<32x1024xf32, #tpu.memory_space<vmem>>, vector<1x16xf32>,
        %parallel_loop3A_1834 = vector.shape_cast %parallel_loop3A_1833 : vector<1x16xf32> to vector<16xf32>
        %parallel_loop3A_1835 = vector.shape_cast %parallel_loop3A_1830 : vector<16xf32> to vector<1x16xf32>
        tpu.vector_store %arg7[%parallel_loop3A_1831, %parallel_loop3A_1832], %parallel_loop3A_1835 {strides = array<i32>} : memref<32x1024xf32, #tpu.memory_space<vmem>>, vector<1x16xf32>,
        %parallel_loop3A_1836 = arith.constant 1024 : i32
        %parallel_loop3A_1837 = arith.addi %parallel_loop3A_1836, %parallel_loop3A_1709 : i32
        %parallel_loop3A_1838 = arith.index_cast %parallel_loop3A_1837 : i32 to index
        %parallel_loop3A_1839 = tpu.vector_load %arg10[%parallel_loop3A_1838] {strides = array<i32>} : memref<2048xf32, #tpu.memory_space<vmem>>, vector<16xf32>,
        %parallel_loop3A_1840 = vector.shape_cast %parallel_loop3A_1839 : vector<16xf32> to vector<16xf32>
        %parallel_loop3A_1841 = arith.constant 1024 : i32
        %parallel_loop3A_1842 = arith.addi %parallel_loop3A_1841, %parallel_loop3A_1709 : i32
        %parallel_loop3A_1843 = arith.constant 16 : i32
        %parallel_loop3A_1844 = arith.addi %parallel_loop3A_1842, %parallel_loop3A_1843 : i32
        %parallel_loop3A_1845 = arith.index_cast %parallel_loop3A_1844 : i32 to index
        %parallel_loop3A_1846 = tpu.vector_load %arg10[%parallel_loop3A_1845] {strides = array<i32>} : memref<2048xf32, #tpu.memory_space<vmem>>, vector<16xf32>,
        %parallel_loop3A_1847 = vector.shape_cast %parallel_loop3A_1846 : vector<16xf32> to vector<16xf32>
        %parallel_loop3A_1848 = arith.mulf %parallel_loop3A_1712, %parallel_loop3A_1840 : vector<16xf32>
        %parallel_loop3A_1849 = arith.mulf %parallel_loop3A_1717, %parallel_loop3A_1847 : vector<16xf32>
        %parallel_loop3A_1850 = arith.addf %parallel_loop3A_1848, %parallel_loop3A_1849 : vector<16xf32>
        %parallel_loop3A_1851 = arith.index_cast %parallel_loop3A_1709 : i32 to index
        %parallel_loop3A_1852 = tpu.vector_load %arg10[%parallel_loop3A_1851] {strides = array<i32>} : memref<2048xf32, #tpu.memory_space<vmem>>, vector<16xf32>,
        %parallel_loop3A_1853 = vector.shape_cast %parallel_loop3A_1852 : vector<16xf32> to vector<16xf32>
        %parallel_loop3A_1854 = vector.shape_cast %parallel_loop3A_1850 : vector<16xf32> to vector<16xf32>
        tpu.vector_store %arg10[%parallel_loop3A_1851], %parallel_loop3A_1854 {strides = array<i32>} : memref<2048xf32, #tpu.memory_space<vmem>>, vector<16xf32>,
        %parallel_loop3A_1855 = arith.mulf %parallel_loop3A_1717, %parallel_loop3A_1840 : vector<16xf32>
        %parallel_loop3A_1856 = arith.mulf %parallel_loop3A_1712, %parallel_loop3A_1847 : vector<16xf32>
        %parallel_loop3A_1857 = arith.subf %parallel_loop3A_1855, %parallel_loop3A_1856 : vector<16xf32>
        %parallel_loop3A_1858 = arith.constant 16 : i32
        %parallel_loop3A_1859 = arith.addi %parallel_loop3A_1709, %parallel_loop3A_1858 : i32
        %parallel_loop3A_1860 = arith.index_cast %parallel_loop3A_1859 : i32 to index
        %parallel_loop3A_1861 = tpu.vector_load %arg10[%parallel_loop3A_1860] {strides = array<i32>} : memref<2048xf32, #tpu.memory_space<vmem>>, vector<16xf32>,
        %parallel_loop3A_1862 = vector.shape_cast %parallel_loop3A_1861 : vector<16xf32> to vector<16xf32>
        %parallel_loop3A_1863 = vector.shape_cast %parallel_loop3A_1857 : vector<16xf32> to vector<16xf32>
        tpu.vector_store %arg10[%parallel_loop3A_1860], %parallel_loop3A_1863 {strides = array<i32>} : memref<2048xf32, #tpu.memory_space<vmem>>, vector<16xf32>,
      } {sc.loop_unroll_factor = 1 : i64, sc.parallel_access}
      %scan3A_1704 = arith.constant 0 : i32
      scf.yield %scan3A_1704 : i32
    }
    %scan3A_1376 = arith.constant 8 : i32
    %add3A_1377 = arith.constant 48 : i32
    %add3A_1378 = arith.addi %mul3A_2, %add3A_1377 : i32
    %dma_start3A_1379 = arith.constant 0 : i32
    %dma_start3A_1380 = arith.constant 0 : i32
    %dma_start3A_1381 = arith.constant 0 : i32
    %dma_start3A_1382 = tpu.memref_slice %arg7[%dma_start3A_1380, %dma_start3A_1381] : memref<32x1024xf32, #tpu.memory_space<vmem>> -> memref<8x1024xf32, #tpu.memory_space<vmem>>
    %dma_start3A_1383 = arith.constant 0 : i32
    %dma_start3A_1384 = tpu.memref_slice %arg5[%dma_start3A_1379, %add3A_1378, %dma_start3A_1383] : memref<4x2048x1024xf32, #tpu.memory_space<hbm>> -> memref<1x8x1024xf32, #tpu.memory_space<hbm>>
    %dma_start3A_1385 = tpu.memref_squeeze %dma_start3A_1384 : memref<1x8x1024xf32, #tpu.memory_space<hbm>> -> memref<8x1024xf32, #tpu.memory_space<hbm>>
    %dma_start3A_1386 = arith.constant 0 : i32
    %dma_start3A_1387 = tpu.memref_slice %arg5[%dma_start3A_1379, %add3A_1378, %dma_start3A_1386] : memref<4x2048x1024xf32, #tpu.memory_space<hbm>> -> memref<1x8x1024xf32, #tpu.memory_space<hbm>>
    %dma_start3A_1388 = tpu.memref_squeeze %dma_start3A_1387 : memref<1x8x1024xf32, #tpu.memory_space<hbm>> -> memref<8x1024xf32, #tpu.memory_space<hbm>>
    %dma_start3A_1389 = arith.constant 0 : i32
    %dma_start3A_1390 = arith.constant 0 : i32
    %dma_start3A_1391 = tpu.memref_slice %arg7[%dma_start3A_1389, %dma_start3A_1390] : memref<32x1024xf32, #tpu.memory_space<vmem>> -> memref<8x1024xf32, #tpu.memory_space<vmem>>
    tpu.enqueue_dma source(%dma_start3A_1391 : memref<8x1024xf32, #tpu.memory_space<vmem>>) target(%dma_start3A_1388 : memref<8x1024xf32, #tpu.memory_space<hbm>>) target_semaphore(%arg14 : memref<!tpu.dma_semaphore, #tpu.memory_space<semaphore_mem>>)
    %add3A_1392 = arith.constant 48 : i32
    %add3A_1393 = arith.addi %mul3A_2, %add3A_1392 : i32
    %dma_start3A_1394 = arith.constant 1 : i32
    %dma_start3A_1395 = arith.constant 8 : i32
    %dma_start3A_1396 = arith.constant 0 : i32
    %dma_start3A_1397 = tpu.memref_slice %arg7[%dma_start3A_1395, %dma_start3A_1396] : memref<32x1024xf32, #tpu.memory_space<vmem>> -> memref<8x1024xf32, #tpu.memory_space<vmem>>
    %dma_start3A_1398 = arith.constant 0 : i32
    %dma_start3A_1399 = tpu.memref_slice %arg5[%dma_start3A_1394, %add3A_1393, %dma_start3A_1398] : memref<4x2048x1024xf32, #tpu.memory_space<hbm>> -> memref<1x8x1024xf32, #tpu.memory_space<hbm>>
    %dma_start3A_1400 = tpu.memref_squeeze %dma_start3A_1399 : memref<1x8x1024xf32, #tpu.memory_space<hbm>> -> memref<8x1024xf32, #tpu.memory_space<hbm>>
    %dma_start3A_1401 = arith.constant 0 : i32
    %dma_start3A_1402 = tpu.memref_slice %arg5[%dma_start3A_1394, %add3A_1393, %dma_start3A_1401] : memref<4x2048x1024xf32, #tpu.memory_space<hbm>> -> memref<1x8x1024xf32, #tpu.memory_space<hbm>>
    %dma_start3A_1403 = tpu.memref_squeeze %dma_start3A_1402 : memref<1x8x1024xf32, #tpu.memory_space<hbm>> -> memref<8x1024xf32, #tpu.memory_space<hbm>>
    %dma_start3A_1404 = arith.constant 8 : i32
    %dma_start3A_1405 = arith.constant 0 : i32
    %dma_start3A_1406 = tpu.memref_slice %arg7[%dma_start3A_1404, %dma_start3A_1405] : memref<32x1024xf32, #tpu.memory_space<vmem>> -> memref<8x1024xf32, #tpu.memory_space<vmem>>
    tpu.enqueue_dma source(%dma_start3A_1406 : memref<8x1024xf32, #tpu.memory_space<vmem>>) target(%dma_start3A_1403 : memref<8x1024xf32, #tpu.memory_space<hbm>>) target_semaphore(%arg14 : memref<!tpu.dma_semaphore, #tpu.memory_space<semaphore_mem>>)
    %add3A_1407 = arith.constant 48 : i32
    %add3A_1408 = arith.addi %mul3A_2, %add3A_1407 : i32
    %dma_start3A_1409 = arith.constant 2 : i32
    %dma_start3A_1410 = arith.constant 16 : i32
    %dma_start3A_1411 = arith.constant 0 : i32
    %dma_start3A_1412 = tpu.memref_slice %arg7[%dma_start3A_1410, %dma_start3A_1411] : memref<32x1024xf32, #tpu.memory_space<vmem>> -> memref<8x1024xf32, #tpu.memory_space<vmem>>
    %dma_start3A_1413 = arith.constant 0 : i32
    %dma_start3A_1414 = tpu.memref_slice %arg5[%dma_start3A_1409, %add3A_1408, %dma_start3A_1413] : memref<4x2048x1024xf32, #tpu.memory_space<hbm>> -> memref<1x8x1024xf32, #tpu.memory_space<hbm>>
    %dma_start3A_1415 = tpu.memref_squeeze %dma_start3A_1414 : memref<1x8x1024xf32, #tpu.memory_space<hbm>> -> memref<8x1024xf32, #tpu.memory_space<hbm>>
    %dma_start3A_1416 = arith.constant 0 : i32
    %dma_start3A_1417 = tpu.memref_slice %arg5[%dma_start3A_1409, %add3A_1408, %dma_start3A_1416] : memref<4x2048x1024xf32, #tpu.memory_space<hbm>> -> memref<1x8x1024xf32, #tpu.memory_space<hbm>>
    %dma_start3A_1418 = tpu.memref_squeeze %dma_start3A_1417 : memref<1x8x1024xf32, #tpu.memory_space<hbm>> -> memref<8x1024xf32, #tpu.memory_space<hbm>>
    %dma_start3A_1419 = arith.constant 16 : i32
    %dma_start3A_1420 = arith.constant 0 : i32
    %dma_start3A_1421 = tpu.memref_slice %arg7[%dma_start3A_1419, %dma_start3A_1420] : memref<32x1024xf32, #tpu.memory_space<vmem>> -> memref<8x1024xf32, #tpu.memory_space<vmem>>
    tpu.enqueue_dma source(%dma_start3A_1421 : memref<8x1024xf32, #tpu.memory_space<vmem>>) target(%dma_start3A_1418 : memref<8x1024xf32, #tpu.memory_space<hbm>>) target_semaphore(%arg14 : memref<!tpu.dma_semaphore, #tpu.memory_space<semaphore_mem>>)
    %add3A_1422 = arith.constant 48 : i32
    %add3A_1423 = arith.addi %mul3A_2, %add3A_1422 : i32
    %dma_start3A_1424 = arith.constant 3 : i32
    %dma_start3A_1425 = arith.constant 24 : i32
    %dma_start3A_1426 = arith.constant 0 : i32
    %dma_start3A_1427 = tpu.memref_slice %arg7[%dma_start3A_1425, %dma_start3A_1426] : memref<32x1024xf32, #tpu.memory_space<vmem>> -> memref<8x1024xf32, #tpu.memory_space<vmem>>
    %dma_start3A_1428 = arith.constant 0 : i32
    %dma_start3A_1429 = tpu.memref_slice %arg5[%dma_start3A_1424, %add3A_1423, %dma_start3A_1428] : memref<4x2048x1024xf32, #tpu.memory_space<hbm>> -> memref<1x8x1024xf32, #tpu.memory_space<hbm>>
    %dma_start3A_1430 = tpu.memref_squeeze %dma_start3A_1429 : memref<1x8x1024xf32, #tpu.memory_space<hbm>> -> memref<8x1024xf32, #tpu.memory_space<hbm>>
    %dma_start3A_1431 = arith.constant 0 : i32
    %dma_start3A_1432 = tpu.memref_slice %arg5[%dma_start3A_1424, %add3A_1423, %dma_start3A_1431] : memref<4x2048x1024xf32, #tpu.memory_space<hbm>> -> memref<1x8x1024xf32, #tpu.memory_space<hbm>>
    %dma_start3A_1433 = tpu.memref_squeeze %dma_start3A_1432 : memref<1x8x1024xf32, #tpu.memory_space<hbm>> -> memref<8x1024xf32, #tpu.memory_space<hbm>>
    %dma_start3A_1434 = arith.constant 24 : i32
    %dma_start3A_1435 = arith.constant 0 : i32
    %dma_start3A_1436 = tpu.memref_slice %arg7[%dma_start3A_1434, %dma_start3A_1435] : memref<32x1024xf32, #tpu.memory_space<vmem>> -> memref<8x1024xf32, #tpu.memory_space<vmem>>
    tpu.enqueue_dma source(%dma_start3A_1436 : memref<8x1024xf32, #tpu.memory_space<vmem>>) target(%dma_start3A_1433 : memref<8x1024xf32, #tpu.memory_space<hbm>>) target_semaphore(%arg14 : memref<!tpu.dma_semaphore, #tpu.memory_space<semaphore_mem>>)
    %dma_wait3A_1437 = arith.constant 0 : i32
    %dma_wait3A_1438 = arith.constant 0 : i32
    %dma_wait3A_1439 = arith.constant 0 : i32
    %dma_wait3A_1440 = tpu.memref_slice %arg8[%dma_wait3A_1438, %dma_wait3A_1439] : memref<32x1024xf32, #tpu.memory_space<vmem>> -> memref<8x1024xf32, #tpu.memory_space<vmem>>
    %dma_wait3A_1441 = arith.constant 56 : i32
    %dma_wait3A_1442 = tpu.memref_slice %arg6[%dma_wait3A_1437, %dma_wait3A_1441] : memref<4x64xi32, #tpu.memory_space<vmem>> -> memref<1x8xi32, #tpu.memory_space<vmem>>
    %dma_wait3A_1443 = tpu.memref_squeeze %dma_wait3A_1442 : memref<1x8xi32, #tpu.memory_space<vmem>> -> memref<8xi32, #tpu.memory_space<vmem>>
    %dma_wait3A_1444 = arith.constant 0 : i32
    %dma_wait3A_1445 = arith.constant 0 : i32
    %dma_wait3A_1446 = tpu.memref_slice %arg3[%dma_wait3A_1444, %dma_wait3A_1445] : memref<100000x1024xf32, #tpu.memory_space<hbm>> -> memref<100000x1024xf32, #tpu.memory_space<hbm>>
    tpu.wait_indirect_dma semaphore(%arg12 : memref<!tpu.dma_semaphore, #tpu.memory_space<semaphore_mem>>) src(%dma_wait3A_1446 : memref<100000x1024xf32, #tpu.memory_space<hbm>>) dst(%dma_wait3A_1440 : memref<8x1024xf32, #tpu.memory_space<vmem>>)
    %dma_wait3A_1447 = arith.constant 1 : i32
    %dma_wait3A_1448 = arith.constant 8 : i32
    %dma_wait3A_1449 = arith.constant 0 : i32
    %dma_wait3A_1450 = tpu.memref_slice %arg8[%dma_wait3A_1448, %dma_wait3A_1449] : memref<32x1024xf32, #tpu.memory_space<vmem>> -> memref<8x1024xf32, #tpu.memory_space<vmem>>
    %dma_wait3A_1451 = arith.constant 56 : i32
    %dma_wait3A_1452 = tpu.memref_slice %arg6[%dma_wait3A_1447, %dma_wait3A_1451] : memref<4x64xi32, #tpu.memory_space<vmem>> -> memref<1x8xi32, #tpu.memory_space<vmem>>
    %dma_wait3A_1453 = tpu.memref_squeeze %dma_wait3A_1452 : memref<1x8xi32, #tpu.memory_space<vmem>> -> memref<8xi32, #tpu.memory_space<vmem>>
    %dma_wait3A_1454 = arith.constant 0 : i32
    %dma_wait3A_1455 = arith.constant 0 : i32
    %dma_wait3A_1456 = tpu.memref_slice %arg3[%dma_wait3A_1454, %dma_wait3A_1455] : memref<100000x1024xf32, #tpu.memory_space<hbm>> -> memref<100000x1024xf32, #tpu.memory_space<hbm>>
    tpu.wait_indirect_dma semaphore(%arg12 : memref<!tpu.dma_semaphore, #tpu.memory_space<semaphore_mem>>) src(%dma_wait3A_1456 : memref<100000x1024xf32, #tpu.memory_space<hbm>>) dst(%dma_wait3A_1450 : memref<8x1024xf32, #tpu.memory_space<vmem>>)
    %dma_wait3A_1457 = arith.constant 2 : i32
    %dma_wait3A_1458 = arith.constant 16 : i32
    %dma_wait3A_1459 = arith.constant 0 : i32
    %dma_wait3A_1460 = tpu.memref_slice %arg8[%dma_wait3A_1458, %dma_wait3A_1459] : memref<32x1024xf32, #tpu.memory_space<vmem>> -> memref<8x1024xf32, #tpu.memory_space<vmem>>
    %dma_wait3A_1461 = arith.constant 56 : i32
    %dma_wait3A_1462 = tpu.memref_slice %arg6[%dma_wait3A_1457, %dma_wait3A_1461] : memref<4x64xi32, #tpu.memory_space<vmem>> -> memref<1x8xi32, #tpu.memory_space<vmem>>
    %dma_wait3A_1463 = tpu.memref_squeeze %dma_wait3A_1462 : memref<1x8xi32, #tpu.memory_space<vmem>> -> memref<8xi32, #tpu.memory_space<vmem>>
    %dma_wait3A_1464 = arith.constant 0 : i32
    %dma_wait3A_1465 = arith.constant 0 : i32
    %dma_wait3A_1466 = tpu.memref_slice %arg3[%dma_wait3A_1464, %dma_wait3A_1465] : memref<100000x1024xf32, #tpu.memory_space<hbm>> -> memref<100000x1024xf32, #tpu.memory_space<hbm>>
    tpu.wait_indirect_dma semaphore(%arg12 : memref<!tpu.dma_semaphore, #tpu.memory_space<semaphore_mem>>) src(%dma_wait3A_1466 : memref<100000x1024xf32, #tpu.memory_space<hbm>>) dst(%dma_wait3A_1460 : memref<8x1024xf32, #tpu.memory_space<vmem>>)
    %dma_wait3A_1467 = arith.constant 3 : i32
    %dma_wait3A_1468 = arith.constant 24 : i32
    %dma_wait3A_1469 = arith.constant 0 : i32
    %dma_wait3A_1470 = tpu.memref_slice %arg8[%dma_wait3A_1468, %dma_wait3A_1469] : memref<32x1024xf32, #tpu.memory_space<vmem>> -> memref<8x1024xf32, #tpu.memory_space<vmem>>
    %dma_wait3A_1471 = arith.constant 56 : i32
    %dma_wait3A_1472 = tpu.memref_slice %arg6[%dma_wait3A_1467, %dma_wait3A_1471] : memref<4x64xi32, #tpu.memory_space<vmem>> -> memref<1x8xi32, #tpu.memory_space<vmem>>
    %dma_wait3A_1473 = tpu.memref_squeeze %dma_wait3A_1472 : memref<1x8xi32, #tpu.memory_space<vmem>> -> memref<8xi32, #tpu.memory_space<vmem>>
    %dma_wait3A_1474 = arith.constant 0 : i32
    %dma_wait3A_1475 = arith.constant 0 : i32
    %dma_wait3A_1476 = tpu.memref_slice %arg3[%dma_wait3A_1474, %dma_wait3A_1475] : memref<100000x1024xf32, #tpu.memory_space<hbm>> -> memref<100000x1024xf32, #tpu.memory_space<hbm>>
    tpu.wait_indirect_dma semaphore(%arg12 : memref<!tpu.dma_semaphore, #tpu.memory_space<semaphore_mem>>) src(%dma_wait3A_1476 : memref<100000x1024xf32, #tpu.memory_space<hbm>>) dst(%dma_wait3A_1470 : memref<8x1024xf32, #tpu.memory_space<vmem>>)
    %scan3A_1477 = arith.constant 0 : i32
    %scan3A_1478 = arith.constant 0 : i32
    %scan3A_1479 = arith.constant 8 : i32
    %scan3A_1480 = arith.addi %scan3A_1478, %scan3A_1479 : i32
    %scan3A_1481 = arith.constant 1 : i32
    %scan3A_1482 = scf.for %scan3A_1700 = %scan3A_1478 to %scan3A_1480 step %scan3A_1481 iter_args(%scan3A_1701 = %scan3A_1477) -> (i32)  : i32 {
      %parallel_loop3A = arith.constant 0 : i32
      %parallel_loop3A_1702 = arith.constant 32 : i32
      %parallel_loop3A_1703 = arith.constant 1 : i32
      scf.for %parallel_loop3A_1705 = %parallel_loop3A to %parallel_loop3A_1702 step %parallel_loop3A_1703  : i32 {
        %parallel_loop3A_1706 = arith.constant 2 : i32
        %parallel_loop3A_1707 = arith.muli %parallel_loop3A_1705, %parallel_loop3A_1706 : i32
        %parallel_loop3A_1708 = arith.constant 16 : i32
        %parallel_loop3A_1709 = arith.muli %parallel_loop3A_1707, %parallel_loop3A_1708 : i32
        %parallel_loop3A_1710 = arith.index_cast %parallel_loop3A_1709 : i32 to index
        %parallel_loop3A_1711 = tpu.vector_load %arg10[%parallel_loop3A_1710] {strides = array<i32>} : memref<2048xf32, #tpu.memory_space<vmem>>, vector<16xf32>,
        %parallel_loop3A_1712 = vector.shape_cast %parallel_loop3A_1711 : vector<16xf32> to vector<16xf32>
        %parallel_loop3A_1713 = arith.constant 16 : i32
        %parallel_loop3A_1714 = arith.addi %parallel_loop3A_1709, %parallel_loop3A_1713 : i32
        %parallel_loop3A_1715 = arith.index_cast %parallel_loop3A_1714 : i32 to index
        %parallel_loop3A_1716 = tpu.vector_load %arg10[%parallel_loop3A_1715] {strides = array<i32>} : memref<2048xf32, #tpu.memory_space<vmem>>, vector<16xf32>,
        %parallel_loop3A_1717 = vector.shape_cast %parallel_loop3A_1716 : vector<16xf32> to vector<16xf32>
        %parallel_loop3A_1718 = arith.constant 16 : i32
        %parallel_loop3A_1719 = arith.muli %parallel_loop3A_1705, %parallel_loop3A_1718 : i32
        %parallel_loop3A_1720 = arith.constant 16 : i32
        %parallel_loop3A_1721 = arith.muli %parallel_loop3A_1705, %parallel_loop3A_1720 : i32
        %parallel_loop3A_1722 = arith.constant 512 : i32
        %parallel_loop3A_1723 = arith.addi %parallel_loop3A_1722, %parallel_loop3A_1721 : i32
        %parallel_loop3A_1724 = arith.constant 0 : i32
        %parallel_loop3A_1725 = arith.addi %parallel_loop3A_1724, %scan3A_1700 : i32
        %parallel_loop3A_1726 = arith.index_cast %parallel_loop3A_1725 : i32 to index
        %parallel_loop3A_1727 = arith.index_cast %parallel_loop3A_1719 : i32 to index
        %parallel_loop3A_1728 = tpu.vector_load %arg8[%parallel_loop3A_1726, %parallel_loop3A_1727] {strides = array<i32>} : memref<32x1024xf32, #tpu.memory_space<vmem>>, vector<1x16xf32>,
        %parallel_loop3A_1729 = vector.shape_cast %parallel_loop3A_1728 : vector<1x16xf32> to vector<16xf32>
        %parallel_loop3A_1730 = arith.constant 3.200000e+01 : f32
        %parallel_loop3A_1731 = vector.broadcast %parallel_loop3A_1730 : f32 to vector<16xf32>
        %parallel_loop3A_1732 = arith.mulf %parallel_loop3A_1729, %parallel_loop3A_1731 : vector<16xf32>
        %parallel_loop3A_1733 = arith.addf %parallel_loop3A_1732, %parallel_loop3A_1712 : vector<16xf32>
        %parallel_loop3A_1734 = arith.index_cast %parallel_loop3A_1725 : i32 to index
        %parallel_loop3A_1735 = arith.index_cast %parallel_loop3A_1719 : i32 to index
        %parallel_loop3A_1736 = tpu.vector_load %arg8[%parallel_loop3A_1734, %parallel_loop3A_1735] {strides = array<i32>} : memref<32x1024xf32, #tpu.memory_space<vmem>>, vector<1x16xf32>,
        %parallel_loop3A_1737 = vector.shape_cast %parallel_loop3A_1736 : vector<1x16xf32> to vector<16xf32>
        %parallel_loop3A_1738 = vector.shape_cast %parallel_loop3A_1733 : vector<16xf32> to vector<1x16xf32>
        tpu.vector_store %arg8[%parallel_loop3A_1734, %parallel_loop3A_1735], %parallel_loop3A_1738 {strides = array<i32>} : memref<32x1024xf32, #tpu.memory_space<vmem>>, vector<1x16xf32>,
        %parallel_loop3A_1739 = arith.index_cast %parallel_loop3A_1725 : i32 to index
        %parallel_loop3A_1740 = arith.index_cast %parallel_loop3A_1723 : i32 to index
        %parallel_loop3A_1741 = tpu.vector_load %arg8[%parallel_loop3A_1739, %parallel_loop3A_1740] {strides = array<i32>} : memref<32x1024xf32, #tpu.memory_space<vmem>>, vector<1x16xf32>,
        %parallel_loop3A_1742 = vector.shape_cast %parallel_loop3A_1741 : vector<1x16xf32> to vector<16xf32>
        %parallel_loop3A_1743 = arith.constant 3.200000e+01 : f32
        %parallel_loop3A_1744 = vector.broadcast %parallel_loop3A_1743 : f32 to vector<16xf32>
        %parallel_loop3A_1745 = arith.mulf %parallel_loop3A_1742, %parallel_loop3A_1744 : vector<16xf32>
        %parallel_loop3A_1746 = arith.addf %parallel_loop3A_1745, %parallel_loop3A_1717 : vector<16xf32>
        %parallel_loop3A_1747 = arith.index_cast %parallel_loop3A_1725 : i32 to index
        %parallel_loop3A_1748 = arith.index_cast %parallel_loop3A_1723 : i32 to index
        %parallel_loop3A_1749 = tpu.vector_load %arg8[%parallel_loop3A_1747, %parallel_loop3A_1748] {strides = array<i32>} : memref<32x1024xf32, #tpu.memory_space<vmem>>, vector<1x16xf32>,
        %parallel_loop3A_1750 = vector.shape_cast %parallel_loop3A_1749 : vector<1x16xf32> to vector<16xf32>
        %parallel_loop3A_1751 = vector.shape_cast %parallel_loop3A_1746 : vector<16xf32> to vector<1x16xf32>
        tpu.vector_store %arg8[%parallel_loop3A_1747, %parallel_loop3A_1748], %parallel_loop3A_1751 {strides = array<i32>} : memref<32x1024xf32, #tpu.memory_space<vmem>>, vector<1x16xf32>,
        %parallel_loop3A_1752 = arith.constant 8 : i32
        %parallel_loop3A_1753 = arith.addi %parallel_loop3A_1752, %scan3A_1700 : i32
        %parallel_loop3A_1754 = arith.index_cast %parallel_loop3A_1753 : i32 to index
        %parallel_loop3A_1755 = arith.index_cast %parallel_loop3A_1719 : i32 to index
        %parallel_loop3A_1756 = tpu.vector_load %arg8[%parallel_loop3A_1754, %parallel_loop3A_1755] {strides = array<i32>} : memref<32x1024xf32, #tpu.memory_space<vmem>>, vector<1x16xf32>,
        %parallel_loop3A_1757 = vector.shape_cast %parallel_loop3A_1756 : vector<1x16xf32> to vector<16xf32>
        %parallel_loop3A_1758 = arith.constant 3.200000e+01 : f32
        %parallel_loop3A_1759 = vector.broadcast %parallel_loop3A_1758 : f32 to vector<16xf32>
        %parallel_loop3A_1760 = arith.mulf %parallel_loop3A_1757, %parallel_loop3A_1759 : vector<16xf32>
        %parallel_loop3A_1761 = arith.addf %parallel_loop3A_1760, %parallel_loop3A_1712 : vector<16xf32>
        %parallel_loop3A_1762 = arith.index_cast %parallel_loop3A_1753 : i32 to index
        %parallel_loop3A_1763 = arith.index_cast %parallel_loop3A_1719 : i32 to index
        %parallel_loop3A_1764 = tpu.vector_load %arg8[%parallel_loop3A_1762, %parallel_loop3A_1763] {strides = array<i32>} : memref<32x1024xf32, #tpu.memory_space<vmem>>, vector<1x16xf32>,
        %parallel_loop3A_1765 = vector.shape_cast %parallel_loop3A_1764 : vector<1x16xf32> to vector<16xf32>
        %parallel_loop3A_1766 = vector.shape_cast %parallel_loop3A_1761 : vector<16xf32> to vector<1x16xf32>
        tpu.vector_store %arg8[%parallel_loop3A_1762, %parallel_loop3A_1763], %parallel_loop3A_1766 {strides = array<i32>} : memref<32x1024xf32, #tpu.memory_space<vmem>>, vector<1x16xf32>,
        %parallel_loop3A_1767 = arith.index_cast %parallel_loop3A_1753 : i32 to index
        %parallel_loop3A_1768 = arith.index_cast %parallel_loop3A_1723 : i32 to index
        %parallel_loop3A_1769 = tpu.vector_load %arg8[%parallel_loop3A_1767, %parallel_loop3A_1768] {strides = array<i32>} : memref<32x1024xf32, #tpu.memory_space<vmem>>, vector<1x16xf32>,
        %parallel_loop3A_1770 = vector.shape_cast %parallel_loop3A_1769 : vector<1x16xf32> to vector<16xf32>
        %parallel_loop3A_1771 = arith.constant 3.200000e+01 : f32
        %parallel_loop3A_1772 = vector.broadcast %parallel_loop3A_1771 : f32 to vector<16xf32>
        %parallel_loop3A_1773 = arith.mulf %parallel_loop3A_1770, %parallel_loop3A_1772 : vector<16xf32>
        %parallel_loop3A_1774 = arith.addf %parallel_loop3A_1773, %parallel_loop3A_1717 : vector<16xf32>
        %parallel_loop3A_1775 = arith.index_cast %parallel_loop3A_1753 : i32 to index
        %parallel_loop3A_1776 = arith.index_cast %parallel_loop3A_1723 : i32 to index
        %parallel_loop3A_1777 = tpu.vector_load %arg8[%parallel_loop3A_1775, %parallel_loop3A_1776] {strides = array<i32>} : memref<32x1024xf32, #tpu.memory_space<vmem>>, vector<1x16xf32>,
        %parallel_loop3A_1778 = vector.shape_cast %parallel_loop3A_1777 : vector<1x16xf32> to vector<16xf32>
        %parallel_loop3A_1779 = vector.shape_cast %parallel_loop3A_1774 : vector<16xf32> to vector<1x16xf32>
        tpu.vector_store %arg8[%parallel_loop3A_1775, %parallel_loop3A_1776], %parallel_loop3A_1779 {strides = array<i32>} : memref<32x1024xf32, #tpu.memory_space<vmem>>, vector<1x16xf32>,
        %parallel_loop3A_1780 = arith.constant 16 : i32
        %parallel_loop3A_1781 = arith.addi %parallel_loop3A_1780, %scan3A_1700 : i32
        %parallel_loop3A_1782 = arith.index_cast %parallel_loop3A_1781 : i32 to index
        %parallel_loop3A_1783 = arith.index_cast %parallel_loop3A_1719 : i32 to index
        %parallel_loop3A_1784 = tpu.vector_load %arg8[%parallel_loop3A_1782, %parallel_loop3A_1783] {strides = array<i32>} : memref<32x1024xf32, #tpu.memory_space<vmem>>, vector<1x16xf32>,
        %parallel_loop3A_1785 = vector.shape_cast %parallel_loop3A_1784 : vector<1x16xf32> to vector<16xf32>
        %parallel_loop3A_1786 = arith.constant 3.200000e+01 : f32
        %parallel_loop3A_1787 = vector.broadcast %parallel_loop3A_1786 : f32 to vector<16xf32>
        %parallel_loop3A_1788 = arith.mulf %parallel_loop3A_1785, %parallel_loop3A_1787 : vector<16xf32>
        %parallel_loop3A_1789 = arith.addf %parallel_loop3A_1788, %parallel_loop3A_1712 : vector<16xf32>
        %parallel_loop3A_1790 = arith.index_cast %parallel_loop3A_1781 : i32 to index
        %parallel_loop3A_1791 = arith.index_cast %parallel_loop3A_1719 : i32 to index
        %parallel_loop3A_1792 = tpu.vector_load %arg8[%parallel_loop3A_1790, %parallel_loop3A_1791] {strides = array<i32>} : memref<32x1024xf32, #tpu.memory_space<vmem>>, vector<1x16xf32>,
        %parallel_loop3A_1793 = vector.shape_cast %parallel_loop3A_1792 : vector<1x16xf32> to vector<16xf32>
        %parallel_loop3A_1794 = vector.shape_cast %parallel_loop3A_1789 : vector<16xf32> to vector<1x16xf32>
        tpu.vector_store %arg8[%parallel_loop3A_1790, %parallel_loop3A_1791], %parallel_loop3A_1794 {strides = array<i32>} : memref<32x1024xf32, #tpu.memory_space<vmem>>, vector<1x16xf32>,
        %parallel_loop3A_1795 = arith.index_cast %parallel_loop3A_1781 : i32 to index
        %parallel_loop3A_1796 = arith.index_cast %parallel_loop3A_1723 : i32 to index
        %parallel_loop3A_1797 = tpu.vector_load %arg8[%parallel_loop3A_1795, %parallel_loop3A_1796] {strides = array<i32>} : memref<32x1024xf32, #tpu.memory_space<vmem>>, vector<1x16xf32>,
        %parallel_loop3A_1798 = vector.shape_cast %parallel_loop3A_1797 : vector<1x16xf32> to vector<16xf32>
        %parallel_loop3A_1799 = arith.constant 3.200000e+01 : f32
        %parallel_loop3A_1800 = vector.broadcast %parallel_loop3A_1799 : f32 to vector<16xf32>
        %parallel_loop3A_1801 = arith.mulf %parallel_loop3A_1798, %parallel_loop3A_1800 : vector<16xf32>
        %parallel_loop3A_1802 = arith.addf %parallel_loop3A_1801, %parallel_loop3A_1717 : vector<16xf32>
        %parallel_loop3A_1803 = arith.index_cast %parallel_loop3A_1781 : i32 to index
        %parallel_loop3A_1804 = arith.index_cast %parallel_loop3A_1723 : i32 to index
        %parallel_loop3A_1805 = tpu.vector_load %arg8[%parallel_loop3A_1803, %parallel_loop3A_1804] {strides = array<i32>} : memref<32x1024xf32, #tpu.memory_space<vmem>>, vector<1x16xf32>,
        %parallel_loop3A_1806 = vector.shape_cast %parallel_loop3A_1805 : vector<1x16xf32> to vector<16xf32>
        %parallel_loop3A_1807 = vector.shape_cast %parallel_loop3A_1802 : vector<16xf32> to vector<1x16xf32>
        tpu.vector_store %arg8[%parallel_loop3A_1803, %parallel_loop3A_1804], %parallel_loop3A_1807 {strides = array<i32>} : memref<32x1024xf32, #tpu.memory_space<vmem>>, vector<1x16xf32>,
        %parallel_loop3A_1808 = arith.constant 24 : i32
        %parallel_loop3A_1809 = arith.addi %parallel_loop3A_1808, %scan3A_1700 : i32
        %parallel_loop3A_1810 = arith.index_cast %parallel_loop3A_1809 : i32 to index
        %parallel_loop3A_1811 = arith.index_cast %parallel_loop3A_1719 : i32 to index
        %parallel_loop3A_1812 = tpu.vector_load %arg8[%parallel_loop3A_1810, %parallel_loop3A_1811] {strides = array<i32>} : memref<32x1024xf32, #tpu.memory_space<vmem>>, vector<1x16xf32>,
        %parallel_loop3A_1813 = vector.shape_cast %parallel_loop3A_1812 : vector<1x16xf32> to vector<16xf32>
        %parallel_loop3A_1814 = arith.constant 3.200000e+01 : f32
        %parallel_loop3A_1815 = vector.broadcast %parallel_loop3A_1814 : f32 to vector<16xf32>
        %parallel_loop3A_1816 = arith.mulf %parallel_loop3A_1813, %parallel_loop3A_1815 : vector<16xf32>
        %parallel_loop3A_1817 = arith.addf %parallel_loop3A_1816, %parallel_loop3A_1712 : vector<16xf32>
        %parallel_loop3A_1818 = arith.index_cast %parallel_loop3A_1809 : i32 to index
        %parallel_loop3A_1819 = arith.index_cast %parallel_loop3A_1719 : i32 to index
        %parallel_loop3A_1820 = tpu.vector_load %arg8[%parallel_loop3A_1818, %parallel_loop3A_1819] {strides = array<i32>} : memref<32x1024xf32, #tpu.memory_space<vmem>>, vector<1x16xf32>,
        %parallel_loop3A_1821 = vector.shape_cast %parallel_loop3A_1820 : vector<1x16xf32> to vector<16xf32>
        %parallel_loop3A_1822 = vector.shape_cast %parallel_loop3A_1817 : vector<16xf32> to vector<1x16xf32>
        tpu.vector_store %arg8[%parallel_loop3A_1818, %parallel_loop3A_1819], %parallel_loop3A_1822 {strides = array<i32>} : memref<32x1024xf32, #tpu.memory_space<vmem>>, vector<1x16xf32>,
        %parallel_loop3A_1823 = arith.index_cast %parallel_loop3A_1809 : i32 to index
        %parallel_loop3A_1824 = arith.index_cast %parallel_loop3A_1723 : i32 to index
        %parallel_loop3A_1825 = tpu.vector_load %arg8[%parallel_loop3A_1823, %parallel_loop3A_1824] {strides = array<i32>} : memref<32x1024xf32, #tpu.memory_space<vmem>>, vector<1x16xf32>,
        %parallel_loop3A_1826 = vector.shape_cast %parallel_loop3A_1825 : vector<1x16xf32> to vector<16xf32>
        %parallel_loop3A_1827 = arith.constant 3.200000e+01 : f32
        %parallel_loop3A_1828 = vector.broadcast %parallel_loop3A_1827 : f32 to vector<16xf32>
        %parallel_loop3A_1829 = arith.mulf %parallel_loop3A_1826, %parallel_loop3A_1828 : vector<16xf32>
        %parallel_loop3A_1830 = arith.addf %parallel_loop3A_1829, %parallel_loop3A_1717 : vector<16xf32>
        %parallel_loop3A_1831 = arith.index_cast %parallel_loop3A_1809 : i32 to index
        %parallel_loop3A_1832 = arith.index_cast %parallel_loop3A_1723 : i32 to index
        %parallel_loop3A_1833 = tpu.vector_load %arg8[%parallel_loop3A_1831, %parallel_loop3A_1832] {strides = array<i32>} : memref<32x1024xf32, #tpu.memory_space<vmem>>, vector<1x16xf32>,
        %parallel_loop3A_1834 = vector.shape_cast %parallel_loop3A_1833 : vector<1x16xf32> to vector<16xf32>
        %parallel_loop3A_1835 = vector.shape_cast %parallel_loop3A_1830 : vector<16xf32> to vector<1x16xf32>
        tpu.vector_store %arg8[%parallel_loop3A_1831, %parallel_loop3A_1832], %parallel_loop3A_1835 {strides = array<i32>} : memref<32x1024xf32, #tpu.memory_space<vmem>>, vector<1x16xf32>,
        %parallel_loop3A_1836 = arith.constant 1024 : i32
        %parallel_loop3A_1837 = arith.addi %parallel_loop3A_1836, %parallel_loop3A_1709 : i32
        %parallel_loop3A_1838 = arith.index_cast %parallel_loop3A_1837 : i32 to index
        %parallel_loop3A_1839 = tpu.vector_load %arg10[%parallel_loop3A_1838] {strides = array<i32>} : memref<2048xf32, #tpu.memory_space<vmem>>, vector<16xf32>,
        %parallel_loop3A_1840 = vector.shape_cast %parallel_loop3A_1839 : vector<16xf32> to vector<16xf32>
        %parallel_loop3A_1841 = arith.constant 1024 : i32
        %parallel_loop3A_1842 = arith.addi %parallel_loop3A_1841, %parallel_loop3A_1709 : i32
        %parallel_loop3A_1843 = arith.constant 16 : i32
        %parallel_loop3A_1844 = arith.addi %parallel_loop3A_1842, %parallel_loop3A_1843 : i32
        %parallel_loop3A_1845 = arith.index_cast %parallel_loop3A_1844 : i32 to index
        %parallel_loop3A_1846 = tpu.vector_load %arg10[%parallel_loop3A_1845] {strides = array<i32>} : memref<2048xf32, #tpu.memory_space<vmem>>, vector<16xf32>,
        %parallel_loop3A_1847 = vector.shape_cast %parallel_loop3A_1846 : vector<16xf32> to vector<16xf32>
        %parallel_loop3A_1848 = arith.mulf %parallel_loop3A_1712, %parallel_loop3A_1840 : vector<16xf32>
        %parallel_loop3A_1849 = arith.mulf %parallel_loop3A_1717, %parallel_loop3A_1847 : vector<16xf32>
        %parallel_loop3A_1850 = arith.addf %parallel_loop3A_1848, %parallel_loop3A_1849 : vector<16xf32>
        %parallel_loop3A_1851 = arith.index_cast %parallel_loop3A_1709 : i32 to index
        %parallel_loop3A_1852 = tpu.vector_load %arg10[%parallel_loop3A_1851] {strides = array<i32>} : memref<2048xf32, #tpu.memory_space<vmem>>, vector<16xf32>,
        %parallel_loop3A_1853 = vector.shape_cast %parallel_loop3A_1852 : vector<16xf32> to vector<16xf32>
        %parallel_loop3A_1854 = vector.shape_cast %parallel_loop3A_1850 : vector<16xf32> to vector<16xf32>
        tpu.vector_store %arg10[%parallel_loop3A_1851], %parallel_loop3A_1854 {strides = array<i32>} : memref<2048xf32, #tpu.memory_space<vmem>>, vector<16xf32>,
        %parallel_loop3A_1855 = arith.mulf %parallel_loop3A_1717, %parallel_loop3A_1840 : vector<16xf32>
        %parallel_loop3A_1856 = arith.mulf %parallel_loop3A_1712, %parallel_loop3A_1847 : vector<16xf32>
        %parallel_loop3A_1857 = arith.subf %parallel_loop3A_1855, %parallel_loop3A_1856 : vector<16xf32>
        %parallel_loop3A_1858 = arith.constant 16 : i32
        %parallel_loop3A_1859 = arith.addi %parallel_loop3A_1709, %parallel_loop3A_1858 : i32
        %parallel_loop3A_1860 = arith.index_cast %parallel_loop3A_1859 : i32 to index
        %parallel_loop3A_1861 = tpu.vector_load %arg10[%parallel_loop3A_1860] {strides = array<i32>} : memref<2048xf32, #tpu.memory_space<vmem>>, vector<16xf32>,
        %parallel_loop3A_1862 = vector.shape_cast %parallel_loop3A_1861 : vector<16xf32> to vector<16xf32>
        %parallel_loop3A_1863 = vector.shape_cast %parallel_loop3A_1857 : vector<16xf32> to vector<16xf32>
        tpu.vector_store %arg10[%parallel_loop3A_1860], %parallel_loop3A_1863 {strides = array<i32>} : memref<2048xf32, #tpu.memory_space<vmem>>, vector<16xf32>,
      } {sc.loop_unroll_factor = 1 : i64, sc.parallel_access}
      %scan3A_1704 = arith.constant 0 : i32
      scf.yield %scan3A_1704 : i32
    }
    %scan3A_1483 = arith.constant 8 : i32
    %add3A_1484 = arith.constant 56 : i32
    %add3A_1485 = arith.addi %mul3A_2, %add3A_1484 : i32
    %dma_start3A_1486 = arith.constant 0 : i32
    %dma_start3A_1487 = arith.constant 0 : i32
    %dma_start3A_1488 = arith.constant 0 : i32
    %dma_start3A_1489 = tpu.memref_slice %arg8[%dma_start3A_1487, %dma_start3A_1488] : memref<32x1024xf32, #tpu.memory_space<vmem>> -> memref<8x1024xf32, #tpu.memory_space<vmem>>
    %dma_start3A_1490 = arith.constant 0 : i32
    %dma_start3A_1491 = tpu.memref_slice %arg5[%dma_start3A_1486, %add3A_1485, %dma_start3A_1490] : memref<4x2048x1024xf32, #tpu.memory_space<hbm>> -> memref<1x8x1024xf32, #tpu.memory_space<hbm>>
    %dma_start3A_1492 = tpu.memref_squeeze %dma_start3A_1491 : memref<1x8x1024xf32, #tpu.memory_space<hbm>> -> memref<8x1024xf32, #tpu.memory_space<hbm>>
    %dma_start3A_1493 = arith.constant 0 : i32
    %dma_start3A_1494 = tpu.memref_slice %arg5[%dma_start3A_1486, %add3A_1485, %dma_start3A_1493] : memref<4x2048x1024xf32, #tpu.memory_space<hbm>> -> memref<1x8x1024xf32, #tpu.memory_space<hbm>>
    %dma_start3A_1495 = tpu.memref_squeeze %dma_start3A_1494 : memref<1x8x1024xf32, #tpu.memory_space<hbm>> -> memref<8x1024xf32, #tpu.memory_space<hbm>>
    %dma_start3A_1496 = arith.constant 0 : i32
    %dma_start3A_1497 = arith.constant 0 : i32
    %dma_start3A_1498 = tpu.memref_slice %arg8[%dma_start3A_1496, %dma_start3A_1497] : memref<32x1024xf32, #tpu.memory_space<vmem>> -> memref<8x1024xf32, #tpu.memory_space<vmem>>
    tpu.enqueue_dma source(%dma_start3A_1498 : memref<8x1024xf32, #tpu.memory_space<vmem>>) target(%dma_start3A_1495 : memref<8x1024xf32, #tpu.memory_space<hbm>>) target_semaphore(%arg15 : memref<!tpu.dma_semaphore, #tpu.memory_space<semaphore_mem>>)
    %add3A_1499 = arith.constant 56 : i32
    %add3A_1500 = arith.addi %mul3A_2, %add3A_1499 : i32
    %dma_start3A_1501 = arith.constant 1 : i32
    %dma_start3A_1502 = arith.constant 8 : i32
    %dma_start3A_1503 = arith.constant 0 : i32
    %dma_start3A_1504 = tpu.memref_slice %arg8[%dma_start3A_1502, %dma_start3A_1503] : memref<32x1024xf32, #tpu.memory_space<vmem>> -> memref<8x1024xf32, #tpu.memory_space<vmem>>
    %dma_start3A_1505 = arith.constant 0 : i32
    %dma_start3A_1506 = tpu.memref_slice %arg5[%dma_start3A_1501, %add3A_1500, %dma_start3A_1505] : memref<4x2048x1024xf32, #tpu.memory_space<hbm>> -> memref<1x8x1024xf32, #tpu.memory_space<hbm>>
    %dma_start3A_1507 = tpu.memref_squeeze %dma_start3A_1506 : memref<1x8x1024xf32, #tpu.memory_space<hbm>> -> memref<8x1024xf32, #tpu.memory_space<hbm>>
    %dma_start3A_1508 = arith.constant 0 : i32
    %dma_start3A_1509 = tpu.memref_slice %arg5[%dma_start3A_1501, %add3A_1500, %dma_start3A_1508] : memref<4x2048x1024xf32, #tpu.memory_space<hbm>> -> memref<1x8x1024xf32, #tpu.memory_space<hbm>>
    %dma_start3A_1510 = tpu.memref_squeeze %dma_start3A_1509 : memref<1x8x1024xf32, #tpu.memory_space<hbm>> -> memref<8x1024xf32, #tpu.memory_space<hbm>>
    %dma_start3A_1511 = arith.constant 8 : i32
    %dma_start3A_1512 = arith.constant 0 : i32
    %dma_start3A_1513 = tpu.memref_slice %arg8[%dma_start3A_1511, %dma_start3A_1512] : memref<32x1024xf32, #tpu.memory_space<vmem>> -> memref<8x1024xf32, #tpu.memory_space<vmem>>
    tpu.enqueue_dma source(%dma_start3A_1513 : memref<8x1024xf32, #tpu.memory_space<vmem>>) target(%dma_start3A_1510 : memref<8x1024xf32, #tpu.memory_space<hbm>>) target_semaphore(%arg15 : memref<!tpu.dma_semaphore, #tpu.memory_space<semaphore_mem>>)
    %add3A_1514 = arith.constant 56 : i32
    %add3A_1515 = arith.addi %mul3A_2, %add3A_1514 : i32
    %dma_start3A_1516 = arith.constant 2 : i32
    %dma_start3A_1517 = arith.constant 16 : i32
    %dma_start3A_1518 = arith.constant 0 : i32
    %dma_start3A_1519 = tpu.memref_slice %arg8[%dma_start3A_1517, %dma_start3A_1518] : memref<32x1024xf32, #tpu.memory_space<vmem>> -> memref<8x1024xf32, #tpu.memory_space<vmem>>
    %dma_start3A_1520 = arith.constant 0 : i32
    %dma_start3A_1521 = tpu.memref_slice %arg5[%dma_start3A_1516, %add3A_1515, %dma_start3A_1520] : memref<4x2048x1024xf32, #tpu.memory_space<hbm>> -> memref<1x8x1024xf32, #tpu.memory_space<hbm>>
    %dma_start3A_1522 = tpu.memref_squeeze %dma_start3A_1521 : memref<1x8x1024xf32, #tpu.memory_space<hbm>> -> memref<8x1024xf32, #tpu.memory_space<hbm>>
    %dma_start3A_1523 = arith.constant 0 : i32
    %dma_start3A_1524 = tpu.memref_slice %arg5[%dma_start3A_1516, %add3A_1515, %dma_start3A_1523] : memref<4x2048x1024xf32, #tpu.memory_space<hbm>> -> memref<1x8x1024xf32, #tpu.memory_space<hbm>>
    %dma_start3A_1525 = tpu.memref_squeeze %dma_start3A_1524 : memref<1x8x1024xf32, #tpu.memory_space<hbm>> -> memref<8x1024xf32, #tpu.memory_space<hbm>>
    %dma_start3A_1526 = arith.constant 16 : i32
    %dma_start3A_1527 = arith.constant 0 : i32
    %dma_start3A_1528 = tpu.memref_slice %arg8[%dma_start3A_1526, %dma_start3A_1527] : memref<32x1024xf32, #tpu.memory_space<vmem>> -> memref<8x1024xf32, #tpu.memory_space<vmem>>
    tpu.enqueue_dma source(%dma_start3A_1528 : memref<8x1024xf32, #tpu.memory_space<vmem>>) target(%dma_start3A_1525 : memref<8x1024xf32, #tpu.memory_space<hbm>>) target_semaphore(%arg15 : memref<!tpu.dma_semaphore, #tpu.memory_space<semaphore_mem>>)
    %add3A_1529 = arith.constant 56 : i32
    %add3A_1530 = arith.addi %mul3A_2, %add3A_1529 : i32
    %dma_start3A_1531 = arith.constant 3 : i32
    %dma_start3A_1532 = arith.constant 24 : i32
    %dma_start3A_1533 = arith.constant 0 : i32
    %dma_start3A_1534 = tpu.memref_slice %arg8[%dma_start3A_1532, %dma_start3A_1533] : memref<32x1024xf32, #tpu.memory_space<vmem>> -> memref<8x1024xf32, #tpu.memory_space<vmem>>
    %dma_start3A_1535 = arith.constant 0 : i32
    %dma_start3A_1536 = tpu.memref_slice %arg5[%dma_start3A_1531, %add3A_1530, %dma_start3A_1535] : memref<4x2048x1024xf32, #tpu.memory_space<hbm>> -> memref<1x8x1024xf32, #tpu.memory_space<hbm>>
    %dma_start3A_1537 = tpu.memref_squeeze %dma_start3A_1536 : memref<1x8x1024xf32, #tpu.memory_space<hbm>> -> memref<8x1024xf32, #tpu.memory_space<hbm>>
    %dma_start3A_1538 = arith.constant 0 : i32
    %dma_start3A_1539 = tpu.memref_slice %arg5[%dma_start3A_1531, %add3A_1530, %dma_start3A_1538] : memref<4x2048x1024xf32, #tpu.memory_space<hbm>> -> memref<1x8x1024xf32, #tpu.memory_space<hbm>>
    %dma_start3A_1540 = tpu.memref_squeeze %dma_start3A_1539 : memref<1x8x1024xf32, #tpu.memory_space<hbm>> -> memref<8x1024xf32, #tpu.memory_space<hbm>>
    %dma_start3A_1541 = arith.constant 24 : i32
    %dma_start3A_1542 = arith.constant 0 : i32
    %dma_start3A_1543 = tpu.memref_slice %arg8[%dma_start3A_1541, %dma_start3A_1542] : memref<32x1024xf32, #tpu.memory_space<vmem>> -> memref<8x1024xf32, #tpu.memory_space<vmem>>
    tpu.enqueue_dma source(%dma_start3A_1543 : memref<8x1024xf32, #tpu.memory_space<vmem>>) target(%dma_start3A_1540 : memref<8x1024xf32, #tpu.memory_space<hbm>>) target_semaphore(%arg15 : memref<!tpu.dma_semaphore, #tpu.memory_space<semaphore_mem>>)
    %dma_wait3A_1544 = arith.constant 0 : i32
    %dma_wait3A_1545 = arith.constant 0 : i32
    %dma_wait3A_1546 = arith.constant 0 : i32
    %dma_wait3A_1547 = tpu.memref_slice %arg7[%dma_wait3A_1545, %dma_wait3A_1546] : memref<32x1024xf32, #tpu.memory_space<vmem>> -> memref<8x1024xf32, #tpu.memory_space<vmem>>
    %dma_wait3A_1548 = arith.constant 0 : i32
    %dma_wait3A_1549 = tpu.memref_slice %arg5[%dma_wait3A_1544, %add3A_1378, %dma_wait3A_1548] : memref<4x2048x1024xf32, #tpu.memory_space<hbm>> -> memref<1x8x1024xf32, #tpu.memory_space<hbm>>
    %dma_wait3A_1550 = tpu.memref_squeeze %dma_wait3A_1549 : memref<1x8x1024xf32, #tpu.memory_space<hbm>> -> memref<8x1024xf32, #tpu.memory_space<hbm>>
    %dma_wait3A_1551 = arith.constant 0 : i32
    %dma_wait3A_1552 = tpu.memref_slice %arg5[%dma_wait3A_1544, %add3A_1378, %dma_wait3A_1551] : memref<4x2048x1024xf32, #tpu.memory_space<hbm>> -> memref<1x8x1024xf32, #tpu.memory_space<hbm>>
    %dma_wait3A_1553 = tpu.memref_squeeze %dma_wait3A_1552 : memref<1x8x1024xf32, #tpu.memory_space<hbm>> -> memref<8x1024xf32, #tpu.memory_space<hbm>>
    %dma_wait3A_1554 = arith.constant 0 : i32
    %dma_wait3A_1555 = arith.constant 0 : i32
    %dma_wait3A_1556 = tpu.memref_slice %arg7[%dma_wait3A_1554, %dma_wait3A_1555] : memref<32x1024xf32, #tpu.memory_space<vmem>> -> memref<8x1024xf32, #tpu.memory_space<vmem>>
    tpu.wait_dma2 semaphore(%arg14 : memref<!tpu.dma_semaphore, #tpu.memory_space<semaphore_mem>>) src(%dma_wait3A_1556 : memref<8x1024xf32, #tpu.memory_space<vmem>>) dst(%dma_wait3A_1553 : memref<8x1024xf32, #tpu.memory_space<hbm>>)
    %dma_wait3A_1557 = arith.constant 1 : i32
    %dma_wait3A_1558 = arith.constant 8 : i32
    %dma_wait3A_1559 = arith.constant 0 : i32
    %dma_wait3A_1560 = tpu.memref_slice %arg7[%dma_wait3A_1558, %dma_wait3A_1559] : memref<32x1024xf32, #tpu.memory_space<vmem>> -> memref<8x1024xf32, #tpu.memory_space<vmem>>
    %dma_wait3A_1561 = arith.constant 0 : i32
    %dma_wait3A_1562 = tpu.memref_slice %arg5[%dma_wait3A_1557, %add3A_1393, %dma_wait3A_1561] : memref<4x2048x1024xf32, #tpu.memory_space<hbm>> -> memref<1x8x1024xf32, #tpu.memory_space<hbm>>
    %dma_wait3A_1563 = tpu.memref_squeeze %dma_wait3A_1562 : memref<1x8x1024xf32, #tpu.memory_space<hbm>> -> memref<8x1024xf32, #tpu.memory_space<hbm>>
    %dma_wait3A_1564 = arith.constant 0 : i32
    %dma_wait3A_1565 = tpu.memref_slice %arg5[%dma_wait3A_1557, %add3A_1393, %dma_wait3A_1564] : memref<4x2048x1024xf32, #tpu.memory_space<hbm>> -> memref<1x8x1024xf32, #tpu.memory_space<hbm>>
    %dma_wait3A_1566 = tpu.memref_squeeze %dma_wait3A_1565 : memref<1x8x1024xf32, #tpu.memory_space<hbm>> -> memref<8x1024xf32, #tpu.memory_space<hbm>>
    %dma_wait3A_1567 = arith.constant 8 : i32
    %dma_wait3A_1568 = arith.constant 0 : i32
    %dma_wait3A_1569 = tpu.memref_slice %arg7[%dma_wait3A_1567, %dma_wait3A_1568] : memref<32x1024xf32, #tpu.memory_space<vmem>> -> memref<8x1024xf32, #tpu.memory_space<vmem>>
    tpu.wait_dma2 semaphore(%arg14 : memref<!tpu.dma_semaphore, #tpu.memory_space<semaphore_mem>>) src(%dma_wait3A_1569 : memref<8x1024xf32, #tpu.memory_space<vmem>>) dst(%dma_wait3A_1566 : memref<8x1024xf32, #tpu.memory_space<hbm>>)
    %dma_wait3A_1570 = arith.constant 2 : i32
    %dma_wait3A_1571 = arith.constant 16 : i32
    %dma_wait3A_1572 = arith.constant 0 : i32
    %dma_wait3A_1573 = tpu.memref_slice %arg7[%dma_wait3A_1571, %dma_wait3A_1572] : memref<32x1024xf32, #tpu.memory_space<vmem>> -> memref<8x1024xf32, #tpu.memory_space<vmem>>
    %dma_wait3A_1574 = arith.constant 0 : i32
    %dma_wait3A_1575 = tpu.memref_slice %arg5[%dma_wait3A_1570, %add3A_1408, %dma_wait3A_1574] : memref<4x2048x1024xf32, #tpu.memory_space<hbm>> -> memref<1x8x1024xf32, #tpu.memory_space<hbm>>
    %dma_wait3A_1576 = tpu.memref_squeeze %dma_wait3A_1575 : memref<1x8x1024xf32, #tpu.memory_space<hbm>> -> memref<8x1024xf32, #tpu.memory_space<hbm>>
    %dma_wait3A_1577 = arith.constant 0 : i32
    %dma_wait3A_1578 = tpu.memref_slice %arg5[%dma_wait3A_1570, %add3A_1408, %dma_wait3A_1577] : memref<4x2048x1024xf32, #tpu.memory_space<hbm>> -> memref<1x8x1024xf32, #tpu.memory_space<hbm>>
    %dma_wait3A_1579 = tpu.memref_squeeze %dma_wait3A_1578 : memref<1x8x1024xf32, #tpu.memory_space<hbm>> -> memref<8x1024xf32, #tpu.memory_space<hbm>>
    %dma_wait3A_1580 = arith.constant 16 : i32
    %dma_wait3A_1581 = arith.constant 0 : i32
    %dma_wait3A_1582 = tpu.memref_slice %arg7[%dma_wait3A_1580, %dma_wait3A_1581] : memref<32x1024xf32, #tpu.memory_space<vmem>> -> memref<8x1024xf32, #tpu.memory_space<vmem>>
    tpu.wait_dma2 semaphore(%arg14 : memref<!tpu.dma_semaphore, #tpu.memory_space<semaphore_mem>>) src(%dma_wait3A_1582 : memref<8x1024xf32, #tpu.memory_space<vmem>>) dst(%dma_wait3A_1579 : memref<8x1024xf32, #tpu.memory_space<hbm>>)
    %dma_wait3A_1583 = arith.constant 3 : i32
    %dma_wait3A_1584 = arith.constant 24 : i32
    %dma_wait3A_1585 = arith.constant 0 : i32
    %dma_wait3A_1586 = tpu.memref_slice %arg7[%dma_wait3A_1584, %dma_wait3A_1585] : memref<32x1024xf32, #tpu.memory_space<vmem>> -> memref<8x1024xf32, #tpu.memory_space<vmem>>
    %dma_wait3A_1587 = arith.constant 0 : i32
    %dma_wait3A_1588 = tpu.memref_slice %arg5[%dma_wait3A_1583, %add3A_1423, %dma_wait3A_1587] : memref<4x2048x1024xf32, #tpu.memory_space<hbm>> -> memref<1x8x1024xf32, #tpu.memory_space<hbm>>
    %dma_wait3A_1589 = tpu.memref_squeeze %dma_wait3A_1588 : memref<1x8x1024xf32, #tpu.memory_space<hbm>> -> memref<8x1024xf32, #tpu.memory_space<hbm>>
    %dma_wait3A_1590 = arith.constant 0 : i32
    %dma_wait3A_1591 = tpu.memref_slice %arg5[%dma_wait3A_1583, %add3A_1423, %dma_wait3A_1590] : memref<4x2048x1024xf32, #tpu.memory_space<hbm>> -> memref<1x8x1024xf32, #tpu.memory_space<hbm>>
    %dma_wait3A_1592 = tpu.memref_squeeze %dma_wait3A_1591 : memref<1x8x1024xf32, #tpu.memory_space<hbm>> -> memref<8x1024xf32, #tpu.memory_space<hbm>>
    %dma_wait3A_1593 = arith.constant 24 : i32
    %dma_wait3A_1594 = arith.constant 0 : i32
    %dma_wait3A_1595 = tpu.memref_slice %arg7[%dma_wait3A_1593, %dma_wait3A_1594] : memref<32x1024xf32, #tpu.memory_space<vmem>> -> memref<8x1024xf32, #tpu.memory_space<vmem>>
    tpu.wait_dma2 semaphore(%arg14 : memref<!tpu.dma_semaphore, #tpu.memory_space<semaphore_mem>>) src(%dma_wait3A_1595 : memref<8x1024xf32, #tpu.memory_space<vmem>>) dst(%dma_wait3A_1592 : memref<8x1024xf32, #tpu.memory_space<hbm>>)
    %dma_wait3A_1596 = arith.constant 0 : i32
    %dma_wait3A_1597 = arith.constant 0 : i32
    %dma_wait3A_1598 = arith.constant 0 : i32
    %dma_wait3A_1599 = tpu.memref_slice %arg8[%dma_wait3A_1597, %dma_wait3A_1598] : memref<32x1024xf32, #tpu.memory_space<vmem>> -> memref<8x1024xf32, #tpu.memory_space<vmem>>
    %dma_wait3A_1600 = arith.constant 0 : i32
    %dma_wait3A_1601 = tpu.memref_slice %arg5[%dma_wait3A_1596, %add3A_1485, %dma_wait3A_1600] : memref<4x2048x1024xf32, #tpu.memory_space<hbm>> -> memref<1x8x1024xf32, #tpu.memory_space<hbm>>
    %dma_wait3A_1602 = tpu.memref_squeeze %dma_wait3A_1601 : memref<1x8x1024xf32, #tpu.memory_space<hbm>> -> memref<8x1024xf32, #tpu.memory_space<hbm>>
    %dma_wait3A_1603 = arith.constant 0 : i32
    %dma_wait3A_1604 = tpu.memref_slice %arg5[%dma_wait3A_1596, %add3A_1485, %dma_wait3A_1603] : memref<4x2048x1024xf32, #tpu.memory_space<hbm>> -> memref<1x8x1024xf32, #tpu.memory_space<hbm>>
    %dma_wait3A_1605 = tpu.memref_squeeze %dma_wait3A_1604 : memref<1x8x1024xf32, #tpu.memory_space<hbm>> -> memref<8x1024xf32, #tpu.memory_space<hbm>>
    %dma_wait3A_1606 = arith.constant 0 : i32
    %dma_wait3A_1607 = arith.constant 0 : i32
    %dma_wait3A_1608 = tpu.memref_slice %arg8[%dma_wait3A_1606, %dma_wait3A_1607] : memref<32x1024xf32, #tpu.memory_space<vmem>> -> memref<8x1024xf32, #tpu.memory_space<vmem>>
    tpu.wait_dma2 semaphore(%arg15 : memref<!tpu.dma_semaphore, #tpu.memory_space<semaphore_mem>>) src(%dma_wait3A_1608 : memref<8x1024xf32, #tpu.memory_space<vmem>>) dst(%dma_wait3A_1605 : memref<8x1024xf32, #tpu.memory_space<hbm>>)
    %dma_wait3A_1609 = arith.constant 1 : i32
    %dma_wait3A_1610 = arith.constant 8 : i32
    %dma_wait3A_1611 = arith.constant 0 : i32
    %dma_wait3A_1612 = tpu.memref_slice %arg8[%dma_wait3A_1610, %dma_wait3A_1611] : memref<32x1024xf32, #tpu.memory_space<vmem>> -> memref<8x1024xf32, #tpu.memory_space<vmem>>
    %dma_wait3A_1613 = arith.constant 0 : i32
    %dma_wait3A_1614 = tpu.memref_slice %arg5[%dma_wait3A_1609, %add3A_1500, %dma_wait3A_1613] : memref<4x2048x1024xf32, #tpu.memory_space<hbm>> -> memref<1x8x1024xf32, #tpu.memory_space<hbm>>
    %dma_wait3A_1615 = tpu.memref_squeeze %dma_wait3A_1614 : memref<1x8x1024xf32, #tpu.memory_space<hbm>> -> memref<8x1024xf32, #tpu.memory_space<hbm>>
    %dma_wait3A_1616 = arith.constant 0 : i32
    %dma_wait3A_1617 = tpu.memref_slice %arg5[%dma_wait3A_1609, %add3A_1500, %dma_wait3A_1616] : memref<4x2048x1024xf32, #tpu.memory_space<hbm>> -> memref<1x8x1024xf32, #tpu.memory_space<hbm>>
    %dma_wait3A_1618 = tpu.memref_squeeze %dma_wait3A_1617 : memref<1x8x1024xf32, #tpu.memory_space<hbm>> -> memref<8x1024xf32, #tpu.memory_space<hbm>>
    %dma_wait3A_1619 = arith.constant 8 : i32
    %dma_wait3A_1620 = arith.constant 0 : i32
    %dma_wait3A_1621 = tpu.memref_slice %arg8[%dma_wait3A_1619, %dma_wait3A_1620] : memref<32x1024xf32, #tpu.memory_space<vmem>> -> memref<8x1024xf32, #tpu.memory_space<vmem>>
    tpu.wait_dma2 semaphore(%arg15 : memref<!tpu.dma_semaphore, #tpu.memory_space<semaphore_mem>>) src(%dma_wait3A_1621 : memref<8x1024xf32, #tpu.memory_space<vmem>>) dst(%dma_wait3A_1618 : memref<8x1024xf32, #tpu.memory_space<hbm>>)
    %dma_wait3A_1622 = arith.constant 2 : i32
    %dma_wait3A_1623 = arith.constant 16 : i32
    %dma_wait3A_1624 = arith.constant 0 : i32
    %dma_wait3A_1625 = tpu.memref_slice %arg8[%dma_wait3A_1623, %dma_wait3A_1624] : memref<32x1024xf32, #tpu.memory_space<vmem>> -> memref<8x1024xf32, #tpu.memory_space<vmem>>
    %dma_wait3A_1626 = arith.constant 0 : i32
    %dma_wait3A_1627 = tpu.memref_slice %arg5[%dma_wait3A_1622, %add3A_1515, %dma_wait3A_1626] : memref<4x2048x1024xf32, #tpu.memory_space<hbm>> -> memref<1x8x1024xf32, #tpu.memory_space<hbm>>
    %dma_wait3A_1628 = tpu.memref_squeeze %dma_wait3A_1627 : memref<1x8x1024xf32, #tpu.memory_space<hbm>> -> memref<8x1024xf32, #tpu.memory_space<hbm>>
    %dma_wait3A_1629 = arith.constant 0 : i32
    %dma_wait3A_1630 = tpu.memref_slice %arg5[%dma_wait3A_1622, %add3A_1515, %dma_wait3A_1629] : memref<4x2048x1024xf32, #tpu.memory_space<hbm>> -> memref<1x8x1024xf32, #tpu.memory_space<hbm>>
    %dma_wait3A_1631 = tpu.memref_squeeze %dma_wait3A_1630 : memref<1x8x1024xf32, #tpu.memory_space<hbm>> -> memref<8x1024xf32, #tpu.memory_space<hbm>>
    %dma_wait3A_1632 = arith.constant 16 : i32
    %dma_wait3A_1633 = arith.constant 0 : i32
    %dma_wait3A_1634 = tpu.memref_slice %arg8[%dma_wait3A_1632, %dma_wait3A_1633] : memref<32x1024xf32, #tpu.memory_space<vmem>> -> memref<8x1024xf32, #tpu.memory_space<vmem>>
    tpu.wait_dma2 semaphore(%arg15 : memref<!tpu.dma_semaphore, #tpu.memory_space<semaphore_mem>>) src(%dma_wait3A_1634 : memref<8x1024xf32, #tpu.memory_space<vmem>>) dst(%dma_wait3A_1631 : memref<8x1024xf32, #tpu.memory_space<hbm>>)
    %dma_wait3A_1635 = arith.constant 3 : i32
    %dma_wait3A_1636 = arith.constant 24 : i32
    %dma_wait3A_1637 = arith.constant 0 : i32
    %dma_wait3A_1638 = tpu.memref_slice %arg8[%dma_wait3A_1636, %dma_wait3A_1637] : memref<32x1024xf32, #tpu.memory_space<vmem>> -> memref<8x1024xf32, #tpu.memory_space<vmem>>
    %dma_wait3A_1639 = arith.constant 0 : i32
    %dma_wait3A_1640 = tpu.memref_slice %arg5[%dma_wait3A_1635, %add3A_1530, %dma_wait3A_1639] : memref<4x2048x1024xf32, #tpu.memory_space<hbm>> -> memref<1x8x1024xf32, #tpu.memory_space<hbm>>
    %dma_wait3A_1641 = tpu.memref_squeeze %dma_wait3A_1640 : memref<1x8x1024xf32, #tpu.memory_space<hbm>> -> memref<8x1024xf32, #tpu.memory_space<hbm>>
    %dma_wait3A_1642 = arith.constant 0 : i32
    %dma_wait3A_1643 = tpu.memref_slice %arg5[%dma_wait3A_1635, %add3A_1530, %dma_wait3A_1642] : memref<4x2048x1024xf32, #tpu.memory_space<hbm>> -> memref<1x8x1024xf32, #tpu.memory_space<hbm>>
    %dma_wait3A_1644 = tpu.memref_squeeze %dma_wait3A_1643 : memref<1x8x1024xf32, #tpu.memory_space<hbm>> -> memref<8x1024xf32, #tpu.memory_space<hbm>>
    %dma_wait3A_1645 = arith.constant 24 : i32
    %dma_wait3A_1646 = arith.constant 0 : i32
    %dma_wait3A_1647 = tpu.memref_slice %arg8[%dma_wait3A_1645, %dma_wait3A_1646] : memref<32x1024xf32, #tpu.memory_space<vmem>> -> memref<8x1024xf32, #tpu.memory_space<vmem>>
    tpu.wait_dma2 semaphore(%arg15 : memref<!tpu.dma_semaphore, #tpu.memory_space<semaphore_mem>>) src(%dma_wait3A_1647 : memref<8x1024xf32, #tpu.memory_space<vmem>>) dst(%dma_wait3A_1644 : memref<8x1024xf32, #tpu.memory_space<hbm>>)
    %dma_wait3A_1648 = arith.constant 0 : i32
    %dma_wait3A_1649 = arith.constant 0 : i32
    %dma_wait3A_1650 = arith.constant 0 : i32
    %dma_wait3A_1651 = tpu.memref_slice %arg9[%dma_wait3A_1649, %dma_wait3A_1650] : memref<32x1024xf32, #tpu.memory_space<vmem>> -> memref<8x1024xf32, #tpu.memory_space<vmem>>
    %dma_wait3A_1652 = arith.constant 0 : i32
    %dma_wait3A_1653 = tpu.memref_slice %arg5[%dma_wait3A_1648, %add3A_1179, %dma_wait3A_1652] : memref<4x2048x1024xf32, #tpu.memory_space<hbm>> -> memref<1x8x1024xf32, #tpu.memory_space<hbm>>
    %dma_wait3A_1654 = tpu.memref_squeeze %dma_wait3A_1653 : memref<1x8x1024xf32, #tpu.memory_space<hbm>> -> memref<8x1024xf32, #tpu.memory_space<hbm>>
    %dma_wait3A_1655 = arith.constant 0 : i32
    %dma_wait3A_1656 = tpu.memref_slice %arg5[%dma_wait3A_1648, %add3A_1179, %dma_wait3A_1655] : memref<4x2048x1024xf32, #tpu.memory_space<hbm>> -> memref<1x8x1024xf32, #tpu.memory_space<hbm>>
    %dma_wait3A_1657 = tpu.memref_squeeze %dma_wait3A_1656 : memref<1x8x1024xf32, #tpu.memory_space<hbm>> -> memref<8x1024xf32, #tpu.memory_space<hbm>>
    %dma_wait3A_1658 = arith.constant 0 : i32
    %dma_wait3A_1659 = arith.constant 0 : i32
    %dma_wait3A_1660 = tpu.memref_slice %arg9[%dma_wait3A_1658, %dma_wait3A_1659] : memref<32x1024xf32, #tpu.memory_space<vmem>> -> memref<8x1024xf32, #tpu.memory_space<vmem>>
    tpu.wait_dma2 semaphore(%arg16 : memref<!tpu.dma_semaphore, #tpu.memory_space<semaphore_mem>>) src(%dma_wait3A_1660 : memref<8x1024xf32, #tpu.memory_space<vmem>>) dst(%dma_wait3A_1657 : memref<8x1024xf32, #tpu.memory_space<hbm>>)
    %dma_wait3A_1661 = arith.constant 1 : i32
    %dma_wait3A_1662 = arith.constant 8 : i32
    %dma_wait3A_1663 = arith.constant 0 : i32
    %dma_wait3A_1664 = tpu.memref_slice %arg9[%dma_wait3A_1662, %dma_wait3A_1663] : memref<32x1024xf32, #tpu.memory_space<vmem>> -> memref<8x1024xf32, #tpu.memory_space<vmem>>
    %dma_wait3A_1665 = arith.constant 0 : i32
    %dma_wait3A_1666 = tpu.memref_slice %arg5[%dma_wait3A_1661, %add3A_1194, %dma_wait3A_1665] : memref<4x2048x1024xf32, #tpu.memory_space<hbm>> -> memref<1x8x1024xf32, #tpu.memory_space<hbm>>
    %dma_wait3A_1667 = tpu.memref_squeeze %dma_wait3A_1666 : memref<1x8x1024xf32, #tpu.memory_space<hbm>> -> memref<8x1024xf32, #tpu.memory_space<hbm>>
    %dma_wait3A_1668 = arith.constant 0 : i32
    %dma_wait3A_1669 = tpu.memref_slice %arg5[%dma_wait3A_1661, %add3A_1194, %dma_wait3A_1668] : memref<4x2048x1024xf32, #tpu.memory_space<hbm>> -> memref<1x8x1024xf32, #tpu.memory_space<hbm>>
    %dma_wait3A_1670 = tpu.memref_squeeze %dma_wait3A_1669 : memref<1x8x1024xf32, #tpu.memory_space<hbm>> -> memref<8x1024xf32, #tpu.memory_space<hbm>>
    %dma_wait3A_1671 = arith.constant 8 : i32
    %dma_wait3A_1672 = arith.constant 0 : i32
    %dma_wait3A_1673 = tpu.memref_slice %arg9[%dma_wait3A_1671, %dma_wait3A_1672] : memref<32x1024xf32, #tpu.memory_space<vmem>> -> memref<8x1024xf32, #tpu.memory_space<vmem>>
    tpu.wait_dma2 semaphore(%arg16 : memref<!tpu.dma_semaphore, #tpu.memory_space<semaphore_mem>>) src(%dma_wait3A_1673 : memref<8x1024xf32, #tpu.memory_space<vmem>>) dst(%dma_wait3A_1670 : memref<8x1024xf32, #tpu.memory_space<hbm>>)
    %dma_wait3A_1674 = arith.constant 2 : i32
    %dma_wait3A_1675 = arith.constant 16 : i32
    %dma_wait3A_1676 = arith.constant 0 : i32
    %dma_wait3A_1677 = tpu.memref_slice %arg9[%dma_wait3A_1675, %dma_wait3A_1676] : memref<32x1024xf32, #tpu.memory_space<vmem>> -> memref<8x1024xf32, #tpu.memory_space<vmem>>
    %dma_wait3A_1678 = arith.constant 0 : i32
    %dma_wait3A_1679 = tpu.memref_slice %arg5[%dma_wait3A_1674, %add3A_1209, %dma_wait3A_1678] : memref<4x2048x1024xf32, #tpu.memory_space<hbm>> -> memref<1x8x1024xf32, #tpu.memory_space<hbm>>
    %dma_wait3A_1680 = tpu.memref_squeeze %dma_wait3A_1679 : memref<1x8x1024xf32, #tpu.memory_space<hbm>> -> memref<8x1024xf32, #tpu.memory_space<hbm>>
    %dma_wait3A_1681 = arith.constant 0 : i32
    %dma_wait3A_1682 = tpu.memref_slice %arg5[%dma_wait3A_1674, %add3A_1209, %dma_wait3A_1681] : memref<4x2048x1024xf32, #tpu.memory_space<hbm>> -> memref<1x8x1024xf32, #tpu.memory_space<hbm>>
    %dma_wait3A_1683 = tpu.memref_squeeze %dma_wait3A_1682 : memref<1x8x1024xf32, #tpu.memory_space<hbm>> -> memref<8x1024xf32, #tpu.memory_space<hbm>>
    %dma_wait3A_1684 = arith.constant 16 : i32
    %dma_wait3A_1685 = arith.constant 0 : i32
    %dma_wait3A_1686 = tpu.memref_slice %arg9[%dma_wait3A_1684, %dma_wait3A_1685] : memref<32x1024xf32, #tpu.memory_space<vmem>> -> memref<8x1024xf32, #tpu.memory_space<vmem>>
    tpu.wait_dma2 semaphore(%arg16 : memref<!tpu.dma_semaphore, #tpu.memory_space<semaphore_mem>>) src(%dma_wait3A_1686 : memref<8x1024xf32, #tpu.memory_space<vmem>>) dst(%dma_wait3A_1683 : memref<8x1024xf32, #tpu.memory_space<hbm>>)
    %dma_wait3A_1687 = arith.constant 3 : i32
    %dma_wait3A_1688 = arith.constant 24 : i32
    %dma_wait3A_1689 = arith.constant 0 : i32
    %dma_wait3A_1690 = tpu.memref_slice %arg9[%dma_wait3A_1688, %dma_wait3A_1689] : memref<32x1024xf32, #tpu.memory_space<vmem>> -> memref<8x1024xf32, #tpu.memory_space<vmem>>
    %dma_wait3A_1691 = arith.constant 0 : i32
    %dma_wait3A_1692 = tpu.memref_slice %arg5[%dma_wait3A_1687, %add3A_1224, %dma_wait3A_1691] : memref<4x2048x1024xf32, #tpu.memory_space<hbm>> -> memref<1x8x1024xf32, #tpu.memory_space<hbm>>
    %dma_wait3A_1693 = tpu.memref_squeeze %dma_wait3A_1692 : memref<1x8x1024xf32, #tpu.memory_space<hbm>> -> memref<8x1024xf32, #tpu.memory_space<hbm>>
    %dma_wait3A_1694 = arith.constant 0 : i32
    %dma_wait3A_1695 = tpu.memref_slice %arg5[%dma_wait3A_1687, %add3A_1224, %dma_wait3A_1694] : memref<4x2048x1024xf32, #tpu.memory_space<hbm>> -> memref<1x8x1024xf32, #tpu.memory_space<hbm>>
    %dma_wait3A_1696 = tpu.memref_squeeze %dma_wait3A_1695 : memref<1x8x1024xf32, #tpu.memory_space<hbm>> -> memref<8x1024xf32, #tpu.memory_space<hbm>>
    %dma_wait3A_1697 = arith.constant 24 : i32
    %dma_wait3A_1698 = arith.constant 0 : i32
    %dma_wait3A_1699 = tpu.memref_slice %arg9[%dma_wait3A_1697, %dma_wait3A_1698] : memref<32x1024xf32, #tpu.memory_space<vmem>> -> memref<8x1024xf32, #tpu.memory_space<vmem>>
    tpu.wait_dma2 semaphore(%arg16 : memref<!tpu.dma_semaphore, #tpu.memory_space<semaphore_mem>>) src(%dma_wait3A_1699 : memref<8x1024xf32, #tpu.memory_space<vmem>>) dst(%dma_wait3A_1696 : memref<8x1024xf32, #tpu.memory_space<hbm>>)
    return
  }
}

</mosaic_0001>

<sc_bundles>
// kernel: kernel.3.cloned.1.call-start
scs
__scs_entry_jumppad:
0x0: {  	(pc) =	sbr.rel $0x88, $3  }
0x1: {  	(tag) =	ssettag $0x0;
	lr =	simm.s32 $0x1  }
0x2: {  	[smem:$0x3F9F] =	sst lr;
	_ =	strace $0xD0000000  }
0x3: {  	_ = 	snop  }
0x4: {  	_ = 	snop  }
0x5: {  	_ = 	snop  }
0x6: {  	_ = 	snop  }
0x7: {  	_ = 	snop  }
__scs_overlays_trampoline_lowered:
0x8: {  	[smem:$0x3FAE] =	sst s0  }
0x9: {  	[smem:$0x3FAF] =	sst s1  }
0xa: {  	[smem:$0x3FB0] =	sst s2  }
0xb: {  	[smem:$0x3FB1] =	sst s3  }
0xc: {  	[smem:$0x3FB2] =	sst s4  }
0xd: {  	[smem:$0x3FB3] =	sst s5  }
0xe: {  	[smem:$0x3FB4] =	sst s6  }
0xf: {  	[smem:$0x3FB5] =	sst s7  }
0x10: {  	[smem:$0x3FB6] =	sst s8  }
0x11: {  	[smem:$0x3FB7] =	sst s9;
	s0 =	simm.s32 @!p0 $0x0  }
0x12: {  	s1 =	sld [smem:$0x3F9D];
	s0 =	simm.s32 @p0 $0x1  }
0x13: {  	[smem:$0x3FB8] =	sst s0;
	s0 =	simm.s32 @!p1 $0x0  }
0x14: {  	s2 =	sld [smem:$0x3F9C];
	s0 =	simm.s32 @p1 $0x1  }
0x15: {  	[smem:$0x3FB9] =	sst s0;
	s0 =	simm.s32 @!p2 $0x0  }
0x16: {  	s3 =	sld [smem:$0x3FDB];
	s0 =	simm.s32 @p2 $0x1  }
0x17: {  	s4 =	simm.s32 $0x1BF5;
	[smem:$0x3FBB] =	sst s0  }
0x18: {  	s0 =	sld [smem:$0x3F9E];
	_ =	swait.ge [sflag:s4], $0x0  }
0x19: {  	s7 =	sld [smem:$0x3F9F]  }
0x1a: {  	s8 =	sadd.s32 $0xFFFFE003, lr  }
0x1b: {  	s9 =	sadd.s32 $0xFFFFFEF7, lr;
	s5 =	simm.s32 $0xFFFFFFFF;
	p2 =	slt.u32 s8, $0xFFFFF086  }
0x1c: {  	p1 =	slt.u32 s9, $0xF7A;
	s5 =	simm.s32 @!p2 $0x0  }
0x1d: {  	s5 =	simm.s32 @p1 $0x1;
	p0 =	seq.s32 s7, s2  }
0x1e: {  	s7 =	smul.u32 @!p0 $0xF7A, s2;
	p2 =	seq.s32 @!p0 s5, $0x0  }
0x1f: {  	s9 =	smul.u32 $0xF7A, s1;
	s8 =	simm.s32 @!p0 $0x1BF5;
	p2 =	por !p2, p0  }
0x20: {  	[sflag:s8] =	ssyncset.s32 @!p0 $0xFFFFF086;
	s6 =	sadd.s32 @!p0 s3, s7;
	s7 =	simm.s32 @!p0 $0x108  }
0x21: {  	s3 =	sadd.s32 s3, s9;
	s6 =	sadd.s32 @!p0 $0x88, s6;
	s7 =	simm.s32 @p2 $0x1082  }
0x22: {  	[simem:s7], [sflag:s8] =	dma.local @!p0 [hbm:s6], $0xF7A  }
0x23: {  	s9 =	sor.u32 $0xD0000000, s2;
	s6 =	simm.s32 $0x108;
	_ =	swait.ge @!p0 [sflag:s8], $0x0  }
0x24: {  	s3 =	sadd.s32 $0x88, s3;
	s6 =	simm.s32 @!p1 $0x1082;
	[sflag:s4] =	ssyncset.s32 $0xFFFFF086  }
0x25: {  	[simem:s6], [sflag:s4] =	dma.local [hbm:s3], $0xF7A  }
0x26: {  	[smem:$0x3F9F] =	sst s1;
	(tag) =	ssettag s2;
	_ =	strace s9  }
0x27: {  	s1 =	sld [smem:$0x3FAF]  }
0x28: {  	s2 =	sld [smem:$0x3FB0]  }
0x29: {  	s4 =	sld [smem:$0x3FB2]  }
0x2a: {  	p0 =	seq.s32 s5, $0x0;
	s5 =	sld [smem:$0x3FB3]  }
0x2b: {  	s6 =	sld [smem:$0x3FB4]  }
0x2c: {  	s7 =	sld [smem:$0x3FB5]  }
0x2d: {  	s3 =	simm.s32 $0x108;
	s8 =	sld [smem:$0x3FB6]  }
0x2e: {  	s3 =	simm.s32 @!p0 $0x1082;
	s9 =	sld [smem:$0x3FB7]  }
0x2f: {  	lr =	sadd.s32 s0, s3;
	s0 =	sld [smem:$0x3FAE]  }
0x30: {  	s3 =	sld [smem:$0x3FB1]  }
0x31: {  	[smem:$0x3FBA] =	sst s10  }
0x32: {  	s10 =	sld [smem:$0x3FB8];
	_ =	sdelay $0x3  }
0x33: {  	p0 =	seq.s32 s10, $0x1;
	s10 =	sld [smem:$0x3FBA];
	_ =	sdelay $0x3  }
0x34: {  	[smem:$0x3FBA] =	sst s10  }
0x35: {  	s10 =	sld [smem:$0x3FB9];
	_ =	sdelay $0x3  }
0x36: {  	p1 =	seq.s32 s10, $0x1;
	s10 =	sld [smem:$0x3FBA];
	_ =	sdelay $0x3  }
0x37: {  	[smem:$0x3FBA] =	sst s10  }
0x38: {  	s10 =	sld [smem:$0x3FBB]  }
0x39: {  	_ = 	snop;
	(pc) =	sbr.ind lr, $3  }
0x3a: {  	_ = 	snop  }
0x3b: {  	_ = 	snop  }
0x3c: {  	p2 =	seq.s32 s10, $0x1;
	s10 =	sld [smem:$0x3FBA]  }
0x3d: {  	_ =	shalt  }
0x3e: {  	_ =	shalt  }
0x3f: {  	_ =	shalt  }
0x40: {  	_ =	shalt  }
0x41: {  	_ =	shalt  }
0x42: {  	_ =	shalt  }
0x43: {  	_ =	shalt  }
0x44: {  	_ =	shalt  }
0x45: {  	_ =	shalt  }
0x46: {  	_ =	shalt  }
0x47: {  	_ =	shalt  }
0x48: {  	_ =	shalt  }
0x49: {  	_ =	shalt  }
0x4a: {  	_ =	shalt  }
0x4b: {  	_ =	shalt  }
0x4c: {  	_ =	shalt  }
0x4d: {  	_ =	shalt  }
0x4e: {  	_ =	shalt  }
0x4f: {  	_ =	shalt  }
0x50: {  	_ =	shalt  }
0x51: {  	_ =	shalt  }
0x52: {  	_ =	shalt  }
0x53: {  	_ =	shalt  }
0x54: {  	_ =	shalt  }
0x55: {  	_ =	shalt  }
0x56: {  	_ =	shalt  }
0x57: {  	_ =	shalt  }
0x58: {  	_ =	shalt  }
0x59: {  	_ =	shalt  }
0x5a: {  	_ =	shalt  }
0x5b: {  	_ =	shalt  }
0x5c: {  	_ =	shalt  }
0x5d: {  	_ =	shalt  }
0x5e: {  	_ =	shalt  }
0x5f: {  	_ =	shalt  }
0x60: {  	_ =	shalt  }
0x61: {  	_ =	shalt  }
0x62: {  	_ =	shalt  }
0x63: {  	_ =	shalt  }
0x64: {  	_ =	shalt  }
0x65: {  	_ =	shalt  }
0x66: {  	_ =	shalt  }
0x67: {  	_ =	shalt  }
0x68: {  	_ =	shalt  }
0x69: {  	_ =	shalt  }
0x6a: {  	_ =	shalt  }
0x6b: {  	_ =	shalt  }
0x6c: {  	_ =	shalt  }
0x6d: {  	_ =	shalt  }
0x6e: {  	_ =	shalt  }
0x6f: {  	_ =	shalt  }
0x70: {  	_ =	shalt  }
0x71: {  	_ =	shalt  }
0x72: {  	_ =	shalt  }
0x73: {  	_ =	shalt  }
0x74: {  	_ =	shalt  }
0x75: {  	_ =	shalt  }
0x76: {  	_ =	shalt  }
0x77: {  	_ =	shalt  }
0x78: {  	_ =	shalt  }
0x79: {  	_ =	shalt  }
0x7a: {  	_ =	shalt  }
0x7b: {  	_ =	shalt  }
0x7c: {  	_ =	shalt  }
0x7d: {  	_ =	shalt  }
0x7e: {  	_ =	shalt  }
0x7f: {  	_ =	shalt  }
0x80: {  	_ =	shalt  }
0x81: {  	_ =	shalt  }
0x82: {  	_ =	shalt  }
0x83: {  	_ =	shalt  }
0x84: {  	_ =	shalt  }
0x85: {  	_ =	shalt  }
0x86: {  	_ =	shalt  }
0x87: {  	_ =	shalt  }
.Lfunc_end0:
.L_simem_size_0:
called_computation_lowered:
.L_overlay_start_0:
0x88: {  	s2 =	sld [smem:$0x3FD9]  }
0x89: {  	s3 =	sld [smem:$0x3FFE];
	_ =	sdelay $0x1  }
0x8a: {  	s1 =	srdreg.scid  }
0x8b: {  	s0 =	sand.u32 $0x1, s1  }
0x8c: {  	s17 =	sshll.u32 s0, $0xA;
	s2 =	sadd.s32 s3, s2  }
0x8d: {  	s2 =	sadd.s32 s2, s17  }
0x8e: {  	[smem:$0x3FC6] =	sst s2  }
0x8f: {  	_ = 	snop  }
0x90: {  	s2 =	sld [smem:$0x3FC9]  }
0x91: {  	s18 =	sld [smem:$0x3FC8]  }
0x92: {  	s4 =	sld [smem:$0x3FD0];
	(tm) =	ssettm $0x1  }
0x93: {  	s5 =	sld [smem:$0x3FFB];
	_ =	sdelay $0x3  }
0x94: {  	_ =	strace s5  }
0x95: {  	s5 =	sld [smem:$0x3FFC];
	_ =	sdelay $0x3  }
0x96: {  	_ =	strace s5  }
0x97: {  	s5 =	sld [smem:$0x3FFD];
	_ =	sdelay $0x3  }
0x98: {  	_ =	strace s5  }
0x99: {  	_ =	strace $0x8FFFFFFF  }
0x9a: {  	s19 =	sld [smem:$0x3FDB];
	_ =	sdelay $0x1  }
0x9b: {  	s6 =	simm.s32 $_scs_section_size  }
0x9c: {  	s7 =	simm.s32 $_size__tile_overlayer_lowered;
	s8 =	simm.s32 $_tile_overlayer_lowered  }
0x9d: {  	s22 =	simm.s32 $0x1BFF;
	s21 =	sshll.u32 s8, $0x1;
	s5 =	sadd.s32 s6, s19  }
0x9e: {  	s9 =	simm.s32 $0x0;
	s20 =	sshll.u32 s7, $0x1;
	s7 =	sadd.s32 s21, s5  }
0x9f: {  	[timem:s9], [sflag:s22] =	dma.local [hbm:s7], s20  }
0xa0: {  	_ =	swait.ge [sflag:s22], s20  }
0xa1: {  	s6 =	ssub.s32 $0x0, s20;
	[sflag:s22] =	ssyncset.done $0x0  }
0xa2: {  	[sflag:s22] =	ssyncadd.s32 s6;
	_ =	sdelay $0x1  }
0xa3: {  	s23 =	simm.s32 $0x1B8B  }
0xa4: {  	_ =	swait.ge [sflag:s23], $0x1  }
0xa5: {  	[sflag:s23] =	ssyncset.done $0x0  }
0xa6: {  	s25 =	simm.s32 $0x1B8E;
	s24 =	sld [smem:$0x3FFE];
	[sflag:s23] =	ssyncadd.s32 $0xFFFFFFFF  }
0xa7: {  	s26 =	simm.s32 $execute0_lowered;
	[smem:$0x3FD2] =	sst s25  }
0xa8: {  	s7 =	sshll.u32 s26, $0x1;
	_ =	strace $0x80000046;
	[dreg:$0x1] =	wrdreg $0xFFFFFFFF  }
0xa9: {  	s28 =	simm.s32 $_size_execute0_lowered;
	s5 =	sadd.s32 s5, s7;
	[dreg:$0x0] =	wrdreg $0x0  }
0xaa: {  	s7 =	sshll.u32 s28, $0x1;
	[dreg:$0x2] =	wrdreg s5  }
0xab: {  	[dreg:$0x3] =	wrdreg s7  }
0xac: {  	[dreg:$0x4] =	wrdreg $0xC0  }
0xad: {  	_ =	task [dreg:s9], $0x5FFFF  }
0xae: {  	[dreg:$0x1] =	wrdreg $0xFFFFFFFF  }
0xaf: {  	[dreg:$0x0] =	wrdreg $0x60  }
0xb0: {  	[dreg:$0x2] =	wrdreg s2  }
0xb1: {  	[dreg:$0x3] =	wrdreg s18  }
0xb2: {  	[dreg:$0x4] =	wrdreg s24  }
0xb3: {  	[dreg:$0x5] =	wrdreg s4  }
0xb4: {  	[dreg:$0x6] =	wrdreg $0x9  }
0xb5: {  	_ =	task.clear_ibuf [dreg:s9], $0x7FFFF;
	_ =	strace $0x90000046  }
0xb6: {  	s29 =	simm.s32 $0x9;
	_ =	strace $0x80000048  }
0xb7: {  	_ =	swait.ge [sflag:s29], $0x1  }
0xb8: {  	[sflag:s29] =	ssyncadd.s32 $0xFFFFFFFF  }
0xb9: {  	_ =	strace $0x90000048  }
0xba: {  	_ =	sfence  }
0xbb: {  	s30 =	sld [smem:$0x0];
	_ =	sdelay $0x2  }
0xbc: {  	s31 =	sshll.u32 s1, $0xD;
	s1 =	sshrl.u32 s1, $0x2  }
0xbd: {  	s3 =	sand.u32 $0x4000, s31;
	s1 =	sadd.s32 s1, s30  }
0xbe: {  	s0 =	sor.u32 s3, s0;
	s1 =	sshll.u32 s1, $0x11  }
0xbf: {  	s0 =	sor.u32 s1, s0  }
0xc0: {  	s0 =	sadd.s32 $0x8F2B, s0  }
0xc1: {  	[sflag:s0] =	ssyncadd.remote.s32 $0x1  }
0xc2: {  	_ =	sfence.sel $0xFFFF  }
0xc3: {  	[dreg:$0x0] =	wrdreg $0xFFFFFFFF;
	(pc) =	sbr.abs _section_cstart, $3  }
0xc4: {  	[dreg:$0x1] =	wrdreg $0xFFFFFFFF  }
0xc5: {  	_ =	task.clear_ibuf [dreg:s9], $0x2FFFF;
	_ =	strace $0x9FFFFFFF  }
0xc6: {  	(tm) =	ssettm $0x7FFFFFFF  }
0xc7: {  	_ =	shalt  }
tec
execute0_lowered:
.L_overlay_start_1:
0x0: {  	(tag) =	ssettag $0x1  }
0x1: {  	s0 =	rddreg [dreg:$0x0]  }
0x2: {  	s11 =	rddreg [dreg:$0x1]  }
0x3: {  	s1 =	rddreg [dreg:$0x2]  }
0x4: {  	s2 =	rddreg [dreg:$0x3]  }
0x5: {  	s3 =	stileid.u32;
	s4 =	srdreg.scid  }
0x6: {  	s12 =	simm.s32 $0x0;
	s4 =	sand.u32 $0x1, s4;
	s5 =	sshll.u32 s3, $0x1  }
0x7: {  	[smem:$0x7FF] =	sst s12;
	s7 =	sshll.u32 s3, $0x9;
	s5 =	sor.u32 s4, s5  }
0x8: {  	_ =	strace $0x80000047;
	s8 =	sshll.u32 s4, $0x6;
	s7 =	sand.u32 $0x1800, s7  }
0x9: {  	s4 =	ssub.s32 $0x2, s4;
	s6 =	sshll.u32 s5, $0x8;
	s1 =	sadd.s32 s7, s1  }
0xa: {  	s17 =	sshrl.u32 s4, $0x1;
	s19 =	sshll.u32 s5, $0x4;
	s9 =	sand.u32 $0x1E00, s6  }
0xb: {  	s4 =	ssub.s32 s4, s17;
	s6 =	sor.u32 s8, s6;
	s9 =	sor.u32 s8, s9  }
0xc: {  	s6 =	sshrl.u32 s6, $0x3;
	s8 =	smax.u32 s4, $0x1;
	s9 =	sshrl.u32 s9, $0x3  }
0xd: {  	s20 =	sor.u32 $0x20, s6;
	[dreg:$0x17] =	wrdreg s8;
	s18 =	sadd.s32 s0, s9  }
0xe: {  	s6 =	sor.u32 $0x30, s6;
	s21 =	sadd.s32 s0, s20;
	[dreg:$0x5] =	wrdreg s18  }
0xf: {  	s7 =	sand.u32 $0x70, s19;
	s0 =	sadd.s32 s0, s6;
	[dreg:$0x7] =	wrdreg s21  }
0x10: {  	s22 =	sadd.s32 s7, s1;
	s3 =	sadd.s32 $0x10, s18;
	[dreg:$0x8] =	wrdreg s0  }
0x11: {  	s23 =	sshll.u32 s5, $0xD;
	s0 =	sadd.s32 $0x400, s22;
	[dreg:$0x6] =	wrdreg s3  }
0x12: {  	[dreg:$0x9] =	wrdreg s0;
	s0 =	sadd.s32 s2, s23  }
0x13: {  	s24 =	sadd.s32 $0x40000, s0;
	[dreg:$0xa] =	wrdreg s0  }
0x14: {  	s25 =	sadd.s32 $0x80000, s0;
	[dreg:$0xb] =	wrdreg s24  }
0x15: {  	s26 =	sadd.s32 $0xC0000, s0;
	[dreg:$0xc] =	wrdreg s25  }
0x16: {  	s28 =	sadd.s32 $0x400, s0;
	[dreg:$0xd] =	wrdreg s26  }
0x17: {  	s29 =	sadd.s32 $0x40400, s0;
	[dreg:$0xe] =	wrdreg s28  }
0x18: {  	s30 =	sadd.s32 $0x80400, s0;
	[dreg:$0xf] =	wrdreg s29  }
0x19: {  	s31 =	sadd.s32 $0xC0400, s0;
	[dreg:$0x10] =	wrdreg s30  }
0x1a: {  	s2 =	sadd.s32 $0x800, s0;
	[dreg:$0x11] =	wrdreg s31  }
0x1b: {  	s3 =	sadd.s32 $0x40800, s0;
	[dreg:$0x12] =	wrdreg s2  }
0x1c: {  	s5 =	sadd.s32 $0x80800, s0;
	[dreg:$0x13] =	wrdreg s3  }
0x1d: {  	s6 =	sadd.s32 $0xC0800, s0;
	[dreg:$0x14] =	wrdreg s5  }
0x1e: {  	s7 =	sadd.s32 $0xC00, s0;
	[dreg:$0x15] =	wrdreg s6  }
0x1f: {  	s13 =	sadd.s32 $0x40C00, s0;
	[dreg:$0x16] =	wrdreg s7  }
0x20: {  	s14 =	sadd.s32 $0x80C00, s0;
	[dreg:$0x18] =	wrdreg s13  }
0x21: {  	s15 =	sadd.s32 $0xC0C00, s0;
	[dreg:$0x19] =	wrdreg s14  }
0x22: {  	s16 =	sadd.s32 $0x1000, s0;
	[dreg:$0x1a] =	wrdreg s15  }
0x23: {  	s17 =	sadd.s32 $0x41000, s0;
	[dreg:$0x1b] =	wrdreg s16  }
0x24: {  	s18 =	sadd.s32 $0x81000, s0;
	[dreg:$0x1c] =	wrdreg s17  }
0x25: {  	s19 =	sadd.s32 $0xC1000, s0;
	[dreg:$0x1d] =	wrdreg s18  }
0x26: {  	s20 =	sadd.s32 $0x1400, s0;
	[dreg:$0x1e] =	wrdreg s19  }
0x27: {  	s21 =	sadd.s32 $0x41400, s0;
	[dreg:$0x1f] =	wrdreg s20  }
0x28: {  	s22 =	sadd.s32 $0x81400, s0;
	[smem:$0x7F3] =	sst s21  }
0x29: {  	s23 =	sadd.s32 $0xC1400, s0;
	[smem:$0x7F4] =	sst s22  }
0x2a: {  	[smem:$0x7F5] =	sst s23;
	s24 =	sadd.s32 $0x1800, s0  }
0x2b: {  	s25 =	sadd.s32 $0x41800, s0;
	[smem:$0x7F6] =	sst s24  }
0x2c: {  	s26 =	sadd.s32 $0x81800, s0;
	[smem:$0x7F7] =	sst s25  }
0x2d: {  	s10 =	sadd.s32 $0x200, s11;
	s28 =	sadd.s32 $0xC1800, s0;
	[smem:$0x7F8] =	sst s26  }
0x2e: {  	s4 =	simm.s32 $0xC200;
	s29 =	sadd.s32 $0x1C00, s0;
	[smem:$0x7F9] =	sst s28  }
0x2f: {  	s9 =	sadd.s32 $0x100, s11;
	s30 =	sadd.s32 $0x41C00, s0;
	[smem:$0x7FA] =	sst s29  }
0x30: {  	v0 =	vlaneseq.u32;
	s11 =	sadd.s32 $0x300, s11;
	s31 =	sadd.s32 $0x81C00, s0;
	[smem:$0x7FB] =	sst s30  }
0x31: {  	v1 =	vshrl.u32 v0, $0x3;
	s0 =	sadd.s32 $0xC1C00, s0;
	s20 =	simm.s32 $0xA200;
	[smem:$0x7FC] =	sst s31  }
0x32: {  	vm0 =	vmmov $0xffff;
	v0 =	vand.u32 $0x7, v0;
	v1 =	vmul.u32 $0x8, v1;
	s5 =	simm.s32 $0xE200;
	s2 =	simm.s32 $0x0;
	[smem:$0x7FD] =	sst s0  }
.LBB2_1:
0x33: {  	[smem:$0x7F2] =	sst s2  }
0x34: {  	s0 =	rddreg [dreg:$0x5]  }
0x35: {  	s14 =	rddreg [dreg:$0x6]  }
0x36: {  	[tilespmem:s12], [sflag:$0x7] =	stream.linear.gather [hbm4b:s0+s12], $0x40, $0x38;
	[tilespmem:$0x18A00] =	vst v63  }
0x37: {  	s1 =	simm.s32 $0x80;
	s15 =	rddreg [dreg:$0x7]  }
0x38: {  	[tilespmem:s1], [sflag:$0x7] =	stream.linear.gather [hbm4b:s14+s12], $0x40, $0x38;
	[tilespmem:$0x18A00] =	vst v63  }
0x39: {  	s16 =	simm.s32 $0x100;
	s17 =	rddreg [dreg:$0x8]  }
0x3a: {  	[tilespmem:s16], [sflag:$0x7] =	stream.linear.gather [hbm4b:s15+s12], $0x40, $0x38;
	[tilespmem:$0x18A00] =	vst v63  }
0x3b: {  	s18 =	simm.s32 $0x180;
	s19 =	rddreg [dreg:$0x9]  }
0x3c: {  	[tilespmem:s18], [sflag:$0x7] =	stream.linear.gather [hbm4b:s17+s12], $0x40, $0x38;
	[tilespmem:$0x18A00] =	vst v63  }
0x3d: {  	s21 =	simm.s32 $0x400;
	s3 =	simm.s32 $0x18200;
	s22 =	simm.s32 $0x7  }
0x3e: {  	[tilespmem:s3], [sflag:$0x7] =	stream.strided.gather [hbm4b:s19+s1], $0x800, s21, s1, $0x38;
	[tilespmem:$0x18A00] =	vst v63  }
0x3f: {  	_ =	swait.ge [sflag:s22], $0x40  }
0x40: {  	[sflag:s22] =	ssyncset.done $0x0  }
0x41: {  	[sflag:s22] =	ssyncadd.s32 $0xFFFFFFC0  }
0x42: {  	_ =	swait.ge [sflag:s22], $0x40  }
0x43: {  	[sflag:s22] =	ssyncset.done $0x0  }
0x44: {  	[sflag:s22] =	ssyncadd.s32 $0xFFFFFFC0  }
0x45: {  	_ =	swait.ge [sflag:s22], $0x40  }
0x46: {  	[sflag:s22] =	ssyncset.done $0x0  }
0x47: {  	[sflag:s22] =	ssyncadd.s32 $0xFFFFFFC0  }
0x48: {  	_ =	swait.ge [sflag:s22], $0x40  }
0x49: {  	[sflag:s22] =	ssyncset.done $0x0  }
0x4a: {  	[sflag:s22] =	ssyncadd.s32 $0xFFFFFFC0  }
0x4b: {  	_ =	swait.ge [sflag:s22], $0x800  }
0x4c: {  	[sflag:s22] =	ssyncset.done $0x0  }
0x4d: {  	[sflag:s22] =	ssyncadd.s32 $0xFFFFF800  }
0x4e: {  	v2 =	vld.msk [tilespmem:$0x0], $0xff;
	_ =	sdelay $0x4  }
0x4f: {  	v3 =	vshll.u32 v2, $0x3  }
0x50: {  	v2 =	vand.u32 $0x7, v2;
	v3 =	vand.u32 $0xFFFFFFC0, v3  }
0x51: {  	v2 =	vor.u32 v2, v3  }
0x52: {  	v2 =	vperm.xlane v2, v0;
	_ =	sdelay $0x1  }
0x53: {  	v2 =	vadd.s32 v1, v2;
	_ =	sdelay $0x3  }
0x54: {  	s23 =	simm.s32 $0x200;
	s0 =	rddreg [dreg:$0x1]  }
0x55: {  	[tilespmem:s23], [sflag:$0x1] =	stream.indirect_vreg.gather [hbm4b:s0+s12], $0x80, v2, vm0, $0xb8;
	[tilespmem:$0x18A00] =	vst v63  }
0x56: {  	s24 =	simm.s32 $0xA00  }
0x57: {  	[tilespmem:s24], [sflag:$0x1] =	stream.indirect_vreg.gather [hbm4b:s9+s12], $0x80, v2, vm0, $0xb8;
	[tilespmem:$0x18A00] =	vst v63  }
0x58: {  	s25 =	simm.s32 $0x1200  }
0x59: {  	[tilespmem:s25], [sflag:$0x1] =	stream.indirect_vreg.gather [hbm4b:s10+s12], $0x80, v2, vm0, $0xb8;
	[tilespmem:$0x18A00] =	vst v63  }
0x5a: {  	s26 =	simm.s32 $0x1A00  }
0x5b: {  	[tilespmem:s26], [sflag:$0x1] =	stream.indirect_vreg.gather [hbm4b:s11+s12], $0x80, v2, vm0, $0xb8;
	[tilespmem:$0x18A00] =	vst v63  }
0x5c: {  	v2 =	vld.msk [tilespmem:$0x80], $0xff;
	_ =	sdelay $0x4  }
0x5d: {  	v3 =	vshll.u32 v2, $0x3  }
0x5e: {  	v2 =	vand.u32 $0x7, v2;
	v3 =	vand.u32 $0xFFFFFFC0, v3  }
0x5f: {  	v2 =	vor.u32 v2, v3  }
0x60: {  	v2 =	vperm.xlane v2, v0;
	_ =	sdelay $0x1  }
0x61: {  	v2 =	vadd.s32 v1, v2;
	_ =	sdelay $0x3  }
0x62: {  	s28 =	simm.s32 $0x2200  }
0x63: {  	[tilespmem:s28], [sflag:$0x1] =	stream.indirect_vreg.gather [hbm4b:s0+s12], $0x80, v2, vm0, $0xb8;
	[tilespmem:$0x18A00] =	vst v63  }
0x64: {  	s29 =	simm.s32 $0x2A00  }
0x65: {  	[tilespmem:s29], [sflag:$0x1] =	stream.indirect_vreg.gather [hbm4b:s9+s12], $0x80, v2, vm0, $0xb8;
	[tilespmem:$0x18A00] =	vst v63  }
0x66: {  	s30 =	simm.s32 $0x3200  }
0x67: {  	[tilespmem:s30], [sflag:$0x1] =	stream.indirect_vreg.gather [hbm4b:s10+s12], $0x80, v2, vm0, $0xb8;
	[tilespmem:$0x18A00] =	vst v63  }
0x68: {  	s31 =	simm.s32 $0x3A00  }
0x69: {  	[tilespmem:s31], [sflag:$0x1] =	stream.indirect_vreg.gather [hbm4b:s11+s12], $0x80, v2, vm0, $0xb8;
	[tilespmem:$0x18A00] =	vst v63  }
0x6a: {  	v2 =	vld.msk [tilespmem:$0x100], $0xff;
	_ =	sdelay $0x4  }
0x6b: {  	v3 =	vshll.u32 v2, $0x3  }
0x6c: {  	v2 =	vand.u32 $0x7, v2;
	v3 =	vand.u32 $0xFFFFFFC0, v3  }
0x6d: {  	v2 =	vor.u32 v2, v3  }
0x6e: {  	v2 =	vperm.xlane v2, v0;
	_ =	sdelay $0x1  }
0x6f: {  	v2 =	vadd.s32 v1, v2;
	_ =	sdelay $0x3  }
0x70: {  	s2 =	simm.s32 $0x4200  }
0x71: {  	[tilespmem:s2], [sflag:$0x1] =	stream.indirect_vreg.gather [hbm4b:s0+s12], $0x80, v2, vm0, $0xb8;
	[tilespmem:$0x18A00] =	vst v63  }
0x72: {  	s6 =	simm.s32 $0x4A00  }
0x73: {  	[tilespmem:s6], [sflag:$0x1] =	stream.indirect_vreg.gather [hbm4b:s9+s12], $0x80, v2, vm0, $0xb8;
	[tilespmem:$0x18A00] =	vst v63  }
0x74: {  	s7 =	simm.s32 $0x5200  }
0x75: {  	[tilespmem:s7], [sflag:$0x1] =	stream.indirect_vreg.gather [hbm4b:s10+s12], $0x80, v2, vm0, $0xb8;
	[tilespmem:$0x18A00] =	vst v63  }
0x76: {  	s8 =	simm.s32 $0x5A00  }
0x77: {  	[tilespmem:s8], [sflag:$0x1] =	stream.indirect_vreg.gather [hbm4b:s11+s12], $0x80, v2, vm0, $0xb8;
	[tilespmem:$0x18A00] =	vst v63  }
0x78: {  	v2 =	vld.msk [tilespmem:$0x180], $0xff;
	_ =	sdelay $0x4  }
0x79: {  	v3 =	vshll.u32 v2, $0x3  }
0x7a: {  	v2 =	vand.u32 $0x7, v2;
	v3 =	vand.u32 $0xFFFFFFC0, v3  }
0x7b: {  	v2 =	vor.u32 v2, v3  }
0x7c: {  	v2 =	vperm.xlane v2, v0;
	_ =	sdelay $0x1  }
0x7d: {  	v2 =	vadd.s32 v1, v2;
	_ =	sdelay $0x3  }
0x7e: {  	s13 =	simm.s32 $0x6200  }
0x7f: {  	[tilespmem:s13], [sflag:$0x1] =	stream.indirect_vreg.gather [hbm4b:s0+s12], $0x80, v2, vm0, $0xb8;
	[tilespmem:$0x18A00] =	vst v63  }
0x80: {  	s14 =	simm.s32 $0x6A00  }
0x81: {  	[tilespmem:s14], [sflag:$0x1] =	stream.indirect_vreg.gather [hbm4b:s9+s12], $0x80, v2, vm0, $0xb8;
	[tilespmem:$0x18A00] =	vst v63  }
0x82: {  	s15 =	simm.s32 $0x7200  }
0x83: {  	[tilespmem:s15], [sflag:$0x1] =	stream.indirect_vreg.gather [hbm4b:s10+s12], $0x80, v2, vm0, $0xb8;
	[tilespmem:$0x18A00] =	vst v63  }
0x84: {  	s16 =	simm.s32 $0x7A00  }
0x85: {  	[tilespmem:s16], [sflag:$0x1] =	stream.indirect_vreg.gather [hbm4b:s11+s12], $0x80, v2, vm0, $0xb8;
	[tilespmem:$0x18A00] =	vst v63  }
0x86: {  	v2 =	vld.msk [tilespmem:$0x8], $0xff;
	_ =	sdelay $0x4  }
0x87: {  	v3 =	vshll.u32 v2, $0x3  }
0x88: {  	v2 =	vand.u32 $0x7, v2;
	v3 =	vand.u32 $0xFFFFFFC0, v3  }
0x89: {  	v2 =	vor.u32 v2, v3  }
0x8a: {  	v2 =	vperm.xlane v2, v0;
	_ =	sdelay $0x1  }
0x8b: {  	v2 =	vadd.s32 v1, v2;
	_ =	sdelay $0x3  }
0x8c: {  	s3 =	simm.s32 $0x8200  }
0x8d: {  	[tilespmem:s3], [sflag:$0x2] =	stream.indirect_vreg.gather [hbm4b:s0+s12], $0x80, v2, vm0, $0xb8;
	[tilespmem:$0x18A00] =	vst v63  }
0x8e: {  	s17 =	simm.s32 $0x8A00  }
0x8f: {  	[tilespmem:s17], [sflag:$0x2] =	stream.indirect_vreg.gather [hbm4b:s9+s12], $0x80, v2, vm0, $0xb8;
	[tilespmem:$0x18A00] =	vst v63  }
0x90: {  	s18 =	simm.s32 $0x9200  }
0x91: {  	[tilespmem:s18], [sflag:$0x2] =	stream.indirect_vreg.gather [hbm4b:s10+s12], $0x80, v2, vm0, $0xb8;
	[tilespmem:$0x18A00] =	vst v63  }
0x92: {  	s19 =	simm.s32 $0x9A00  }
0x93: {  	[tilespmem:s19], [sflag:$0x2] =	stream.indirect_vreg.gather [hbm4b:s11+s12], $0x80, v2, vm0, $0xb8;
	[tilespmem:$0x18A00] =	vst v63  }
0x94: {  	v2 =	vld.msk [tilespmem:$0x88], $0xff;
	_ =	sdelay $0x4  }
0x95: {  	v3 =	vshll.u32 v2, $0x3  }
0x96: {  	v2 =	vand.u32 $0x7, v2;
	v3 =	vand.u32 $0xFFFFFFC0, v3  }
0x97: {  	v2 =	vor.u32 v2, v3  }
0x98: {  	v2 =	vperm.xlane v2, v0;
	_ =	sdelay $0x1  }
0x99: {  	v2 =	vadd.s32 v1, v2;
	_ =	sdelay $0x4  }
0x9a: {  	[tilespmem:s20], [sflag:$0x2] =	stream.indirect_vreg.gather [hbm4b:s0+s12], $0x80, v2, vm0, $0xb8;
	[tilespmem:$0x18A00] =	vst v63  }
0x9b: {  	s21 =	simm.s32 $0xAA00  }
0x9c: {  	[tilespmem:s21], [sflag:$0x2] =	stream.indirect_vreg.gather [hbm4b:s9+s12], $0x80, v2, vm0, $0xb8;
	[tilespmem:$0x18A00] =	vst v63  }
0x9d: {  	s22 =	simm.s32 $0xB200  }
0x9e: {  	[tilespmem:s22], [sflag:$0x2] =	stream.indirect_vreg.gather [hbm4b:s10+s12], $0x80, v2, vm0, $0xb8;
	[tilespmem:$0x18A00] =	vst v63  }
0x9f: {  	s23 =	simm.s32 $0xBA00  }
0xa0: {  	[tilespmem:s23], [sflag:$0x2] =	stream.indirect_vreg.gather [hbm4b:s11+s12], $0x80, v2, vm0, $0xb8;
	[tilespmem:$0x18A00] =	vst v63  }
0xa1: {  	v2 =	vld.msk [tilespmem:$0x108], $0xff;
	_ =	sdelay $0x4  }
0xa2: {  	v3 =	vshll.u32 v2, $0x3  }
0xa3: {  	v2 =	vand.u32 $0x7, v2;
	v3 =	vand.u32 $0xFFFFFFC0, v3  }
0xa4: {  	v2 =	vor.u32 v2, v3  }
0xa5: {  	v2 =	vperm.xlane v2, v0;
	_ =	sdelay $0x1  }
0xa6: {  	v2 =	vadd.s32 v1, v2;
	_ =	sdelay $0x4  }
0xa7: {  	[tilespmem:s4], [sflag:$0x2] =	stream.indirect_vreg.gather [hbm4b:s0+s12], $0x80, v2, vm0, $0xb8;
	[tilespmem:$0x18A00] =	vst v63  }
0xa8: {  	s24 =	simm.s32 $0xCA00  }
0xa9: {  	[tilespmem:s24], [sflag:$0x2] =	stream.indirect_vreg.gather [hbm4b:s9+s12], $0x80, v2, vm0, $0xb8;
	[tilespmem:$0x18A00] =	vst v63  }
0xaa: {  	s25 =	simm.s32 $0xD200  }
0xab: {  	[tilespmem:s25], [sflag:$0x2] =	stream.indirect_vreg.gather [hbm4b:s10+s12], $0x80, v2, vm0, $0xb8;
	[tilespmem:$0x18A00] =	vst v63  }
0xac: {  	s26 =	simm.s32 $0xDA00  }
0xad: {  	[tilespmem:s26], [sflag:$0x2] =	stream.indirect_vreg.gather [hbm4b:s11+s12], $0x80, v2, vm0, $0xb8;
	[tilespmem:$0x18A00] =	vst v63  }
0xae: {  	v2 =	vld.msk [tilespmem:$0x188], $0xff;
	_ =	sdelay $0x4  }
0xaf: {  	v3 =	vshll.u32 v2, $0x3  }
0xb0: {  	v2 =	vand.u32 $0x7, v2;
	v3 =	vand.u32 $0xFFFFFFC0, v3  }
0xb1: {  	v2 =	vor.u32 v2, v3  }
0xb2: {  	v2 =	vperm.xlane v2, v0;
	_ =	sdelay $0x1  }
0xb3: {  	v2 =	vadd.s32 v1, v2;
	_ =	sdelay $0x4  }
0xb4: {  	[tilespmem:s5], [sflag:$0x2] =	stream.indirect_vreg.gather [hbm4b:s0+s12], $0x80, v2, vm0, $0xb8;
	[tilespmem:$0x18A00] =	vst v63  }
0xb5: {  	s28 =	simm.s32 $0xEA00  }
0xb6: {  	[tilespmem:s28], [sflag:$0x2] =	stream.indirect_vreg.gather [hbm4b:s9+s12], $0x80, v2, vm0, $0xb8;
	[tilespmem:$0x18A00] =	vst v63  }
0xb7: {  	s29 =	simm.s32 $0xF200  }
0xb8: {  	[tilespmem:s29], [sflag:$0x2] =	stream.indirect_vreg.gather [hbm4b:s10+s12], $0x80, v2, vm0, $0xb8;
	[tilespmem:$0x18A00] =	vst v63  }
0xb9: {  	s30 =	simm.s32 $0xFA00;
	s31 =	simm.s32 $0x1  }
0xba: {  	[tilespmem:s30], [sflag:$0x2] =	stream.indirect_vreg.gather [hbm4b:s11+s12], $0x80, v2, vm0, $0xb8;
	[tilespmem:$0x18A00] =	vst v63  }
0xbb: {  	_ =	swait.ge [sflag:s31], $0x2000  }
0xbc: {  	[sflag:s31] =	ssyncset.done $0x0  }
0xbd: {  	[sflag:s31] =	ssyncadd.s32 $0xFFFFE000  }
0xbe: {  	_ =	swait.ge [sflag:s31], $0x2000  }
0xbf: {  	[sflag:s31] =	ssyncset.done $0x0  }
0xc0: {  	[sflag:s31] =	ssyncadd.s32 $0xFFFFE000  }
0xc1: {  	_ =	swait.ge [sflag:s31], $0x2000  }
0xc2: {  	[sflag:s31] =	ssyncset.done $0x0  }
0xc3: {  	[sflag:s31] =	ssyncadd.s32 $0xFFFFE000  }
0xc4: {  	_ =	swait.ge [sflag:s31], $0x2000  }
0xc5: {  	[sflag:s31] =	ssyncset.done $0x0  }
0xc6: {  	s25 =	simm.s32 $0x0;
	[sflag:s31] =	ssyncadd.s32 $0xFFFFE000  }
.LBB2_2:
0xc7: {  	s2 =	sshll.u32 s25, $0x7;
	s6 =	simm.s32 $0x0  }
0xc8: {  	s28 =	simm.s32 $0x0;
	s0 =	sadd.s32 $0x200, s2;
	s4 =	sand.u32 $0xC00, s6  }
0xc9: {  	s1 =	sadd.s32 $0x2200, s2;
	v6 =	vld [tilespmem:s28+$0x18200];
	s8 =	sand.u32 $0x70, s6;
	s7 =	sadd.s32 s4, s0  }
0xca: {  	s12 =	sadd.s32 $0x4200, s2;
	v7 =	vld [tilespmem:s28+$0x18210];
	s14 =	sadd.s32 s4, s1;
	s13 =	sadd.s32 s8, s7  }
0xcb: {  	s5 =	sadd.s32 s4, s12;
	s7 =	sadd.s32 $0x6200, s2;
	s26 =	sadd.s32 s8, s14;
	v2 =	vld [tilespmem:s13+$0x0]  }
0xcc: {  	s15 =	sor.u32 $0x1000, s4;
	s14 =	sadd.s32 s8, s5;
	v3 =	vld [tilespmem:s26+$0x0];
	s4 =	sadd.s32 s4, s7  }
0xcd: {  	s18 =	sadd.s32 s15, s0;
	v4 =	vld [tilespmem:s14+$0x0];
	s4 =	sadd.s32 s8, s4  }
0xce: {  	s19 =	sadd.s32 s15, s1;
	s18 =	sadd.s32 s8, s18;
	v5 =	vld [tilespmem:s4+$0x0]  }
0xcf: {  	s21 =	sadd.s32 s15, s12;
	s19 =	sadd.s32 s8, s19;
	v8 =	vld [tilespmem:s18+$0x0]  }
0xd0: {  	s21 =	sadd.s32 s8, s21;
	s15 =	sadd.s32 s15, s7;
	v9 =	vld [tilespmem:s19+$0x0];
	v2 =	vmul.f32 $3.200000000e+01, v2  }
0xd1: {  	s16 =	simm.s32 $0x80;
	v10 =	vld [tilespmem:s21+$0x0];
	s8 =	sadd.s32 s8, s15;
	v3 =	vmul.f32 $3.200000000e+01, v3  }
0xd2: {  	s30 =	simm.s32 $0x20;
	s22 =	simm.s32 $0x10;
	s15 =	sand.u32 $0xC00, s16;
	v12 =	vld [tilespmem:s8+$0x0];
	v4 =	vmul.f32 $3.200000000e+01, v4;
	v11 =	vadd.f32 v2, v6  }
0xd3: {  	s22 =	sand.u32 $0x70, s22;
	s23 =	sadd.s32 s15, s0;
	v13 =	vadd.f32 v3, v6;
	v5 =	vmul.f32 $3.200000000e+01, v5;
	v2 =	vld [tilespmem:s30+$0x18200]  }
0xd4: {  	s17 =	sadd.s32 s15, s1;
	s23 =	sadd.s32 s22, s23;
	v8 =	vmul.f32 $3.200000000e+01, v8;
	v4 =	vadd.f32 v4, v6;
	v3 =	vld [tilespmem:s30+$0x18210];
	[tilespmem:s13+$0x0] =	vst v11  }
0xd5: {  	s24 =	sadd.s32 s15, s12;
	s2 =	sadd.s32 s22, s17;
	v9 =	vmul.f32 $3.200000000e+01, v9;
	v5 =	vadd.f32 v5, v6;
	v11 =	vld [tilespmem:s23+$0x0];
	[tilespmem:s26+$0x0] =	vst v13  }
0xd6: {  	s24 =	sadd.s32 s22, s24;
	v8 =	vadd.f32 v8, v7;
	s26 =	sor.u32 $0x1000, s15;
	s15 =	sadd.s32 s15, s7;
	[tilespmem:s14+$0x0] =	vst v4;
	v4 =	vmul.f32 $3.200000000e+01, v10;
	v10 =	vld [tilespmem:s2+$0x0]  }
0xd7: {  	v12 =	vmul.f32 $3.200000000e+01, v12;
	v9 =	vadd.f32 v9, v7;
	s29 =	sadd.s32 s22, s15;
	s17 =	sadd.s32 s26, s1;
	[tilespmem:s4+$0x0] =	vst v5;
	v5 =	vld [tilespmem:s24+$0x0]  }
0xd8: {  	s16 =	sadd.s32 s26, s0;
	s5 =	sadd.s32 s22, s17;
	[tilespmem:s18+$0x0] =	vst v8;
	v4 =	vadd.f32 v4, v7;
	v8 =	vld [tilespmem:s29+$0x0]  }
0xd9: {  	v12 =	vadd.f32 v12, v7;
	s4 =	sadd.s32 s22, s16;
	s18 =	sadd.s32 s26, s12;
	v13 =	vld [tilespmem:s5+$0x0];
	[tilespmem:s19+$0x0] =	vst v9  }
0xda: {  	v9 =	vld [tilespmem:s4+$0x0];
	[tilespmem:s21+$0x0] =	vst v4;
	s21 =	sadd.s32 s22, s18  }
0xdb: {  	s6 =	sand.u32 $0x3E0, s6;
	v4 =	vmul.f32 $3.200000000e+01, v11;
	v11 =	vld [tilespmem:s21+$0x0];
	[tilespmem:s8+$0x0] =	vst v12  }
0xdc: {  	s19 =	sadd.s32 s26, s7;
	v10 =	vmul.f32 $3.200000000e+01, v10;
	v12 =	vld [tilespmem:s6+$0x18600]  }
0xdd: {  	s13 =	simm.s32 $0x100;
	s16 =	sadd.s32 s22, s19;
	v14 =	vadd.f32 v4, v2;
	v5 =	vmul.f32 $3.200000000e+01, v5;
	v15 =	vld [tilespmem:s28+$0x18610]  }
0xde: {  	s14 =	sand.u32 $0xC00, s13;
	s15 =	simm.s32 $0x20;
	s8 =	simm.s32 $0x40;
	v16 =	vld [tilespmem:s16+$0x0];
	v10 =	vadd.f32 v10, v2;
	v8 =	vmul.f32 $3.200000000e+01, v8  }
0xdf: {  	s26 =	sadd.s32 s14, s0;
	v4 =	vld [tilespmem:s8+$0x18200];
	s6 =	sand.u32 $0x70, s15;
	[tilespmem:s23+$0x0] =	vst v14;
	v9 =	vmul.f32 $3.200000000e+01, v9;
	v14 =	vadd.f32 v5, v2  }
0xe0: {  	s17 =	sadd.s32 s14, s1;
	s22 =	sadd.s32 s6, s26;
	v5 =	vld [tilespmem:s8+$0x18210];
	[tilespmem:s2+$0x0] =	vst v10;
	v10 =	vmul.f32 $3.200000000e+01, v13;
	v13 =	vadd.f32 v8, v2  }
0xe1: {  	s18 =	sadd.s32 s14, s12;
	s19 =	sor.u32 $0x1000, s14;
	s26 =	sadd.s32 s6, s17;
	v17 =	vld [tilespmem:s22+$0x0];
	v9 =	vadd.f32 v9, v3;
	[tilespmem:s24+$0x0] =	vst v14;
	v11 =	vmul.f32 $3.200000000e+01, v11  }
0xe2: {  	s31 =	sadd.s32 s6, s18;
	v8 =	vld [tilespmem:s26+$0x0];
	s24 =	sadd.s32 s19, s0;
	v10 =	vadd.f32 v10, v3;
	[tilespmem:s29+$0x0] =	vst v13;
	v13 =	vmul.f32 v12, v7;
	v14 =	vmul.f32 v15, v6  }
0xe3: {  	s23 =	sadd.s32 s14, s7;
	v16 =	vmul.f32 $3.200000000e+01, v16;
	s18 =	sadd.s32 s6, s24;
	[tilespmem:s4+$0x0] =	vst v9;
	v9 =	vld [tilespmem:s31+$0x0];
	v11 =	vadd.f32 v11, v3  }
0xe4: {  	s14 =	sadd.s32 s6, s23;
	v12 =	vmul.f32 v12, v6;
	v7 =	vmul.f32 v15, v7;
	s4 =	sadd.s32 s19, s1;
	v6 =	vld [tilespmem:s18+$0x0];
	[tilespmem:s5+$0x0] =	vst v10;
	v13 =	vsub.f32 v13, v14  }
0xe5: {  	v10 =	vld [tilespmem:s14+$0x0];
	s29 =	sadd.s32 s6, s4;
	s5 =	sadd.s32 s19, s12;
	v14 =	vadd.f32 v16, v3;
	[tilespmem:s21+$0x0] =	vst v11  }
0xe6: {  	s17 =	simm.s32 $0x20;
	v12 =	vadd.f32 v7, v12;
	v11 =	vld [tilespmem:s29+$0x0];
	s24 =	sadd.s32 s6, s5;
	[tilespmem:s28+$0x18210] =	vst v13  }
0xe7: {  	s23 =	simm.s32 $0x40;
	s2 =	sand.u32 $0x3E0, s17;
	s21 =	simm.s32 $0x60;
	v13 =	vmul.f32 $3.200000000e+01, v17;
	v7 =	vld [tilespmem:s24+$0x0];
	[tilespmem:s16+$0x0] =	vst v14  }
.LBB2_3:
0xe8: {  	p0 =	sne.s32 s21, $0x3E0;
	v8 =	vmul.f32 $3.200000000e+01, v8;
	s4 =	sadd.s32 s19, s7;
	v14 =	vld [tilespmem:s2+$0x18600];
	[tilespmem:s28+$0x18200] =	vst v12;
	s28 =	smov.u32 s30  }
0xe9: {  	v9 =	vmul.f32 $3.200000000e+01, v9;
	s13 =	sadd.s32 $0x80, s13;
	s30 =	smov.u32 s8;
	v12 =	vadd.f32 v13, v4;
	s4 =	sadd.s32 s6, s4;
	v13 =	vld [tilespmem:s28+$0x18610]  }
0xea: {  	s15 =	sadd.s32 $0x10, s15;
	s8 =	sshra.s32 s13, $0x2;
	s2 =	sand.u32 $0xC00, s13;
	v10 =	vmul.f32 $3.200000000e+01, v10;
	v8 =	vadd.f32 v8, v4;
	v15 =	vld [tilespmem:s4+$0x0]  }
0xeb: {  	s6 =	sand.u32 $0x70, s15;
	s5 =	sadd.s32 s2, s0;
	v6 =	vmul.f32 $3.200000000e+01, v6;
	v9 =	vadd.f32 v9, v4;
	v16 =	vld [tilespmem:s8+$0x18200];
	[tilespmem:s22+$0x0] =	vst v12  }
0xec: {  	s22 =	sadd.s32 s6, s5;
	s5 =	sadd.s32 s2, s1;
	v11 =	vmul.f32 $3.200000000e+01, v11;
	v10 =	vadd.f32 v10, v4;
	v17 =	vld [tilespmem:s8+$0x18210];
	[tilespmem:s26+$0x0] =	vst v8  }
0xed: {  	s26 =	sadd.s32 s6, s5;
	s5 =	sadd.s32 s2, s12;
	v6 =	vadd.f32 v6, v5;
	v7 =	vmul.f32 $3.200000000e+01, v7;
	v18 =	vld [tilespmem:s22+$0x0];
	[tilespmem:s31+$0x0] =	vst v9;
	v12 =	vmul.f32 v14, v2  }
0xee: {  	s19 =	sor.u32 $0x1000, s2;
	s2 =	sadd.s32 s2, s7;
	s31 =	sadd.s32 s6, s5;
	v11 =	vadd.f32 v11, v5;
	v14 =	vmul.f32 v14, v3;
	v8 =	vld [tilespmem:s26+$0x0];
	[tilespmem:s14+$0x0] =	vst v10;
	v19 =	vmul.f32 v13, v2  }
.Ltmp0:
0xef: {  	s5 =	sadd.s32 s19, s0;
	s14 =	sadd.s32 s6, s2;
	v7 =	vadd.f32 v7, v5;
	v13 =	vmul.f32 v13, v3;
	v2 =	vmovc v4;
	v9 =	vld [tilespmem:s31+$0x0];
	[tilespmem:s18+$0x0] =	vst v6;
	v15 =	vmul.f32 $3.200000000e+01, v15;
	(pc) =	sbr.rel @p0 .LBB2_3-.Ltmp0, $4  }
0xf0: {  	s2 =	sadd.s32 s19, s1;
	v3 =	vmov v5;
	s18 =	sadd.s32 s6, s5;
	v10 =	vld [tilespmem:s14+$0x0];
	[tilespmem:s29+$0x0] =	vst v11;
	v14 =	vsub.f32 v14, v19;
	v4 =	vmov v16  }
0xf1: {  	s29 =	sadd.s32 s6, s2;
	s2 =	sadd.s32 s19, s12;
	v12 =	vadd.f32 v13, v12;
	v6 =	vld [tilespmem:s18+$0x0];
	[tilespmem:s24+$0x0] =	vst v7;
	v15 =	vadd.f32 v15, v3;
	v5 =	vmov v17  }
0xf2: {  	s24 =	sadd.s32 s6, s2;
	v11 =	vld [tilespmem:s29+$0x0];
	[tilespmem:s28+$0x18210] =	vst v14  }
0xf3: {  	s2 =	sand.u32 $0x3E0, s23;
	s23 =	smov.u32 s21;
	s21 =	sadd.s32 $0x20, s21;
	v13 =	vmul.f32 $3.200000000e+01, v18;
	v7 =	vld [tilespmem:s24+$0x0];
	[tilespmem:s4+$0x0] =	vst v15  }
0xf4: {  	s0 =	sadd.s32 s19, s7  }
0xf5: {  	v8 =	vmul.f32 $3.200000000e+01, v8;
	s0 =	sadd.s32 s6, s0  }
0xf6: {  	v9 =	vmul.f32 $3.200000000e+01, v9;
	v13 =	vadd.f32 v13, v4;
	v14 =	vld [tilespmem:s0+$0x0]  }
0xf7: {  	v10 =	vmul.f32 $3.200000000e+01, v10;
	v8 =	vadd.f32 v8, v4  }
0xf8: {  	v6 =	vmul.f32 $3.200000000e+01, v6;
	v9 =	vadd.f32 v9, v4;
	[tilespmem:s22+$0x0] =	vst v13  }
0xf9: {  	v50 =	vmul.f32 $3.200000000e+01, v11;
	v10 =	vadd.f32 v10, v4;
	[tilespmem:s26+$0x0] =	vst v8  }
0xfa: {  	v6 =	vadd.f32 v6, v5;
	v7 =	vmul.f32 $3.200000000e+01, v7;
	[tilespmem:s31+$0x0] =	vst v9  }
0xfb: {  	v8 =	vadd.f32 v50, v5;
	[tilespmem:s14+$0x0] =	vst v10;
	v51 =	vmul.f32 $3.200000000e+01, v14  }
0xfc: {  	v52 =	vadd.f32 v7, v5;
	[tilespmem:s18+$0x0] =	vst v6  }
0xfd: {  	[tilespmem:s29+$0x0] =	vst v8;
	v53 =	vadd.f32 v51, v5  }
0xfe: {  	v54 =	vld [tilespmem:s2+$0x18600];
	[tilespmem:s24+$0x0] =	vst v52  }
0xff: {  	v55 =	vld [tilespmem:s30+$0x18610];
	s31 =	sand.u32 $0x3E0, s23;
	[tilespmem:s0+$0x0] =	vst v53  }
0x100: {  	v7 =	vld [tilespmem:s31+$0x18600]  }
0x101: {  	v56 =	vld [tilespmem:s8+$0x18610];
	_ =	sdelay $0x2  }
0x102: {  	v57 =	vmul.f32 v54, v3;
	v58 =	vmul.f32 v55, v2  }
0x103: {  	s25 =	sadd.s32 $0x1, s25;
	v2 =	vmul.f32 v54, v2;
	v3 =	vmul.f32 v55, v3  }
0x104: {  	p0 =	sne.s32 s25, $0x8;
	v59 =	vsub.f32 v57, v58;
	v60 =	vmul.f32 v7, v5;
	v61 =	vmul.f32 v56, v4  }
.Ltmp1:
0x105: {  	[tilespmem:s28+$0x18200] =	vst v12;
	v2 =	vadd.f32 v3, v2;
	v3 =	vmul.f32 v7, v4;
	v62 =	vmul.f32 v56, v5;
	(pc) =	sbr.rel @p0 .LBB2_2-.Ltmp1, $4  }
0x106: {  	[tilespmem:s30+$0x18210] =	vst v59;
	v63 =	vsub.f32 v60, v61  }
0x107: {  	[tilespmem:s30+$0x18200] =	vst v2;
	v2 =	vadd.f32 v62, v3  }
0x108: {  	[tilespmem:s8+$0x18210] =	vst v63  }
0x109: {  	[tilespmem:s8+$0x18200] =	vst v2  }
0x10a: {  	s25 =	simm.s32 $0x0;
	s0 =	rddreg [dreg:$0xa];
	s1 =	simm.s32 $0x200  }
0x10b: {  	[hbm4b:s0+s25] =	stream.linear.scatter [tilespmem:s1], [sflag:$0x4], $0x2000, $0x38;
	[tilespmem:$0x18A00] =	vst v63  }
0x10c: {  	s30 =	rddreg [dreg:$0xb];
	s31 =	simm.s32 $0x2200  }
0x10d: {  	[hbm4b:s30+s25] =	stream.linear.scatter [tilespmem:s31], [sflag:$0x4], $0x2000, $0x38;
	[tilespmem:$0x18A00] =	vst v63  }
0x10e: {  	s2 =	rddreg [dreg:$0xc];
	s4 =	simm.s32 $0x4200  }
0x10f: {  	[hbm4b:s2+s25] =	stream.linear.scatter [tilespmem:s4], [sflag:$0x4], $0x2000, $0x38;
	[tilespmem:$0x18A00] =	vst v63  }
0x110: {  	s5 =	rddreg [dreg:$0xd];
	s6 =	simm.s32 $0x6200  }
0x111: {  	[hbm4b:s5+s25] =	stream.linear.scatter [tilespmem:s6], [sflag:$0x4], $0x2000, $0x38;
	[tilespmem:$0x18A00] =	vst v63  }
0x112: {  	v2 =	vld.msk [tilespmem:$0x10], $0xff;
	_ =	sdelay $0x4  }
0x113: {  	v3 =	vshll.u32 v2, $0x3  }
0x114: {  	v2 =	vand.u32 $0x7, v2;
	v3 =	vand.u32 $0xFFFFFFC0, v3  }
0x115: {  	v2 =	vor.u32 v2, v3  }
0x116: {  	v2 =	vperm.xlane v2, v0;
	_ =	sdelay $0x1  }
0x117: {  	v2 =	vadd.s32 v1, v2;
	_ =	sdelay $0x3  }
0x118: {  	s7 =	rddreg [dreg:$0x1];
	s8 =	simm.s32 $0x10200  }
0x119: {  	[tilespmem:s8], [sflag:$0x3] =	stream.indirect_vreg.gather [hbm4b:s7+s25], $0x80, v2, vm0, $0xb8;
	[tilespmem:$0x18A00] =	vst v63  }
0x11a: {  	s12 =	simm.s32 $0x10A00  }
0x11b: {  	[tilespmem:s12], [sflag:$0x3] =	stream.indirect_vreg.gather [hbm4b:s9+s25], $0x80, v2, vm0, $0xb8;
	[tilespmem:$0x18A00] =	vst v63  }
0x11c: {  	s13 =	simm.s32 $0x11200  }
0x11d: {  	[tilespmem:s13], [sflag:$0x3] =	stream.indirect_vreg.gather [hbm4b:s10+s25], $0x80, v2, vm0, $0xb8;
	[tilespmem:$0x18A00] =	vst v63  }
0x11e: {  	s14 =	simm.s32 $0x11A00  }
0x11f: {  	[tilespmem:s14], [sflag:$0x3] =	stream.indirect_vreg.gather [hbm4b:s11+s25], $0x80, v2, vm0, $0xb8;
	[tilespmem:$0x18A00] =	vst v63  }
0x120: {  	v2 =	vld.msk [tilespmem:$0x90], $0xff;
	_ =	sdelay $0x4  }
0x121: {  	v3 =	vshll.u32 v2, $0x3  }
0x122: {  	v2 =	vand.u32 $0x7, v2;
	v3 =	vand.u32 $0xFFFFFFC0, v3  }
0x123: {  	v2 =	vor.u32 v2, v3  }
0x124: {  	v2 =	vperm.xlane v2, v0;
	_ =	sdelay $0x1  }
0x125: {  	v2 =	vadd.s32 v1, v2;
	_ =	sdelay $0x3  }
0x126: {  	s15 =	simm.s32 $0x12200  }
0x127: {  	[tilespmem:s15], [sflag:$0x3] =	stream.indirect_vreg.gather [hbm4b:s7+s25], $0x80, v2, vm0, $0xb8;
	[tilespmem:$0x18A00] =	vst v63  }
0x128: {  	s16 =	simm.s32 $0x12A00  }
0x129: {  	[tilespmem:s16], [sflag:$0x3] =	stream.indirect_vreg.gather [hbm4b:s9+s25], $0x80, v2, vm0, $0xb8;
	[tilespmem:$0x18A00] =	vst v63  }
0x12a: {  	s17 =	simm.s32 $0x13200  }
0x12b: {  	[tilespmem:s17], [sflag:$0x3] =	stream.indirect_vreg.gather [hbm4b:s10+s25], $0x80, v2, vm0, $0xb8;
	[tilespmem:$0x18A00] =	vst v63  }
0x12c: {  	s18 =	simm.s32 $0x13A00  }
0x12d: {  	[tilespmem:s18], [sflag:$0x3] =	stream.indirect_vreg.gather [hbm4b:s11+s25], $0x80, v2, vm0, $0xb8;
	[tilespmem:$0x18A00] =	vst v63  }
0x12e: {  	v2 =	vld.msk [tilespmem:$0x110], $0xff;
	_ =	sdelay $0x4  }
0x12f: {  	v3 =	vshll.u32 v2, $0x3  }
0x130: {  	v2 =	vand.u32 $0x7, v2;
	v3 =	vand.u32 $0xFFFFFFC0, v3  }
0x131: {  	v2 =	vor.u32 v2, v3  }
0x132: {  	v2 =	vperm.xlane v2, v0;
	_ =	sdelay $0x1  }
0x133: {  	v2 =	vadd.s32 v1, v2;
	_ =	sdelay $0x3  }
0x134: {  	s19 =	simm.s32 $0x14200  }
0x135: {  	[tilespmem:s19], [sflag:$0x3] =	stream.indirect_vreg.gather [hbm4b:s7+s25], $0x80, v2, vm0, $0xb8;
	[tilespmem:$0x18A00] =	vst v63  }
0x136: {  	s21 =	simm.s32 $0x14A00  }
0x137: {  	[tilespmem:s21], [sflag:$0x3] =	stream.indirect_vreg.gather [hbm4b:s9+s25], $0x80, v2, vm0, $0xb8;
	[tilespmem:$0x18A00] =	vst v63  }
0x138: {  	s22 =	simm.s32 $0x15200  }
0x139: {  	[tilespmem:s22], [sflag:$0x3] =	stream.indirect_vreg.gather [hbm4b:s10+s25], $0x80, v2, vm0, $0xb8;
	[tilespmem:$0x18A00] =	vst v63  }
0x13a: {  	s23 =	simm.s32 $0x15A00  }
0x13b: {  	[tilespmem:s23], [sflag:$0x3] =	stream.indirect_vreg.gather [hbm4b:s11+s25], $0x80, v2, vm0, $0xb8;
	[tilespmem:$0x18A00] =	vst v63  }
0x13c: {  	v2 =	vld.msk [tilespmem:$0x190], $0xff;
	_ =	sdelay $0x4  }
0x13d: {  	v3 =	vshll.u32 v2, $0x3  }
0x13e: {  	v2 =	vand.u32 $0x7, v2;
	v3 =	vand.u32 $0xFFFFFFC0, v3  }
0x13f: {  	v2 =	vor.u32 v2, v3  }
0x140: {  	v2 =	vperm.xlane v2, v0;
	_ =	sdelay $0x1  }
0x141: {  	v2 =	vadd.s32 v1, v2;
	_ =	sdelay $0x3  }
0x142: {  	s24 =	simm.s32 $0x16200  }
0x143: {  	[tilespmem:s24], [sflag:$0x3] =	stream.indirect_vreg.gather [hbm4b:s7+s25], $0x80, v2, vm0, $0xb8;
	[tilespmem:$0x18A00] =	vst v63  }
0x144: {  	s26 =	simm.s32 $0x16A00  }
0x145: {  	[tilespmem:s26], [sflag:$0x3] =	stream.indirect_vreg.gather [hbm4b:s9+s25], $0x80, v2, vm0, $0xb8;
	[tilespmem:$0x18A00] =	vst v63  }
0x146: {  	s29 =	simm.s32 $0x17200  }
0x147: {  	[tilespmem:s29], [sflag:$0x3] =	stream.indirect_vreg.gather [hbm4b:s10+s25], $0x80, v2, vm0, $0xb8;
	[tilespmem:$0x18A00] =	vst v63  }
0x148: {  	s30 =	simm.s32 $0x17A00;
	s31 =	simm.s32 $0x2  }
0x149: {  	[tilespmem:s30], [sflag:$0x3] =	stream.indirect_vreg.gather [hbm4b:s11+s25], $0x80, v2, vm0, $0xb8;
	[tilespmem:$0x18A00] =	vst v63  }
0x14a: {  	_ =	swait.ge [sflag:s31], $0x2000  }
0x14b: {  	[sflag:s31] =	ssyncset.done $0x0  }
0x14c: {  	[sflag:s31] =	ssyncadd.s32 $0xFFFFE000  }
0x14d: {  	_ =	swait.ge [sflag:s31], $0x2000  }
0x14e: {  	[sflag:s31] =	ssyncset.done $0x0  }
0x14f: {  	[sflag:s31] =	ssyncadd.s32 $0xFFFFE000  }
0x150: {  	_ =	swait.ge [sflag:s31], $0x2000  }
0x151: {  	[sflag:s31] =	ssyncset.done $0x0  }
0x152: {  	[sflag:s31] =	ssyncadd.s32 $0xFFFFE000  }
0x153: {  	_ =	swait.ge [sflag:s31], $0x2000  }
0x154: {  	[sflag:s31] =	ssyncset.done $0x0  }
0x155: {  	s28 =	simm.s32 $0x0;
	[sflag:s31] =	ssyncadd.s32 $0xFFFFE000  }
.LBB2_6:
0x156: {  	s0 =	sshll.u32 s28, $0x7  }
0x157: {  	s30 =	simm.s32 $0x0;
	s2 =	sand.u32 $0xC00, s25;
	s1 =	sadd.s32 $0x8200, s0  }
0x158: {  	s4 =	sand.u32 $0x70, s25;
	s12 =	sadd.s32 $0xA200, s0;
	v6 =	vld [tilespmem:s30+$0x18200];
	s5 =	sadd.s32 s2, s1  }
0x159: {  	s7 =	sadd.s32 $0xC200, s0;
	v7 =	vld [tilespmem:s30+$0x18210];
	s6 =	sadd.s32 s2, s12;
	s5 =	sadd.s32 s4, s5  }
0x15a: {  	s8 =	sadd.s32 $0xE200, s0;
	s14 =	sadd.s32 s2, s7;
	s6 =	sadd.s32 s4, s6;
	v2 =	vld [tilespmem:s5+$0x0]  }
0x15b: {  	s13 =	sor.u32 $0x1000, s2;
	s15 =	sadd.s32 s2, s8;
	s14 =	sadd.s32 s4, s14;
	v3 =	vld [tilespmem:s6+$0x0]  }
0x15c: {  	s16 =	sadd.s32 s13, s1;
	s15 =	sadd.s32 s4, s15;
	v4 =	vld [tilespmem:s14+$0x0]  }
0x15d: {  	s17 =	sadd.s32 s13, s12;
	s2 =	sadd.s32 s4, s16;
	v5 =	vld [tilespmem:s15+$0x0]  }
0x15e: {  	s18 =	sadd.s32 s13, s7;
	s16 =	sadd.s32 s4, s17;
	v8 =	vld [tilespmem:s2+$0x0]  }
0x15f: {  	s19 =	sadd.s32 s13, s8;
	s18 =	sadd.s32 s4, s18;
	v9 =	vld [tilespmem:s16+$0x0];
	v2 =	vmul.f32 $3.200000000e+01, v2  }
0x160: {  	s21 =	simm.s32 $0x80;
	s4 =	sadd.s32 s4, s19;
	v10 =	vld [tilespmem:s18+$0x0];
	v3 =	vmul.f32 $3.200000000e+01, v3  }
0x161: {  	s0 =	simm.s32 $0x20;
	s13 =	sand.u32 $0xC00, s21;
	s19 =	simm.s32 $0x10;
	v12 =	vld [tilespmem:s4+$0x0];
	v4 =	vmul.f32 $3.200000000e+01, v4;
	v11 =	vadd.f32 v2, v6  }
0x162: {  	s21 =	sadd.s32 s13, s1;
	s19 =	sand.u32 $0x70, s19;
	v5 =	vmul.f32 $3.200000000e+01, v5;
	v13 =	vadd.f32 v3, v6;
	v2 =	vld [tilespmem:s0+$0x18200]  }
0x163: {  	s22 =	sadd.s32 s13, s12;
	v8 =	vmul.f32 $3.200000000e+01, v8;
	v4 =	vadd.f32 v4, v6;
	v3 =	vld [tilespmem:s0+$0x18210];
	[tilespmem:s5+$0x0] =	vst v11;
	s5 =	sadd.s32 s19, s21  }
0x164: {  	s23 =	sadd.s32 s13, s7;
	v9 =	vmul.f32 $3.200000000e+01, v9;
	v5 =	vadd.f32 v5, v6;
	[tilespmem:s6+$0x0] =	vst v13;
	v11 =	vld [tilespmem:s5+$0x0];
	s6 =	sadd.s32 s19, s22  }
0x165: {  	s24 =	sor.u32 $0x1000, s13;
	s13 =	sadd.s32 s13, s8;
	v8 =	vadd.f32 v8, v7;
	s21 =	sadd.s32 s19, s23;
	[tilespmem:s14+$0x0] =	vst v4;
	v4 =	vmul.f32 $3.200000000e+01, v10;
	v10 =	vld [tilespmem:s6+$0x0]  }
0x166: {  	s26 =	sadd.s32 s24, s1;
	v12 =	vmul.f32 $3.200000000e+01, v12;
	v9 =	vadd.f32 v9, v7;
	s23 =	sadd.s32 s19, s13;
	[tilespmem:s15+$0x0] =	vst v5;
	v5 =	vld [tilespmem:s21+$0x0]  }
0x167: {  	s15 =	sadd.s32 s24, s12;
	[tilespmem:s2+$0x0] =	vst v8;
	v4 =	vadd.f32 v4, v7;
	s2 =	sadd.s32 s19, s26;
	v8 =	vld [tilespmem:s23+$0x0]  }
0x168: {  	s17 =	sadd.s32 s24, s7;
	v12 =	vadd.f32 v12, v7;
	[tilespmem:s16+$0x0] =	vst v9;
	v9 =	vld [tilespmem:s2+$0x0];
	s16 =	sadd.s32 s19, s15  }
0x169: {  	s29 =	sadd.s32 s19, s17;
	[tilespmem:s18+$0x0] =	vst v4;
	v13 =	vld [tilespmem:s16+$0x0]  }
0x16a: {  	v4 =	vmul.f32 $3.200000000e+01, v11;
	v11 =	vld [tilespmem:s29+$0x0];
	s18 =	sand.u32 $0x3E0, s25;
	[tilespmem:s4+$0x0] =	vst v12  }
0x16b: {  	s22 =	sadd.s32 s24, s8;
	s15 =	simm.s32 $0x100;
	v10 =	vmul.f32 $3.200000000e+01, v10;
	v12 =	vld [tilespmem:s18+$0x18600]  }
0x16c: {  	s17 =	sadd.s32 s19, s22;
	s22 =	simm.s32 $0x20;
	s24 =	sand.u32 $0xC00, s15;
	v14 =	vadd.f32 v4, v2;
	v5 =	vmul.f32 $3.200000000e+01, v5;
	v15 =	vld [tilespmem:s30+$0x18610]  }
0x16d: {  	s13 =	simm.s32 $0x40;
	v16 =	vld [tilespmem:s17+$0x0];
	s14 =	sand.u32 $0x70, s22;
	s26 =	sadd.s32 s24, s1;
	v10 =	vadd.f32 v10, v2;
	v8 =	vmul.f32 $3.200000000e+01, v8  }
0x16e: {  	v4 =	vld [tilespmem:s13+$0x18200];
	s26 =	sadd.s32 s14, s26;
	[tilespmem:s5+$0x0] =	vst v14;
	v9 =	vmul.f32 $3.200000000e+01, v9;
	v14 =	vadd.f32 v5, v2  }
0x16f: {  	v17 =	vld [tilespmem:s26+$0x0];
	s5 =	sadd.s32 s24, s12;
	[tilespmem:s6+$0x0] =	vst v10;
	v10 =	vmul.f32 $3.200000000e+01, v13;
	v13 =	vadd.f32 v8, v2  }
0x170: {  	s19 =	sadd.s32 s24, s7;
	v5 =	vld [tilespmem:s13+$0x18210];
	s31 =	sadd.s32 s14, s5;
	v11 =	vmul.f32 $3.200000000e+01, v11;
	v9 =	vadd.f32 v9, v3;
	[tilespmem:s21+$0x0] =	vst v14  }
0x171: {  	s4 =	sor.u32 $0x1000, s24;
	s6 =	sadd.s32 s14, s19;
	v8 =	vld [tilespmem:s31+$0x0];
	s21 =	sadd.s32 s24, s8;
	v10 =	vadd.f32 v10, v3;
	[tilespmem:s23+$0x0] =	vst v13;
	v13 =	vmul.f32 v12, v7;
	v14 =	vmul.f32 v15, v6  }
0x172: {  	v16 =	vmul.f32 $3.200000000e+01, v16;
	s23 =	sadd.s32 s4, s1;
	s18 =	sadd.s32 s14, s21;
	v11 =	vadd.f32 v11, v3;
	[tilespmem:s2+$0x0] =	vst v9;
	v9 =	vld [tilespmem:s6+$0x0]  }
0x173: {  	s5 =	sadd.s32 s4, s7;
	v12 =	vmul.f32 v12, v6;
	v7 =	vmul.f32 v15, v7;
	s23 =	sadd.s32 s14, s23;
	[tilespmem:s16+$0x0] =	vst v10;
	v10 =	vld [tilespmem:s18+$0x0];
	v13 =	vsub.f32 v13, v14  }
0x174: {  	s24 =	sadd.s32 s4, s12;
	s21 =	sadd.s32 s14, s5;
	v6 =	vld [tilespmem:s23+$0x0];
	v14 =	vadd.f32 v16, v3;
	[tilespmem:s29+$0x0] =	vst v11  }
0x175: {  	s24 =	sadd.s32 s14, s24;
	s16 =	simm.s32 $0x20;
	v12 =	vadd.f32 v7, v12;
	v7 =	vld [tilespmem:s21+$0x0];
	[tilespmem:s30+$0x18210] =	vst v13  }
0x176: {  	s19 =	simm.s32 $0x60;
	v11 =	vld [tilespmem:s24+$0x0];
	s29 =	simm.s32 $0x40;
	s2 =	sand.u32 $0x3E0, s16;
	v13 =	vmul.f32 $3.200000000e+01, v17;
	[tilespmem:s17+$0x0] =	vst v14  }
.LBB2_7:
0x177: {  	p0 =	sne.s32 s19, $0x3E0;
	v8 =	vmul.f32 $3.200000000e+01, v8;
	s4 =	sadd.s32 s4, s8;
	v14 =	vld [tilespmem:s2+$0x18600];
	[tilespmem:s30+$0x18200] =	vst v12;
	s30 =	smov.u32 s0  }
0x178: {  	v9 =	vmul.f32 $3.200000000e+01, v9;
	s15 =	sadd.s32 $0x80, s15;
	s0 =	smov.u32 s13;
	v12 =	vadd.f32 v13, v4;
	s2 =	sadd.s32 s14, s4;
	v13 =	vld [tilespmem:s30+$0x18610]  }
0x179: {  	s22 =	sadd.s32 $0x10, s22;
	s13 =	sshra.s32 s15, $0x2;
	s5 =	sand.u32 $0xC00, s15;
	v10 =	vmul.f32 $3.200000000e+01, v10;
	v8 =	vadd.f32 v8, v4;
	v15 =	vld [tilespmem:s2+$0x0]  }
0x17a: {  	s14 =	sand.u32 $0x70, s22;
	s4 =	sadd.s32 s5, s1;
	v6 =	vmul.f32 $3.200000000e+01, v6;
	v9 =	vadd.f32 v9, v4;
	v16 =	vld [tilespmem:s13+$0x18200];
	[tilespmem:s26+$0x0] =	vst v12  }
0x17b: {  	s26 =	sadd.s32 s14, s4;
	s4 =	sadd.s32 s5, s12;
	v11 =	vmul.f32 $3.200000000e+01, v11;
	v10 =	vadd.f32 v10, v4;
	v17 =	vld [tilespmem:s13+$0x18210];
	[tilespmem:s31+$0x0] =	vst v8  }
0x17c: {  	s16 =	sadd.s32 s5, s7;
	s31 =	sadd.s32 s14, s4;
	v6 =	vadd.f32 v6, v5;
	v7 =	vmul.f32 $3.200000000e+01, v7;
	v18 =	vld [tilespmem:s26+$0x0];
	[tilespmem:s6+$0x0] =	vst v9;
	v12 =	vmul.f32 v14, v2  }
0x17d: {  	s4 =	sor.u32 $0x1000, s5;
	s5 =	sadd.s32 s5, s8;
	s6 =	sadd.s32 s14, s16;
	v11 =	vadd.f32 v11, v5;
	v14 =	vmul.f32 v14, v3;
	v8 =	vld [tilespmem:s31+$0x0];
	[tilespmem:s18+$0x0] =	vst v10;
	v19 =	vmul.f32 v13, v2  }
.Ltmp2:
0x17e: {  	s16 =	sadd.s32 s4, s1;
	s18 =	sadd.s32 s14, s5;
	v7 =	vadd.f32 v7, v5;
	v13 =	vmul.f32 v13, v3;
	v2 =	vmovc v4;
	v9 =	vld [tilespmem:s6+$0x0];
	[tilespmem:s23+$0x0] =	vst v6;
	v15 =	vmul.f32 $3.200000000e+01, v15;
	(pc) =	sbr.rel @p0 .LBB2_7-.Ltmp2, $4  }
0x17f: {  	s5 =	sadd.s32 s4, s12;
	v3 =	vmov v5;
	s23 =	sadd.s32 s14, s16;
	v10 =	vld [tilespmem:s18+$0x0];
	[tilespmem:s24+$0x0] =	vst v11;
	v14 =	vsub.f32 v14, v19;
	v4 =	vmov v16  }
0x180: {  	s24 =	sadd.s32 s14, s5;
	s5 =	sadd.s32 s4, s7;
	v12 =	vadd.f32 v13, v12;
	v6 =	vld [tilespmem:s23+$0x0];
	[tilespmem:s21+$0x0] =	vst v7;
	v15 =	vadd.f32 v15, v3;
	v5 =	vmov v17  }
0x181: {  	s21 =	sadd.s32 s14, s5;
	v11 =	vld [tilespmem:s24+$0x0];
	[tilespmem:s30+$0x18210] =	vst v14  }
0x182: {  	v13 =	vmul.f32 $3.200000000e+01, v18;
	v7 =	vld [tilespmem:s21+$0x0];
	[tilespmem:s2+$0x0] =	vst v15;
	s2 =	sand.u32 $0x3E0, s29;
	s29 =	smov.u32 s19;
	s19 =	sadd.s32 $0x20, s19  }
0x183: {  	s1 =	sadd.s32 s4, s8  }
0x184: {  	v8 =	vmul.f32 $3.200000000e+01, v8;
	s1 =	sadd.s32 s14, s1  }
0x185: {  	v9 =	vmul.f32 $3.200000000e+01, v9;
	v13 =	vadd.f32 v13, v4;
	v14 =	vld [tilespmem:s1+$0x0]  }
0x186: {  	v10 =	vmul.f32 $3.200000000e+01, v10;
	v8 =	vadd.f32 v8, v4  }
0x187: {  	v6 =	vmul.f32 $3.200000000e+01, v6;
	v9 =	vadd.f32 v9, v4;
	[tilespmem:s26+$0x0] =	vst v13  }
0x188: {  	v50 =	vmul.f32 $3.200000000e+01, v11;
	v10 =	vadd.f32 v10, v4;
	[tilespmem:s31+$0x0] =	vst v8  }
0x189: {  	v6 =	vadd.f32 v6, v5;
	v7 =	vmul.f32 $3.200000000e+01, v7;
	[tilespmem:s6+$0x0] =	vst v9  }
0x18a: {  	v8 =	vadd.f32 v50, v5;
	[tilespmem:s18+$0x0] =	vst v10;
	v51 =	vmul.f32 $3.200000000e+01, v14  }
0x18b: {  	v52 =	vadd.f32 v7, v5;
	[tilespmem:s23+$0x0] =	vst v6  }
0x18c: {  	[tilespmem:s24+$0x0] =	vst v8;
	v53 =	vadd.f32 v51, v5  }
0x18d: {  	v54 =	vld [tilespmem:s2+$0x18600];
	[tilespmem:s21+$0x0] =	vst v52  }
0x18e: {  	v55 =	vld [tilespmem:s0+$0x18610];
	s31 =	sand.u32 $0x3E0, s29;
	[tilespmem:s1+$0x0] =	vst v53  }
0x18f: {  	v7 =	vld [tilespmem:s31+$0x18600]  }
0x190: {  	v56 =	vld [tilespmem:s13+$0x18610];
	_ =	sdelay $0x2  }
0x191: {  	v57 =	vmul.f32 v54, v3;
	v58 =	vmul.f32 v55, v2  }
0x192: {  	s28 =	sadd.s32 $0x1, s28;
	v2 =	vmul.f32 v54, v2;
	v3 =	vmul.f32 v55, v3  }
0x193: {  	p0 =	sne.s32 s28, $0x8;
	v59 =	vsub.f32 v57, v58;
	v60 =	vmul.f32 v7, v5;
	v61 =	vmul.f32 v56, v4  }
.Ltmp3:
0x194: {  	[tilespmem:s30+$0x18200] =	vst v12;
	v2 =	vadd.f32 v3, v2;
	v3 =	vmul.f32 v7, v4;
	v62 =	vmul.f32 v56, v5;
	(pc) =	sbr.rel @p0 .LBB2_6-.Ltmp3, $4  }
0x195: {  	[tilespmem:s0+$0x18210] =	vst v59;
	v63 =	vsub.f32 v60, v61  }
0x196: {  	[tilespmem:s0+$0x18200] =	vst v2;
	v2 =	vadd.f32 v62, v3  }
0x197: {  	[tilespmem:s13+$0x18210] =	vst v63  }
0x198: {  	[tilespmem:s13+$0x18200] =	vst v2  }
0x199: {  	s25 =	simm.s32 $0x0;
	s0 =	rddreg [dreg:$0xe]  }
0x19a: {  	[hbm4b:s0+s25] =	stream.linear.scatter [tilespmem:s3], [sflag:$0x5], $0x2000, $0x38;
	[tilespmem:$0x18A00] =	vst v63  }
0x19b: {  	s4 =	rddreg [dreg:$0xf]  }
0x19c: {  	[hbm4b:s4+s25] =	stream.linear.scatter [tilespmem:s20], [sflag:$0x5], $0x2000, $0x38;
	[tilespmem:$0x18A00] =	vst v63  }
0x19d: {  	s5 =	rddreg [dreg:$0x10];
	s1 =	simm.s32 $0xC200  }
0x19e: {  	[hbm4b:s5+s25] =	stream.linear.scatter [tilespmem:s1], [sflag:$0x5], $0x2000, $0x38;
	[tilespmem:$0x18A00] =	vst v63  }
0x19f: {  	s6 =	rddreg [dreg:$0x11];
	s7 =	simm.s32 $0xE200;
	s8 =	simm.s32 $0x4  }
0x1a0: {  	[hbm4b:s6+s25] =	stream.linear.scatter [tilespmem:s7], [sflag:$0x5], $0x2000, $0x38;
	[tilespmem:$0x18A00] =	vst v63  }
0x1a1: {  	_ =	swait.ge [sflag:s8], $0x2000  }
0x1a2: {  	[sflag:s8] =	ssyncset.done $0x0  }
0x1a3: {  	[sflag:s8] =	ssyncadd.s32 $0xFFFFE000  }
0x1a4: {  	_ =	swait.ge [sflag:s8], $0x2000  }
0x1a5: {  	[sflag:s8] =	ssyncset.done $0x0  }
0x1a6: {  	[sflag:s8] =	ssyncadd.s32 $0xFFFFE000  }
0x1a7: {  	_ =	swait.ge [sflag:s8], $0x2000  }
0x1a8: {  	[sflag:s8] =	ssyncset.done $0x0  }
0x1a9: {  	[sflag:s8] =	ssyncadd.s32 $0xFFFFE000  }
0x1aa: {  	_ =	swait.ge [sflag:s8], $0x2000  }
0x1ab: {  	[sflag:s8] =	ssyncset.done $0x0  }
0x1ac: {  	[sflag:s8] =	ssyncadd.s32 $0xFFFFE000  }
0x1ad: {  	v2 =	vld.msk [tilespmem:$0x18], $0xff;
	_ =	sdelay $0x4  }
0x1ae: {  	v3 =	vshll.u32 v2, $0x3  }
0x1af: {  	v2 =	vand.u32 $0x7, v2;
	v3 =	vand.u32 $0xFFFFFFC0, v3  }
0x1b0: {  	v2 =	vor.u32 v2, v3  }
0x1b1: {  	v2 =	vperm.xlane v2, v0;
	_ =	sdelay $0x1  }
0x1b2: {  	v2 =	vadd.s32 v1, v2;
	_ =	sdelay $0x3  }
0x1b3: {  	s12 =	simm.s32 $0x200;
	s0 =	rddreg [dreg:$0x1]  }
0x1b4: {  	[tilespmem:s12], [sflag:$0x1] =	stream.indirect_vreg.gather [hbm4b:s0+s25], $0x80, v2, vm0, $0xb8;
	[tilespmem:$0x18A00] =	vst v63  }
0x1b5: {  	s13 =	simm.s32 $0xA00  }
0x1b6: {  	[tilespmem:s13], [sflag:$0x1] =	stream.indirect_vreg.gather [hbm4b:s9+s25], $0x80, v2, vm0, $0xb8;
	[tilespmem:$0x18A00] =	vst v63  }
0x1b7: {  	s14 =	simm.s32 $0x1200  }
0x1b8: {  	[tilespmem:s14], [sflag:$0x1] =	stream.indirect_vreg.gather [hbm4b:s10+s25], $0x80, v2, vm0, $0xb8;
	[tilespmem:$0x18A00] =	vst v63  }
0x1b9: {  	s15 =	simm.s32 $0x1A00  }
0x1ba: {  	[tilespmem:s15], [sflag:$0x1] =	stream.indirect_vreg.gather [hbm4b:s11+s25], $0x80, v2, vm0, $0xb8;
	[tilespmem:$0x18A00] =	vst v63  }
0x1bb: {  	v2 =	vld.msk [tilespmem:$0x98], $0xff;
	_ =	sdelay $0x4  }
0x1bc: {  	v3 =	vshll.u32 v2, $0x3  }
0x1bd: {  	v2 =	vand.u32 $0x7, v2;
	v3 =	vand.u32 $0xFFFFFFC0, v3  }
0x1be: {  	v2 =	vor.u32 v2, v3  }
0x1bf: {  	v2 =	vperm.xlane v2, v0;
	_ =	sdelay $0x1  }
0x1c0: {  	v2 =	vadd.s32 v1, v2;
	_ =	sdelay $0x3  }
0x1c1: {  	s16 =	simm.s32 $0x2200  }
0x1c2: {  	[tilespmem:s16], [sflag:$0x1] =	stream.indirect_vreg.gather [hbm4b:s0+s25], $0x80, v2, vm0, $0xb8;
	[tilespmem:$0x18A00] =	vst v63  }
0x1c3: {  	s17 =	simm.s32 $0x2A00  }
0x1c4: {  	[tilespmem:s17], [sflag:$0x1] =	stream.indirect_vreg.gather [hbm4b:s9+s25], $0x80, v2, vm0, $0xb8;
	[tilespmem:$0x18A00] =	vst v63  }
0x1c5: {  	s18 =	simm.s32 $0x3200  }
0x1c6: {  	[tilespmem:s18], [sflag:$0x1] =	stream.indirect_vreg.gather [hbm4b:s10+s25], $0x80, v2, vm0, $0xb8;
	[tilespmem:$0x18A00] =	vst v63  }
0x1c7: {  	s19 =	simm.s32 $0x3A00  }
0x1c8: {  	[tilespmem:s19], [sflag:$0x1] =	stream.indirect_vreg.gather [hbm4b:s11+s25], $0x80, v2, vm0, $0xb8;
	[tilespmem:$0x18A00] =	vst v63  }
0x1c9: {  	v2 =	vld.msk [tilespmem:$0x118], $0xff;
	_ =	sdelay $0x4  }
0x1ca: {  	v3 =	vshll.u32 v2, $0x3  }
0x1cb: {  	v2 =	vand.u32 $0x7, v2;
	v3 =	vand.u32 $0xFFFFFFC0, v3  }
0x1cc: {  	v2 =	vor.u32 v2, v3  }
0x1cd: {  	v2 =	vperm.xlane v2, v0;
	_ =	sdelay $0x1  }
0x1ce: {  	v2 =	vadd.s32 v1, v2;
	_ =	sdelay $0x3  }
0x1cf: {  	s20 =	simm.s32 $0x4200  }
0x1d0: {  	[tilespmem:s20], [sflag:$0x1] =	stream.indirect_vreg.gather [hbm4b:s0+s25], $0x80, v2, vm0, $0xb8;
	[tilespmem:$0x18A00] =	vst v63  }
0x1d1: {  	s21 =	simm.s32 $0x4A00  }
0x1d2: {  	[tilespmem:s21], [sflag:$0x1] =	stream.indirect_vreg.gather [hbm4b:s9+s25], $0x80, v2, vm0, $0xb8;
	[tilespmem:$0x18A00] =	vst v63  }
0x1d3: {  	s22 =	simm.s32 $0x5200  }
0x1d4: {  	[tilespmem:s22], [sflag:$0x1] =	stream.indirect_vreg.gather [hbm4b:s10+s25], $0x80, v2, vm0, $0xb8;
	[tilespmem:$0x18A00] =	vst v63  }
0x1d5: {  	s23 =	simm.s32 $0x5A00  }
0x1d6: {  	[tilespmem:s23], [sflag:$0x1] =	stream.indirect_vreg.gather [hbm4b:s11+s25], $0x80, v2, vm0, $0xb8;
	[tilespmem:$0x18A00] =	vst v63  }
0x1d7: {  	v2 =	vld.msk [tilespmem:$0x198], $0xff;
	_ =	sdelay $0x4  }
0x1d8: {  	v3 =	vshll.u32 v2, $0x3  }
0x1d9: {  	v2 =	vand.u32 $0x7, v2;
	v3 =	vand.u32 $0xFFFFFFC0, v3  }
0x1da: {  	v2 =	vor.u32 v2, v3  }
0x1db: {  	v2 =	vperm.xlane v2, v0;
	_ =	sdelay $0x1  }
0x1dc: {  	v2 =	vadd.s32 v1, v2;
	_ =	sdelay $0x3  }
0x1dd: {  	s24 =	simm.s32 $0x6200  }
0x1de: {  	[tilespmem:s24], [sflag:$0x1] =	stream.indirect_vreg.gather [hbm4b:s0+s25], $0x80, v2, vm0, $0xb8;
	[tilespmem:$0x18A00] =	vst v63  }
0x1df: {  	s26 =	simm.s32 $0x6A00  }
0x1e0: {  	[tilespmem:s26], [sflag:$0x1] =	stream.indirect_vreg.gather [hbm4b:s9+s25], $0x80, v2, vm0, $0xb8;
	[tilespmem:$0x18A00] =	vst v63  }
0x1e1: {  	s29 =	simm.s32 $0x7200  }
0x1e2: {  	[tilespmem:s29], [sflag:$0x1] =	stream.indirect_vreg.gather [hbm4b:s10+s25], $0x80, v2, vm0, $0xb8;
	[tilespmem:$0x18A00] =	vst v63  }
0x1e3: {  	s30 =	simm.s32 $0x7A00;
	s31 =	simm.s32 $0x3  }
0x1e4: {  	[tilespmem:s30], [sflag:$0x1] =	stream.indirect_vreg.gather [hbm4b:s11+s25], $0x80, v2, vm0, $0xb8;
	[tilespmem:$0x18A00] =	vst v63  }
0x1e5: {  	_ =	swait.ge [sflag:s31], $0x2000  }
0x1e6: {  	[sflag:s31] =	ssyncset.done $0x0  }
0x1e7: {  	[sflag:s31] =	ssyncadd.s32 $0xFFFFE000  }
0x1e8: {  	_ =	swait.ge [sflag:s31], $0x2000  }
0x1e9: {  	[sflag:s31] =	ssyncset.done $0x0  }
0x1ea: {  	[sflag:s31] =	ssyncadd.s32 $0xFFFFE000  }
0x1eb: {  	_ =	swait.ge [sflag:s31], $0x2000  }
0x1ec: {  	[sflag:s31] =	ssyncset.done $0x0  }
0x1ed: {  	[sflag:s31] =	ssyncadd.s32 $0xFFFFE000  }
0x1ee: {  	_ =	swait.ge [sflag:s31], $0x2000  }
0x1ef: {  	[sflag:s31] =	ssyncset.done $0x0  }
0x1f0: {  	s28 =	simm.s32 $0x0;
	[sflag:s31] =	ssyncadd.s32 $0xFFFFE000  }
.LBB2_10:
0x1f1: {  	s0 =	sshll.u32 s28, $0x7  }
0x1f2: {  	s30 =	simm.s32 $0x0;
	s2 =	sand.u32 $0xC00, s25;
	s1 =	sadd.s32 $0x10200, s0  }
0x1f3: {  	s4 =	sand.u32 $0x70, s25;
	s12 =	sadd.s32 $0x12200, s0;
	v6 =	vld [tilespmem:s30+$0x18200];
	s5 =	sadd.s32 s2, s1  }
0x1f4: {  	s7 =	sadd.s32 $0x14200, s0;
	v7 =	vld [tilespmem:s30+$0x18210];
	s6 =	sadd.s32 s2, s12;
	s5 =	sadd.s32 s4, s5  }
0x1f5: {  	s8 =	sadd.s32 $0x16200, s0;
	s15 =	sadd.s32 s2, s7;
	s6 =	sadd.s32 s4, s6;
	v2 =	vld [tilespmem:s5+$0x0]  }
0x1f6: {  	s13 =	sor.u32 $0x1000, s2;
	s16 =	sadd.s32 s2, s8;
	s14 =	sadd.s32 s4, s15;
	v3 =	vld [tilespmem:s6+$0x0]  }
0x1f7: {  	s17 =	sadd.s32 s13, s1;
	s15 =	sadd.s32 s4, s16;
	v4 =	vld [tilespmem:s14+$0x0]  }
0x1f8: {  	s18 =	sadd.s32 s13, s12;
	s2 =	sadd.s32 s4, s17;
	v5 =	vld [tilespmem:s15+$0x0]  }
0x1f9: {  	s19 =	sadd.s32 s13, s7;
	s16 =	sadd.s32 s4, s18;
	v8 =	vld [tilespmem:s2+$0x0]  }
0x1fa: {  	s20 =	sadd.s32 s13, s8;
	s17 =	sadd.s32 s4, s19;
	v9 =	vld [tilespmem:s16+$0x0];
	v2 =	vmul.f32 $3.200000000e+01, v2  }
0x1fb: {  	s21 =	simm.s32 $0x80;
	s4 =	sadd.s32 s4, s20;
	v10 =	vld [tilespmem:s17+$0x0];
	v3 =	vmul.f32 $3.200000000e+01, v3  }
0x1fc: {  	s0 =	simm.s32 $0x20;
	s13 =	sand.u32 $0xC00, s21;
	s18 =	simm.s32 $0x10;
	v12 =	vld [tilespmem:s4+$0x0];
	v4 =	vmul.f32 $3.200000000e+01, v4;
	v11 =	vadd.f32 v2, v6  }
0x1fd: {  	s19 =	sadd.s32 s13, s1;
	s18 =	sand.u32 $0x70, s18;
	v5 =	vmul.f32 $3.200000000e+01, v5;
	v13 =	vadd.f32 v3, v6;
	v2 =	vld [tilespmem:s0+$0x18200]  }
0x1fe: {  	s22 =	sadd.s32 s13, s12;
	v8 =	vmul.f32 $3.200000000e+01, v8;
	v4 =	vadd.f32 v4, v6;
	v3 =	vld [tilespmem:s0+$0x18210];
	[tilespmem:s5+$0x0] =	vst v11;
	s5 =	sadd.s32 s18, s19  }
0x1ff: {  	s23 =	sadd.s32 s13, s7;
	v9 =	vmul.f32 $3.200000000e+01, v9;
	v5 =	vadd.f32 v5, v6;
	[tilespmem:s6+$0x0] =	vst v13;
	v11 =	vld [tilespmem:s5+$0x0];
	s6 =	sadd.s32 s18, s22  }
0x200: {  	s24 =	sor.u32 $0x1000, s13;
	s13 =	sadd.s32 s13, s8;
	v8 =	vadd.f32 v8, v7;
	s19 =	sadd.s32 s18, s23;
	[tilespmem:s14+$0x0] =	vst v4;
	v4 =	vmul.f32 $3.200000000e+01, v10;
	v10 =	vld [tilespmem:s6+$0x0]  }
0x201: {  	s26 =	sadd.s32 s24, s1;
	s21 =	sadd.s32 s18, s13;
	v12 =	vmul.f32 $3.200000000e+01, v12;
	v9 =	vadd.f32 v9, v7;
	[tilespmem:s15+$0x0] =	vst v5;
	v5 =	vld [tilespmem:s19+$0x0]  }
0x202: {  	s15 =	sadd.s32 s24, s12;
	[tilespmem:s2+$0x0] =	vst v8;
	v4 =	vadd.f32 v4, v7;
	s2 =	sadd.s32 s18, s26;
	v8 =	vld [tilespmem:s21+$0x0]  }
0x203: {  	s20 =	sadd.s32 s24, s7;
	v12 =	vadd.f32 v12, v7;
	[tilespmem:s16+$0x0] =	vst v9;
	v9 =	vld [tilespmem:s2+$0x0];
	s16 =	sadd.s32 s18, s15  }
0x204: {  	[tilespmem:s17+$0x0] =	vst v4;
	v13 =	vld [tilespmem:s16+$0x0];
	s17 =	sadd.s32 s18, s20  }
0x205: {  	s22 =	sand.u32 $0x3E0, s25;
	v4 =	vmul.f32 $3.200000000e+01, v11;
	v11 =	vld [tilespmem:s17+$0x0];
	[tilespmem:s4+$0x0] =	vst v12  }
0x206: {  	s23 =	sadd.s32 s24, s8;
	v10 =	vmul.f32 $3.200000000e+01, v10;
	v12 =	vld [tilespmem:s22+$0x18600]  }
0x207: {  	s15 =	simm.s32 $0x100;
	s20 =	sadd.s32 s18, s23;
	v14 =	vadd.f32 v4, v2;
	v5 =	vmul.f32 $3.200000000e+01, v5;
	v15 =	vld [tilespmem:s30+$0x18610]  }
0x208: {  	s13 =	simm.s32 $0x40;
	s24 =	sand.u32 $0xC00, s15;
	v16 =	vld [tilespmem:s20+$0x0];
	s22 =	simm.s32 $0x20;
	v10 =	vadd.f32 v10, v2;
	v8 =	vmul.f32 $3.200000000e+01, v8  }
0x209: {  	s26 =	sadd.s32 s24, s1;
	s4 =	sor.u32 $0x1000, s24;
	v4 =	vld [tilespmem:s13+$0x18200];
	s14 =	sand.u32 $0x70, s22;
	[tilespmem:s5+$0x0] =	vst v14;
	v9 =	vmul.f32 $3.200000000e+01, v9;
	v14 =	vadd.f32 v5, v2  }
0x20a: {  	s23 =	sadd.s32 s24, s8;
	v5 =	vld [tilespmem:s13+$0x18210];
	s26 =	sadd.s32 s14, s26;
	s5 =	sadd.s32 s24, s12;
	[tilespmem:s6+$0x0] =	vst v10;
	v10 =	vmul.f32 $3.200000000e+01, v13;
	v13 =	vadd.f32 v8, v2  }
0x20b: {  	v17 =	vld [tilespmem:s26+$0x0];
	s31 =	sadd.s32 s14, s5;
	s6 =	sadd.s32 s24, s7;
	s24 =	sadd.s32 s4, s1;
	v9 =	vadd.f32 v9, v3;
	[tilespmem:s19+$0x0] =	vst v14;
	v11 =	vmul.f32 $3.200000000e+01, v11  }
0x20c: {  	s18 =	sadd.s32 s14, s23;
	v8 =	vld [tilespmem:s31+$0x0];
	s23 =	sadd.s32 s14, s24;
	v10 =	vadd.f32 v10, v3;
	[tilespmem:s21+$0x0] =	vst v13;
	v13 =	vmul.f32 v12, v7;
	v14 =	vmul.f32 v15, v6  }
0x20d: {  	s6 =	sadd.s32 s14, s6;
	v16 =	vmul.f32 $3.200000000e+01, v16;
	v12 =	vmul.f32 v12, v6;
	v6 =	vld [tilespmem:s23+$0x0];
	[tilespmem:s2+$0x0] =	vst v9;
	v11 =	vadd.f32 v11, v3  }
0x20e: {  	s5 =	sadd.s32 s4, s12;
	v7 =	vmul.f32 v15, v7;
	v9 =	vld [tilespmem:s6+$0x0];
	[tilespmem:s16+$0x0] =	vst v10;
	v13 =	vsub.f32 v13, v14  }
0x20f: {  	s24 =	sadd.s32 s14, s5;
	v10 =	vld [tilespmem:s18+$0x0];
	s16 =	sadd.s32 s4, s7;
	v14 =	vadd.f32 v16, v3;
	[tilespmem:s17+$0x0] =	vst v11  }
0x210: {  	v12 =	vadd.f32 v7, v12;
	s17 =	simm.s32 $0x20;
	v11 =	vld [tilespmem:s24+$0x0];
	s21 =	sadd.s32 s14, s16;
	[tilespmem:s30+$0x18210] =	vst v13  }
0x211: {  	s29 =	simm.s32 $0x40;
	s19 =	simm.s32 $0x60;
	v13 =	vmul.f32 $3.200000000e+01, v17;
	v7 =	vld [tilespmem:s21+$0x0];
	[tilespmem:s20+$0x0] =	vst v14;
	s2 =	sand.u32 $0x3E0, s17  }
.LBB2_11:
0x212: {  	p0 =	sne.s32 s19, $0x3E0;
	v8 =	vmul.f32 $3.200000000e+01, v8;
	s4 =	sadd.s32 s4, s8;
	v14 =	vld [tilespmem:s2+$0x18600];
	[tilespmem:s30+$0x18200] =	vst v12;
	s30 =	smov.u32 s0  }
0x213: {  	v9 =	vmul.f32 $3.200000000e+01, v9;
	s15 =	sadd.s32 $0x80, s15;
	s0 =	smov.u32 s13;
	v12 =	vadd.f32 v13, v4;
	s2 =	sadd.s32 s14, s4;
	v13 =	vld [tilespmem:s30+$0x18610]  }
0x214: {  	s22 =	sadd.s32 $0x10, s22;
	s13 =	sshra.s32 s15, $0x2;
	s5 =	sand.u32 $0xC00, s15;
	v10 =	vmul.f32 $3.200000000e+01, v10;
	v8 =	vadd.f32 v8, v4;
	v15 =	vld [tilespmem:s2+$0x0]  }
0x215: {  	s14 =	sand.u32 $0x70, s22;
	s4 =	sadd.s32 s5, s1;
	v6 =	vmul.f32 $3.200000000e+01, v6;
	v9 =	vadd.f32 v9, v4;
	v16 =	vld [tilespmem:s13+$0x18200];
	[tilespmem:s26+$0x0] =	vst v12  }
0x216: {  	s26 =	sadd.s32 s14, s4;
	s4 =	sadd.s32 s5, s12;
	v11 =	vmul.f32 $3.200000000e+01, v11;
	v10 =	vadd.f32 v10, v4;
	v17 =	vld [tilespmem:s13+$0x18210];
	[tilespmem:s31+$0x0] =	vst v8  }
0x217: {  	s16 =	sadd.s32 s5, s7;
	s31 =	sadd.s32 s14, s4;
	v6 =	vadd.f32 v6, v5;
	v7 =	vmul.f32 $3.200000000e+01, v7;
	v18 =	vld [tilespmem:s26+$0x0];
	[tilespmem:s6+$0x0] =	vst v9;
	v12 =	vmul.f32 v14, v2  }
0x218: {  	s4 =	sor.u32 $0x1000, s5;
	s5 =	sadd.s32 s5, s8;
	s6 =	sadd.s32 s14, s16;
	v11 =	vadd.f32 v11, v5;
	v14 =	vmul.f32 v14, v3;
	v8 =	vld [tilespmem:s31+$0x0];
	[tilespmem:s18+$0x0] =	vst v10;
	v19 =	vmul.f32 v13, v2  }
.Ltmp4:
0x219: {  	s16 =	sadd.s32 s4, s1;
	s18 =	sadd.s32 s14, s5;
	v7 =	vadd.f32 v7, v5;
	v13 =	vmul.f32 v13, v3;
	v2 =	vmovc v4;
	v9 =	vld [tilespmem:s6+$0x0];
	[tilespmem:s23+$0x0] =	vst v6;
	v15 =	vmul.f32 $3.200000000e+01, v15;
	(pc) =	sbr.rel @p0 .LBB2_11-.Ltmp4, $4  }
0x21a: {  	s5 =	sadd.s32 s4, s12;
	v3 =	vmov v5;
	s23 =	sadd.s32 s14, s16;
	v10 =	vld [tilespmem:s18+$0x0];
	[tilespmem:s24+$0x0] =	vst v11;
	v14 =	vsub.f32 v14, v19;
	v4 =	vmov v16  }
0x21b: {  	s24 =	sadd.s32 s14, s5;
	s5 =	sadd.s32 s4, s7;
	v12 =	vadd.f32 v13, v12;
	v6 =	vld [tilespmem:s23+$0x0];
	[tilespmem:s21+$0x0] =	vst v7;
	v15 =	vadd.f32 v15, v3;
	v5 =	vmov v17  }
0x21c: {  	s21 =	sadd.s32 s14, s5;
	v11 =	vld [tilespmem:s24+$0x0];
	[tilespmem:s30+$0x18210] =	vst v14  }
0x21d: {  	v13 =	vmul.f32 $3.200000000e+01, v18;
	v7 =	vld [tilespmem:s21+$0x0];
	[tilespmem:s2+$0x0] =	vst v15;
	s2 =	sand.u32 $0x3E0, s29;
	s29 =	smov.u32 s19;
	s19 =	sadd.s32 $0x20, s19  }
0x21e: {  	s1 =	sadd.s32 s4, s8  }
0x21f: {  	v8 =	vmul.f32 $3.200000000e+01, v8;
	s1 =	sadd.s32 s14, s1  }
0x220: {  	v9 =	vmul.f32 $3.200000000e+01, v9;
	v13 =	vadd.f32 v13, v4;
	v14 =	vld [tilespmem:s1+$0x0]  }
0x221: {  	v10 =	vmul.f32 $3.200000000e+01, v10;
	v8 =	vadd.f32 v8, v4  }
0x222: {  	v6 =	vmul.f32 $3.200000000e+01, v6;
	v9 =	vadd.f32 v9, v4;
	[tilespmem:s26+$0x0] =	vst v13  }
0x223: {  	v50 =	vmul.f32 $3.200000000e+01, v11;
	v10 =	vadd.f32 v10, v4;
	[tilespmem:s31+$0x0] =	vst v8  }
0x224: {  	v6 =	vadd.f32 v6, v5;
	v7 =	vmul.f32 $3.200000000e+01, v7;
	[tilespmem:s6+$0x0] =	vst v9  }
0x225: {  	v8 =	vadd.f32 v50, v5;
	[tilespmem:s18+$0x0] =	vst v10;
	v51 =	vmul.f32 $3.200000000e+01, v14  }
0x226: {  	v52 =	vadd.f32 v7, v5;
	[tilespmem:s23+$0x0] =	vst v6  }
0x227: {  	[tilespmem:s24+$0x0] =	vst v8;
	v53 =	vadd.f32 v51, v5  }
0x228: {  	v54 =	vld [tilespmem:s2+$0x18600];
	[tilespmem:s21+$0x0] =	vst v52  }
0x229: {  	v55 =	vld [tilespmem:s0+$0x18610];
	s31 =	sand.u32 $0x3E0, s29;
	[tilespmem:s1+$0x0] =	vst v53  }
0x22a: {  	v7 =	vld [tilespmem:s31+$0x18600]  }
0x22b: {  	v56 =	vld [tilespmem:s13+$0x18610];
	_ =	sdelay $0x2  }
0x22c: {  	v57 =	vmul.f32 v54, v3;
	v58 =	vmul.f32 v55, v2  }
0x22d: {  	s28 =	sadd.s32 $0x1, s28;
	v2 =	vmul.f32 v54, v2;
	v3 =	vmul.f32 v55, v3  }
0x22e: {  	p0 =	sne.s32 s28, $0x8;
	v59 =	vsub.f32 v57, v58;
	v60 =	vmul.f32 v7, v5;
	v61 =	vmul.f32 v56, v4  }
.Ltmp5:
0x22f: {  	[tilespmem:s30+$0x18200] =	vst v12;
	v2 =	vadd.f32 v3, v2;
	v3 =	vmul.f32 v7, v4;
	v62 =	vmul.f32 v56, v5;
	(pc) =	sbr.rel @p0 .LBB2_10-.Ltmp5, $4  }
0x230: {  	[tilespmem:s0+$0x18210] =	vst v59;
	v63 =	vsub.f32 v60, v61  }
0x231: {  	[tilespmem:s0+$0x18200] =	vst v2;
	v2 =	vadd.f32 v62, v3  }
0x232: {  	[tilespmem:s13+$0x18210] =	vst v63  }
0x233: {  	[tilespmem:s13+$0x18200] =	vst v2  }
0x234: {  	s25 =	simm.s32 $0x0;
	s0 =	rddreg [dreg:$0x12];
	s1 =	simm.s32 $0x10200  }
0x235: {  	[hbm4b:s0+s25] =	stream.linear.scatter [tilespmem:s1], [sflag:$0x6], $0x2000, $0x38;
	[tilespmem:$0x18A00] =	vst v63  }
0x236: {  	s2 =	rddreg [dreg:$0x13];
	s4 =	simm.s32 $0x12200  }
0x237: {  	[hbm4b:s2+s25] =	stream.linear.scatter [tilespmem:s4], [sflag:$0x6], $0x2000, $0x38;
	[tilespmem:$0x18A00] =	vst v63  }
0x238: {  	s5 =	rddreg [dreg:$0x14];
	s6 =	simm.s32 $0x14200  }
0x239: {  	[hbm4b:s5+s25] =	stream.linear.scatter [tilespmem:s6], [sflag:$0x6], $0x2000, $0x38;
	[tilespmem:$0x18A00] =	vst v63  }
0x23a: {  	s7 =	rddreg [dreg:$0x15];
	s8 =	simm.s32 $0x16200;
	s12 =	simm.s32 $0x5  }
0x23b: {  	[hbm4b:s7+s25] =	stream.linear.scatter [tilespmem:s8], [sflag:$0x6], $0x2000, $0x38;
	[tilespmem:$0x18A00] =	vst v63  }
0x23c: {  	_ =	swait.ge [sflag:s12], $0x2000  }
0x23d: {  	[sflag:s12] =	ssyncset.done $0x0  }
0x23e: {  	[sflag:s12] =	ssyncadd.s32 $0xFFFFE000  }
0x23f: {  	_ =	swait.ge [sflag:s12], $0x2000  }
0x240: {  	[sflag:s12] =	ssyncset.done $0x0  }
0x241: {  	[sflag:s12] =	ssyncadd.s32 $0xFFFFE000  }
0x242: {  	_ =	swait.ge [sflag:s12], $0x2000  }
0x243: {  	[sflag:s12] =	ssyncset.done $0x0  }
0x244: {  	[sflag:s12] =	ssyncadd.s32 $0xFFFFE000  }
0x245: {  	_ =	swait.ge [sflag:s12], $0x2000  }
0x246: {  	[sflag:s12] =	ssyncset.done $0x0  }
0x247: {  	[sflag:s12] =	ssyncadd.s32 $0xFFFFE000  }
0x248: {  	v2 =	vld.msk [tilespmem:$0x20], $0xff;
	_ =	sdelay $0x4  }
0x249: {  	v3 =	vshll.u32 v2, $0x3  }
0x24a: {  	v2 =	vand.u32 $0x7, v2;
	v3 =	vand.u32 $0xFFFFFFC0, v3  }
0x24b: {  	v2 =	vor.u32 v2, v3  }
0x24c: {  	v2 =	vperm.xlane v2, v0;
	_ =	sdelay $0x1  }
0x24d: {  	v2 =	vadd.s32 v1, v2;
	_ =	sdelay $0x3  }
0x24e: {  	s0 =	rddreg [dreg:$0x1]  }
0x24f: {  	[tilespmem:s3], [sflag:$0x2] =	stream.indirect_vreg.gather [hbm4b:s0+s25], $0x80, v2, vm0, $0xb8;
	[tilespmem:$0x18A00] =	vst v63  }
0x250: {  	s13 =	simm.s32 $0x8A00  }
0x251: {  	[tilespmem:s13], [sflag:$0x2] =	stream.indirect_vreg.gather [hbm4b:s9+s25], $0x80, v2, vm0, $0xb8;
	[tilespmem:$0x18A00] =	vst v63  }
0x252: {  	s14 =	simm.s32 $0x9200  }
0x253: {  	[tilespmem:s14], [sflag:$0x2] =	stream.indirect_vreg.gather [hbm4b:s10+s25], $0x80, v2, vm0, $0xb8;
	[tilespmem:$0x18A00] =	vst v63  }
0x254: {  	s15 =	simm.s32 $0x9A00  }
0x255: {  	[tilespmem:s15], [sflag:$0x2] =	stream.indirect_vreg.gather [hbm4b:s11+s25], $0x80, v2, vm0, $0xb8;
	[tilespmem:$0x18A00] =	vst v63  }
0x256: {  	v2 =	vld.msk [tilespmem:$0xA0], $0xff;
	_ =	sdelay $0x4  }
0x257: {  	v3 =	vshll.u32 v2, $0x3  }
0x258: {  	v2 =	vand.u32 $0x7, v2;
	v3 =	vand.u32 $0xFFFFFFC0, v3  }
0x259: {  	v2 =	vor.u32 v2, v3  }
0x25a: {  	v2 =	vperm.xlane v2, v0;
	_ =	sdelay $0x1  }
0x25b: {  	v2 =	vadd.s32 v1, v2;
	_ =	sdelay $0x3  }
0x25c: {  	s16 =	simm.s32 $0xA200  }
0x25d: {  	[tilespmem:s16], [sflag:$0x2] =	stream.indirect_vreg.gather [hbm4b:s0+s25], $0x80, v2, vm0, $0xb8;
	[tilespmem:$0x18A00] =	vst v63  }
0x25e: {  	s17 =	simm.s32 $0xAA00  }
0x25f: {  	[tilespmem:s17], [sflag:$0x2] =	stream.indirect_vreg.gather [hbm4b:s9+s25], $0x80, v2, vm0, $0xb8;
	[tilespmem:$0x18A00] =	vst v63  }
0x260: {  	s18 =	simm.s32 $0xB200  }
0x261: {  	[tilespmem:s18], [sflag:$0x2] =	stream.indirect_vreg.gather [hbm4b:s10+s25], $0x80, v2, vm0, $0xb8;
	[tilespmem:$0x18A00] =	vst v63  }
0x262: {  	s19 =	simm.s32 $0xBA00  }
0x263: {  	[tilespmem:s19], [sflag:$0x2] =	stream.indirect_vreg.gather [hbm4b:s11+s25], $0x80, v2, vm0, $0xb8;
	[tilespmem:$0x18A00] =	vst v63  }
0x264: {  	v2 =	vld.msk [tilespmem:$0x120], $0xff;
	_ =	sdelay $0x4  }
0x265: {  	v3 =	vshll.u32 v2, $0x3  }
0x266: {  	v2 =	vand.u32 $0x7, v2;
	v3 =	vand.u32 $0xFFFFFFC0, v3  }
0x267: {  	v2 =	vor.u32 v2, v3  }
0x268: {  	v2 =	vperm.xlane v2, v0;
	_ =	sdelay $0x1  }
0x269: {  	v2 =	vadd.s32 v1, v2;
	_ =	sdelay $0x3  }
0x26a: {  	s20 =	simm.s32 $0xC200  }
0x26b: {  	[tilespmem:s20], [sflag:$0x2] =	stream.indirect_vreg.gather [hbm4b:s0+s25], $0x80, v2, vm0, $0xb8;
	[tilespmem:$0x18A00] =	vst v63  }
0x26c: {  	s21 =	simm.s32 $0xCA00  }
0x26d: {  	[tilespmem:s21], [sflag:$0x2] =	stream.indirect_vreg.gather [hbm4b:s9+s25], $0x80, v2, vm0, $0xb8;
	[tilespmem:$0x18A00] =	vst v63  }
0x26e: {  	s22 =	simm.s32 $0xD200  }
0x26f: {  	[tilespmem:s22], [sflag:$0x2] =	stream.indirect_vreg.gather [hbm4b:s10+s25], $0x80, v2, vm0, $0xb8;
	[tilespmem:$0x18A00] =	vst v63  }
0x270: {  	s23 =	simm.s32 $0xDA00  }
0x271: {  	[tilespmem:s23], [sflag:$0x2] =	stream.indirect_vreg.gather [hbm4b:s11+s25], $0x80, v2, vm0, $0xb8;
	[tilespmem:$0x18A00] =	vst v63  }
0x272: {  	v2 =	vld.msk [tilespmem:$0x1A0], $0xff;
	_ =	sdelay $0x4  }
0x273: {  	v3 =	vshll.u32 v2, $0x3  }
0x274: {  	v2 =	vand.u32 $0x7, v2;
	v3 =	vand.u32 $0xFFFFFFC0, v3  }
0x275: {  	v2 =	vor.u32 v2, v3  }
0x276: {  	v2 =	vperm.xlane v2, v0;
	_ =	sdelay $0x1  }
0x277: {  	v2 =	vadd.s32 v1, v2;
	_ =	sdelay $0x3  }
0x278: {  	s24 =	simm.s32 $0xE200  }
0x279: {  	[tilespmem:s24], [sflag:$0x2] =	stream.indirect_vreg.gather [hbm4b:s0+s25], $0x80, v2, vm0, $0xb8;
	[tilespmem:$0x18A00] =	vst v63  }
0x27a: {  	s26 =	simm.s32 $0xEA00  }
0x27b: {  	[tilespmem:s26], [sflag:$0x2] =	stream.indirect_vreg.gather [hbm4b:s9+s25], $0x80, v2, vm0, $0xb8;
	[tilespmem:$0x18A00] =	vst v63  }
0x27c: {  	s29 =	simm.s32 $0xF200  }
0x27d: {  	[tilespmem:s29], [sflag:$0x2] =	stream.indirect_vreg.gather [hbm4b:s10+s25], $0x80, v2, vm0, $0xb8;
	[tilespmem:$0x18A00] =	vst v63  }
0x27e: {  	s30 =	simm.s32 $0xFA00;
	s31 =	simm.s32 $0x1  }
0x27f: {  	[tilespmem:s30], [sflag:$0x2] =	stream.indirect_vreg.gather [hbm4b:s11+s25], $0x80, v2, vm0, $0xb8;
	[tilespmem:$0x18A00] =	vst v63  }
0x280: {  	_ =	swait.ge [sflag:s31], $0x2000  }
0x281: {  	[sflag:s31] =	ssyncset.done $0x0  }
0x282: {  	[sflag:s31] =	ssyncadd.s32 $0xFFFFE000  }
0x283: {  	_ =	swait.ge [sflag:s31], $0x2000  }
0x284: {  	[sflag:s31] =	ssyncset.done $0x0  }
0x285: {  	[sflag:s31] =	ssyncadd.s32 $0xFFFFE000  }
0x286: {  	_ =	swait.ge [sflag:s31], $0x2000  }
0x287: {  	[sflag:s31] =	ssyncset.done $0x0  }
0x288: {  	[sflag:s31] =	ssyncadd.s32 $0xFFFFE000  }
0x289: {  	_ =	swait.ge [sflag:s31], $0x2000  }
0x28a: {  	[sflag:s31] =	ssyncset.done $0x0  }
0x28b: {  	s28 =	simm.s32 $0x0;
	[sflag:s31] =	ssyncadd.s32 $0xFFFFE000  }
.LBB2_14:
0x28c: {  	s0 =	sshll.u32 s28, $0x7  }
0x28d: {  	s30 =	simm.s32 $0x0;
	s2 =	sand.u32 $0xC00, s25;
	s1 =	sadd.s32 $0x200, s0  }
0x28e: {  	s4 =	sand.u32 $0x70, s25;
	s12 =	sadd.s32 $0x2200, s0;
	v6 =	vld [tilespmem:s30+$0x18200];
	s5 =	sadd.s32 s2, s1  }
0x28f: {  	s7 =	sadd.s32 $0x4200, s0;
	v7 =	vld [tilespmem:s30+$0x18210];
	s6 =	sadd.s32 s2, s12;
	s5 =	sadd.s32 s4, s5  }
0x290: {  	s8 =	sadd.s32 $0x6200, s0;
	s16 =	sadd.s32 s2, s7;
	s6 =	sadd.s32 s4, s6;
	v2 =	vld [tilespmem:s5+$0x0]  }
0x291: {  	s13 =	sor.u32 $0x1000, s2;
	s17 =	sadd.s32 s2, s8;
	s14 =	sadd.s32 s4, s16;
	v3 =	vld [tilespmem:s6+$0x0]  }
0x292: {  	s18 =	sadd.s32 s13, s1;
	s15 =	sadd.s32 s4, s17;
	v4 =	vld [tilespmem:s14+$0x0]  }
0x293: {  	s19 =	sadd.s32 s13, s12;
	s2 =	sadd.s32 s4, s18;
	v5 =	vld [tilespmem:s15+$0x0]  }
0x294: {  	s20 =	sadd.s32 s13, s7;
	s16 =	sadd.s32 s4, s19;
	v8 =	vld [tilespmem:s2+$0x0]  }
0x295: {  	s21 =	sadd.s32 s13, s8;
	s17 =	sadd.s32 s4, s20;
	v9 =	vld [tilespmem:s16+$0x0];
	v2 =	vmul.f32 $3.200000000e+01, v2  }
0x296: {  	s22 =	simm.s32 $0x80;
	s4 =	sadd.s32 s4, s21;
	v10 =	vld [tilespmem:s17+$0x0];
	v3 =	vmul.f32 $3.200000000e+01, v3  }
0x297: {  	s0 =	simm.s32 $0x20;
	s13 =	sand.u32 $0xC00, s22;
	s18 =	simm.s32 $0x10;
	v12 =	vld [tilespmem:s4+$0x0];
	v4 =	vmul.f32 $3.200000000e+01, v4;
	v11 =	vadd.f32 v2, v6  }
0x298: {  	s19 =	sadd.s32 s13, s1;
	s18 =	sand.u32 $0x70, s18;
	v5 =	vmul.f32 $3.200000000e+01, v5;
	v13 =	vadd.f32 v3, v6;
	v2 =	vld [tilespmem:s0+$0x18200]  }
0x299: {  	s23 =	sadd.s32 s13, s12;
	v8 =	vmul.f32 $3.200000000e+01, v8;
	v4 =	vadd.f32 v4, v6;
	v3 =	vld [tilespmem:s0+$0x18210];
	[tilespmem:s5+$0x0] =	vst v11;
	s5 =	sadd.s32 s18, s19  }
0x29a: {  	s24 =	sadd.s32 s13, s7;
	v9 =	vmul.f32 $3.200000000e+01, v9;
	v5 =	vadd.f32 v5, v6;
	[tilespmem:s6+$0x0] =	vst v13;
	v11 =	vld [tilespmem:s5+$0x0];
	s6 =	sadd.s32 s18, s23  }
0x29b: {  	s26 =	sor.u32 $0x1000, s13;
	s13 =	sadd.s32 s13, s8;
	v8 =	vadd.f32 v8, v7;
	s19 =	sadd.s32 s18, s24;
	[tilespmem:s14+$0x0] =	vst v4;
	v4 =	vmul.f32 $3.200000000e+01, v10;
	v10 =	vld [tilespmem:s6+$0x0]  }
0x29c: {  	s3 =	sadd.s32 s26, s1;
	s20 =	sadd.s32 s18, s13;
	v12 =	vmul.f32 $3.200000000e+01, v12;
	v9 =	vadd.f32 v9, v7;
	[tilespmem:s15+$0x0] =	vst v5;
	v5 =	vld [tilespmem:s19+$0x0]  }
0x29d: {  	s15 =	sadd.s32 s26, s12;
	[tilespmem:s2+$0x0] =	vst v8;
	v4 =	vadd.f32 v4, v7;
	s2 =	sadd.s32 s18, s3;
	v8 =	vld [tilespmem:s20+$0x0]  }
0x29e: {  	s21 =	sadd.s32 s26, s7;
	v12 =	vadd.f32 v12, v7;
	[tilespmem:s16+$0x0] =	vst v9;
	v9 =	vld [tilespmem:s2+$0x0];
	s16 =	sadd.s32 s18, s15  }
0x29f: {  	[tilespmem:s17+$0x0] =	vst v4;
	v13 =	vld [tilespmem:s16+$0x0];
	s17 =	sadd.s32 s18, s21  }
0x2a0: {  	s22 =	sand.u32 $0x3E0, s25;
	v4 =	vmul.f32 $3.200000000e+01, v11;
	v11 =	vld [tilespmem:s17+$0x0];
	[tilespmem:s4+$0x0] =	vst v12  }
0x2a1: {  	s23 =	sadd.s32 s26, s8;
	v10 =	vmul.f32 $3.200000000e+01, v10;
	v12 =	vld [tilespmem:s22+$0x18600]  }
0x2a2: {  	s3 =	sadd.s32 s18, s23;
	s15 =	simm.s32 $0x100;
	v14 =	vadd.f32 v4, v2;
	v5 =	vmul.f32 $3.200000000e+01, v5;
	v15 =	vld [tilespmem:s30+$0x18610]  }
0x2a3: {  	s13 =	simm.s32 $0x40;
	v16 =	vld [tilespmem:s3+$0x0];
	s24 =	sand.u32 $0xC00, s15;
	s22 =	simm.s32 $0x20;
	v10 =	vadd.f32 v10, v2;
	v8 =	vmul.f32 $3.200000000e+01, v8  }
0x2a4: {  	s26 =	sadd.s32 s24, s1;
	s21 =	sadd.s32 s24, s7;
	v4 =	vld [tilespmem:s13+$0x18200];
	s14 =	sand.u32 $0x70, s22;
	[tilespmem:s5+$0x0] =	vst v14;
	v9 =	vmul.f32 $3.200000000e+01, v9;
	v14 =	vadd.f32 v5, v2  }
0x2a5: {  	s4 =	sor.u32 $0x1000, s24;
	v5 =	vld [tilespmem:s13+$0x18210];
	s26 =	sadd.s32 s14, s26;
	s5 =	sadd.s32 s24, s12;
	[tilespmem:s6+$0x0] =	vst v10;
	v10 =	vmul.f32 $3.200000000e+01, v13;
	v13 =	vadd.f32 v8, v2  }
0x2a6: {  	s23 =	sadd.s32 s24, s8;
	s24 =	sadd.s32 s4, s1;
	v17 =	vld [tilespmem:s26+$0x0];
	s31 =	sadd.s32 s14, s5;
	v9 =	vadd.f32 v9, v3;
	[tilespmem:s19+$0x0] =	vst v14;
	v11 =	vmul.f32 $3.200000000e+01, v11  }
0x2a7: {  	s18 =	sadd.s32 s14, s23;
	s23 =	sadd.s32 s14, s24;
	v8 =	vld [tilespmem:s31+$0x0];
	v10 =	vadd.f32 v10, v3;
	[tilespmem:s20+$0x0] =	vst v13;
	v13 =	vmul.f32 v12, v7;
	v14 =	vmul.f32 v15, v6  }
0x2a8: {  	v16 =	vmul.f32 $3.200000000e+01, v16;
	s6 =	sadd.s32 s14, s21;
	v12 =	vmul.f32 v12, v6;
	v6 =	vld [tilespmem:s23+$0x0];
	[tilespmem:s2+$0x0] =	vst v9;
	v11 =	vadd.f32 v11, v3  }
0x2a9: {  	s19 =	sadd.s32 s4, s7;
	v7 =	vmul.f32 v15, v7;
	v9 =	vld [tilespmem:s6+$0x0];
	[tilespmem:s16+$0x0] =	vst v10;
	v13 =	vsub.f32 v13, v14  }
0x2aa: {  	s5 =	sadd.s32 s4, s12;
	s21 =	sadd.s32 s14, s19;
	v10 =	vld [tilespmem:s18+$0x0];
	v14 =	vadd.f32 v16, v3;
	[tilespmem:s17+$0x0] =	vst v11  }
0x2ab: {  	s24 =	sadd.s32 s14, s5;
	s20 =	simm.s32 $0x20;
	v12 =	vadd.f32 v7, v12;
	v7 =	vld [tilespmem:s21+$0x0];
	[tilespmem:s30+$0x18210] =	vst v13  }
0x2ac: {  	s29 =	simm.s32 $0x40;
	s19 =	simm.s32 $0x60;
	s2 =	sand.u32 $0x3E0, s20;
	v11 =	vld [tilespmem:s24+$0x0];
	v13 =	vmul.f32 $3.200000000e+01, v17;
	[tilespmem:s3+$0x0] =	vst v14  }
.LBB2_15:
0x2ad: {  	p0 =	sne.s32 s19, $0x3E0;
	v8 =	vmul.f32 $3.200000000e+01, v8;
	s3 =	sadd.s32 s4, s8;
	v14 =	vld [tilespmem:s2+$0x18600];
	[tilespmem:s30+$0x18200] =	vst v12;
	s30 =	smov.u32 s0  }
0x2ae: {  	v9 =	vmul.f32 $3.200000000e+01, v9;
	s15 =	sadd.s32 $0x80, s15;
	s0 =	smov.u32 s13;
	v12 =	vadd.f32 v13, v4;
	s2 =	sadd.s32 s14, s3;
	v13 =	vld [tilespmem:s30+$0x18610]  }
0x2af: {  	s22 =	sadd.s32 $0x10, s22;
	s13 =	sshra.s32 s15, $0x2;
	s3 =	sand.u32 $0xC00, s15;
	v10 =	vmul.f32 $3.200000000e+01, v10;
	v8 =	vadd.f32 v8, v4;
	v15 =	vld [tilespmem:s2+$0x0]  }
0x2b0: {  	s14 =	sand.u32 $0x70, s22;
	s4 =	sadd.s32 s3, s1;
	v6 =	vmul.f32 $3.200000000e+01, v6;
	v9 =	vadd.f32 v9, v4;
	v16 =	vld [tilespmem:s13+$0x18200];
	[tilespmem:s26+$0x0] =	vst v12  }
0x2b1: {  	s26 =	sadd.s32 s14, s4;
	s4 =	sadd.s32 s3, s12;
	v11 =	vmul.f32 $3.200000000e+01, v11;
	v10 =	vadd.f32 v10, v4;
	v17 =	vld [tilespmem:s13+$0x18210];
	[tilespmem:s31+$0x0] =	vst v8  }
0x2b2: {  	s5 =	sadd.s32 s3, s7;
	s31 =	sadd.s32 s14, s4;
	v6 =	vadd.f32 v6, v5;
	v7 =	vmul.f32 $3.200000000e+01, v7;
	v18 =	vld [tilespmem:s26+$0x0];
	[tilespmem:s6+$0x0] =	vst v9;
	v12 =	vmul.f32 v14, v2  }
0x2b3: {  	s4 =	sor.u32 $0x1000, s3;
	s3 =	sadd.s32 s3, s8;
	s6 =	sadd.s32 s14, s5;
	v11 =	vadd.f32 v11, v5;
	v14 =	vmul.f32 v14, v3;
	v8 =	vld [tilespmem:s31+$0x0];
	[tilespmem:s18+$0x0] =	vst v10;
	v19 =	vmul.f32 v13, v2  }
.Ltmp6:
0x2b4: {  	s5 =	sadd.s32 s4, s1;
	s18 =	sadd.s32 s14, s3;
	v7 =	vadd.f32 v7, v5;
	v13 =	vmul.f32 v13, v3;
	v2 =	vmovc v4;
	v9 =	vld [tilespmem:s6+$0x0];
	[tilespmem:s23+$0x0] =	vst v6;
	v15 =	vmul.f32 $3.200000000e+01, v15;
	(pc) =	sbr.rel @p0 .LBB2_15-.Ltmp6, $4  }
0x2b5: {  	s3 =	sadd.s32 s4, s12;
	v3 =	vmov v5;
	s23 =	sadd.s32 s14, s5;
	v10 =	vld [tilespmem:s18+$0x0];
	[tilespmem:s24+$0x0] =	vst v11;
	v14 =	vsub.f32 v14, v19;
	v4 =	vmov v16  }
0x2b6: {  	s24 =	sadd.s32 s14, s3;
	s3 =	sadd.s32 s4, s7;
	v12 =	vadd.f32 v13, v12;
	v6 =	vld [tilespmem:s23+$0x0];
	[tilespmem:s21+$0x0] =	vst v7;
	v15 =	vadd.f32 v15, v3;
	v5 =	vmov v17  }
0x2b7: {  	s21 =	sadd.s32 s14, s3;
	v11 =	vld [tilespmem:s24+$0x0];
	[tilespmem:s30+$0x18210] =	vst v14  }
0x2b8: {  	v13 =	vmul.f32 $3.200000000e+01, v18;
	v7 =	vld [tilespmem:s21+$0x0];
	[tilespmem:s2+$0x0] =	vst v15;
	s2 =	sand.u32 $0x3E0, s29;
	s29 =	smov.u32 s19;
	s19 =	sadd.s32 $0x20, s19  }
0x2b9: {  	s1 =	sadd.s32 s4, s8  }
0x2ba: {  	v8 =	vmul.f32 $3.200000000e+01, v8;
	s1 =	sadd.s32 s14, s1  }
0x2bb: {  	v9 =	vmul.f32 $3.200000000e+01, v9;
	v13 =	vadd.f32 v13, v4;
	v14 =	vld [tilespmem:s1+$0x0]  }
0x2bc: {  	v10 =	vmul.f32 $3.200000000e+01, v10;
	v8 =	vadd.f32 v8, v4  }
0x2bd: {  	v6 =	vmul.f32 $3.200000000e+01, v6;
	v9 =	vadd.f32 v9, v4;
	[tilespmem:s26+$0x0] =	vst v13  }
0x2be: {  	v50 =	vmul.f32 $3.200000000e+01, v11;
	v10 =	vadd.f32 v10, v4;
	[tilespmem:s31+$0x0] =	vst v8  }
0x2bf: {  	v6 =	vadd.f32 v6, v5;
	v7 =	vmul.f32 $3.200000000e+01, v7;
	[tilespmem:s6+$0x0] =	vst v9  }
0x2c0: {  	v8 =	vadd.f32 v50, v5;
	[tilespmem:s18+$0x0] =	vst v10;
	v51 =	vmul.f32 $3.200000000e+01, v14  }
0x2c1: {  	v52 =	vadd.f32 v7, v5;
	[tilespmem:s23+$0x0] =	vst v6  }
0x2c2: {  	[tilespmem:s24+$0x0] =	vst v8;
	v53 =	vadd.f32 v51, v5  }
0x2c3: {  	v54 =	vld [tilespmem:s2+$0x18600];
	[tilespmem:s21+$0x0] =	vst v52  }
0x2c4: {  	v55 =	vld [tilespmem:s0+$0x18610];
	s31 =	sand.u32 $0x3E0, s29;
	[tilespmem:s1+$0x0] =	vst v53  }
0x2c5: {  	v7 =	vld [tilespmem:s31+$0x18600]  }
0x2c6: {  	v56 =	vld [tilespmem:s13+$0x18610];
	_ =	sdelay $0x2  }
0x2c7: {  	v57 =	vmul.f32 v54, v3;
	v58 =	vmul.f32 v55, v2  }
0x2c8: {  	s28 =	sadd.s32 $0x1, s28;
	v2 =	vmul.f32 v54, v2;
	v3 =	vmul.f32 v55, v3  }
0x2c9: {  	p0 =	sne.s32 s28, $0x8;
	v59 =	vsub.f32 v57, v58;
	v60 =	vmul.f32 v7, v5;
	v61 =	vmul.f32 v56, v4  }
.Ltmp7:
0x2ca: {  	[tilespmem:s30+$0x18200] =	vst v12;
	v2 =	vadd.f32 v3, v2;
	v3 =	vmul.f32 v7, v4;
	v62 =	vmul.f32 v56, v5;
	(pc) =	sbr.rel @p0 .LBB2_14-.Ltmp7, $4  }
0x2cb: {  	[tilespmem:s0+$0x18210] =	vst v59;
	v63 =	vsub.f32 v60, v61  }
0x2cc: {  	[tilespmem:s0+$0x18200] =	vst v2;
	v2 =	vadd.f32 v62, v3  }
0x2cd: {  	[tilespmem:s13+$0x18210] =	vst v63  }
0x2ce: {  	[tilespmem:s13+$0x18200] =	vst v2  }
0x2cf: {  	s25 =	simm.s32 $0x0;
	s0 =	rddreg [dreg:$0x16];
	s1 =	simm.s32 $0x200  }
0x2d0: {  	[hbm4b:s0+s25] =	stream.linear.scatter [tilespmem:s1], [sflag:$0x4], $0x2000, $0x38;
	[tilespmem:$0x18A00] =	vst v63  }
0x2d1: {  	s2 =	rddreg [dreg:$0x18];
	s3 =	simm.s32 $0x2200  }
0x2d2: {  	[hbm4b:s2+s25] =	stream.linear.scatter [tilespmem:s3], [sflag:$0x4], $0x2000, $0x38;
	[tilespmem:$0x18A00] =	vst v63  }
0x2d3: {  	s4 =	rddreg [dreg:$0x19];
	s5 =	simm.s32 $0x4200  }
0x2d4: {  	[hbm4b:s4+s25] =	stream.linear.scatter [tilespmem:s5], [sflag:$0x4], $0x2000, $0x38;
	[tilespmem:$0x18A00] =	vst v63  }
0x2d5: {  	s6 =	rddreg [dreg:$0x1a];
	s7 =	simm.s32 $0x6200;
	s8 =	simm.s32 $0x6  }
0x2d6: {  	[hbm4b:s6+s25] =	stream.linear.scatter [tilespmem:s7], [sflag:$0x4], $0x2000, $0x38;
	[tilespmem:$0x18A00] =	vst v63  }
0x2d7: {  	_ =	swait.ge [sflag:s8], $0x2000  }
0x2d8: {  	[sflag:s8] =	ssyncset.done $0x0  }
0x2d9: {  	[sflag:s8] =	ssyncadd.s32 $0xFFFFE000  }
0x2da: {  	_ =	swait.ge [sflag:s8], $0x2000  }
0x2db: {  	[sflag:s8] =	ssyncset.done $0x0  }
0x2dc: {  	[sflag:s8] =	ssyncadd.s32 $0xFFFFE000  }
0x2dd: {  	_ =	swait.ge [sflag:s8], $0x2000  }
0x2de: {  	[sflag:s8] =	ssyncset.done $0x0  }
0x2df: {  	[sflag:s8] =	ssyncadd.s32 $0xFFFFE000  }
0x2e0: {  	_ =	swait.ge [sflag:s8], $0x2000  }
0x2e1: {  	[sflag:s8] =	ssyncset.done $0x0  }
0x2e2: {  	[sflag:s8] =	ssyncadd.s32 $0xFFFFE000  }
0x2e3: {  	v2 =	vld.msk [tilespmem:$0x28], $0xff;
	_ =	sdelay $0x4  }
0x2e4: {  	v3 =	vshll.u32 v2, $0x3  }
0x2e5: {  	v2 =	vand.u32 $0x7, v2;
	v3 =	vand.u32 $0xFFFFFFC0, v3  }
0x2e6: {  	v2 =	vor.u32 v2, v3  }
0x2e7: {  	v2 =	vperm.xlane v2, v0;
	_ =	sdelay $0x1  }
0x2e8: {  	v2 =	vadd.s32 v1, v2;
	_ =	sdelay $0x3  }
0x2e9: {  	s12 =	simm.s32 $0x10200;
	s0 =	rddreg [dreg:$0x1]  }
0x2ea: {  	[tilespmem:s12], [sflag:$0x3] =	stream.indirect_vreg.gather [hbm4b:s0+s25], $0x80, v2, vm0, $0xb8;
	[tilespmem:$0x18A00] =	vst v63  }
0x2eb: {  	s13 =	simm.s32 $0x10A00  }
0x2ec: {  	[tilespmem:s13], [sflag:$0x3] =	stream.indirect_vreg.gather [hbm4b:s9+s25], $0x80, v2, vm0, $0xb8;
	[tilespmem:$0x18A00] =	vst v63  }
0x2ed: {  	s14 =	simm.s32 $0x11200  }
0x2ee: {  	[tilespmem:s14], [sflag:$0x3] =	stream.indirect_vreg.gather [hbm4b:s10+s25], $0x80, v2, vm0, $0xb8;
	[tilespmem:$0x18A00] =	vst v63  }
0x2ef: {  	s15 =	simm.s32 $0x11A00  }
0x2f0: {  	[tilespmem:s15], [sflag:$0x3] =	stream.indirect_vreg.gather [hbm4b:s11+s25], $0x80, v2, vm0, $0xb8;
	[tilespmem:$0x18A00] =	vst v63  }
0x2f1: {  	v2 =	vld.msk [tilespmem:$0xA8], $0xff;
	_ =	sdelay $0x4  }
0x2f2: {  	v3 =	vshll.u32 v2, $0x3  }
0x2f3: {  	v2 =	vand.u32 $0x7, v2;
	v3 =	vand.u32 $0xFFFFFFC0, v3  }
0x2f4: {  	v2 =	vor.u32 v2, v3  }
0x2f5: {  	v2 =	vperm.xlane v2, v0;
	_ =	sdelay $0x1  }
0x2f6: {  	v2 =	vadd.s32 v1, v2;
	_ =	sdelay $0x3  }
0x2f7: {  	s16 =	simm.s32 $0x12200  }
0x2f8: {  	[tilespmem:s16], [sflag:$0x3] =	stream.indirect_vreg.gather [hbm4b:s0+s25], $0x80, v2, vm0, $0xb8;
	[tilespmem:$0x18A00] =	vst v63  }
0x2f9: {  	s17 =	simm.s32 $0x12A00  }
0x2fa: {  	[tilespmem:s17], [sflag:$0x3] =	stream.indirect_vreg.gather [hbm4b:s9+s25], $0x80, v2, vm0, $0xb8;
	[tilespmem:$0x18A00] =	vst v63  }
0x2fb: {  	s18 =	simm.s32 $0x13200  }
0x2fc: {  	[tilespmem:s18], [sflag:$0x3] =	stream.indirect_vreg.gather [hbm4b:s10+s25], $0x80, v2, vm0, $0xb8;
	[tilespmem:$0x18A00] =	vst v63  }
0x2fd: {  	s19 =	simm.s32 $0x13A00  }
0x2fe: {  	[tilespmem:s19], [sflag:$0x3] =	stream.indirect_vreg.gather [hbm4b:s11+s25], $0x80, v2, vm0, $0xb8;
	[tilespmem:$0x18A00] =	vst v63  }
0x2ff: {  	v2 =	vld.msk [tilespmem:$0x128], $0xff;
	_ =	sdelay $0x4  }
0x300: {  	v3 =	vshll.u32 v2, $0x3  }
0x301: {  	v2 =	vand.u32 $0x7, v2;
	v3 =	vand.u32 $0xFFFFFFC0, v3  }
0x302: {  	v2 =	vor.u32 v2, v3  }
0x303: {  	v2 =	vperm.xlane v2, v0;
	_ =	sdelay $0x1  }
0x304: {  	v2 =	vadd.s32 v1, v2;
	_ =	sdelay $0x3  }
0x305: {  	s20 =	simm.s32 $0x14200  }
0x306: {  	[tilespmem:s20], [sflag:$0x3] =	stream.indirect_vreg.gather [hbm4b:s0+s25], $0x80, v2, vm0, $0xb8;
	[tilespmem:$0x18A00] =	vst v63  }
0x307: {  	s21 =	simm.s32 $0x14A00  }
0x308: {  	[tilespmem:s21], [sflag:$0x3] =	stream.indirect_vreg.gather [hbm4b:s9+s25], $0x80, v2, vm0, $0xb8;
	[tilespmem:$0x18A00] =	vst v63  }
0x309: {  	s22 =	simm.s32 $0x15200  }
0x30a: {  	[tilespmem:s22], [sflag:$0x3] =	stream.indirect_vreg.gather [hbm4b:s10+s25], $0x80, v2, vm0, $0xb8;
	[tilespmem:$0x18A00] =	vst v63  }
0x30b: {  	s23 =	simm.s32 $0x15A00  }
0x30c: {  	[tilespmem:s23], [sflag:$0x3] =	stream.indirect_vreg.gather [hbm4b:s11+s25], $0x80, v2, vm0, $0xb8;
	[tilespmem:$0x18A00] =	vst v63  }
0x30d: {  	v2 =	vld.msk [tilespmem:$0x1A8], $0xff;
	_ =	sdelay $0x4  }
0x30e: {  	v3 =	vshll.u32 v2, $0x3  }
0x30f: {  	v2 =	vand.u32 $0x7, v2;
	v3 =	vand.u32 $0xFFFFFFC0, v3  }
0x310: {  	v2 =	vor.u32 v2, v3  }
0x311: {  	v2 =	vperm.xlane v2, v0;
	_ =	sdelay $0x1  }
0x312: {  	v2 =	vadd.s32 v1, v2;
	_ =	sdelay $0x3  }
0x313: {  	s24 =	simm.s32 $0x16200  }
0x314: {  	[tilespmem:s24], [sflag:$0x3] =	stream.indirect_vreg.gather [hbm4b:s0+s25], $0x80, v2, vm0, $0xb8;
	[tilespmem:$0x18A00] =	vst v63  }
0x315: {  	s26 =	simm.s32 $0x16A00  }
0x316: {  	[tilespmem:s26], [sflag:$0x3] =	stream.indirect_vreg.gather [hbm4b:s9+s25], $0x80, v2, vm0, $0xb8;
	[tilespmem:$0x18A00] =	vst v63  }
0x317: {  	s29 =	simm.s32 $0x17200  }
0x318: {  	[tilespmem:s29], [sflag:$0x3] =	stream.indirect_vreg.gather [hbm4b:s10+s25], $0x80, v2, vm0, $0xb8;
	[tilespmem:$0x18A00] =	vst v63  }
0x319: {  	s30 =	simm.s32 $0x17A00;
	s31 =	simm.s32 $0x2  }
0x31a: {  	[tilespmem:s30], [sflag:$0x3] =	stream.indirect_vreg.gather [hbm4b:s11+s25], $0x80, v2, vm0, $0xb8;
	[tilespmem:$0x18A00] =	vst v63  }
0x31b: {  	_ =	swait.ge [sflag:s31], $0x2000  }
0x31c: {  	[sflag:s31] =	ssyncset.done $0x0  }
0x31d: {  	[sflag:s31] =	ssyncadd.s32 $0xFFFFE000  }
0x31e: {  	_ =	swait.ge [sflag:s31], $0x2000  }
0x31f: {  	[sflag:s31] =	ssyncset.done $0x0  }
0x320: {  	[sflag:s31] =	ssyncadd.s32 $0xFFFFE000  }
0x321: {  	_ =	swait.ge [sflag:s31], $0x2000  }
0x322: {  	[sflag:s31] =	ssyncset.done $0x0  }
0x323: {  	[sflag:s31] =	ssyncadd.s32 $0xFFFFE000  }
0x324: {  	_ =	swait.ge [sflag:s31], $0x2000  }
0x325: {  	[sflag:s31] =	ssyncset.done $0x0  }
0x326: {  	s28 =	simm.s32 $0x0;
	[sflag:s31] =	ssyncadd.s32 $0xFFFFE000  }
.LBB2_18:
0x327: {  	s0 =	sshll.u32 s28, $0x7  }
0x328: {  	s30 =	simm.s32 $0x0;
	s2 =	sand.u32 $0xC00, s25;
	s1 =	sadd.s32 $0x8200, s0  }
0x329: {  	s3 =	sand.u32 $0x70, s25;
	s12 =	sadd.s32 $0xA200, s0;
	v6 =	vld [tilespmem:s30+$0x18200];
	s4 =	sadd.s32 s2, s1  }
0x32a: {  	s7 =	sadd.s32 $0xC200, s0;
	v7 =	vld [tilespmem:s30+$0x18210];
	s5 =	sadd.s32 s2, s12;
	s4 =	sadd.s32 s3, s4  }
0x32b: {  	s8 =	sadd.s32 $0xE200, s0;
	s15 =	sadd.s32 s2, s7;
	s5 =	sadd.s32 s3, s5;
	v2 =	vld [tilespmem:s4+$0x0]  }
0x32c: {  	s6 =	sor.u32 $0x1000, s2;
	s16 =	sadd.s32 s2, s8;
	s13 =	sadd.s32 s3, s15;
	v3 =	vld [tilespmem:s5+$0x0]  }
0x32d: {  	s17 =	sadd.s32 s6, s1;
	s14 =	sadd.s32 s3, s16;
	v4 =	vld [tilespmem:s13+$0x0]  }
0x32e: {  	s18 =	sadd.s32 s6, s12;
	s2 =	sadd.s32 s3, s17;
	v5 =	vld [tilespmem:s14+$0x0]  }
0x32f: {  	s19 =	sadd.s32 s6, s7;
	s15 =	sadd.s32 s3, s18;
	v8 =	vld [tilespmem:s2+$0x0]  }
0x330: {  	s20 =	sadd.s32 s6, s8;
	s16 =	sadd.s32 s3, s19;
	v9 =	vld [tilespmem:s15+$0x0];
	v2 =	vmul.f32 $3.200000000e+01, v2  }
0x331: {  	s21 =	simm.s32 $0x80;
	s3 =	sadd.s32 s3, s20;
	v10 =	vld [tilespmem:s16+$0x0];
	v3 =	vmul.f32 $3.200000000e+01, v3  }
0x332: {  	s0 =	simm.s32 $0x20;
	s6 =	sand.u32 $0xC00, s21;
	s17 =	simm.s32 $0x10;
	v12 =	vld [tilespmem:s3+$0x0];
	v4 =	vmul.f32 $3.200000000e+01, v4;
	v11 =	vadd.f32 v2, v6  }
0x333: {  	s18 =	sadd.s32 s6, s1;
	s24 =	sor.u32 $0x1000, s6;
	s17 =	sand.u32 $0x70, s17;
	v5 =	vmul.f32 $3.200000000e+01, v5;
	v13 =	vadd.f32 v3, v6;
	v2 =	vld [tilespmem:s0+$0x18200]  }
0x334: {  	s20 =	sadd.s32 s24, s12;
	v8 =	vmul.f32 $3.200000000e+01, v8;
	v4 =	vadd.f32 v4, v6;
	v3 =	vld [tilespmem:s0+$0x18210];
	[tilespmem:s4+$0x0] =	vst v11;
	s4 =	sadd.s32 s17, s18  }
0x335: {  	s22 =	sadd.s32 s6, s12;
	s20 =	sadd.s32 s17, s20;
	v9 =	vmul.f32 $3.200000000e+01, v9;
	v5 =	vadd.f32 v5, v6;
	[tilespmem:s5+$0x0] =	vst v13;
	v11 =	vld [tilespmem:s4+$0x0]  }
0x336: {  	s23 =	sadd.s32 s6, s7;
	v8 =	vadd.f32 v8, v7;
	s5 =	sadd.s32 s17, s22;
	v13 =	vld [tilespmem:s20+$0x0];
	[tilespmem:s13+$0x0] =	vst v4;
	v4 =	vmul.f32 $3.200000000e+01, v10  }
0x337: {  	s6 =	sadd.s32 s6, s8;
	v12 =	vmul.f32 $3.200000000e+01, v12;
	v9 =	vadd.f32 v9, v7;
	s18 =	sadd.s32 s17, s23;
	v10 =	vld [tilespmem:s5+$0x0];
	[tilespmem:s14+$0x0] =	vst v5  }
0x338: {  	s26 =	sadd.s32 s24, s1;
	s19 =	sadd.s32 s17, s6;
	v5 =	vld [tilespmem:s18+$0x0];
	[tilespmem:s2+$0x0] =	vst v8;
	v4 =	vadd.f32 v4, v7  }
0x339: {  	s21 =	sadd.s32 s24, s7;
	v12 =	vadd.f32 v12, v7;
	s2 =	sadd.s32 s17, s26;
	v8 =	vld [tilespmem:s19+$0x0];
	[tilespmem:s15+$0x0] =	vst v9  }
0x33a: {  	v9 =	vld [tilespmem:s2+$0x0];
	[tilespmem:s16+$0x0] =	vst v4;
	s16 =	sadd.s32 s17, s21  }
0x33b: {  	s22 =	sand.u32 $0x3E0, s25;
	v4 =	vmul.f32 $3.200000000e+01, v11;
	v11 =	vld [tilespmem:s16+$0x0];
	[tilespmem:s3+$0x0] =	vst v12  }
0x33c: {  	s23 =	sadd.s32 s24, s8;
	v10 =	vmul.f32 $3.200000000e+01, v10;
	v12 =	vld [tilespmem:s22+$0x18600]  }
0x33d: {  	s15 =	simm.s32 $0x100;
	s3 =	sadd.s32 s17, s23;
	v14 =	vadd.f32 v4, v2;
	v5 =	vmul.f32 $3.200000000e+01, v5;
	v15 =	vld [tilespmem:s30+$0x18610]  }
0x33e: {  	s13 =	simm.s32 $0x40;
	s24 =	sand.u32 $0xC00, s15;
	v16 =	vld [tilespmem:s3+$0x0];
	s22 =	simm.s32 $0x20;
	v10 =	vadd.f32 v10, v2;
	v8 =	vmul.f32 $3.200000000e+01, v8  }
0x33f: {  	s26 =	sadd.s32 s24, s1;
	s6 =	sadd.s32 s24, s12;
	v4 =	vld [tilespmem:s13+$0x18200];
	s14 =	sand.u32 $0x70, s22;
	[tilespmem:s4+$0x0] =	vst v14;
	v9 =	vmul.f32 $3.200000000e+01, v9;
	v14 =	vadd.f32 v5, v2  }
0x340: {  	s21 =	sadd.s32 s24, s7;
	v5 =	vld [tilespmem:s13+$0x18210];
	s26 =	sadd.s32 s14, s26;
	s4 =	sor.u32 $0x1000, s24;
	[tilespmem:s5+$0x0] =	vst v10;
	v10 =	vmul.f32 $3.200000000e+01, v13;
	v13 =	vadd.f32 v8, v2  }
0x341: {  	s23 =	sadd.s32 s24, s8;
	s31 =	sadd.s32 s14, s6;
	v17 =	vld [tilespmem:s26+$0x0];
	s24 =	sadd.s32 s4, s1;
	v9 =	vadd.f32 v9, v3;
	[tilespmem:s18+$0x0] =	vst v14;
	v11 =	vmul.f32 $3.200000000e+01, v11  }
0x342: {  	v8 =	vld [tilespmem:s31+$0x0];
	s18 =	sadd.s32 s14, s23;
	s23 =	sadd.s32 s14, s24;
	v10 =	vadd.f32 v10, v3;
	[tilespmem:s19+$0x0] =	vst v13;
	v13 =	vmul.f32 v12, v7;
	v14 =	vmul.f32 v15, v6  }
0x343: {  	s6 =	sadd.s32 s14, s21;
	v16 =	vmul.f32 $3.200000000e+01, v16;
	v12 =	vmul.f32 v12, v6;
	v6 =	vld [tilespmem:s23+$0x0];
	[tilespmem:s2+$0x0] =	vst v9;
	v11 =	vadd.f32 v11, v3  }
0x344: {  	v7 =	vmul.f32 v15, v7;
	s19 =	sadd.s32 s4, s7;
	v9 =	vld [tilespmem:s6+$0x0];
	[tilespmem:s20+$0x0] =	vst v10;
	v13 =	vsub.f32 v13, v14  }
0x345: {  	s17 =	sadd.s32 s4, s12;
	s21 =	sadd.s32 s14, s19;
	v10 =	vld [tilespmem:s18+$0x0];
	v14 =	vadd.f32 v16, v3;
	[tilespmem:s16+$0x0] =	vst v11  }
0x346: {  	s24 =	sadd.s32 s14, s17;
	s20 =	simm.s32 $0x20;
	v12 =	vadd.f32 v7, v12;
	v7 =	vld [tilespmem:s21+$0x0];
	[tilespmem:s30+$0x18210] =	vst v13  }
0x347: {  	s29 =	simm.s32 $0x40;
	s19 =	simm.s32 $0x60;
	v11 =	vld [tilespmem:s24+$0x0];
	s2 =	sand.u32 $0x3E0, s20;
	v13 =	vmul.f32 $3.200000000e+01, v17;
	[tilespmem:s3+$0x0] =	vst v14  }
.LBB2_19:
0x348: {  	p0 =	sne.s32 s19, $0x3E0;
	v8 =	vmul.f32 $3.200000000e+01, v8;
	s3 =	sadd.s32 s4, s8;
	v14 =	vld [tilespmem:s2+$0x18600];
	[tilespmem:s30+$0x18200] =	vst v12;
	s30 =	smov.u32 s0  }
0x349: {  	v9 =	vmul.f32 $3.200000000e+01, v9;
	s15 =	sadd.s32 $0x80, s15;
	s0 =	smov.u32 s13;
	v12 =	vadd.f32 v13, v4;
	s2 =	sadd.s32 s14, s3;
	v13 =	vld [tilespmem:s30+$0x18610]  }
0x34a: {  	s22 =	sadd.s32 $0x10, s22;
	s13 =	sshra.s32 s15, $0x2;
	s3 =	sand.u32 $0xC00, s15;
	v10 =	vmul.f32 $3.200000000e+01, v10;
	v8 =	vadd.f32 v8, v4;
	v15 =	vld [tilespmem:s2+$0x0]  }
0x34b: {  	s14 =	sand.u32 $0x70, s22;
	s4 =	sadd.s32 s3, s1;
	v6 =	vmul.f32 $3.200000000e+01, v6;
	v9 =	vadd.f32 v9, v4;
	v16 =	vld [tilespmem:s13+$0x18200];
	[tilespmem:s26+$0x0] =	vst v12  }
0x34c: {  	s26 =	sadd.s32 s14, s4;
	s4 =	sadd.s32 s3, s12;
	v11 =	vmul.f32 $3.200000000e+01, v11;
	v10 =	vadd.f32 v10, v4;
	v17 =	vld [tilespmem:s13+$0x18210];
	[tilespmem:s31+$0x0] =	vst v8  }
0x34d: {  	s5 =	sadd.s32 s3, s7;
	s31 =	sadd.s32 s14, s4;
	v6 =	vadd.f32 v6, v5;
	v7 =	vmul.f32 $3.200000000e+01, v7;
	v18 =	vld [tilespmem:s26+$0x0];
	[tilespmem:s6+$0x0] =	vst v9;
	v12 =	vmul.f32 v14, v2  }
0x34e: {  	s4 =	sor.u32 $0x1000, s3;
	s3 =	sadd.s32 s3, s8;
	s6 =	sadd.s32 s14, s5;
	v11 =	vadd.f32 v11, v5;
	v14 =	vmul.f32 v14, v3;
	v8 =	vld [tilespmem:s31+$0x0];
	[tilespmem:s18+$0x0] =	vst v10;
	v19 =	vmul.f32 v13, v2  }
.Ltmp8:
0x34f: {  	s5 =	sadd.s32 s4, s1;
	s18 =	sadd.s32 s14, s3;
	v7 =	vadd.f32 v7, v5;
	v13 =	vmul.f32 v13, v3;
	v2 =	vmovc v4;
	v9 =	vld [tilespmem:s6+$0x0];
	[tilespmem:s23+$0x0] =	vst v6;
	v15 =	vmul.f32 $3.200000000e+01, v15;
	(pc) =	sbr.rel @p0 .LBB2_19-.Ltmp8, $4  }
0x350: {  	s3 =	sadd.s32 s4, s12;
	v3 =	vmov v5;
	s23 =	sadd.s32 s14, s5;
	v10 =	vld [tilespmem:s18+$0x0];
	[tilespmem:s24+$0x0] =	vst v11;
	v14 =	vsub.f32 v14, v19;
	v4 =	vmov v16  }
0x351: {  	s24 =	sadd.s32 s14, s3;
	s3 =	sadd.s32 s4, s7;
	v12 =	vadd.f32 v13, v12;
	v6 =	vld [tilespmem:s23+$0x0];
	[tilespmem:s21+$0x0] =	vst v7;
	v15 =	vadd.f32 v15, v3;
	v5 =	vmov v17  }
0x352: {  	s21 =	sadd.s32 s14, s3;
	v11 =	vld [tilespmem:s24+$0x0];
	[tilespmem:s30+$0x18210] =	vst v14  }
0x353: {  	v13 =	vmul.f32 $3.200000000e+01, v18;
	v7 =	vld [tilespmem:s21+$0x0];
	[tilespmem:s2+$0x0] =	vst v15;
	s2 =	sand.u32 $0x3E0, s29;
	s29 =	smov.u32 s19;
	s19 =	sadd.s32 $0x20, s19  }
0x354: {  	s1 =	sadd.s32 s4, s8  }
0x355: {  	v8 =	vmul.f32 $3.200000000e+01, v8;
	s1 =	sadd.s32 s14, s1  }
0x356: {  	v9 =	vmul.f32 $3.200000000e+01, v9;
	v13 =	vadd.f32 v13, v4;
	v14 =	vld [tilespmem:s1+$0x0]  }
0x357: {  	v10 =	vmul.f32 $3.200000000e+01, v10;
	v8 =	vadd.f32 v8, v4  }
0x358: {  	v6 =	vmul.f32 $3.200000000e+01, v6;
	v9 =	vadd.f32 v9, v4;
	[tilespmem:s26+$0x0] =	vst v13  }
0x359: {  	v50 =	vmul.f32 $3.200000000e+01, v11;
	v10 =	vadd.f32 v10, v4;
	[tilespmem:s31+$0x0] =	vst v8  }
0x35a: {  	v6 =	vadd.f32 v6, v5;
	v7 =	vmul.f32 $3.200000000e+01, v7;
	[tilespmem:s6+$0x0] =	vst v9  }
0x35b: {  	v8 =	vadd.f32 v50, v5;
	[tilespmem:s18+$0x0] =	vst v10;
	v51 =	vmul.f32 $3.200000000e+01, v14  }
0x35c: {  	v52 =	vadd.f32 v7, v5;
	[tilespmem:s23+$0x0] =	vst v6  }
0x35d: {  	[tilespmem:s24+$0x0] =	vst v8;
	v53 =	vadd.f32 v51, v5  }
0x35e: {  	v54 =	vld [tilespmem:s2+$0x18600];
	[tilespmem:s21+$0x0] =	vst v52  }
0x35f: {  	v55 =	vld [tilespmem:s0+$0x18610];
	s31 =	sand.u32 $0x3E0, s29;
	[tilespmem:s1+$0x0] =	vst v53  }
0x360: {  	v7 =	vld [tilespmem:s31+$0x18600]  }
0x361: {  	v56 =	vld [tilespmem:s13+$0x18610];
	_ =	sdelay $0x2  }
0x362: {  	v57 =	vmul.f32 v54, v3;
	v58 =	vmul.f32 v55, v2  }
0x363: {  	s28 =	sadd.s32 $0x1, s28;
	v2 =	vmul.f32 v54, v2;
	v3 =	vmul.f32 v55, v3  }
0x364: {  	p0 =	sne.s32 s28, $0x8;
	v59 =	vsub.f32 v57, v58;
	v60 =	vmul.f32 v7, v5;
	v61 =	vmul.f32 v56, v4  }
.Ltmp9:
0x365: {  	[tilespmem:s30+$0x18200] =	vst v12;
	v2 =	vadd.f32 v3, v2;
	v3 =	vmul.f32 v7, v4;
	v62 =	vmul.f32 v56, v5;
	(pc) =	sbr.rel @p0 .LBB2_18-.Ltmp9, $4  }
0x366: {  	[tilespmem:s0+$0x18210] =	vst v59;
	v63 =	vsub.f32 v60, v61  }
0x367: {  	[tilespmem:s0+$0x18200] =	vst v2;
	v2 =	vadd.f32 v62, v3  }
0x368: {  	[tilespmem:s13+$0x18210] =	vst v63  }
0x369: {  	[tilespmem:s13+$0x18200] =	vst v2  }
0x36a: {  	s25 =	simm.s32 $0x0;
	s0 =	rddreg [dreg:$0x1b];
	s1 =	simm.s32 $0x8200  }
0x36b: {  	[hbm4b:s0+s25] =	stream.linear.scatter [tilespmem:s1], [sflag:$0x5], $0x2000, $0x38;
	[tilespmem:$0x18A00] =	vst v63  }
0x36c: {  	s2 =	rddreg [dreg:$0x1c];
	s3 =	simm.s32 $0xA200  }
0x36d: {  	[hbm4b:s2+s25] =	stream.linear.scatter [tilespmem:s3], [sflag:$0x5], $0x2000, $0x38;
	[tilespmem:$0x18A00] =	vst v63  }
0x36e: {  	s4 =	rddreg [dreg:$0x1d];
	s5 =	simm.s32 $0xC200  }
0x36f: {  	[hbm4b:s4+s25] =	stream.linear.scatter [tilespmem:s5], [sflag:$0x5], $0x2000, $0x38;
	[tilespmem:$0x18A00] =	vst v63  }
0x370: {  	s6 =	rddreg [dreg:$0x1e];
	s7 =	simm.s32 $0xE200;
	s8 =	simm.s32 $0x4  }
0x371: {  	[hbm4b:s6+s25] =	stream.linear.scatter [tilespmem:s7], [sflag:$0x5], $0x2000, $0x38;
	[tilespmem:$0x18A00] =	vst v63  }
0x372: {  	_ =	swait.ge [sflag:s8], $0x2000  }
0x373: {  	[sflag:s8] =	ssyncset.done $0x0  }
0x374: {  	[sflag:s8] =	ssyncadd.s32 $0xFFFFE000  }
0x375: {  	_ =	swait.ge [sflag:s8], $0x2000  }
0x376: {  	[sflag:s8] =	ssyncset.done $0x0  }
0x377: {  	[sflag:s8] =	ssyncadd.s32 $0xFFFFE000  }
0x378: {  	_ =	swait.ge [sflag:s8], $0x2000  }
0x379: {  	[sflag:s8] =	ssyncset.done $0x0  }
0x37a: {  	[sflag:s8] =	ssyncadd.s32 $0xFFFFE000  }
0x37b: {  	_ =	swait.ge [sflag:s8], $0x2000  }
0x37c: {  	[sflag:s8] =	ssyncset.done $0x0  }
0x37d: {  	[sflag:s8] =	ssyncadd.s32 $0xFFFFE000  }
0x37e: {  	v2 =	vld.msk [tilespmem:$0x30], $0xff;
	_ =	sdelay $0x4  }
0x37f: {  	v3 =	vshll.u32 v2, $0x3  }
0x380: {  	v2 =	vand.u32 $0x7, v2;
	v3 =	vand.u32 $0xFFFFFFC0, v3  }
0x381: {  	v2 =	vor.u32 v2, v3  }
0x382: {  	v2 =	vperm.xlane v2, v0;
	_ =	sdelay $0x1  }
0x383: {  	v2 =	vadd.s32 v1, v2;
	_ =	sdelay $0x3  }
0x384: {  	s12 =	simm.s32 $0x200;
	s0 =	rddreg [dreg:$0x1]  }
0x385: {  	[tilespmem:s12], [sflag:$0x1] =	stream.indirect_vreg.gather [hbm4b:s0+s25], $0x80, v2, vm0, $0xb8;
	[tilespmem:$0x18A00] =	vst v63  }
0x386: {  	s13 =	simm.s32 $0xA00  }
0x387: {  	[tilespmem:s13], [sflag:$0x1] =	stream.indirect_vreg.gather [hbm4b:s9+s25], $0x80, v2, vm0, $0xb8;
	[tilespmem:$0x18A00] =	vst v63  }
0x388: {  	s14 =	simm.s32 $0x1200  }
0x389: {  	[tilespmem:s14], [sflag:$0x1] =	stream.indirect_vreg.gather [hbm4b:s10+s25], $0x80, v2, vm0, $0xb8;
	[tilespmem:$0x18A00] =	vst v63  }
0x38a: {  	s15 =	simm.s32 $0x1A00  }
0x38b: {  	[tilespmem:s15], [sflag:$0x1] =	stream.indirect_vreg.gather [hbm4b:s11+s25], $0x80, v2, vm0, $0xb8;
	[tilespmem:$0x18A00] =	vst v63  }
0x38c: {  	v2 =	vld.msk [tilespmem:$0xB0], $0xff;
	_ =	sdelay $0x4  }
0x38d: {  	v3 =	vshll.u32 v2, $0x3  }
0x38e: {  	v2 =	vand.u32 $0x7, v2;
	v3 =	vand.u32 $0xFFFFFFC0, v3  }
0x38f: {  	v2 =	vor.u32 v2, v3  }
0x390: {  	v2 =	vperm.xlane v2, v0;
	_ =	sdelay $0x1  }
0x391: {  	v2 =	vadd.s32 v1, v2;
	_ =	sdelay $0x3  }
0x392: {  	s16 =	simm.s32 $0x2200  }
0x393: {  	[tilespmem:s16], [sflag:$0x1] =	stream.indirect_vreg.gather [hbm4b:s0+s25], $0x80, v2, vm0, $0xb8;
	[tilespmem:$0x18A00] =	vst v63  }
0x394: {  	s17 =	simm.s32 $0x2A00  }
0x395: {  	[tilespmem:s17], [sflag:$0x1] =	stream.indirect_vreg.gather [hbm4b:s9+s25], $0x80, v2, vm0, $0xb8;
	[tilespmem:$0x18A00] =	vst v63  }
0x396: {  	s18 =	simm.s32 $0x3200  }
0x397: {  	[tilespmem:s18], [sflag:$0x1] =	stream.indirect_vreg.gather [hbm4b:s10+s25], $0x80, v2, vm0, $0xb8;
	[tilespmem:$0x18A00] =	vst v63  }
0x398: {  	s19 =	simm.s32 $0x3A00  }
0x399: {  	[tilespmem:s19], [sflag:$0x1] =	stream.indirect_vreg.gather [hbm4b:s11+s25], $0x80, v2, vm0, $0xb8;
	[tilespmem:$0x18A00] =	vst v63  }
0x39a: {  	v2 =	vld.msk [tilespmem:$0x130], $0xff;
	_ =	sdelay $0x4  }
0x39b: {  	v3 =	vshll.u32 v2, $0x3  }
0x39c: {  	v2 =	vand.u32 $0x7, v2;
	v3 =	vand.u32 $0xFFFFFFC0, v3  }
0x39d: {  	v2 =	vor.u32 v2, v3  }
0x39e: {  	v2 =	vperm.xlane v2, v0;
	_ =	sdelay $0x1  }
0x39f: {  	v2 =	vadd.s32 v1, v2;
	_ =	sdelay $0x3  }
0x3a0: {  	s20 =	simm.s32 $0x4200  }
0x3a1: {  	[tilespmem:s20], [sflag:$0x1] =	stream.indirect_vreg.gather [hbm4b:s0+s25], $0x80, v2, vm0, $0xb8;
	[tilespmem:$0x18A00] =	vst v63  }
0x3a2: {  	s21 =	simm.s32 $0x4A00  }
0x3a3: {  	[tilespmem:s21], [sflag:$0x1] =	stream.indirect_vreg.gather [hbm4b:s9+s25], $0x80, v2, vm0, $0xb8;
	[tilespmem:$0x18A00] =	vst v63  }
0x3a4: {  	s22 =	simm.s32 $0x5200  }
0x3a5: {  	[tilespmem:s22], [sflag:$0x1] =	stream.indirect_vreg.gather [hbm4b:s10+s25], $0x80, v2, vm0, $0xb8;
	[tilespmem:$0x18A00] =	vst v63  }
0x3a6: {  	s23 =	simm.s32 $0x5A00  }
0x3a7: {  	[tilespmem:s23], [sflag:$0x1] =	stream.indirect_vreg.gather [hbm4b:s11+s25], $0x80, v2, vm0, $0xb8;
	[tilespmem:$0x18A00] =	vst v63  }
0x3a8: {  	v2 =	vld.msk [tilespmem:$0x1B0], $0xff;
	_ =	sdelay $0x4  }
0x3a9: {  	v3 =	vshll.u32 v2, $0x3  }
0x3aa: {  	v2 =	vand.u32 $0x7, v2;
	v3 =	vand.u32 $0xFFFFFFC0, v3  }
0x3ab: {  	v2 =	vor.u32 v2, v3  }
0x3ac: {  	v2 =	vperm.xlane v2, v0;
	_ =	sdelay $0x1  }
0x3ad: {  	v2 =	vadd.s32 v1, v2;
	_ =	sdelay $0x3  }
0x3ae: {  	s24 =	simm.s32 $0x6200  }
0x3af: {  	[tilespmem:s24], [sflag:$0x1] =	stream.indirect_vreg.gather [hbm4b:s0+s25], $0x80, v2, vm0, $0xb8;
	[tilespmem:$0x18A00] =	vst v63  }
0x3b0: {  	s26 =	simm.s32 $0x6A00  }
0x3b1: {  	[tilespmem:s26], [sflag:$0x1] =	stream.indirect_vreg.gather [hbm4b:s9+s25], $0x80, v2, vm0, $0xb8;
	[tilespmem:$0x18A00] =	vst v63  }
0x3b2: {  	s29 =	simm.s32 $0x7200  }
0x3b3: {  	[tilespmem:s29], [sflag:$0x1] =	stream.indirect_vreg.gather [hbm4b:s10+s25], $0x80, v2, vm0, $0xb8;
	[tilespmem:$0x18A00] =	vst v63  }
0x3b4: {  	s30 =	simm.s32 $0x7A00;
	s31 =	simm.s32 $0x3  }
0x3b5: {  	[tilespmem:s30], [sflag:$0x1] =	stream.indirect_vreg.gather [hbm4b:s11+s25], $0x80, v2, vm0, $0xb8;
	[tilespmem:$0x18A00] =	vst v63  }
0x3b6: {  	_ =	swait.ge [sflag:s31], $0x2000  }
0x3b7: {  	[sflag:s31] =	ssyncset.done $0x0  }
0x3b8: {  	[sflag:s31] =	ssyncadd.s32 $0xFFFFE000  }
0x3b9: {  	_ =	swait.ge [sflag:s31], $0x2000  }
0x3ba: {  	[sflag:s31] =	ssyncset.done $0x0  }
0x3bb: {  	[sflag:s31] =	ssyncadd.s32 $0xFFFFE000  }
0x3bc: {  	_ =	swait.ge [sflag:s31], $0x2000  }
0x3bd: {  	[sflag:s31] =	ssyncset.done $0x0  }
0x3be: {  	[sflag:s31] =	ssyncadd.s32 $0xFFFFE000  }
0x3bf: {  	_ =	swait.ge [sflag:s31], $0x2000  }
0x3c0: {  	[sflag:s31] =	ssyncset.done $0x0  }
0x3c1: {  	s28 =	simm.s32 $0x0;
	[sflag:s31] =	ssyncadd.s32 $0xFFFFE000  }
.LBB2_22:
0x3c2: {  	s0 =	sshll.u32 s28, $0x7  }
0x3c3: {  	s30 =	simm.s32 $0x0;
	s2 =	sand.u32 $0xC00, s25;
	s1 =	sadd.s32 $0x10200, s0  }
0x3c4: {  	s3 =	sand.u32 $0x70, s25;
	s12 =	sadd.s32 $0x12200, s0;
	v6 =	vld [tilespmem:s30+$0x18200];
	s4 =	sadd.s32 s2, s1  }
0x3c5: {  	s7 =	sadd.s32 $0x14200, s0;
	v7 =	vld [tilespmem:s30+$0x18210];
	s5 =	sadd.s32 s2, s12;
	s4 =	sadd.s32 s3, s4  }
0x3c6: {  	s8 =	sadd.s32 $0x16200, s0;
	s15 =	sadd.s32 s2, s7;
	s5 =	sadd.s32 s3, s5;
	v2 =	vld [tilespmem:s4+$0x0]  }
0x3c7: {  	s6 =	sor.u32 $0x1000, s2;
	s16 =	sadd.s32 s2, s8;
	s13 =	sadd.s32 s3, s15;
	v3 =	vld [tilespmem:s5+$0x0]  }
0x3c8: {  	s17 =	sadd.s32 s6, s1;
	s14 =	sadd.s32 s3, s16;
	v4 =	vld [tilespmem:s13+$0x0]  }
0x3c9: {  	s18 =	sadd.s32 s6, s12;
	s2 =	sadd.s32 s3, s17;
	v5 =	vld [tilespmem:s14+$0x0]  }
0x3ca: {  	s19 =	sadd.s32 s6, s7;
	s15 =	sadd.s32 s3, s18;
	v8 =	vld [tilespmem:s2+$0x0]  }
0x3cb: {  	s20 =	sadd.s32 s6, s8;
	s16 =	sadd.s32 s3, s19;
	v9 =	vld [tilespmem:s15+$0x0];
	v2 =	vmul.f32 $3.200000000e+01, v2  }
0x3cc: {  	s21 =	simm.s32 $0x80;
	s3 =	sadd.s32 s3, s20;
	v10 =	vld [tilespmem:s16+$0x0];
	v3 =	vmul.f32 $3.200000000e+01, v3  }
0x3cd: {  	s0 =	simm.s32 $0x20;
	s6 =	sand.u32 $0xC00, s21;
	s17 =	simm.s32 $0x10;
	v12 =	vld [tilespmem:s3+$0x0];
	v4 =	vmul.f32 $3.200000000e+01, v4;
	v11 =	vadd.f32 v2, v6  }
0x3ce: {  	s18 =	sadd.s32 s6, s1;
	s24 =	sor.u32 $0x1000, s6;
	s17 =	sand.u32 $0x70, s17;
	v5 =	vmul.f32 $3.200000000e+01, v5;
	v13 =	vadd.f32 v3, v6;
	v2 =	vld [tilespmem:s0+$0x18200]  }
0x3cf: {  	s20 =	sadd.s32 s24, s12;
	v8 =	vmul.f32 $3.200000000e+01, v8;
	v4 =	vadd.f32 v4, v6;
	v3 =	vld [tilespmem:s0+$0x18210];
	[tilespmem:s4+$0x0] =	vst v11;
	s4 =	sadd.s32 s17, s18  }
0x3d0: {  	s22 =	sadd.s32 s6, s12;
	s20 =	sadd.s32 s17, s20;
	v9 =	vmul.f32 $3.200000000e+01, v9;
	v5 =	vadd.f32 v5, v6;
	[tilespmem:s5+$0x0] =	vst v13;
	v11 =	vld [tilespmem:s4+$0x0]  }
0x3d1: {  	s23 =	sadd.s32 s6, s7;
	v8 =	vadd.f32 v8, v7;
	s5 =	sadd.s32 s17, s22;
	v13 =	vld [tilespmem:s20+$0x0];
	[tilespmem:s13+$0x0] =	vst v4;
	v4 =	vmul.f32 $3.200000000e+01, v10  }
0x3d2: {  	s6 =	sadd.s32 s6, s8;
	v12 =	vmul.f32 $3.200000000e+01, v12;
	v9 =	vadd.f32 v9, v7;
	s18 =	sadd.s32 s17, s23;
	v10 =	vld [tilespmem:s5+$0x0];
	[tilespmem:s14+$0x0] =	vst v5  }
0x3d3: {  	s26 =	sadd.s32 s24, s1;
	s19 =	sadd.s32 s17, s6;
	v5 =	vld [tilespmem:s18+$0x0];
	[tilespmem:s2+$0x0] =	vst v8;
	v4 =	vadd.f32 v4, v7  }
0x3d4: {  	s21 =	sadd.s32 s24, s7;
	v12 =	vadd.f32 v12, v7;
	s2 =	sadd.s32 s17, s26;
	v8 =	vld [tilespmem:s19+$0x0];
	[tilespmem:s15+$0x0] =	vst v9  }
0x3d5: {  	v9 =	vld [tilespmem:s2+$0x0];
	[tilespmem:s16+$0x0] =	vst v4;
	s16 =	sadd.s32 s17, s21  }
0x3d6: {  	s22 =	sand.u32 $0x3E0, s25;
	v4 =	vmul.f32 $3.200000000e+01, v11;
	v11 =	vld [tilespmem:s16+$0x0];
	[tilespmem:s3+$0x0] =	vst v12  }
0x3d7: {  	s23 =	sadd.s32 s24, s8;
	v10 =	vmul.f32 $3.200000000e+01, v10;
	v12 =	vld [tilespmem:s22+$0x18600]  }
0x3d8: {  	s15 =	simm.s32 $0x100;
	s3 =	sadd.s32 s17, s23;
	v14 =	vadd.f32 v4, v2;
	v5 =	vmul.f32 $3.200000000e+01, v5;
	v15 =	vld [tilespmem:s30+$0x18610]  }
0x3d9: {  	s13 =	simm.s32 $0x40;
	s24 =	sand.u32 $0xC00, s15;
	v16 =	vld [tilespmem:s3+$0x0];
	s22 =	simm.s32 $0x20;
	v10 =	vadd.f32 v10, v2;
	v8 =	vmul.f32 $3.200000000e+01, v8  }
0x3da: {  	s26 =	sadd.s32 s24, s1;
	s6 =	sadd.s32 s24, s12;
	v4 =	vld [tilespmem:s13+$0x18200];
	s14 =	sand.u32 $0x70, s22;
	[tilespmem:s4+$0x0] =	vst v14;
	v9 =	vmul.f32 $3.200000000e+01, v9;
	v14 =	vadd.f32 v5, v2  }
0x3db: {  	s21 =	sadd.s32 s24, s7;
	v5 =	vld [tilespmem:s13+$0x18210];
	s26 =	sadd.s32 s14, s26;
	s4 =	sor.u32 $0x1000, s24;
	[tilespmem:s5+$0x0] =	vst v10;
	v10 =	vmul.f32 $3.200000000e+01, v13;
	v13 =	vadd.f32 v8, v2  }
0x3dc: {  	s23 =	sadd.s32 s24, s8;
	s31 =	sadd.s32 s14, s6;
	v17 =	vld [tilespmem:s26+$0x0];
	s24 =	sadd.s32 s4, s1;
	v9 =	vadd.f32 v9, v3;
	[tilespmem:s18+$0x0] =	vst v14;
	v11 =	vmul.f32 $3.200000000e+01, v11  }
0x3dd: {  	v8 =	vld [tilespmem:s31+$0x0];
	s18 =	sadd.s32 s14, s23;
	s23 =	sadd.s32 s14, s24;
	v10 =	vadd.f32 v10, v3;
	[tilespmem:s19+$0x0] =	vst v13;
	v13 =	vmul.f32 v12, v7;
	v14 =	vmul.f32 v15, v6  }
0x3de: {  	s6 =	sadd.s32 s14, s21;
	v16 =	vmul.f32 $3.200000000e+01, v16;
	v12 =	vmul.f32 v12, v6;
	v6 =	vld [tilespmem:s23+$0x0];
	[tilespmem:s2+$0x0] =	vst v9;
	v11 =	vadd.f32 v11, v3  }
0x3df: {  	v7 =	vmul.f32 v15, v7;
	s19 =	sadd.s32 s4, s7;
	v9 =	vld [tilespmem:s6+$0x0];
	[tilespmem:s20+$0x0] =	vst v10;
	v13 =	vsub.f32 v13, v14  }
0x3e0: {  	s17 =	sadd.s32 s4, s12;
	s21 =	sadd.s32 s14, s19;
	v10 =	vld [tilespmem:s18+$0x0];
	v14 =	vadd.f32 v16, v3;
	[tilespmem:s16+$0x0] =	vst v11  }
0x3e1: {  	s24 =	sadd.s32 s14, s17;
	s20 =	simm.s32 $0x20;
	v12 =	vadd.f32 v7, v12;
	v7 =	vld [tilespmem:s21+$0x0];
	[tilespmem:s30+$0x18210] =	vst v13  }
0x3e2: {  	s29 =	simm.s32 $0x40;
	s19 =	simm.s32 $0x60;
	v11 =	vld [tilespmem:s24+$0x0];
	s2 =	sand.u32 $0x3E0, s20;
	v13 =	vmul.f32 $3.200000000e+01, v17;
	[tilespmem:s3+$0x0] =	vst v14  }
.LBB2_23:
0x3e3: {  	p0 =	sne.s32 s19, $0x3E0;
	v8 =	vmul.f32 $3.200000000e+01, v8;
	s3 =	sadd.s32 s4, s8;
	v14 =	vld [tilespmem:s2+$0x18600];
	[tilespmem:s30+$0x18200] =	vst v12;
	s30 =	smov.u32 s0  }
0x3e4: {  	v9 =	vmul.f32 $3.200000000e+01, v9;
	s15 =	sadd.s32 $0x80, s15;
	s0 =	smov.u32 s13;
	v12 =	vadd.f32 v13, v4;
	s2 =	sadd.s32 s14, s3;
	v13 =	vld [tilespmem:s30+$0x18610]  }
0x3e5: {  	s22 =	sadd.s32 $0x10, s22;
	s13 =	sshra.s32 s15, $0x2;
	s3 =	sand.u32 $0xC00, s15;
	v10 =	vmul.f32 $3.200000000e+01, v10;
	v8 =	vadd.f32 v8, v4;
	v15 =	vld [tilespmem:s2+$0x0]  }
0x3e6: {  	s14 =	sand.u32 $0x70, s22;
	s4 =	sadd.s32 s3, s1;
	v6 =	vmul.f32 $3.200000000e+01, v6;
	v9 =	vadd.f32 v9, v4;
	v16 =	vld [tilespmem:s13+$0x18200];
	[tilespmem:s26+$0x0] =	vst v12  }
0x3e7: {  	s26 =	sadd.s32 s14, s4;
	s4 =	sadd.s32 s3, s12;
	v11 =	vmul.f32 $3.200000000e+01, v11;
	v10 =	vadd.f32 v10, v4;
	v17 =	vld [tilespmem:s13+$0x18210];
	[tilespmem:s31+$0x0] =	vst v8  }
0x3e8: {  	s5 =	sadd.s32 s3, s7;
	s31 =	sadd.s32 s14, s4;
	v6 =	vadd.f32 v6, v5;
	v7 =	vmul.f32 $3.200000000e+01, v7;
	v18 =	vld [tilespmem:s26+$0x0];
	[tilespmem:s6+$0x0] =	vst v9;
	v12 =	vmul.f32 v14, v2  }
0x3e9: {  	s4 =	sor.u32 $0x1000, s3;
	s3 =	sadd.s32 s3, s8;
	s6 =	sadd.s32 s14, s5;
	v11 =	vadd.f32 v11, v5;
	v14 =	vmul.f32 v14, v3;
	v8 =	vld [tilespmem:s31+$0x0];
	[tilespmem:s18+$0x0] =	vst v10;
	v19 =	vmul.f32 v13, v2  }
.Ltmp10:
0x3ea: {  	s5 =	sadd.s32 s4, s1;
	s18 =	sadd.s32 s14, s3;
	v7 =	vadd.f32 v7, v5;
	v13 =	vmul.f32 v13, v3;
	v2 =	vmovc v4;
	v9 =	vld [tilespmem:s6+$0x0];
	[tilespmem:s23+$0x0] =	vst v6;
	v15 =	vmul.f32 $3.200000000e+01, v15;
	(pc) =	sbr.rel @p0 .LBB2_23-.Ltmp10, $4  }
0x3eb: {  	s3 =	sadd.s32 s4, s12;
	v3 =	vmov v5;
	s23 =	sadd.s32 s14, s5;
	v10 =	vld [tilespmem:s18+$0x0];
	[tilespmem:s24+$0x0] =	vst v11;
	v14 =	vsub.f32 v14, v19;
	v4 =	vmov v16  }
0x3ec: {  	s24 =	sadd.s32 s14, s3;
	s3 =	sadd.s32 s4, s7;
	v12 =	vadd.f32 v13, v12;
	v6 =	vld [tilespmem:s23+$0x0];
	[tilespmem:s21+$0x0] =	vst v7;
	v15 =	vadd.f32 v15, v3;
	v5 =	vmov v17  }
0x3ed: {  	s21 =	sadd.s32 s14, s3;
	v11 =	vld [tilespmem:s24+$0x0];
	[tilespmem:s30+$0x18210] =	vst v14  }
0x3ee: {  	v13 =	vmul.f32 $3.200000000e+01, v18;
	v7 =	vld [tilespmem:s21+$0x0];
	[tilespmem:s2+$0x0] =	vst v15;
	s2 =	sand.u32 $0x3E0, s29;
	s29 =	smov.u32 s19;
	s19 =	sadd.s32 $0x20, s19  }
0x3ef: {  	s1 =	sadd.s32 s4, s8  }
0x3f0: {  	v8 =	vmul.f32 $3.200000000e+01, v8;
	s1 =	sadd.s32 s14, s1  }
0x3f1: {  	v9 =	vmul.f32 $3.200000000e+01, v9;
	v13 =	vadd.f32 v13, v4;
	v14 =	vld [tilespmem:s1+$0x0]  }
0x3f2: {  	v10 =	vmul.f32 $3.200000000e+01, v10;
	v8 =	vadd.f32 v8, v4  }
0x3f3: {  	v6 =	vmul.f32 $3.200000000e+01, v6;
	v9 =	vadd.f32 v9, v4;
	[tilespmem:s26+$0x0] =	vst v13  }
0x3f4: {  	v50 =	vmul.f32 $3.200000000e+01, v11;
	v10 =	vadd.f32 v10, v4;
	[tilespmem:s31+$0x0] =	vst v8  }
0x3f5: {  	v6 =	vadd.f32 v6, v5;
	v7 =	vmul.f32 $3.200000000e+01, v7;
	[tilespmem:s6+$0x0] =	vst v9  }
0x3f6: {  	v8 =	vadd.f32 v50, v5;
	[tilespmem:s18+$0x0] =	vst v10;
	v51 =	vmul.f32 $3.200000000e+01, v14  }
0x3f7: {  	v52 =	vadd.f32 v7, v5;
	[tilespmem:s23+$0x0] =	vst v6  }
0x3f8: {  	[tilespmem:s24+$0x0] =	vst v8;
	v53 =	vadd.f32 v51, v5  }
0x3f9: {  	v54 =	vld [tilespmem:s2+$0x18600];
	[tilespmem:s21+$0x0] =	vst v52  }
0x3fa: {  	v55 =	vld [tilespmem:s0+$0x18610];
	s31 =	sand.u32 $0x3E0, s29;
	[tilespmem:s1+$0x0] =	vst v53  }
0x3fb: {  	v7 =	vld [tilespmem:s31+$0x18600]  }
0x3fc: {  	v56 =	vld [tilespmem:s13+$0x18610];
	_ =	sdelay $0x2  }
0x3fd: {  	v57 =	vmul.f32 v54, v3;
	v58 =	vmul.f32 v55, v2  }
0x3fe: {  	s28 =	sadd.s32 $0x1, s28;
	v2 =	vmul.f32 v54, v2;
	v3 =	vmul.f32 v55, v3  }
0x3ff: {  	p0 =	sne.s32 s28, $0x8;
	v59 =	vsub.f32 v57, v58;
	v60 =	vmul.f32 v7, v5;
	v61 =	vmul.f32 v56, v4  }
.Ltmp11:
0x400: {  	[tilespmem:s30+$0x18200] =	vst v12;
	v2 =	vadd.f32 v3, v2;
	v3 =	vmul.f32 v7, v4;
	v62 =	vmul.f32 v56, v5;
	(pc) =	sbr.rel @p0 .LBB2_22-.Ltmp11, $4  }
0x401: {  	[tilespmem:s0+$0x18210] =	vst v59;
	v63 =	vsub.f32 v60, v61  }
0x402: {  	[tilespmem:s0+$0x18200] =	vst v2;
	v2 =	vadd.f32 v62, v3  }
0x403: {  	[tilespmem:s13+$0x18210] =	vst v63  }
0x404: {  	[tilespmem:s13+$0x18200] =	vst v2  }
0x405: {  	s0 =	rddreg [dreg:$0x1f]  }
0x406: {  	s25 =	simm.s32 $0x0;
	s1 =	simm.s32 $0x10200;
	s2 =	sld [smem:$0x7F3]  }
0x407: {  	[hbm4b:s0+s25] =	stream.linear.scatter [tilespmem:s1], [sflag:$0x6], $0x2000, $0x38;
	[tilespmem:$0x18A00] =	vst v63  }
0x408: {  	s3 =	simm.s32 $0x12200;
	s4 =	sld [smem:$0x7F4]  }
0x409: {  	[hbm4b:s2+s25] =	stream.linear.scatter [tilespmem:s3], [sflag:$0x6], $0x2000, $0x38;
	[tilespmem:$0x18A00] =	vst v63  }
0x40a: {  	s5 =	simm.s32 $0x14200;
	s6 =	sld [smem:$0x7F5]  }
0x40b: {  	[hbm4b:s4+s25] =	stream.linear.scatter [tilespmem:s5], [sflag:$0x6], $0x2000, $0x38;
	[tilespmem:$0x18A00] =	vst v63  }
0x40c: {  	s7 =	simm.s32 $0x16200;
	s8 =	simm.s32 $0x5  }
0x40d: {  	[hbm4b:s6+s25] =	stream.linear.scatter [tilespmem:s7], [sflag:$0x6], $0x2000, $0x38;
	[tilespmem:$0x18A00] =	vst v63  }
0x40e: {  	_ =	swait.ge [sflag:s8], $0x2000  }
0x40f: {  	[sflag:s8] =	ssyncset.done $0x0  }
0x410: {  	[sflag:s8] =	ssyncadd.s32 $0xFFFFE000  }
0x411: {  	_ =	swait.ge [sflag:s8], $0x2000  }
0x412: {  	[sflag:s8] =	ssyncset.done $0x0  }
0x413: {  	[sflag:s8] =	ssyncadd.s32 $0xFFFFE000  }
0x414: {  	_ =	swait.ge [sflag:s8], $0x2000  }
0x415: {  	[sflag:s8] =	ssyncset.done $0x0  }
0x416: {  	[sflag:s8] =	ssyncadd.s32 $0xFFFFE000  }
0x417: {  	_ =	swait.ge [sflag:s8], $0x2000  }
0x418: {  	[sflag:s8] =	ssyncset.done $0x0  }
0x419: {  	[sflag:s8] =	ssyncadd.s32 $0xFFFFE000  }
0x41a: {  	v2 =	vld.msk [tilespmem:$0x38], $0xff;
	_ =	sdelay $0x4  }
0x41b: {  	v3 =	vshll.u32 v2, $0x3  }
0x41c: {  	v2 =	vand.u32 $0x7, v2;
	v3 =	vand.u32 $0xFFFFFFC0, v3  }
0x41d: {  	v2 =	vor.u32 v2, v3  }
0x41e: {  	v2 =	vperm.xlane v2, v0;
	_ =	sdelay $0x1  }
0x41f: {  	v2 =	vadd.s32 v1, v2;
	_ =	sdelay $0x3  }
0x420: {  	s12 =	simm.s32 $0x8200;
	s0 =	rddreg [dreg:$0x1]  }
0x421: {  	[tilespmem:s12], [sflag:$0x2] =	stream.indirect_vreg.gather [hbm4b:s0+s25], $0x80, v2, vm0, $0xb8;
	[tilespmem:$0x18A00] =	vst v63  }
0x422: {  	s13 =	simm.s32 $0x8A00  }
0x423: {  	[tilespmem:s13], [sflag:$0x2] =	stream.indirect_vreg.gather [hbm4b:s9+s25], $0x80, v2, vm0, $0xb8;
	[tilespmem:$0x18A00] =	vst v63  }
0x424: {  	s14 =	simm.s32 $0x9200  }
0x425: {  	[tilespmem:s14], [sflag:$0x2] =	stream.indirect_vreg.gather [hbm4b:s10+s25], $0x80, v2, vm0, $0xb8;
	[tilespmem:$0x18A00] =	vst v63  }
0x426: {  	s15 =	simm.s32 $0x9A00  }
0x427: {  	[tilespmem:s15], [sflag:$0x2] =	stream.indirect_vreg.gather [hbm4b:s11+s25], $0x80, v2, vm0, $0xb8;
	[tilespmem:$0x18A00] =	vst v63  }
0x428: {  	v2 =	vld.msk [tilespmem:$0xB8], $0xff;
	_ =	sdelay $0x4  }
0x429: {  	v3 =	vshll.u32 v2, $0x3  }
0x42a: {  	v2 =	vand.u32 $0x7, v2;
	v3 =	vand.u32 $0xFFFFFFC0, v3  }
0x42b: {  	v2 =	vor.u32 v2, v3  }
0x42c: {  	v2 =	vperm.xlane v2, v0;
	_ =	sdelay $0x1  }
0x42d: {  	v2 =	vadd.s32 v1, v2;
	_ =	sdelay $0x3  }
0x42e: {  	s16 =	simm.s32 $0xA200  }
0x42f: {  	[tilespmem:s16], [sflag:$0x2] =	stream.indirect_vreg.gather [hbm4b:s0+s25], $0x80, v2, vm0, $0xb8;
	[tilespmem:$0x18A00] =	vst v63  }
0x430: {  	s17 =	simm.s32 $0xAA00  }
0x431: {  	[tilespmem:s17], [sflag:$0x2] =	stream.indirect_vreg.gather [hbm4b:s9+s25], $0x80, v2, vm0, $0xb8;
	[tilespmem:$0x18A00] =	vst v63  }
0x432: {  	s18 =	simm.s32 $0xB200  }
0x433: {  	[tilespmem:s18], [sflag:$0x2] =	stream.indirect_vreg.gather [hbm4b:s10+s25], $0x80, v2, vm0, $0xb8;
	[tilespmem:$0x18A00] =	vst v63  }
0x434: {  	s19 =	simm.s32 $0xBA00  }
0x435: {  	[tilespmem:s19], [sflag:$0x2] =	stream.indirect_vreg.gather [hbm4b:s11+s25], $0x80, v2, vm0, $0xb8;
	[tilespmem:$0x18A00] =	vst v63  }
0x436: {  	v2 =	vld.msk [tilespmem:$0x138], $0xff;
	_ =	sdelay $0x4  }
0x437: {  	v3 =	vshll.u32 v2, $0x3  }
0x438: {  	v2 =	vand.u32 $0x7, v2;
	v3 =	vand.u32 $0xFFFFFFC0, v3  }
0x439: {  	v2 =	vor.u32 v2, v3  }
0x43a: {  	v2 =	vperm.xlane v2, v0;
	_ =	sdelay $0x1  }
0x43b: {  	v2 =	vadd.s32 v1, v2;
	_ =	sdelay $0x3  }
0x43c: {  	s20 =	simm.s32 $0xC200  }
0x43d: {  	[tilespmem:s20], [sflag:$0x2] =	stream.indirect_vreg.gather [hbm4b:s0+s25], $0x80, v2, vm0, $0xb8;
	[tilespmem:$0x18A00] =	vst v63  }
0x43e: {  	s21 =	simm.s32 $0xCA00  }
0x43f: {  	[tilespmem:s21], [sflag:$0x2] =	stream.indirect_vreg.gather [hbm4b:s9+s25], $0x80, v2, vm0, $0xb8;
	[tilespmem:$0x18A00] =	vst v63  }
0x440: {  	s22 =	simm.s32 $0xD200  }
0x441: {  	[tilespmem:s22], [sflag:$0x2] =	stream.indirect_vreg.gather [hbm4b:s10+s25], $0x80, v2, vm0, $0xb8;
	[tilespmem:$0x18A00] =	vst v63  }
0x442: {  	s23 =	simm.s32 $0xDA00  }
0x443: {  	[tilespmem:s23], [sflag:$0x2] =	stream.indirect_vreg.gather [hbm4b:s11+s25], $0x80, v2, vm0, $0xb8;
	[tilespmem:$0x18A00] =	vst v63  }
0x444: {  	v2 =	vld.msk [tilespmem:$0x1B8], $0xff;
	_ =	sdelay $0x4  }
0x445: {  	v3 =	vshll.u32 v2, $0x3  }
0x446: {  	v2 =	vand.u32 $0x7, v2;
	v3 =	vand.u32 $0xFFFFFFC0, v3  }
0x447: {  	v2 =	vor.u32 v2, v3  }
0x448: {  	v2 =	vperm.xlane v2, v0;
	_ =	sdelay $0x1  }
0x449: {  	v2 =	vadd.s32 v1, v2;
	_ =	sdelay $0x3  }
0x44a: {  	s24 =	simm.s32 $0xE200  }
0x44b: {  	[tilespmem:s24], [sflag:$0x2] =	stream.indirect_vreg.gather [hbm4b:s0+s25], $0x80, v2, vm0, $0xb8;
	[tilespmem:$0x18A00] =	vst v63  }
0x44c: {  	s26 =	simm.s32 $0xEA00  }
0x44d: {  	[tilespmem:s26], [sflag:$0x2] =	stream.indirect_vreg.gather [hbm4b:s9+s25], $0x80, v2, vm0, $0xb8;
	[tilespmem:$0x18A00] =	vst v63  }
0x44e: {  	s29 =	simm.s32 $0xF200  }
0x44f: {  	[tilespmem:s29], [sflag:$0x2] =	stream.indirect_vreg.gather [hbm4b:s10+s25], $0x80, v2, vm0, $0xb8;
	[tilespmem:$0x18A00] =	vst v63  }
0x450: {  	s30 =	simm.s32 $0xFA00;
	s31 =	simm.s32 $0x1  }
0x451: {  	[tilespmem:s30], [sflag:$0x2] =	stream.indirect_vreg.gather [hbm4b:s11+s25], $0x80, v2, vm0, $0xb8;
	[tilespmem:$0x18A00] =	vst v63  }
0x452: {  	_ =	swait.ge [sflag:s31], $0x2000  }
0x453: {  	[sflag:s31] =	ssyncset.done $0x0  }
0x454: {  	[sflag:s31] =	ssyncadd.s32 $0xFFFFE000  }
0x455: {  	_ =	swait.ge [sflag:s31], $0x2000  }
0x456: {  	[sflag:s31] =	ssyncset.done $0x0  }
0x457: {  	[sflag:s31] =	ssyncadd.s32 $0xFFFFE000  }
0x458: {  	_ =	swait.ge [sflag:s31], $0x2000  }
0x459: {  	[sflag:s31] =	ssyncset.done $0x0  }
0x45a: {  	[sflag:s31] =	ssyncadd.s32 $0xFFFFE000  }
0x45b: {  	_ =	swait.ge [sflag:s31], $0x2000  }
0x45c: {  	[sflag:s31] =	ssyncset.done $0x0  }
0x45d: {  	s28 =	simm.s32 $0x0;
	[sflag:s31] =	ssyncadd.s32 $0xFFFFE000  }
.LBB2_26:
0x45e: {  	s0 =	sshll.u32 s28, $0x7  }
0x45f: {  	s30 =	simm.s32 $0x0;
	s2 =	sand.u32 $0xC00, s25;
	s1 =	sadd.s32 $0x200, s0  }
0x460: {  	s3 =	sand.u32 $0x70, s25;
	s12 =	sadd.s32 $0x2200, s0;
	v6 =	vld [tilespmem:s30+$0x18200];
	s4 =	sadd.s32 s2, s1  }
0x461: {  	s7 =	sadd.s32 $0x4200, s0;
	v7 =	vld [tilespmem:s30+$0x18210];
	s5 =	sadd.s32 s2, s12;
	s4 =	sadd.s32 s3, s4  }
0x462: {  	s8 =	sadd.s32 $0x6200, s0;
	s15 =	sadd.s32 s2, s7;
	s5 =	sadd.s32 s3, s5;
	v2 =	vld [tilespmem:s4+$0x0]  }
0x463: {  	s6 =	sor.u32 $0x1000, s2;
	s16 =	sadd.s32 s2, s8;
	s13 =	sadd.s32 s3, s15;
	v3 =	vld [tilespmem:s5+$0x0]  }
0x464: {  	s17 =	sadd.s32 s6, s1;
	s14 =	sadd.s32 s3, s16;
	v4 =	vld [tilespmem:s13+$0x0]  }
0x465: {  	s18 =	sadd.s32 s6, s12;
	s2 =	sadd.s32 s3, s17;
	v5 =	vld [tilespmem:s14+$0x0]  }
0x466: {  	s19 =	sadd.s32 s6, s7;
	s15 =	sadd.s32 s3, s18;
	v8 =	vld [tilespmem:s2+$0x0]  }
0x467: {  	s20 =	sadd.s32 s6, s8;
	s16 =	sadd.s32 s3, s19;
	v9 =	vld [tilespmem:s15+$0x0];
	v2 =	vmul.f32 $3.200000000e+01, v2  }
0x468: {  	s21 =	simm.s32 $0x80;
	s3 =	sadd.s32 s3, s20;
	v10 =	vld [tilespmem:s16+$0x0];
	v3 =	vmul.f32 $3.200000000e+01, v3  }
0x469: {  	s0 =	simm.s32 $0x20;
	s6 =	sand.u32 $0xC00, s21;
	s17 =	simm.s32 $0x10;
	v12 =	vld [tilespmem:s3+$0x0];
	v4 =	vmul.f32 $3.200000000e+01, v4;
	v11 =	vadd.f32 v2, v6  }
0x46a: {  	s18 =	sadd.s32 s6, s1;
	s24 =	sor.u32 $0x1000, s6;
	s17 =	sand.u32 $0x70, s17;
	v5 =	vmul.f32 $3.200000000e+01, v5;
	v13 =	vadd.f32 v3, v6;
	v2 =	vld [tilespmem:s0+$0x18200]  }
0x46b: {  	s20 =	sadd.s32 s24, s12;
	v8 =	vmul.f32 $3.200000000e+01, v8;
	v4 =	vadd.f32 v4, v6;
	v3 =	vld [tilespmem:s0+$0x18210];
	[tilespmem:s4+$0x0] =	vst v11;
	s4 =	sadd.s32 s17, s18  }
0x46c: {  	s22 =	sadd.s32 s6, s12;
	s20 =	sadd.s32 s17, s20;
	v9 =	vmul.f32 $3.200000000e+01, v9;
	v5 =	vadd.f32 v5, v6;
	[tilespmem:s5+$0x0] =	vst v13;
	v11 =	vld [tilespmem:s4+$0x0]  }
0x46d: {  	s23 =	sadd.s32 s6, s7;
	v8 =	vadd.f32 v8, v7;
	s5 =	sadd.s32 s17, s22;
	v13 =	vld [tilespmem:s20+$0x0];
	[tilespmem:s13+$0x0] =	vst v4;
	v4 =	vmul.f32 $3.200000000e+01, v10  }
0x46e: {  	s6 =	sadd.s32 s6, s8;
	v12 =	vmul.f32 $3.200000000e+01, v12;
	v9 =	vadd.f32 v9, v7;
	s18 =	sadd.s32 s17, s23;
	v10 =	vld [tilespmem:s5+$0x0];
	[tilespmem:s14+$0x0] =	vst v5  }
0x46f: {  	s26 =	sadd.s32 s24, s1;
	s19 =	sadd.s32 s17, s6;
	v5 =	vld [tilespmem:s18+$0x0];
	[tilespmem:s2+$0x0] =	vst v8;
	v4 =	vadd.f32 v4, v7  }
0x470: {  	s21 =	sadd.s32 s24, s7;
	v12 =	vadd.f32 v12, v7;
	s2 =	sadd.s32 s17, s26;
	v8 =	vld [tilespmem:s19+$0x0];
	[tilespmem:s15+$0x0] =	vst v9  }
0x471: {  	v9 =	vld [tilespmem:s2+$0x0];
	[tilespmem:s16+$0x0] =	vst v4;
	s16 =	sadd.s32 s17, s21  }
0x472: {  	s22 =	sand.u32 $0x3E0, s25;
	v4 =	vmul.f32 $3.200000000e+01, v11;
	v11 =	vld [tilespmem:s16+$0x0];
	[tilespmem:s3+$0x0] =	vst v12  }
0x473: {  	s23 =	sadd.s32 s24, s8;
	v10 =	vmul.f32 $3.200000000e+01, v10;
	v12 =	vld [tilespmem:s22+$0x18600]  }
0x474: {  	s15 =	simm.s32 $0x100;
	s3 =	sadd.s32 s17, s23;
	v14 =	vadd.f32 v4, v2;
	v5 =	vmul.f32 $3.200000000e+01, v5;
	v15 =	vld [tilespmem:s30+$0x18610]  }
0x475: {  	s13 =	simm.s32 $0x40;
	s24 =	sand.u32 $0xC00, s15;
	v16 =	vld [tilespmem:s3+$0x0];
	s22 =	simm.s32 $0x20;
	v10 =	vadd.f32 v10, v2;
	v8 =	vmul.f32 $3.200000000e+01, v8  }
0x476: {  	s26 =	sadd.s32 s24, s1;
	s6 =	sadd.s32 s24, s12;
	v4 =	vld [tilespmem:s13+$0x18200];
	s14 =	sand.u32 $0x70, s22;
	[tilespmem:s4+$0x0] =	vst v14;
	v9 =	vmul.f32 $3.200000000e+01, v9;
	v14 =	vadd.f32 v5, v2  }
0x477: {  	s21 =	sadd.s32 s24, s7;
	v5 =	vld [tilespmem:s13+$0x18210];
	s26 =	sadd.s32 s14, s26;
	s4 =	sor.u32 $0x1000, s24;
	[tilespmem:s5+$0x0] =	vst v10;
	v10 =	vmul.f32 $3.200000000e+01, v13;
	v13 =	vadd.f32 v8, v2  }
0x478: {  	s23 =	sadd.s32 s24, s8;
	s31 =	sadd.s32 s14, s6;
	v17 =	vld [tilespmem:s26+$0x0];
	s24 =	sadd.s32 s4, s1;
	v9 =	vadd.f32 v9, v3;
	[tilespmem:s18+$0x0] =	vst v14;
	v11 =	vmul.f32 $3.200000000e+01, v11  }
0x479: {  	v8 =	vld [tilespmem:s31+$0x0];
	s18 =	sadd.s32 s14, s23;
	s23 =	sadd.s32 s14, s24;
	v10 =	vadd.f32 v10, v3;
	[tilespmem:s19+$0x0] =	vst v13;
	v13 =	vmul.f32 v12, v7;
	v14 =	vmul.f32 v15, v6  }
0x47a: {  	s6 =	sadd.s32 s14, s21;
	v16 =	vmul.f32 $3.200000000e+01, v16;
	v12 =	vmul.f32 v12, v6;
	v6 =	vld [tilespmem:s23+$0x0];
	[tilespmem:s2+$0x0] =	vst v9;
	v11 =	vadd.f32 v11, v3  }
0x47b: {  	v7 =	vmul.f32 v15, v7;
	s19 =	sadd.s32 s4, s7;
	v9 =	vld [tilespmem:s6+$0x0];
	[tilespmem:s20+$0x0] =	vst v10;
	v13 =	vsub.f32 v13, v14  }
0x47c: {  	s17 =	sadd.s32 s4, s12;
	s21 =	sadd.s32 s14, s19;
	v10 =	vld [tilespmem:s18+$0x0];
	v14 =	vadd.f32 v16, v3;
	[tilespmem:s16+$0x0] =	vst v11  }
0x47d: {  	s24 =	sadd.s32 s14, s17;
	s20 =	simm.s32 $0x20;
	v12 =	vadd.f32 v7, v12;
	v7 =	vld [tilespmem:s21+$0x0];
	[tilespmem:s30+$0x18210] =	vst v13  }
0x47e: {  	s29 =	simm.s32 $0x40;
	s19 =	simm.s32 $0x60;
	v11 =	vld [tilespmem:s24+$0x0];
	s2 =	sand.u32 $0x3E0, s20;
	v13 =	vmul.f32 $3.200000000e+01, v17;
	[tilespmem:s3+$0x0] =	vst v14  }
.LBB2_27:
0x47f: {  	p0 =	sne.s32 s19, $0x3E0;
	v8 =	vmul.f32 $3.200000000e+01, v8;
	s3 =	sadd.s32 s4, s8;
	v14 =	vld [tilespmem:s2+$0x18600];
	[tilespmem:s30+$0x18200] =	vst v12;
	s30 =	smov.u32 s0  }
0x480: {  	v9 =	vmul.f32 $3.200000000e+01, v9;
	s15 =	sadd.s32 $0x80, s15;
	s0 =	smov.u32 s13;
	v12 =	vadd.f32 v13, v4;
	s2 =	sadd.s32 s14, s3;
	v13 =	vld [tilespmem:s30+$0x18610]  }
0x481: {  	s22 =	sadd.s32 $0x10, s22;
	s13 =	sshra.s32 s15, $0x2;
	s3 =	sand.u32 $0xC00, s15;
	v10 =	vmul.f32 $3.200000000e+01, v10;
	v8 =	vadd.f32 v8, v4;
	v15 =	vld [tilespmem:s2+$0x0]  }
0x482: {  	s14 =	sand.u32 $0x70, s22;
	s4 =	sadd.s32 s3, s1;
	v6 =	vmul.f32 $3.200000000e+01, v6;
	v9 =	vadd.f32 v9, v4;
	v16 =	vld [tilespmem:s13+$0x18200];
	[tilespmem:s26+$0x0] =	vst v12  }
0x483: {  	s26 =	sadd.s32 s14, s4;
	s4 =	sadd.s32 s3, s12;
	v11 =	vmul.f32 $3.200000000e+01, v11;
	v10 =	vadd.f32 v10, v4;
	v17 =	vld [tilespmem:s13+$0x18210];
	[tilespmem:s31+$0x0] =	vst v8  }
0x484: {  	s5 =	sadd.s32 s3, s7;
	s31 =	sadd.s32 s14, s4;
	v6 =	vadd.f32 v6, v5;
	v7 =	vmul.f32 $3.200000000e+01, v7;
	v18 =	vld [tilespmem:s26+$0x0];
	[tilespmem:s6+$0x0] =	vst v9;
	v12 =	vmul.f32 v14, v2  }
0x485: {  	s4 =	sor.u32 $0x1000, s3;
	s3 =	sadd.s32 s3, s8;
	s6 =	sadd.s32 s14, s5;
	v11 =	vadd.f32 v11, v5;
	v14 =	vmul.f32 v14, v3;
	v8 =	vld [tilespmem:s31+$0x0];
	[tilespmem:s18+$0x0] =	vst v10;
	v19 =	vmul.f32 v13, v2  }
.Ltmp12:
0x486: {  	s5 =	sadd.s32 s4, s1;
	s18 =	sadd.s32 s14, s3;
	v7 =	vadd.f32 v7, v5;
	v13 =	vmul.f32 v13, v3;
	v2 =	vmovc v4;
	v9 =	vld [tilespmem:s6+$0x0];
	[tilespmem:s23+$0x0] =	vst v6;
	v15 =	vmul.f32 $3.200000000e+01, v15;
	(pc) =	sbr.rel @p0 .LBB2_27-.Ltmp12, $4  }
0x487: {  	s3 =	sadd.s32 s4, s12;
	v3 =	vmov v5;
	s23 =	sadd.s32 s14, s5;
	v10 =	vld [tilespmem:s18+$0x0];
	[tilespmem:s24+$0x0] =	vst v11;
	v14 =	vsub.f32 v14, v19;
	v4 =	vmov v16  }
0x488: {  	s24 =	sadd.s32 s14, s3;
	s3 =	sadd.s32 s4, s7;
	v12 =	vadd.f32 v13, v12;
	v6 =	vld [tilespmem:s23+$0x0];
	[tilespmem:s21+$0x0] =	vst v7;
	v15 =	vadd.f32 v15, v3;
	v5 =	vmov v17  }
0x489: {  	s21 =	sadd.s32 s14, s3;
	v11 =	vld [tilespmem:s24+$0x0];
	[tilespmem:s30+$0x18210] =	vst v14  }
0x48a: {  	v13 =	vmul.f32 $3.200000000e+01, v18;
	v7 =	vld [tilespmem:s21+$0x0];
	[tilespmem:s2+$0x0] =	vst v15;
	s2 =	sand.u32 $0x3E0, s29;
	s29 =	smov.u32 s19;
	s19 =	sadd.s32 $0x20, s19  }
0x48b: {  	s1 =	sadd.s32 s4, s8  }
0x48c: {  	v8 =	vmul.f32 $3.200000000e+01, v8;
	s1 =	sadd.s32 s14, s1  }
0x48d: {  	v9 =	vmul.f32 $3.200000000e+01, v9;
	v13 =	vadd.f32 v13, v4;
	v14 =	vld [tilespmem:s1+$0x0]  }
0x48e: {  	v10 =	vmul.f32 $3.200000000e+01, v10;
	v8 =	vadd.f32 v8, v4  }
0x48f: {  	v6 =	vmul.f32 $3.200000000e+01, v6;
	v9 =	vadd.f32 v9, v4;
	[tilespmem:s26+$0x0] =	vst v13  }
0x490: {  	v50 =	vmul.f32 $3.200000000e+01, v11;
	v10 =	vadd.f32 v10, v4;
	[tilespmem:s31+$0x0] =	vst v8  }
0x491: {  	v6 =	vadd.f32 v6, v5;
	v7 =	vmul.f32 $3.200000000e+01, v7;
	[tilespmem:s6+$0x0] =	vst v9  }
0x492: {  	v8 =	vadd.f32 v50, v5;
	[tilespmem:s18+$0x0] =	vst v10;
	v51 =	vmul.f32 $3.200000000e+01, v14  }
0x493: {  	v52 =	vadd.f32 v7, v5;
	[tilespmem:s23+$0x0] =	vst v6  }
0x494: {  	[tilespmem:s24+$0x0] =	vst v8;
	v53 =	vadd.f32 v51, v5  }
0x495: {  	v54 =	vld [tilespmem:s2+$0x18600];
	[tilespmem:s21+$0x0] =	vst v52  }
0x496: {  	v55 =	vld [tilespmem:s0+$0x18610];
	s31 =	sand.u32 $0x3E0, s29;
	[tilespmem:s1+$0x0] =	vst v53  }
0x497: {  	v7 =	vld [tilespmem:s31+$0x18600]  }
0x498: {  	v56 =	vld [tilespmem:s13+$0x18610];
	_ =	sdelay $0x2  }
0x499: {  	v57 =	vmul.f32 v54, v3;
	v58 =	vmul.f32 v55, v2  }
0x49a: {  	s28 =	sadd.s32 $0x1, s28;
	v2 =	vmul.f32 v54, v2;
	v3 =	vmul.f32 v55, v3  }
0x49b: {  	p0 =	sne.s32 s28, $0x8;
	v59 =	vsub.f32 v57, v58;
	v60 =	vmul.f32 v7, v5;
	v61 =	vmul.f32 v56, v4  }
.Ltmp13:
0x49c: {  	[tilespmem:s30+$0x18200] =	vst v12;
	v2 =	vadd.f32 v3, v2;
	v3 =	vmul.f32 v7, v4;
	v62 =	vmul.f32 v56, v5;
	(pc) =	sbr.rel @p0 .LBB2_26-.Ltmp13, $4  }
0x49d: {  	[tilespmem:s0+$0x18210] =	vst v59;
	v63 =	vsub.f32 v60, v61  }
0x49e: {  	[tilespmem:s0+$0x18200] =	vst v2;
	v2 =	vadd.f32 v62, v3  }
0x49f: {  	[tilespmem:s13+$0x18210] =	vst v63  }
0x4a0: {  	[tilespmem:s13+$0x18200] =	vst v2  }
0x4a1: {  	s0 =	sld [smem:$0x7F6];
	_ =	sdelay $0x1  }
0x4a2: {  	s25 =	simm.s32 $0x0;
	s1 =	simm.s32 $0x200;
	s22 =	sld [smem:$0x7F7]  }
0x4a3: {  	[hbm4b:s0+s25] =	stream.linear.scatter [tilespmem:s1], [sflag:$0x4], $0x2000, $0x38;
	[tilespmem:$0x18A00] =	vst v63  }
0x4a4: {  	s23 =	simm.s32 $0x2200;
	s24 =	sld [smem:$0x7F8]  }
0x4a5: {  	[hbm4b:s22+s25] =	stream.linear.scatter [tilespmem:s23], [sflag:$0x4], $0x2000, $0x38;
	[tilespmem:$0x18A00] =	vst v63  }
0x4a6: {  	s26 =	simm.s32 $0x4200;
	s29 =	sld [smem:$0x7F9]  }
0x4a7: {  	[hbm4b:s24+s25] =	stream.linear.scatter [tilespmem:s26], [sflag:$0x4], $0x2000, $0x38;
	[tilespmem:$0x18A00] =	vst v63  }
0x4a8: {  	s30 =	simm.s32 $0x6200;
	s31 =	simm.s32 $0x2  }
0x4a9: {  	[hbm4b:s29+s25] =	stream.linear.scatter [tilespmem:s30], [sflag:$0x4], $0x2000, $0x38;
	[tilespmem:$0x18A00] =	vst v63  }
0x4aa: {  	_ =	swait.ge [sflag:s31], $0x2000  }
0x4ab: {  	[sflag:s31] =	ssyncset.done $0x0  }
0x4ac: {  	[sflag:s31] =	ssyncadd.s32 $0xFFFFE000  }
0x4ad: {  	_ =	swait.ge [sflag:s31], $0x2000  }
0x4ae: {  	[sflag:s31] =	ssyncset.done $0x0  }
0x4af: {  	[sflag:s31] =	ssyncadd.s32 $0xFFFFE000  }
0x4b0: {  	_ =	swait.ge [sflag:s31], $0x2000  }
0x4b1: {  	[sflag:s31] =	ssyncset.done $0x0  }
0x4b2: {  	[sflag:s31] =	ssyncadd.s32 $0xFFFFE000  }
0x4b3: {  	_ =	swait.ge [sflag:s31], $0x2000  }
0x4b4: {  	[sflag:s31] =	ssyncset.done $0x0  }
0x4b5: {  	s28 =	simm.s32 $0x0;
	[sflag:s31] =	ssyncadd.s32 $0xFFFFE000  }
.LBB2_30:
0x4b6: {  	s0 =	sshll.u32 s28, $0x7  }
0x4b7: {  	s30 =	simm.s32 $0x0;
	s2 =	sand.u32 $0xC00, s25;
	s1 =	sadd.s32 $0x8200, s0  }
0x4b8: {  	s3 =	sand.u32 $0x70, s25;
	s12 =	sadd.s32 $0xA200, s0;
	v6 =	vld [tilespmem:s30+$0x18200];
	s4 =	sadd.s32 s2, s1  }
0x4b9: {  	s7 =	sadd.s32 $0xC200, s0;
	v7 =	vld [tilespmem:s30+$0x18210];
	s5 =	sadd.s32 s2, s12;
	s4 =	sadd.s32 s3, s4  }
0x4ba: {  	s8 =	sadd.s32 $0xE200, s0;
	s15 =	sadd.s32 s2, s7;
	s5 =	sadd.s32 s3, s5;
	v2 =	vld [tilespmem:s4+$0x0]  }
0x4bb: {  	s6 =	sor.u32 $0x1000, s2;
	s16 =	sadd.s32 s2, s8;
	s13 =	sadd.s32 s3, s15;
	v3 =	vld [tilespmem:s5+$0x0]  }
0x4bc: {  	s17 =	sadd.s32 s6, s1;
	s14 =	sadd.s32 s3, s16;
	v4 =	vld [tilespmem:s13+$0x0]  }
0x4bd: {  	s18 =	sadd.s32 s6, s12;
	s2 =	sadd.s32 s3, s17;
	v5 =	vld [tilespmem:s14+$0x0]  }
0x4be: {  	s19 =	sadd.s32 s6, s7;
	s15 =	sadd.s32 s3, s18;
	v8 =	vld [tilespmem:s2+$0x0]  }
0x4bf: {  	s20 =	sadd.s32 s6, s8;
	s16 =	sadd.s32 s3, s19;
	v9 =	vld [tilespmem:s15+$0x0];
	v2 =	vmul.f32 $3.200000000e+01, v2  }
0x4c0: {  	s21 =	simm.s32 $0x80;
	s3 =	sadd.s32 s3, s20;
	v10 =	vld [tilespmem:s16+$0x0];
	v3 =	vmul.f32 $3.200000000e+01, v3  }
0x4c1: {  	s0 =	simm.s32 $0x20;
	s6 =	sand.u32 $0xC00, s21;
	s17 =	simm.s32 $0x10;
	v12 =	vld [tilespmem:s3+$0x0];
	v4 =	vmul.f32 $3.200000000e+01, v4;
	v11 =	vadd.f32 v2, v6  }
0x4c2: {  	s18 =	sadd.s32 s6, s1;
	s24 =	sor.u32 $0x1000, s6;
	s17 =	sand.u32 $0x70, s17;
	v5 =	vmul.f32 $3.200000000e+01, v5;
	v13 =	vadd.f32 v3, v6;
	v2 =	vld [tilespmem:s0+$0x18200]  }
0x4c3: {  	s20 =	sadd.s32 s24, s12;
	v8 =	vmul.f32 $3.200000000e+01, v8;
	v4 =	vadd.f32 v4, v6;
	v3 =	vld [tilespmem:s0+$0x18210];
	[tilespmem:s4+$0x0] =	vst v11;
	s4 =	sadd.s32 s17, s18  }
0x4c4: {  	s22 =	sadd.s32 s6, s12;
	s20 =	sadd.s32 s17, s20;
	v9 =	vmul.f32 $3.200000000e+01, v9;
	v5 =	vadd.f32 v5, v6;
	[tilespmem:s5+$0x0] =	vst v13;
	v11 =	vld [tilespmem:s4+$0x0]  }
0x4c5: {  	s23 =	sadd.s32 s6, s7;
	v8 =	vadd.f32 v8, v7;
	s5 =	sadd.s32 s17, s22;
	v13 =	vld [tilespmem:s20+$0x0];
	[tilespmem:s13+$0x0] =	vst v4;
	v4 =	vmul.f32 $3.200000000e+01, v10  }
0x4c6: {  	s6 =	sadd.s32 s6, s8;
	v12 =	vmul.f32 $3.200000000e+01, v12;
	v9 =	vadd.f32 v9, v7;
	s18 =	sadd.s32 s17, s23;
	v10 =	vld [tilespmem:s5+$0x0];
	[tilespmem:s14+$0x0] =	vst v5  }
0x4c7: {  	s26 =	sadd.s32 s24, s1;
	s19 =	sadd.s32 s17, s6;
	v5 =	vld [tilespmem:s18+$0x0];
	[tilespmem:s2+$0x0] =	vst v8;
	v4 =	vadd.f32 v4, v7  }
0x4c8: {  	s21 =	sadd.s32 s24, s7;
	v12 =	vadd.f32 v12, v7;
	s2 =	sadd.s32 s17, s26;
	v8 =	vld [tilespmem:s19+$0x0];
	[tilespmem:s15+$0x0] =	vst v9  }
0x4c9: {  	v9 =	vld [tilespmem:s2+$0x0];
	[tilespmem:s16+$0x0] =	vst v4;
	s16 =	sadd.s32 s17, s21  }
0x4ca: {  	s22 =	sand.u32 $0x3E0, s25;
	v4 =	vmul.f32 $3.200000000e+01, v11;
	v11 =	vld [tilespmem:s16+$0x0];
	[tilespmem:s3+$0x0] =	vst v12  }
0x4cb: {  	s23 =	sadd.s32 s24, s8;
	v10 =	vmul.f32 $3.200000000e+01, v10;
	v12 =	vld [tilespmem:s22+$0x18600]  }
0x4cc: {  	s15 =	simm.s32 $0x100;
	s3 =	sadd.s32 s17, s23;
	v14 =	vadd.f32 v4, v2;
	v5 =	vmul.f32 $3.200000000e+01, v5;
	v15 =	vld [tilespmem:s30+$0x18610]  }
0x4cd: {  	s13 =	simm.s32 $0x40;
	s24 =	sand.u32 $0xC00, s15;
	v16 =	vld [tilespmem:s3+$0x0];
	s22 =	simm.s32 $0x20;
	v10 =	vadd.f32 v10, v2;
	v8 =	vmul.f32 $3.200000000e+01, v8  }
0x4ce: {  	s26 =	sadd.s32 s24, s1;
	s6 =	sadd.s32 s24, s12;
	v4 =	vld [tilespmem:s13+$0x18200];
	s14 =	sand.u32 $0x70, s22;
	[tilespmem:s4+$0x0] =	vst v14;
	v9 =	vmul.f32 $3.200000000e+01, v9;
	v14 =	vadd.f32 v5, v2  }
0x4cf: {  	s21 =	sadd.s32 s24, s7;
	v5 =	vld [tilespmem:s13+$0x18210];
	s26 =	sadd.s32 s14, s26;
	s4 =	sor.u32 $0x1000, s24;
	[tilespmem:s5+$0x0] =	vst v10;
	v10 =	vmul.f32 $3.200000000e+01, v13;
	v13 =	vadd.f32 v8, v2  }
0x4d0: {  	s23 =	sadd.s32 s24, s8;
	s31 =	sadd.s32 s14, s6;
	v17 =	vld [tilespmem:s26+$0x0];
	s24 =	sadd.s32 s4, s1;
	v9 =	vadd.f32 v9, v3;
	[tilespmem:s18+$0x0] =	vst v14;
	v11 =	vmul.f32 $3.200000000e+01, v11  }
0x4d1: {  	v8 =	vld [tilespmem:s31+$0x0];
	s18 =	sadd.s32 s14, s23;
	s23 =	sadd.s32 s14, s24;
	v10 =	vadd.f32 v10, v3;
	[tilespmem:s19+$0x0] =	vst v13;
	v13 =	vmul.f32 v12, v7;
	v14 =	vmul.f32 v15, v6  }
0x4d2: {  	s6 =	sadd.s32 s14, s21;
	v16 =	vmul.f32 $3.200000000e+01, v16;
	v12 =	vmul.f32 v12, v6;
	v6 =	vld [tilespmem:s23+$0x0];
	[tilespmem:s2+$0x0] =	vst v9;
	v11 =	vadd.f32 v11, v3  }
0x4d3: {  	v7 =	vmul.f32 v15, v7;
	s19 =	sadd.s32 s4, s7;
	v9 =	vld [tilespmem:s6+$0x0];
	[tilespmem:s20+$0x0] =	vst v10;
	v13 =	vsub.f32 v13, v14  }
0x4d4: {  	s17 =	sadd.s32 s4, s12;
	s21 =	sadd.s32 s14, s19;
	v10 =	vld [tilespmem:s18+$0x0];
	v14 =	vadd.f32 v16, v3;
	[tilespmem:s16+$0x0] =	vst v11  }
0x4d5: {  	s24 =	sadd.s32 s14, s17;
	s20 =	simm.s32 $0x20;
	v12 =	vadd.f32 v7, v12;
	v7 =	vld [tilespmem:s21+$0x0];
	[tilespmem:s30+$0x18210] =	vst v13  }
0x4d6: {  	s29 =	simm.s32 $0x40;
	s19 =	simm.s32 $0x60;
	v11 =	vld [tilespmem:s24+$0x0];
	s2 =	sand.u32 $0x3E0, s20;
	v13 =	vmul.f32 $3.200000000e+01, v17;
	[tilespmem:s3+$0x0] =	vst v14  }
.LBB2_31:
0x4d7: {  	p0 =	sne.s32 s19, $0x3E0;
	v8 =	vmul.f32 $3.200000000e+01, v8;
	s3 =	sadd.s32 s4, s8;
	v14 =	vld [tilespmem:s2+$0x18600];
	[tilespmem:s30+$0x18200] =	vst v12;
	s30 =	smov.u32 s0  }
0x4d8: {  	v9 =	vmul.f32 $3.200000000e+01, v9;
	s15 =	sadd.s32 $0x80, s15;
	s0 =	smov.u32 s13;
	v12 =	vadd.f32 v13, v4;
	s2 =	sadd.s32 s14, s3;
	v13 =	vld [tilespmem:s30+$0x18610]  }
0x4d9: {  	s22 =	sadd.s32 $0x10, s22;
	s13 =	sshra.s32 s15, $0x2;
	s3 =	sand.u32 $0xC00, s15;
	v10 =	vmul.f32 $3.200000000e+01, v10;
	v8 =	vadd.f32 v8, v4;
	v15 =	vld [tilespmem:s2+$0x0]  }
0x4da: {  	s14 =	sand.u32 $0x70, s22;
	s4 =	sadd.s32 s3, s1;
	v6 =	vmul.f32 $3.200000000e+01, v6;
	v9 =	vadd.f32 v9, v4;
	v16 =	vld [tilespmem:s13+$0x18200];
	[tilespmem:s26+$0x0] =	vst v12  }
0x4db: {  	s26 =	sadd.s32 s14, s4;
	s4 =	sadd.s32 s3, s12;
	v11 =	vmul.f32 $3.200000000e+01, v11;
	v10 =	vadd.f32 v10, v4;
	v17 =	vld [tilespmem:s13+$0x18210];
	[tilespmem:s31+$0x0] =	vst v8  }
0x4dc: {  	s5 =	sadd.s32 s3, s7;
	s31 =	sadd.s32 s14, s4;
	v6 =	vadd.f32 v6, v5;
	v7 =	vmul.f32 $3.200000000e+01, v7;
	v18 =	vld [tilespmem:s26+$0x0];
	[tilespmem:s6+$0x0] =	vst v9;
	v12 =	vmul.f32 v14, v2  }
0x4dd: {  	s4 =	sor.u32 $0x1000, s3;
	s3 =	sadd.s32 s3, s8;
	s6 =	sadd.s32 s14, s5;
	v11 =	vadd.f32 v11, v5;
	v14 =	vmul.f32 v14, v3;
	v8 =	vld [tilespmem:s31+$0x0];
	[tilespmem:s18+$0x0] =	vst v10;
	v19 =	vmul.f32 v13, v2  }
.Ltmp14:
0x4de: {  	s5 =	sadd.s32 s4, s1;
	s18 =	sadd.s32 s14, s3;
	v7 =	vadd.f32 v7, v5;
	v13 =	vmul.f32 v13, v3;
	v2 =	vmovc v4;
	v9 =	vld [tilespmem:s6+$0x0];
	[tilespmem:s23+$0x0] =	vst v6;
	v15 =	vmul.f32 $3.200000000e+01, v15;
	(pc) =	sbr.rel @p0 .LBB2_31-.Ltmp14, $4  }
0x4df: {  	s3 =	sadd.s32 s4, s12;
	v3 =	vmov v5;
	s23 =	sadd.s32 s14, s5;
	v10 =	vld [tilespmem:s18+$0x0];
	[tilespmem:s24+$0x0] =	vst v11;
	v14 =	vsub.f32 v14, v19;
	v4 =	vmov v16  }
0x4e0: {  	s24 =	sadd.s32 s14, s3;
	s3 =	sadd.s32 s4, s7;
	v12 =	vadd.f32 v13, v12;
	v6 =	vld [tilespmem:s23+$0x0];
	[tilespmem:s21+$0x0] =	vst v7;
	v15 =	vadd.f32 v15, v3;
	v5 =	vmov v17  }
0x4e1: {  	s21 =	sadd.s32 s14, s3;
	v11 =	vld [tilespmem:s24+$0x0];
	[tilespmem:s30+$0x18210] =	vst v14  }
0x4e2: {  	v13 =	vmul.f32 $3.200000000e+01, v18;
	v7 =	vld [tilespmem:s21+$0x0];
	[tilespmem:s2+$0x0] =	vst v15;
	s2 =	sand.u32 $0x3E0, s29;
	s29 =	smov.u32 s19;
	s19 =	sadd.s32 $0x20, s19  }
0x4e3: {  	s1 =	sadd.s32 s4, s8  }
0x4e4: {  	v8 =	vmul.f32 $3.200000000e+01, v8;
	s1 =	sadd.s32 s14, s1  }
0x4e5: {  	v9 =	vmul.f32 $3.200000000e+01, v9;
	v13 =	vadd.f32 v13, v4;
	v14 =	vld [tilespmem:s1+$0x0]  }
0x4e6: {  	v10 =	vmul.f32 $3.200000000e+01, v10;
	v8 =	vadd.f32 v8, v4  }
0x4e7: {  	v6 =	vmul.f32 $3.200000000e+01, v6;
	v9 =	vadd.f32 v9, v4;
	[tilespmem:s26+$0x0] =	vst v13  }
0x4e8: {  	v50 =	vmul.f32 $3.200000000e+01, v11;
	v10 =	vadd.f32 v10, v4;
	[tilespmem:s31+$0x0] =	vst v8  }
0x4e9: {  	v6 =	vadd.f32 v6, v5;
	v7 =	vmul.f32 $3.200000000e+01, v7;
	[tilespmem:s6+$0x0] =	vst v9  }
0x4ea: {  	v8 =	vadd.f32 v50, v5;
	[tilespmem:s18+$0x0] =	vst v10;
	v51 =	vmul.f32 $3.200000000e+01, v14  }
0x4eb: {  	v52 =	vadd.f32 v7, v5;
	[tilespmem:s23+$0x0] =	vst v6  }
0x4ec: {  	[tilespmem:s24+$0x0] =	vst v8;
	v53 =	vadd.f32 v51, v5  }
0x4ed: {  	v54 =	vld [tilespmem:s2+$0x18600];
	[tilespmem:s21+$0x0] =	vst v52  }
0x4ee: {  	v55 =	vld [tilespmem:s0+$0x18610];
	s31 =	sand.u32 $0x3E0, s29;
	[tilespmem:s1+$0x0] =	vst v53  }
0x4ef: {  	v7 =	vld [tilespmem:s31+$0x18600]  }
0x4f0: {  	v56 =	vld [tilespmem:s13+$0x18610];
	_ =	sdelay $0x2  }
0x4f1: {  	v57 =	vmul.f32 v54, v3;
	v58 =	vmul.f32 v55, v2  }
0x4f2: {  	s28 =	sadd.s32 $0x1, s28;
	v2 =	vmul.f32 v54, v2;
	v3 =	vmul.f32 v55, v3  }
0x4f3: {  	p0 =	sne.s32 s28, $0x8;
	v59 =	vsub.f32 v57, v58;
	v60 =	vmul.f32 v7, v5;
	v61 =	vmul.f32 v56, v4  }
.Ltmp15:
0x4f4: {  	[tilespmem:s30+$0x18200] =	vst v12;
	v2 =	vadd.f32 v3, v2;
	v3 =	vmul.f32 v7, v4;
	v62 =	vmul.f32 v56, v5;
	(pc) =	sbr.rel @p0 .LBB2_30-.Ltmp15, $4  }
0x4f5: {  	[tilespmem:s0+$0x18210] =	vst v59;
	v63 =	vsub.f32 v60, v61  }
0x4f6: {  	[tilespmem:s0+$0x18200] =	vst v2;
	v2 =	vadd.f32 v62, v3  }
0x4f7: {  	[tilespmem:s13+$0x18210] =	vst v63  }
0x4f8: {  	[tilespmem:s13+$0x18200] =	vst v2  }
0x4f9: {  	s0 =	sld [smem:$0x7FA];
	_ =	sdelay $0x1  }
0x4fa: {  	s12 =	simm.s32 $0x0;
	s1 =	simm.s32 $0x8200;
	s24 =	sld [smem:$0x7FB]  }
0x4fb: {  	[hbm4b:s0+s12] =	stream.linear.scatter [tilespmem:s1], [sflag:$0x5], $0x2000, $0x38;
	[tilespmem:$0x18A00] =	vst v63  }
0x4fc: {  	s20 =	simm.s32 $0xA200;
	s25 =	sld [smem:$0x7FC]  }
0x4fd: {  	[hbm4b:s24+s12] =	stream.linear.scatter [tilespmem:s20], [sflag:$0x5], $0x2000, $0x38;
	[tilespmem:$0x18A00] =	vst v63  }
0x4fe: {  	s4 =	simm.s32 $0xC200;
	s26 =	sld [smem:$0x7FD]  }
0x4ff: {  	[hbm4b:s25+s12] =	stream.linear.scatter [tilespmem:s4], [sflag:$0x5], $0x2000, $0x38;
	[tilespmem:$0x18A00] =	vst v63  }
0x500: {  	s5 =	simm.s32 $0xE200;
	s28 =	simm.s32 $0x4  }
0x501: {  	[hbm4b:s26+s12] =	stream.linear.scatter [tilespmem:s5], [sflag:$0x5], $0x2000, $0x38;
	[tilespmem:$0x18A00] =	vst v63  }
0x502: {  	_ =	swait.ge [sflag:s28], $0x2000  }
0x503: {  	[sflag:s28] =	ssyncset.done $0x0  }
0x504: {  	[sflag:s28] =	ssyncadd.s32 $0xFFFFE000  }
0x505: {  	_ =	swait.ge [sflag:s28], $0x2000  }
0x506: {  	[sflag:s28] =	ssyncset.done $0x0  }
0x507: {  	[sflag:s28] =	ssyncadd.s32 $0xFFFFE000  }
0x508: {  	_ =	swait.ge [sflag:s28], $0x2000  }
0x509: {  	[sflag:s28] =	ssyncset.done $0x0  }
0x50a: {  	[sflag:s28] =	ssyncadd.s32 $0xFFFFE000  }
0x50b: {  	_ =	swait.ge [sflag:s28], $0x2000  }
0x50c: {  	[sflag:s28] =	ssyncset.done $0x0  }
0x50d: {  	s29 =	simm.s32 $0x5;
	[sflag:s28] =	ssyncadd.s32 $0xFFFFE000  }
0x50e: {  	_ =	swait.ge [sflag:s29], $0x2000  }
0x50f: {  	[sflag:s29] =	ssyncset.done $0x0  }
0x510: {  	[sflag:s29] =	ssyncadd.s32 $0xFFFFE000  }
0x511: {  	_ =	swait.ge [sflag:s29], $0x2000  }
0x512: {  	[sflag:s29] =	ssyncset.done $0x0  }
0x513: {  	[sflag:s29] =	ssyncadd.s32 $0xFFFFE000  }
0x514: {  	_ =	swait.ge [sflag:s29], $0x2000  }
0x515: {  	[sflag:s29] =	ssyncset.done $0x0  }
0x516: {  	[sflag:s29] =	ssyncadd.s32 $0xFFFFE000  }
0x517: {  	_ =	swait.ge [sflag:s29], $0x2000  }
0x518: {  	[sflag:s29] =	ssyncset.done $0x0  }
0x519: {  	s30 =	simm.s32 $0x6;
	[sflag:s29] =	ssyncadd.s32 $0xFFFFE000  }
0x51a: {  	_ =	swait.ge [sflag:s30], $0x2000  }
0x51b: {  	[sflag:s30] =	ssyncset.done $0x0  }
0x51c: {  	[sflag:s30] =	ssyncadd.s32 $0xFFFFE000  }
0x51d: {  	_ =	swait.ge [sflag:s30], $0x2000  }
0x51e: {  	[sflag:s30] =	ssyncset.done $0x0  }
0x51f: {  	[sflag:s30] =	ssyncadd.s32 $0xFFFFE000  }
0x520: {  	_ =	swait.ge [sflag:s30], $0x2000  }
0x521: {  	[sflag:s30] =	ssyncset.done $0x0  }
0x522: {  	[sflag:s30] =	ssyncadd.s32 $0xFFFFE000  }
0x523: {  	_ =	swait.ge [sflag:s30], $0x2000  }
0x524: {  	s2 =	sld [smem:$0x7F2];
	_ =	sdelay $0x2  }
0x525: {  	s31 =	rddreg [dreg:$0x17];
	s2 =	sadd.s32 $0x1, s2  }
0x526: {  	p0 =	sne.s32 s2, s31  }
.Ltmp16:
0x527: {  	_ = 	snop;
	(pc) =	sbr.rel @p0 .LBB2_1-.Ltmp16, $3  }
0x528: {  	_ =	sdelay $0x1  }
0x529: {  	[sflag:s30] =	ssyncset.done $0x0  }
0x52a: {  	[sflag:s30] =	ssyncadd.s32 $0xFFFFE000  }
0x52b: {  	_ =	sfence.sel $0x180000  }
0x52c: {  	[bflag:$0x0] =	sbarrier.arrive $0xFFFF  }
0x52d: {  	_ =	strace $0x90000047  }
0x52e: {  	s0 =	stileid.u32;
	[bflag:$0x2] =	sbarrier.arrive $0xFFFF  }
0x52f: {  	p0 =	sne.s32 s0, $0x0;
	s0 =	rddreg [dreg:$0x4]  }
0x530: {  	s0 =	sadd.s32 @!p0 $0x100000, s0  }
0x531: {  	[sflag:s0] =	ssyncadd.tile.s32 @!p0 $0x1;
	_ =	shalt  }
.Lfunc_end2:
_tile_overlayer_lowered:
.L_overlay_start_2:
0x532: {  	(tag) =	ssettag $0x2  }
0x533: {  	s0 =	rddreg [dreg:$0x0];
	s2 =	stileid.u32  }
0x534: {  	s1 =	rddreg [dreg:$0x1];
	p0 =	sne.s32 s2, $0x0  }
0x535: {  	s3 =	rddreg [dreg:$0x2];
	[bflag:$0x3] =	sbarrier.arrive $0xFFFF;
	s2 =	simm.s32 @!p0 $0x1C08  }
0x536: {  	[timem:s3], [sflag:s2] =	dma.local @!p0 [hbm:s0], s1  }
0x537: {  	s0 =	simm.s32 @!p0 $0x8  }
0x538: {  	_ =	swait.ge @!p0 [sflag:s0], s1  }
0x539: {  	s1 =	ssub.s32 @!p0 $0x0, s1;
	[sflag:s0] =	ssyncset.done @!p0 $0x0  }
0x53a: {  	[sflag:s0] =	ssyncadd.s32 @!p0 s1  }
0x53b: {  	[bflag:$0x3] =	sbarrier.arrive $0xFFFF  }
0x53c: {  	_ =	shalt  }

</sc_bundles>
